<compile_context>
chip_gen: v7x
topology: tpu7x:2x2x1
jax: 0.10.2.dev20260603
libtpu: 0.0.44.dev20260713+nightly
codegen_flags: <defaults>
</compile_context>

<pallas_src>
import functools

import jax
import jax.numpy as jnp
from jax import lax
from jax.experimental import pallas as pl
from jax.experimental.pallas import tpu as pltpu
from jax.experimental.pallas import tpu_sc as plsc

_CAP = 16384
_WB = 4096
_SB = 1024
_NW = 32
_BPW = _SB // _NW
_CHUNK = 8
_NCH = _BPW // _CHUNK


def _match_body(sample_ref, idx_ref, code_ref):
    s = sample_ref[0]
    w = idx_ref[...]
    eq = w == s
    jio = lax.broadcasted_iota(jnp.int32, (_WB, 128), 0)
    lastj = jnp.max(jnp.where(eq, jio, -1), axis=0, keepdims=True)
    code_ref[0] = jnp.where(lastj >= 0, _CAP + lastj, s)


def _resolve_writes(sample3, idx2):
    return pl.pallas_call(
        _match_body,
        grid=(8,),
        in_specs=[
            pl.BlockSpec((1, 1, 128), lambda i: (i, 0, 0)),
            pl.BlockSpec((_WB, 1), lambda i: (0, 0)),
        ],
        out_specs=pl.BlockSpec((1, 1, 128), lambda i: (i, 0, 0)),
        out_shape=jax.ShapeDtypeStruct((8, 1, 128), jnp.int32),
    )(sample3, idx2)


def _sc_gather(mem3, val3, code):
    @functools.partial(
        pl.kernel,
        mesh=plsc.VectorSubcoreMesh(core_axis_name="c", subcore_axis_name="s"),
        out_type=jax.ShapeDtypeStruct((_SB, 24, 128), jnp.float32),
        scratch_types=[
            pltpu.VMEM((_BPW,), jnp.int32),
            pltpu.VMEM((_NCH, _CHUNK, 24, 128), jnp.float32),
            pltpu.SemaphoreType.DMA,
            pltpu.SemaphoreType.DMA((_NCH,)),
            pltpu.SemaphoreType.DMA((_NCH,)),
        ],
    )
    def k(mem_hbm, val_hbm, code_hbm, out_hbm, code_v, buf, semi, semg, semw):
        wid = lax.axis_index("s") * 2 + lax.axis_index("c")
        base = wid * _BPW
        pltpu.sync_copy(code_hbm.at[pl.ds(base, _BPW)], code_v)
        for c in range(_NCH):
            for r in range(_CHUNK):
                i = c * _CHUNK + r
                vec = code_v[pl.ds((i // 16) * 16, 16)]
                scode = vec[i % 16]
                dst = buf.at[c, pl.ds(r, 1)]

                @pl.when(scode < _CAP)
                def _fetch_mem(dst=dst, scode=scode, c=c):
                    pltpu.make_async_copy(
                        mem_hbm.at[pl.ds(scode, 1)], dst, semg.at[c]).start()

                @pl.when(scode >= _CAP)
                def _fetch_val(dst=dst, scode=scode, c=c):
                    pltpu.make_async_copy(
                        val_hbm.at[pl.ds(scode - _CAP, 1)], dst,
                        semg.at[c]).start()

        cw = [None] * _NCH
        for c in range(_NCH):
            for r in range(_CHUNK):
                pltpu.make_async_copy(
                    mem_hbm.at[pl.ds(0, 1)], buf.at[c, pl.ds(r, 1)],
                    semg.at[c]).wait()
            cw[c] = pltpu.make_async_copy(
                buf.at[c], out_hbm.at[pl.ds(base + c * _CHUNK, _CHUNK)],
                semw.at[c])
            cw[c].start()
        for c in range(_NCH):
            cw[c].wait()

    return k(mem3, val3, code)


def kernel(mem, idx, val, sample_idx):
    sample3 = sample_idx.reshape(8, 1, 128)
    idx2 = idx.reshape(_WB, 1)
    code = _resolve_writes(sample3, idx2)
    out3 = _sc_gather(mem.reshape(_CAP, 24, 128), val.reshape(_WB, 24, 128),
                      code.reshape(_SB))
    return out3.reshape(_SB, 3, 32, 32)

# --- scband reference (transcript-rebuilt; emitter-appended) ---
"""Pipeline reference for scband-balanced-buffer-30803505446956 (READ-ONLY COPY).

The authoritative reference and input builder live on the scoring server;
editing this copy changes nothing except your own understanding.
"""

import jax, jax.numpy as jnp
import numpy as np

CAPACITY = 16384
INPUT_SHAPE = (3, 32, 32)
WRITE_B = 4096
SAMPLE_B = 1024


def setup_inputs(seed: int = 0) -> dict:
    key = jax.random.key(seed)
    k1, k2, k3, k4 = jax.random.split(key, 4)
    # bx buffer state (registered buffer in the torch module)
    mem = jax.random.normal(k1, (CAPACITY,) + INPUT_SHAPE, dtype=jnp.float32)
    # indices in the buffer where new batch elements are placed (add_reservoir idx_buffer)
    idx = jax.random.randint(k2, (WRITE_B,), 0, CAPACITY, dtype=jnp.int32)
    # new batch data batch['x'] (add_reservoir)
    val = jax.random.normal(k3, (WRITE_B,) + INPUT_SHAPE, dtype=jnp.float32)
    # indices sampled for replay (get_data indicies)
    sample_idx = jax.random.randint(k4, (SAMPLE_B,), 0, CAPACITY, dtype=jnp.int32)
    return {"mem": mem, "idx": idx, "val": val, "sample_idx": sample_idx}


def reference(mem, idx, val, sample_idx):
    # add_reservoir core op: buffer[idx_buffer] = batch_x[idx_new_data]
    # (scatter-overwrite of new samples into the replay buffer at chosen slots)
    updated = mem.at[idx].set(val)
    # get_data core op: buffers['bx'][indicies] (gather of replay samples)
    out = jnp.take(updated, sample_idx, axis=0)
    return out

if __name__ == "__main__":
    import jax
    _d = setup_inputs()
    print(jax.jit(kernel)(*tuple(_d.values())))

</pallas_src>

<mosaic_0001>
#map = affine_map<(d0, d1) -> (0, 0, 0)>
#map1 = affine_map<(d0, d1) -> (0)>
module attributes {stable_mosaic.version = 14 : i64} {
  func.func @k(%arg0: i32, %arg1: i32, %arg2: memref<16384x24x128xf32, #tpu.memory_space<hbm>>, %arg3: memref<4096x24x128xf32, #tpu.memory_space<hbm>>, %arg4: memref<1024xi32, #tpu.memory_space<hbm>>, %arg5: memref<1024x24x128xf32, #tpu.memory_space<hbm>>, %arg6: memref<32xi32, #tpu.memory_space<vmem>>, %arg7: memref<4x8x24x128xf32, #tpu.memory_space<vmem>>, %arg8: memref<!tpu.dma_semaphore, #tpu.memory_space<semaphore_mem>>, %arg9: memref<4x!tpu.dma_semaphore, #tpu.memory_space<semaphore_mem>>, %arg10: memref<4x!tpu.dma_semaphore, #tpu.memory_space<semaphore_mem>>) attributes {dimension_semantics = [#tpu.dimension_semantics<core_parallel>, #tpu.dimension_semantics<subcore_parallel>], iteration_bounds = array<i64: 2, 16>, scalar_prefetch = 0 : i64, scratch_operands = 5 : i64, tpu.core_type = #tpu.core_type<sc_vector_subcore>, window_params = [{transform_indices = #map}, {transform_indices = #map}, {transform_indices = #map1}, {transform_indices = #map}]} {
    %mul3A = arith.constant 2 : i32
    %mul3A_0 = arith.muli %arg1, %mul3A : i32
    %add3A = arith.addi %mul3A_0, %arg0 : i32
    %mul3A_1 = arith.constant 32 : i32
    %mul3A_2 = arith.muli %add3A, %mul3A_1 : i32
    "tpu.region"() ({
      %run_scoped3A = tpu.sem_alloc : memref<!tpu.dma_semaphore, #tpu.memory_space<semaphore_mem>>
      %dma_start3A_1410 = tpu.memref_slice %arg4[%mul3A_2] : memref<1024xi32, #tpu.memory_space<hbm>> -> memref<32xi32, #tpu.memory_space<hbm>>
      %dma_start3A_1411 = tpu.memref_slice %arg4[%mul3A_2] : memref<1024xi32, #tpu.memory_space<hbm>> -> memref<32xi32, #tpu.memory_space<hbm>>
      tpu.enqueue_dma source(%dma_start3A_1411 : memref<32xi32, #tpu.memory_space<hbm>>) target(%arg6 : memref<32xi32, #tpu.memory_space<vmem>>) target_semaphore(%run_scoped3A : memref<!tpu.dma_semaphore, #tpu.memory_space<semaphore_mem>>)
      %dma_wait3A_1412 = tpu.memref_slice %arg4[%mul3A_2] : memref<1024xi32, #tpu.memory_space<hbm>> -> memref<32xi32, #tpu.memory_space<hbm>>
      %dma_wait3A_1413 = tpu.memref_slice %arg4[%mul3A_2] : memref<1024xi32, #tpu.memory_space<hbm>> -> memref<32xi32, #tpu.memory_space<hbm>>
      tpu.wait_dma2 semaphore(%run_scoped3A : memref<!tpu.dma_semaphore, #tpu.memory_space<semaphore_mem>>) src(%dma_wait3A_1413 : memref<32xi32, #tpu.memory_space<hbm>>) dst(%arg6 : memref<32xi32, #tpu.memory_space<vmem>>)
      tpu.yield
    }) : () -> ()
    %get3A = arith.constant 0 : index
    %get3A_3 = tpu.vector_load %arg6[%get3A] {strides = array<i32>} : memref<32xi32, #tpu.memory_space<vmem>>, vector<16xi32>,
    %get3A_4 = vector.shape_cast %get3A_3 : vector<16xi32> to vector<16xi32>
    %slice3A = vector.extract_strided_slice %get3A_4 {offsets = [0], sizes = [1], strides = [1]} : vector<16xi32> to vector<1xi32>
    %squeeze3A = vector.extract %slice3A[0] : i32 from vector<1xi32>
    %lt3A = arith.constant 16384 : i32
    %lt3A_5 = arith.cmpi slt, %squeeze3A, %lt3A : i32
    %convert_element_type3A = arith.extui %lt3A_5 : i1 to i32
    %cond3A = arith.constant 0 : i32
    %cond3A_6 = arith.constant 0 : i32
    %cond3A_7 = arith.cmpi ne, %convert_element_type3A, %cond3A_6 : i32
    scf.if %cond3A_7 {
      %dma_start3A_1410 = arith.constant 0 : i32
      %dma_start3A_1411 = arith.constant 0 : i32
      %dma_start3A_1412 = arith.constant 0 : i32
      %dma_start3A_1413 = arith.constant 0 : i32
      %dma_start3A_1414 = tpu.memref_slice %arg7[%cond3A, %dma_start3A_1411, %dma_start3A_1412, %dma_start3A_1413] : memref<4x8x24x128xf32, #tpu.memory_space<vmem>> -> memref<1x1x24x128xf32, #tpu.memory_space<vmem>>
      %dma_start3A_1415 = tpu.memref_squeeze %dma_start3A_1414 : memref<1x1x24x128xf32, #tpu.memory_space<vmem>> -> memref<1x24x128xf32, #tpu.memory_space<vmem>>
      %dma_start3A_1416 = arith.constant 0 : i32
      %dma_start3A_1417 = arith.constant 0 : i32
      %dma_start3A_1418 = tpu.memref_slice %arg2[%squeeze3A, %dma_start3A_1416, %dma_start3A_1417] : memref<16384x24x128xf32, #tpu.memory_space<hbm>> -> memref<1x24x128xf32, #tpu.memory_space<hbm>>
      %dma_start3A_1419 = tpu.memref_slice %arg9[%dma_start3A_1410] : memref<4x!tpu.dma_semaphore, #tpu.memory_space<semaphore_mem>> -> memref<1x!tpu.dma_semaphore, #tpu.memory_space<semaphore_mem>>
      %dma_start3A_1420 = tpu.memref_squeeze %dma_start3A_1419 : memref<1x!tpu.dma_semaphore, #tpu.memory_space<semaphore_mem>> -> memref<!tpu.dma_semaphore, #tpu.memory_space<semaphore_mem>>
      %dma_start3A_1421 = arith.constant 0 : i32
      %dma_start3A_1422 = arith.constant 0 : i32
      %dma_start3A_1423 = arith.constant 0 : i32
      %dma_start3A_1424 = tpu.memref_slice %arg7[%cond3A, %dma_start3A_1421, %dma_start3A_1422, %dma_start3A_1423] : memref<4x8x24x128xf32, #tpu.memory_space<vmem>> -> memref<1x1x24x128xf32, #tpu.memory_space<vmem>>
      %dma_start3A_1425 = tpu.memref_squeeze %dma_start3A_1424 : memref<1x1x24x128xf32, #tpu.memory_space<vmem>> -> memref<1x24x128xf32, #tpu.memory_space<vmem>>
      %dma_start3A_1426 = arith.constant 0 : i32
      %dma_start3A_1427 = arith.constant 0 : i32
      %dma_start3A_1428 = tpu.memref_slice %arg2[%squeeze3A, %dma_start3A_1426, %dma_start3A_1427] : memref<16384x24x128xf32, #tpu.memory_space<hbm>> -> memref<1x24x128xf32, #tpu.memory_space<hbm>>
      tpu.enqueue_dma source(%dma_start3A_1428 : memref<1x24x128xf32, #tpu.memory_space<hbm>>) target(%dma_start3A_1425 : memref<1x24x128xf32, #tpu.memory_space<vmem>>) target_semaphore(%dma_start3A_1420 : memref<!tpu.dma_semaphore, #tpu.memory_space<semaphore_mem>>)
    } else {
    }
    %ge3A = arith.constant 16384 : i32
    %ge3A_8 = arith.cmpi sge, %squeeze3A, %ge3A : i32
    %convert_element_type3A_9 = arith.extui %ge3A_8 : i1 to i32
    %cond3A_10 = arith.constant 0 : i32
    %cond3A_11 = arith.constant 0 : i32
    %cond3A_12 = arith.cmpi ne, %convert_element_type3A_9, %cond3A_11 : i32
    scf.if %cond3A_12 {
      %sub3A = arith.constant 16384 : i32
      %sub3A_1410 = arith.subi %squeeze3A, %sub3A : i32
      %dma_start3A_1411 = arith.constant 0 : i32
      %dma_start3A_1412 = arith.constant 0 : i32
      %dma_start3A_1413 = arith.constant 0 : i32
      %dma_start3A_1414 = arith.constant 0 : i32
      %dma_start3A_1415 = tpu.memref_slice %arg7[%cond3A_10, %dma_start3A_1412, %dma_start3A_1413, %dma_start3A_1414] : memref<4x8x24x128xf32, #tpu.memory_space<vmem>> -> memref<1x1x24x128xf32, #tpu.memory_space<vmem>>
      %dma_start3A_1416 = tpu.memref_squeeze %dma_start3A_1415 : memref<1x1x24x128xf32, #tpu.memory_space<vmem>> -> memref<1x24x128xf32, #tpu.memory_space<vmem>>
      %dma_start3A_1417 = arith.constant 0 : i32
      %dma_start3A_1418 = arith.constant 0 : i32
      %dma_start3A_1419 = tpu.memref_slice %arg3[%sub3A_1410, %dma_start3A_1417, %dma_start3A_1418] : memref<4096x24x128xf32, #tpu.memory_space<hbm>> -> memref<1x24x128xf32, #tpu.memory_space<hbm>>
      %dma_start3A_1420 = tpu.memref_slice %arg9[%dma_start3A_1411] : memref<4x!tpu.dma_semaphore, #tpu.memory_space<semaphore_mem>> -> memref<1x!tpu.dma_semaphore, #tpu.memory_space<semaphore_mem>>
      %dma_start3A_1421 = tpu.memref_squeeze %dma_start3A_1420 : memref<1x!tpu.dma_semaphore, #tpu.memory_space<semaphore_mem>> -> memref<!tpu.dma_semaphore, #tpu.memory_space<semaphore_mem>>
      %dma_start3A_1422 = arith.constant 0 : i32
      %dma_start3A_1423 = arith.constant 0 : i32
      %dma_start3A_1424 = arith.constant 0 : i32
      %dma_start3A_1425 = tpu.memref_slice %arg7[%cond3A_10, %dma_start3A_1422, %dma_start3A_1423, %dma_start3A_1424] : memref<4x8x24x128xf32, #tpu.memory_space<vmem>> -> memref<1x1x24x128xf32, #tpu.memory_space<vmem>>
      %dma_start3A_1426 = tpu.memref_squeeze %dma_start3A_1425 : memref<1x1x24x128xf32, #tpu.memory_space<vmem>> -> memref<1x24x128xf32, #tpu.memory_space<vmem>>
      %dma_start3A_1427 = arith.constant 0 : i32
      %dma_start3A_1428 = arith.constant 0 : i32
      %dma_start3A_1429 = tpu.memref_slice %arg3[%sub3A_1410, %dma_start3A_1427, %dma_start3A_1428] : memref<4096x24x128xf32, #tpu.memory_space<hbm>> -> memref<1x24x128xf32, #tpu.memory_space<hbm>>
      tpu.enqueue_dma source(%dma_start3A_1429 : memref<1x24x128xf32, #tpu.memory_space<hbm>>) target(%dma_start3A_1426 : memref<1x24x128xf32, #tpu.memory_space<vmem>>) target_semaphore(%dma_start3A_1421 : memref<!tpu.dma_semaphore, #tpu.memory_space<semaphore_mem>>)
    } else {
    }
    %get3A_13 = arith.constant 0 : index
    %get3A_14 = tpu.vector_load %arg6[%get3A_13] {strides = array<i32>} : memref<32xi32, #tpu.memory_space<vmem>>, vector<16xi32>,
    %get3A_15 = vector.shape_cast %get3A_14 : vector<16xi32> to vector<16xi32>
    %slice3A_16 = vector.extract_strided_slice %get3A_15 {offsets = [1], sizes = [1], strides = [1]} : vector<16xi32> to vector<1xi32>
    %squeeze3A_17 = vector.extract %slice3A_16[0] : i32 from vector<1xi32>
    %lt3A_18 = arith.constant 16384 : i32
    %lt3A_19 = arith.cmpi slt, %squeeze3A_17, %lt3A_18 : i32
    %convert_element_type3A_20 = arith.extui %lt3A_19 : i1 to i32
    %cond3A_21 = arith.constant 0 : i32
    %cond3A_22 = arith.constant 0 : i32
    %cond3A_23 = arith.cmpi ne, %convert_element_type3A_20, %cond3A_22 : i32
    scf.if %cond3A_23 {
      %dma_start3A_1410 = arith.constant 0 : i32
      %dma_start3A_1411 = arith.constant 1 : i32
      %dma_start3A_1412 = arith.constant 0 : i32
      %dma_start3A_1413 = arith.constant 0 : i32
      %dma_start3A_1414 = tpu.memref_slice %arg7[%cond3A_21, %dma_start3A_1411, %dma_start3A_1412, %dma_start3A_1413] : memref<4x8x24x128xf32, #tpu.memory_space<vmem>> -> memref<1x1x24x128xf32, #tpu.memory_space<vmem>>
      %dma_start3A_1415 = tpu.memref_squeeze %dma_start3A_1414 : memref<1x1x24x128xf32, #tpu.memory_space<vmem>> -> memref<1x24x128xf32, #tpu.memory_space<vmem>>
      %dma_start3A_1416 = arith.constant 0 : i32
      %dma_start3A_1417 = arith.constant 0 : i32
      %dma_start3A_1418 = tpu.memref_slice %arg2[%squeeze3A_17, %dma_start3A_1416, %dma_start3A_1417] : memref<16384x24x128xf32, #tpu.memory_space<hbm>> -> memref<1x24x128xf32, #tpu.memory_space<hbm>>
      %dma_start3A_1419 = tpu.memref_slice %arg9[%dma_start3A_1410] : memref<4x!tpu.dma_semaphore, #tpu.memory_space<semaphore_mem>> -> memref<1x!tpu.dma_semaphore, #tpu.memory_space<semaphore_mem>>
      %dma_start3A_1420 = tpu.memref_squeeze %dma_start3A_1419 : memref<1x!tpu.dma_semaphore, #tpu.memory_space<semaphore_mem>> -> memref<!tpu.dma_semaphore, #tpu.memory_space<semaphore_mem>>
      %dma_start3A_1421 = arith.constant 1 : i32
      %dma_start3A_1422 = arith.constant 0 : i32
      %dma_start3A_1423 = arith.constant 0 : i32
      %dma_start3A_1424 = tpu.memref_slice %arg7[%cond3A_21, %dma_start3A_1421, %dma_start3A_1422, %dma_start3A_1423] : memref<4x8x24x128xf32, #tpu.memory_space<vmem>> -> memref<1x1x24x128xf32, #tpu.memory_space<vmem>>
      %dma_start3A_1425 = tpu.memref_squeeze %dma_start3A_1424 : memref<1x1x24x128xf32, #tpu.memory_space<vmem>> -> memref<1x24x128xf32, #tpu.memory_space<vmem>>
      %dma_start3A_1426 = arith.constant 0 : i32
      %dma_start3A_1427 = arith.constant 0 : i32
      %dma_start3A_1428 = tpu.memref_slice %arg2[%squeeze3A_17, %dma_start3A_1426, %dma_start3A_1427] : memref<16384x24x128xf32, #tpu.memory_space<hbm>> -> memref<1x24x128xf32, #tpu.memory_space<hbm>>
      tpu.enqueue_dma source(%dma_start3A_1428 : memref<1x24x128xf32, #tpu.memory_space<hbm>>) target(%dma_start3A_1425 : memref<1x24x128xf32, #tpu.memory_space<vmem>>) target_semaphore(%dma_start3A_1420 : memref<!tpu.dma_semaphore, #tpu.memory_space<semaphore_mem>>)
    } else {
    }
    %ge3A_24 = arith.constant 16384 : i32
    %ge3A_25 = arith.cmpi sge, %squeeze3A_17, %ge3A_24 : i32
    %convert_element_type3A_26 = arith.extui %ge3A_25 : i1 to i32
    %cond3A_27 = arith.constant 0 : i32
    %cond3A_28 = arith.constant 0 : i32
    %cond3A_29 = arith.cmpi ne, %convert_element_type3A_26, %cond3A_28 : i32
    scf.if %cond3A_29 {
      %sub3A = arith.constant 16384 : i32
      %sub3A_1410 = arith.subi %squeeze3A_17, %sub3A : i32
      %dma_start3A_1411 = arith.constant 0 : i32
      %dma_start3A_1412 = arith.constant 1 : i32
      %dma_start3A_1413 = arith.constant 0 : i32
      %dma_start3A_1414 = arith.constant 0 : i32
      %dma_start3A_1415 = tpu.memref_slice %arg7[%cond3A_27, %dma_start3A_1412, %dma_start3A_1413, %dma_start3A_1414] : memref<4x8x24x128xf32, #tpu.memory_space<vmem>> -> memref<1x1x24x128xf32, #tpu.memory_space<vmem>>
      %dma_start3A_1416 = tpu.memref_squeeze %dma_start3A_1415 : memref<1x1x24x128xf32, #tpu.memory_space<vmem>> -> memref<1x24x128xf32, #tpu.memory_space<vmem>>
      %dma_start3A_1417 = arith.constant 0 : i32
      %dma_start3A_1418 = arith.constant 0 : i32
      %dma_start3A_1419 = tpu.memref_slice %arg3[%sub3A_1410, %dma_start3A_1417, %dma_start3A_1418] : memref<4096x24x128xf32, #tpu.memory_space<hbm>> -> memref<1x24x128xf32, #tpu.memory_space<hbm>>
      %dma_start3A_1420 = tpu.memref_slice %arg9[%dma_start3A_1411] : memref<4x!tpu.dma_semaphore, #tpu.memory_space<semaphore_mem>> -> memref<1x!tpu.dma_semaphore, #tpu.memory_space<semaphore_mem>>
      %dma_start3A_1421 = tpu.memref_squeeze %dma_start3A_1420 : memref<1x!tpu.dma_semaphore, #tpu.memory_space<semaphore_mem>> -> memref<!tpu.dma_semaphore, #tpu.memory_space<semaphore_mem>>
      %dma_start3A_1422 = arith.constant 1 : i32
      %dma_start3A_1423 = arith.constant 0 : i32
      %dma_start3A_1424 = arith.constant 0 : i32
      %dma_start3A_1425 = tpu.memref_slice %arg7[%cond3A_27, %dma_start3A_1422, %dma_start3A_1423, %dma_start3A_1424] : memref<4x8x24x128xf32, #tpu.memory_space<vmem>> -> memref<1x1x24x128xf32, #tpu.memory_space<vmem>>
      %dma_start3A_1426 = tpu.memref_squeeze %dma_start3A_1425 : memref<1x1x24x128xf32, #tpu.memory_space<vmem>> -> memref<1x24x128xf32, #tpu.memory_space<vmem>>
      %dma_start3A_1427 = arith.constant 0 : i32
      %dma_start3A_1428 = arith.constant 0 : i32
      %dma_start3A_1429 = tpu.memref_slice %arg3[%sub3A_1410, %dma_start3A_1427, %dma_start3A_1428] : memref<4096x24x128xf32, #tpu.memory_space<hbm>> -> memref<1x24x128xf32, #tpu.memory_space<hbm>>
      tpu.enqueue_dma source(%dma_start3A_1429 : memref<1x24x128xf32, #tpu.memory_space<hbm>>) target(%dma_start3A_1426 : memref<1x24x128xf32, #tpu.memory_space<vmem>>) target_semaphore(%dma_start3A_1421 : memref<!tpu.dma_semaphore, #tpu.memory_space<semaphore_mem>>)
    } else {
    }
    %get3A_30 = arith.constant 0 : index
    %get3A_31 = tpu.vector_load %arg6[%get3A_30] {strides = array<i32>} : memref<32xi32, #tpu.memory_space<vmem>>, vector<16xi32>,
    %get3A_32 = vector.shape_cast %get3A_31 : vector<16xi32> to vector<16xi32>
    %slice3A_33 = vector.extract_strided_slice %get3A_32 {offsets = [2], sizes = [1], strides = [1]} : vector<16xi32> to vector<1xi32>
    %squeeze3A_34 = vector.extract %slice3A_33[0] : i32 from vector<1xi32>
    %lt3A_35 = arith.constant 16384 : i32
    %lt3A_36 = arith.cmpi slt, %squeeze3A_34, %lt3A_35 : i32
    %convert_element_type3A_37 = arith.extui %lt3A_36 : i1 to i32
    %cond3A_38 = arith.constant 0 : i32
    %cond3A_39 = arith.constant 0 : i32
    %cond3A_40 = arith.cmpi ne, %convert_element_type3A_37, %cond3A_39 : i32
    scf.if %cond3A_40 {
      %dma_start3A_1410 = arith.constant 0 : i32
      %dma_start3A_1411 = arith.constant 2 : i32
      %dma_start3A_1412 = arith.constant 0 : i32
      %dma_start3A_1413 = arith.constant 0 : i32
      %dma_start3A_1414 = tpu.memref_slice %arg7[%cond3A_38, %dma_start3A_1411, %dma_start3A_1412, %dma_start3A_1413] : memref<4x8x24x128xf32, #tpu.memory_space<vmem>> -> memref<1x1x24x128xf32, #tpu.memory_space<vmem>>
      %dma_start3A_1415 = tpu.memref_squeeze %dma_start3A_1414 : memref<1x1x24x128xf32, #tpu.memory_space<vmem>> -> memref<1x24x128xf32, #tpu.memory_space<vmem>>
      %dma_start3A_1416 = arith.constant 0 : i32
      %dma_start3A_1417 = arith.constant 0 : i32
      %dma_start3A_1418 = tpu.memref_slice %arg2[%squeeze3A_34, %dma_start3A_1416, %dma_start3A_1417] : memref<16384x24x128xf32, #tpu.memory_space<hbm>> -> memref<1x24x128xf32, #tpu.memory_space<hbm>>
      %dma_start3A_1419 = tpu.memref_slice %arg9[%dma_start3A_1410] : memref<4x!tpu.dma_semaphore, #tpu.memory_space<semaphore_mem>> -> memref<1x!tpu.dma_semaphore, #tpu.memory_space<semaphore_mem>>
      %dma_start3A_1420 = tpu.memref_squeeze %dma_start3A_1419 : memref<1x!tpu.dma_semaphore, #tpu.memory_space<semaphore_mem>> -> memref<!tpu.dma_semaphore, #tpu.memory_space<semaphore_mem>>
      %dma_start3A_1421 = arith.constant 2 : i32
      %dma_start3A_1422 = arith.constant 0 : i32
      %dma_start3A_1423 = arith.constant 0 : i32
      %dma_start3A_1424 = tpu.memref_slice %arg7[%cond3A_38, %dma_start3A_1421, %dma_start3A_1422, %dma_start3A_1423] : memref<4x8x24x128xf32, #tpu.memory_space<vmem>> -> memref<1x1x24x128xf32, #tpu.memory_space<vmem>>
      %dma_start3A_1425 = tpu.memref_squeeze %dma_start3A_1424 : memref<1x1x24x128xf32, #tpu.memory_space<vmem>> -> memref<1x24x128xf32, #tpu.memory_space<vmem>>
      %dma_start3A_1426 = arith.constant 0 : i32
      %dma_start3A_1427 = arith.constant 0 : i32
      %dma_start3A_1428 = tpu.memref_slice %arg2[%squeeze3A_34, %dma_start3A_1426, %dma_start3A_1427] : memref<16384x24x128xf32, #tpu.memory_space<hbm>> -> memref<1x24x128xf32, #tpu.memory_space<hbm>>
      tpu.enqueue_dma source(%dma_start3A_1428 : memref<1x24x128xf32, #tpu.memory_space<hbm>>) target(%dma_start3A_1425 : memref<1x24x128xf32, #tpu.memory_space<vmem>>) target_semaphore(%dma_start3A_1420 : memref<!tpu.dma_semaphore, #tpu.memory_space<semaphore_mem>>)
    } else {
    }
    %ge3A_41 = arith.constant 16384 : i32
    %ge3A_42 = arith.cmpi sge, %squeeze3A_34, %ge3A_41 : i32
    %convert_element_type3A_43 = arith.extui %ge3A_42 : i1 to i32
    %cond3A_44 = arith.constant 0 : i32
    %cond3A_45 = arith.constant 0 : i32
    %cond3A_46 = arith.cmpi ne, %convert_element_type3A_43, %cond3A_45 : i32
    scf.if %cond3A_46 {
      %sub3A = arith.constant 16384 : i32
      %sub3A_1410 = arith.subi %squeeze3A_34, %sub3A : i32
      %dma_start3A_1411 = arith.constant 0 : i32
      %dma_start3A_1412 = arith.constant 2 : i32
      %dma_start3A_1413 = arith.constant 0 : i32
      %dma_start3A_1414 = arith.constant 0 : i32
      %dma_start3A_1415 = tpu.memref_slice %arg7[%cond3A_44, %dma_start3A_1412, %dma_start3A_1413, %dma_start3A_1414] : memref<4x8x24x128xf32, #tpu.memory_space<vmem>> -> memref<1x1x24x128xf32, #tpu.memory_space<vmem>>
      %dma_start3A_1416 = tpu.memref_squeeze %dma_start3A_1415 : memref<1x1x24x128xf32, #tpu.memory_space<vmem>> -> memref<1x24x128xf32, #tpu.memory_space<vmem>>
      %dma_start3A_1417 = arith.constant 0 : i32
      %dma_start3A_1418 = arith.constant 0 : i32
      %dma_start3A_1419 = tpu.memref_slice %arg3[%sub3A_1410, %dma_start3A_1417, %dma_start3A_1418] : memref<4096x24x128xf32, #tpu.memory_space<hbm>> -> memref<1x24x128xf32, #tpu.memory_space<hbm>>
      %dma_start3A_1420 = tpu.memref_slice %arg9[%dma_start3A_1411] : memref<4x!tpu.dma_semaphore, #tpu.memory_space<semaphore_mem>> -> memref<1x!tpu.dma_semaphore, #tpu.memory_space<semaphore_mem>>
      %dma_start3A_1421 = tpu.memref_squeeze %dma_start3A_1420 : memref<1x!tpu.dma_semaphore, #tpu.memory_space<semaphore_mem>> -> memref<!tpu.dma_semaphore, #tpu.memory_space<semaphore_mem>>
      %dma_start3A_1422 = arith.constant 2 : i32
      %dma_start3A_1423 = arith.constant 0 : i32
      %dma_start3A_1424 = arith.constant 0 : i32
      %dma_start3A_1425 = tpu.memref_slice %arg7[%cond3A_44, %dma_start3A_1422, %dma_start3A_1423, %dma_start3A_1424] : memref<4x8x24x128xf32, #tpu.memory_space<vmem>> -> memref<1x1x24x128xf32, #tpu.memory_space<vmem>>
      %dma_start3A_1426 = tpu.memref_squeeze %dma_start3A_1425 : memref<1x1x24x128xf32, #tpu.memory_space<vmem>> -> memref<1x24x128xf32, #tpu.memory_space<vmem>>
      %dma_start3A_1427 = arith.constant 0 : i32
      %dma_start3A_1428 = arith.constant 0 : i32
      %dma_start3A_1429 = tpu.memref_slice %arg3[%sub3A_1410, %dma_start3A_1427, %dma_start3A_1428] : memref<4096x24x128xf32, #tpu.memory_space<hbm>> -> memref<1x24x128xf32, #tpu.memory_space<hbm>>
      tpu.enqueue_dma source(%dma_start3A_1429 : memref<1x24x128xf32, #tpu.memory_space<hbm>>) target(%dma_start3A_1426 : memref<1x24x128xf32, #tpu.memory_space<vmem>>) target_semaphore(%dma_start3A_1421 : memref<!tpu.dma_semaphore, #tpu.memory_space<semaphore_mem>>)
    } else {
    }
    %get3A_47 = arith.constant 0 : index
    %get3A_48 = tpu.vector_load %arg6[%get3A_47] {strides = array<i32>} : memref<32xi32, #tpu.memory_space<vmem>>, vector<16xi32>,
    %get3A_49 = vector.shape_cast %get3A_48 : vector<16xi32> to vector<16xi32>
    %slice3A_50 = vector.extract_strided_slice %get3A_49 {offsets = [3], sizes = [1], strides = [1]} : vector<16xi32> to vector<1xi32>
    %squeeze3A_51 = vector.extract %slice3A_50[0] : i32 from vector<1xi32>
    %lt3A_52 = arith.constant 16384 : i32
    %lt3A_53 = arith.cmpi slt, %squeeze3A_51, %lt3A_52 : i32
    %convert_element_type3A_54 = arith.extui %lt3A_53 : i1 to i32
    %cond3A_55 = arith.constant 0 : i32
    %cond3A_56 = arith.constant 0 : i32
    %cond3A_57 = arith.cmpi ne, %convert_element_type3A_54, %cond3A_56 : i32
    scf.if %cond3A_57 {
      %dma_start3A_1410 = arith.constant 0 : i32
      %dma_start3A_1411 = arith.constant 3 : i32
      %dma_start3A_1412 = arith.constant 0 : i32
      %dma_start3A_1413 = arith.constant 0 : i32
      %dma_start3A_1414 = tpu.memref_slice %arg7[%cond3A_55, %dma_start3A_1411, %dma_start3A_1412, %dma_start3A_1413] : memref<4x8x24x128xf32, #tpu.memory_space<vmem>> -> memref<1x1x24x128xf32, #tpu.memory_space<vmem>>
      %dma_start3A_1415 = tpu.memref_squeeze %dma_start3A_1414 : memref<1x1x24x128xf32, #tpu.memory_space<vmem>> -> memref<1x24x128xf32, #tpu.memory_space<vmem>>
      %dma_start3A_1416 = arith.constant 0 : i32
      %dma_start3A_1417 = arith.constant 0 : i32
      %dma_start3A_1418 = tpu.memref_slice %arg2[%squeeze3A_51, %dma_start3A_1416, %dma_start3A_1417] : memref<16384x24x128xf32, #tpu.memory_space<hbm>> -> memref<1x24x128xf32, #tpu.memory_space<hbm>>
      %dma_start3A_1419 = tpu.memref_slice %arg9[%dma_start3A_1410] : memref<4x!tpu.dma_semaphore, #tpu.memory_space<semaphore_mem>> -> memref<1x!tpu.dma_semaphore, #tpu.memory_space<semaphore_mem>>
      %dma_start3A_1420 = tpu.memref_squeeze %dma_start3A_1419 : memref<1x!tpu.dma_semaphore, #tpu.memory_space<semaphore_mem>> -> memref<!tpu.dma_semaphore, #tpu.memory_space<semaphore_mem>>
      %dma_start3A_1421 = arith.constant 3 : i32
      %dma_start3A_1422 = arith.constant 0 : i32
      %dma_start3A_1423 = arith.constant 0 : i32
      %dma_start3A_1424 = tpu.memref_slice %arg7[%cond3A_55, %dma_start3A_1421, %dma_start3A_1422, %dma_start3A_1423] : memref<4x8x24x128xf32, #tpu.memory_space<vmem>> -> memref<1x1x24x128xf32, #tpu.memory_space<vmem>>
      %dma_start3A_1425 = tpu.memref_squeeze %dma_start3A_1424 : memref<1x1x24x128xf32, #tpu.memory_space<vmem>> -> memref<1x24x128xf32, #tpu.memory_space<vmem>>
      %dma_start3A_1426 = arith.constant 0 : i32
      %dma_start3A_1427 = arith.constant 0 : i32
      %dma_start3A_1428 = tpu.memref_slice %arg2[%squeeze3A_51, %dma_start3A_1426, %dma_start3A_1427] : memref<16384x24x128xf32, #tpu.memory_space<hbm>> -> memref<1x24x128xf32, #tpu.memory_space<hbm>>
      tpu.enqueue_dma source(%dma_start3A_1428 : memref<1x24x128xf32, #tpu.memory_space<hbm>>) target(%dma_start3A_1425 : memref<1x24x128xf32, #tpu.memory_space<vmem>>) target_semaphore(%dma_start3A_1420 : memref<!tpu.dma_semaphore, #tpu.memory_space<semaphore_mem>>)
    } else {
    }
    %ge3A_58 = arith.constant 16384 : i32
    %ge3A_59 = arith.cmpi sge, %squeeze3A_51, %ge3A_58 : i32
    %convert_element_type3A_60 = arith.extui %ge3A_59 : i1 to i32
    %cond3A_61 = arith.constant 0 : i32
    %cond3A_62 = arith.constant 0 : i32
    %cond3A_63 = arith.cmpi ne, %convert_element_type3A_60, %cond3A_62 : i32
    scf.if %cond3A_63 {
      %sub3A = arith.constant 16384 : i32
      %sub3A_1410 = arith.subi %squeeze3A_51, %sub3A : i32
      %dma_start3A_1411 = arith.constant 0 : i32
      %dma_start3A_1412 = arith.constant 3 : i32
      %dma_start3A_1413 = arith.constant 0 : i32
      %dma_start3A_1414 = arith.constant 0 : i32
      %dma_start3A_1415 = tpu.memref_slice %arg7[%cond3A_61, %dma_start3A_1412, %dma_start3A_1413, %dma_start3A_1414] : memref<4x8x24x128xf32, #tpu.memory_space<vmem>> -> memref<1x1x24x128xf32, #tpu.memory_space<vmem>>
      %dma_start3A_1416 = tpu.memref_squeeze %dma_start3A_1415 : memref<1x1x24x128xf32, #tpu.memory_space<vmem>> -> memref<1x24x128xf32, #tpu.memory_space<vmem>>
      %dma_start3A_1417 = arith.constant 0 : i32
      %dma_start3A_1418 = arith.constant 0 : i32
      %dma_start3A_1419 = tpu.memref_slice %arg3[%sub3A_1410, %dma_start3A_1417, %dma_start3A_1418] : memref<4096x24x128xf32, #tpu.memory_space<hbm>> -> memref<1x24x128xf32, #tpu.memory_space<hbm>>
      %dma_start3A_1420 = tpu.memref_slice %arg9[%dma_start3A_1411] : memref<4x!tpu.dma_semaphore, #tpu.memory_space<semaphore_mem>> -> memref<1x!tpu.dma_semaphore, #tpu.memory_space<semaphore_mem>>
      %dma_start3A_1421 = tpu.memref_squeeze %dma_start3A_1420 : memref<1x!tpu.dma_semaphore, #tpu.memory_space<semaphore_mem>> -> memref<!tpu.dma_semaphore, #tpu.memory_space<semaphore_mem>>
      %dma_start3A_1422 = arith.constant 3 : i32
      %dma_start3A_1423 = arith.constant 0 : i32
      %dma_start3A_1424 = arith.constant 0 : i32
      %dma_start3A_1425 = tpu.memref_slice %arg7[%cond3A_61, %dma_start3A_1422, %dma_start3A_1423, %dma_start3A_1424] : memref<4x8x24x128xf32, #tpu.memory_space<vmem>> -> memref<1x1x24x128xf32, #tpu.memory_space<vmem>>
      %dma_start3A_1426 = tpu.memref_squeeze %dma_start3A_1425 : memref<1x1x24x128xf32, #tpu.memory_space<vmem>> -> memref<1x24x128xf32, #tpu.memory_space<vmem>>
      %dma_start3A_1427 = arith.constant 0 : i32
      %dma_start3A_1428 = arith.constant 0 : i32
      %dma_start3A_1429 = tpu.memref_slice %arg3[%sub3A_1410, %dma_start3A_1427, %dma_start3A_1428] : memref<4096x24x128xf32, #tpu.memory_space<hbm>> -> memref<1x24x128xf32, #tpu.memory_space<hbm>>
      tpu.enqueue_dma source(%dma_start3A_1429 : memref<1x24x128xf32, #tpu.memory_space<hbm>>) target(%dma_start3A_1426 : memref<1x24x128xf32, #tpu.memory_space<vmem>>) target_semaphore(%dma_start3A_1421 : memref<!tpu.dma_semaphore, #tpu.memory_space<semaphore_mem>>)
    } else {
    }
    %get3A_64 = arith.constant 0 : index
    %get3A_65 = tpu.vector_load %arg6[%get3A_64] {strides = array<i32>} : memref<32xi32, #tpu.memory_space<vmem>>, vector<16xi32>,
    %get3A_66 = vector.shape_cast %get3A_65 : vector<16xi32> to vector<16xi32>
    %slice3A_67 = vector.extract_strided_slice %get3A_66 {offsets = [4], sizes = [1], strides = [1]} : vector<16xi32> to vector<1xi32>
    %squeeze3A_68 = vector.extract %slice3A_67[0] : i32 from vector<1xi32>
    %lt3A_69 = arith.constant 16384 : i32
    %lt3A_70 = arith.cmpi slt, %squeeze3A_68, %lt3A_69 : i32
    %convert_element_type3A_71 = arith.extui %lt3A_70 : i1 to i32
    %cond3A_72 = arith.constant 0 : i32
    %cond3A_73 = arith.constant 0 : i32
    %cond3A_74 = arith.cmpi ne, %convert_element_type3A_71, %cond3A_73 : i32
    scf.if %cond3A_74 {
      %dma_start3A_1410 = arith.constant 0 : i32
      %dma_start3A_1411 = arith.constant 4 : i32
      %dma_start3A_1412 = arith.constant 0 : i32
      %dma_start3A_1413 = arith.constant 0 : i32
      %dma_start3A_1414 = tpu.memref_slice %arg7[%cond3A_72, %dma_start3A_1411, %dma_start3A_1412, %dma_start3A_1413] : memref<4x8x24x128xf32, #tpu.memory_space<vmem>> -> memref<1x1x24x128xf32, #tpu.memory_space<vmem>>
      %dma_start3A_1415 = tpu.memref_squeeze %dma_start3A_1414 : memref<1x1x24x128xf32, #tpu.memory_space<vmem>> -> memref<1x24x128xf32, #tpu.memory_space<vmem>>
      %dma_start3A_1416 = arith.constant 0 : i32
      %dma_start3A_1417 = arith.constant 0 : i32
      %dma_start3A_1418 = tpu.memref_slice %arg2[%squeeze3A_68, %dma_start3A_1416, %dma_start3A_1417] : memref<16384x24x128xf32, #tpu.memory_space<hbm>> -> memref<1x24x128xf32, #tpu.memory_space<hbm>>
      %dma_start3A_1419 = tpu.memref_slice %arg9[%dma_start3A_1410] : memref<4x!tpu.dma_semaphore, #tpu.memory_space<semaphore_mem>> -> memref<1x!tpu.dma_semaphore, #tpu.memory_space<semaphore_mem>>
      %dma_start3A_1420 = tpu.memref_squeeze %dma_start3A_1419 : memref<1x!tpu.dma_semaphore, #tpu.memory_space<semaphore_mem>> -> memref<!tpu.dma_semaphore, #tpu.memory_space<semaphore_mem>>
      %dma_start3A_1421 = arith.constant 4 : i32
      %dma_start3A_1422 = arith.constant 0 : i32
      %dma_start3A_1423 = arith.constant 0 : i32
      %dma_start3A_1424 = tpu.memref_slice %arg7[%cond3A_72, %dma_start3A_1421, %dma_start3A_1422, %dma_start3A_1423] : memref<4x8x24x128xf32, #tpu.memory_space<vmem>> -> memref<1x1x24x128xf32, #tpu.memory_space<vmem>>
      %dma_start3A_1425 = tpu.memref_squeeze %dma_start3A_1424 : memref<1x1x24x128xf32, #tpu.memory_space<vmem>> -> memref<1x24x128xf32, #tpu.memory_space<vmem>>
      %dma_start3A_1426 = arith.constant 0 : i32
      %dma_start3A_1427 = arith.constant 0 : i32
      %dma_start3A_1428 = tpu.memref_slice %arg2[%squeeze3A_68, %dma_start3A_1426, %dma_start3A_1427] : memref<16384x24x128xf32, #tpu.memory_space<hbm>> -> memref<1x24x128xf32, #tpu.memory_space<hbm>>
      tpu.enqueue_dma source(%dma_start3A_1428 : memref<1x24x128xf32, #tpu.memory_space<hbm>>) target(%dma_start3A_1425 : memref<1x24x128xf32, #tpu.memory_space<vmem>>) target_semaphore(%dma_start3A_1420 : memref<!tpu.dma_semaphore, #tpu.memory_space<semaphore_mem>>)
    } else {
    }
    %ge3A_75 = arith.constant 16384 : i32
    %ge3A_76 = arith.cmpi sge, %squeeze3A_68, %ge3A_75 : i32
    %convert_element_type3A_77 = arith.extui %ge3A_76 : i1 to i32
    %cond3A_78 = arith.constant 0 : i32
    %cond3A_79 = arith.constant 0 : i32
    %cond3A_80 = arith.cmpi ne, %convert_element_type3A_77, %cond3A_79 : i32
    scf.if %cond3A_80 {
      %sub3A = arith.constant 16384 : i32
      %sub3A_1410 = arith.subi %squeeze3A_68, %sub3A : i32
      %dma_start3A_1411 = arith.constant 0 : i32
      %dma_start3A_1412 = arith.constant 4 : i32
      %dma_start3A_1413 = arith.constant 0 : i32
      %dma_start3A_1414 = arith.constant 0 : i32
      %dma_start3A_1415 = tpu.memref_slice %arg7[%cond3A_78, %dma_start3A_1412, %dma_start3A_1413, %dma_start3A_1414] : memref<4x8x24x128xf32, #tpu.memory_space<vmem>> -> memref<1x1x24x128xf32, #tpu.memory_space<vmem>>
      %dma_start3A_1416 = tpu.memref_squeeze %dma_start3A_1415 : memref<1x1x24x128xf32, #tpu.memory_space<vmem>> -> memref<1x24x128xf32, #tpu.memory_space<vmem>>
      %dma_start3A_1417 = arith.constant 0 : i32
      %dma_start3A_1418 = arith.constant 0 : i32
      %dma_start3A_1419 = tpu.memref_slice %arg3[%sub3A_1410, %dma_start3A_1417, %dma_start3A_1418] : memref<4096x24x128xf32, #tpu.memory_space<hbm>> -> memref<1x24x128xf32, #tpu.memory_space<hbm>>
      %dma_start3A_1420 = tpu.memref_slice %arg9[%dma_start3A_1411] : memref<4x!tpu.dma_semaphore, #tpu.memory_space<semaphore_mem>> -> memref<1x!tpu.dma_semaphore, #tpu.memory_space<semaphore_mem>>
      %dma_start3A_1421 = tpu.memref_squeeze %dma_start3A_1420 : memref<1x!tpu.dma_semaphore, #tpu.memory_space<semaphore_mem>> -> memref<!tpu.dma_semaphore, #tpu.memory_space<semaphore_mem>>
      %dma_start3A_1422 = arith.constant 4 : i32
      %dma_start3A_1423 = arith.constant 0 : i32
      %dma_start3A_1424 = arith.constant 0 : i32
      %dma_start3A_1425 = tpu.memref_slice %arg7[%cond3A_78, %dma_start3A_1422, %dma_start3A_1423, %dma_start3A_1424] : memref<4x8x24x128xf32, #tpu.memory_space<vmem>> -> memref<1x1x24x128xf32, #tpu.memory_space<vmem>>
      %dma_start3A_1426 = tpu.memref_squeeze %dma_start3A_1425 : memref<1x1x24x128xf32, #tpu.memory_space<vmem>> -> memref<1x24x128xf32, #tpu.memory_space<vmem>>
      %dma_start3A_1427 = arith.constant 0 : i32
      %dma_start3A_1428 = arith.constant 0 : i32
      %dma_start3A_1429 = tpu.memref_slice %arg3[%sub3A_1410, %dma_start3A_1427, %dma_start3A_1428] : memref<4096x24x128xf32, #tpu.memory_space<hbm>> -> memref<1x24x128xf32, #tpu.memory_space<hbm>>
      tpu.enqueue_dma source(%dma_start3A_1429 : memref<1x24x128xf32, #tpu.memory_space<hbm>>) target(%dma_start3A_1426 : memref<1x24x128xf32, #tpu.memory_space<vmem>>) target_semaphore(%dma_start3A_1421 : memref<!tpu.dma_semaphore, #tpu.memory_space<semaphore_mem>>)
    } else {
    }
    %get3A_81 = arith.constant 0 : index
    %get3A_82 = tpu.vector_load %arg6[%get3A_81] {strides = array<i32>} : memref<32xi32, #tpu.memory_space<vmem>>, vector<16xi32>,
    %get3A_83 = vector.shape_cast %get3A_82 : vector<16xi32> to vector<16xi32>
    %slice3A_84 = vector.extract_strided_slice %get3A_83 {offsets = [5], sizes = [1], strides = [1]} : vector<16xi32> to vector<1xi32>
    %squeeze3A_85 = vector.extract %slice3A_84[0] : i32 from vector<1xi32>
    %lt3A_86 = arith.constant 16384 : i32
    %lt3A_87 = arith.cmpi slt, %squeeze3A_85, %lt3A_86 : i32
    %convert_element_type3A_88 = arith.extui %lt3A_87 : i1 to i32
    %cond3A_89 = arith.constant 0 : i32
    %cond3A_90 = arith.constant 0 : i32
    %cond3A_91 = arith.cmpi ne, %convert_element_type3A_88, %cond3A_90 : i32
    scf.if %cond3A_91 {
      %dma_start3A_1410 = arith.constant 0 : i32
      %dma_start3A_1411 = arith.constant 5 : i32
      %dma_start3A_1412 = arith.constant 0 : i32
      %dma_start3A_1413 = arith.constant 0 : i32
      %dma_start3A_1414 = tpu.memref_slice %arg7[%cond3A_89, %dma_start3A_1411, %dma_start3A_1412, %dma_start3A_1413] : memref<4x8x24x128xf32, #tpu.memory_space<vmem>> -> memref<1x1x24x128xf32, #tpu.memory_space<vmem>>
      %dma_start3A_1415 = tpu.memref_squeeze %dma_start3A_1414 : memref<1x1x24x128xf32, #tpu.memory_space<vmem>> -> memref<1x24x128xf32, #tpu.memory_space<vmem>>
      %dma_start3A_1416 = arith.constant 0 : i32
      %dma_start3A_1417 = arith.constant 0 : i32
      %dma_start3A_1418 = tpu.memref_slice %arg2[%squeeze3A_85, %dma_start3A_1416, %dma_start3A_1417] : memref<16384x24x128xf32, #tpu.memory_space<hbm>> -> memref<1x24x128xf32, #tpu.memory_space<hbm>>
      %dma_start3A_1419 = tpu.memref_slice %arg9[%dma_start3A_1410] : memref<4x!tpu.dma_semaphore, #tpu.memory_space<semaphore_mem>> -> memref<1x!tpu.dma_semaphore, #tpu.memory_space<semaphore_mem>>
      %dma_start3A_1420 = tpu.memref_squeeze %dma_start3A_1419 : memref<1x!tpu.dma_semaphore, #tpu.memory_space<semaphore_mem>> -> memref<!tpu.dma_semaphore, #tpu.memory_space<semaphore_mem>>
      %dma_start3A_1421 = arith.constant 5 : i32
      %dma_start3A_1422 = arith.constant 0 : i32
      %dma_start3A_1423 = arith.constant 0 : i32
      %dma_start3A_1424 = tpu.memref_slice %arg7[%cond3A_89, %dma_start3A_1421, %dma_start3A_1422, %dma_start3A_1423] : memref<4x8x24x128xf32, #tpu.memory_space<vmem>> -> memref<1x1x24x128xf32, #tpu.memory_space<vmem>>
      %dma_start3A_1425 = tpu.memref_squeeze %dma_start3A_1424 : memref<1x1x24x128xf32, #tpu.memory_space<vmem>> -> memref<1x24x128xf32, #tpu.memory_space<vmem>>
      %dma_start3A_1426 = arith.constant 0 : i32
      %dma_start3A_1427 = arith.constant 0 : i32
      %dma_start3A_1428 = tpu.memref_slice %arg2[%squeeze3A_85, %dma_start3A_1426, %dma_start3A_1427] : memref<16384x24x128xf32, #tpu.memory_space<hbm>> -> memref<1x24x128xf32, #tpu.memory_space<hbm>>
      tpu.enqueue_dma source(%dma_start3A_1428 : memref<1x24x128xf32, #tpu.memory_space<hbm>>) target(%dma_start3A_1425 : memref<1x24x128xf32, #tpu.memory_space<vmem>>) target_semaphore(%dma_start3A_1420 : memref<!tpu.dma_semaphore, #tpu.memory_space<semaphore_mem>>)
    } else {
    }
    %ge3A_92 = arith.constant 16384 : i32
    %ge3A_93 = arith.cmpi sge, %squeeze3A_85, %ge3A_92 : i32
    %convert_element_type3A_94 = arith.extui %ge3A_93 : i1 to i32
    %cond3A_95 = arith.constant 0 : i32
    %cond3A_96 = arith.constant 0 : i32
    %cond3A_97 = arith.cmpi ne, %convert_element_type3A_94, %cond3A_96 : i32
    scf.if %cond3A_97 {
      %sub3A = arith.constant 16384 : i32
      %sub3A_1410 = arith.subi %squeeze3A_85, %sub3A : i32
      %dma_start3A_1411 = arith.constant 0 : i32
      %dma_start3A_1412 = arith.constant 5 : i32
      %dma_start3A_1413 = arith.constant 0 : i32
      %dma_start3A_1414 = arith.constant 0 : i32
      %dma_start3A_1415 = tpu.memref_slice %arg7[%cond3A_95, %dma_start3A_1412, %dma_start3A_1413, %dma_start3A_1414] : memref<4x8x24x128xf32, #tpu.memory_space<vmem>> -> memref<1x1x24x128xf32, #tpu.memory_space<vmem>>
      %dma_start3A_1416 = tpu.memref_squeeze %dma_start3A_1415 : memref<1x1x24x128xf32, #tpu.memory_space<vmem>> -> memref<1x24x128xf32, #tpu.memory_space<vmem>>
      %dma_start3A_1417 = arith.constant 0 : i32
      %dma_start3A_1418 = arith.constant 0 : i32
      %dma_start3A_1419 = tpu.memref_slice %arg3[%sub3A_1410, %dma_start3A_1417, %dma_start3A_1418] : memref<4096x24x128xf32, #tpu.memory_space<hbm>> -> memref<1x24x128xf32, #tpu.memory_space<hbm>>
      %dma_start3A_1420 = tpu.memref_slice %arg9[%dma_start3A_1411] : memref<4x!tpu.dma_semaphore, #tpu.memory_space<semaphore_mem>> -> memref<1x!tpu.dma_semaphore, #tpu.memory_space<semaphore_mem>>
      %dma_start3A_1421 = tpu.memref_squeeze %dma_start3A_1420 : memref<1x!tpu.dma_semaphore, #tpu.memory_space<semaphore_mem>> -> memref<!tpu.dma_semaphore, #tpu.memory_space<semaphore_mem>>
      %dma_start3A_1422 = arith.constant 5 : i32
      %dma_start3A_1423 = arith.constant 0 : i32
      %dma_start3A_1424 = arith.constant 0 : i32
      %dma_start3A_1425 = tpu.memref_slice %arg7[%cond3A_95, %dma_start3A_1422, %dma_start3A_1423, %dma_start3A_1424] : memref<4x8x24x128xf32, #tpu.memory_space<vmem>> -> memref<1x1x24x128xf32, #tpu.memory_space<vmem>>
      %dma_start3A_1426 = tpu.memref_squeeze %dma_start3A_1425 : memref<1x1x24x128xf32, #tpu.memory_space<vmem>> -> memref<1x24x128xf32, #tpu.memory_space<vmem>>
      %dma_start3A_1427 = arith.constant 0 : i32
      %dma_start3A_1428 = arith.constant 0 : i32
      %dma_start3A_1429 = tpu.memref_slice %arg3[%sub3A_1410, %dma_start3A_1427, %dma_start3A_1428] : memref<4096x24x128xf32, #tpu.memory_space<hbm>> -> memref<1x24x128xf32, #tpu.memory_space<hbm>>
      tpu.enqueue_dma source(%dma_start3A_1429 : memref<1x24x128xf32, #tpu.memory_space<hbm>>) target(%dma_start3A_1426 : memref<1x24x128xf32, #tpu.memory_space<vmem>>) target_semaphore(%dma_start3A_1421 : memref<!tpu.dma_semaphore, #tpu.memory_space<semaphore_mem>>)
    } else {
    }
    %get3A_98 = arith.constant 0 : index
    %get3A_99 = tpu.vector_load %arg6[%get3A_98] {strides = array<i32>} : memref<32xi32, #tpu.memory_space<vmem>>, vector<16xi32>,
    %get3A_100 = vector.shape_cast %get3A_99 : vector<16xi32> to vector<16xi32>
    %slice3A_101 = vector.extract_strided_slice %get3A_100 {offsets = [6], sizes = [1], strides = [1]} : vector<16xi32> to vector<1xi32>
    %squeeze3A_102 = vector.extract %slice3A_101[0] : i32 from vector<1xi32>
    %lt3A_103 = arith.constant 16384 : i32
    %lt3A_104 = arith.cmpi slt, %squeeze3A_102, %lt3A_103 : i32
    %convert_element_type3A_105 = arith.extui %lt3A_104 : i1 to i32
    %cond3A_106 = arith.constant 0 : i32
    %cond3A_107 = arith.constant 0 : i32
    %cond3A_108 = arith.cmpi ne, %convert_element_type3A_105, %cond3A_107 : i32
    scf.if %cond3A_108 {
      %dma_start3A_1410 = arith.constant 0 : i32
      %dma_start3A_1411 = arith.constant 6 : i32
      %dma_start3A_1412 = arith.constant 0 : i32
      %dma_start3A_1413 = arith.constant 0 : i32
      %dma_start3A_1414 = tpu.memref_slice %arg7[%cond3A_106, %dma_start3A_1411, %dma_start3A_1412, %dma_start3A_1413] : memref<4x8x24x128xf32, #tpu.memory_space<vmem>> -> memref<1x1x24x128xf32, #tpu.memory_space<vmem>>
      %dma_start3A_1415 = tpu.memref_squeeze %dma_start3A_1414 : memref<1x1x24x128xf32, #tpu.memory_space<vmem>> -> memref<1x24x128xf32, #tpu.memory_space<vmem>>
      %dma_start3A_1416 = arith.constant 0 : i32
      %dma_start3A_1417 = arith.constant 0 : i32
      %dma_start3A_1418 = tpu.memref_slice %arg2[%squeeze3A_102, %dma_start3A_1416, %dma_start3A_1417] : memref<16384x24x128xf32, #tpu.memory_space<hbm>> -> memref<1x24x128xf32, #tpu.memory_space<hbm>>
      %dma_start3A_1419 = tpu.memref_slice %arg9[%dma_start3A_1410] : memref<4x!tpu.dma_semaphore, #tpu.memory_space<semaphore_mem>> -> memref<1x!tpu.dma_semaphore, #tpu.memory_space<semaphore_mem>>
      %dma_start3A_1420 = tpu.memref_squeeze %dma_start3A_1419 : memref<1x!tpu.dma_semaphore, #tpu.memory_space<semaphore_mem>> -> memref<!tpu.dma_semaphore, #tpu.memory_space<semaphore_mem>>
      %dma_start3A_1421 = arith.constant 6 : i32
      %dma_start3A_1422 = arith.constant 0 : i32
      %dma_start3A_1423 = arith.constant 0 : i32
      %dma_start3A_1424 = tpu.memref_slice %arg7[%cond3A_106, %dma_start3A_1421, %dma_start3A_1422, %dma_start3A_1423] : memref<4x8x24x128xf32, #tpu.memory_space<vmem>> -> memref<1x1x24x128xf32, #tpu.memory_space<vmem>>
      %dma_start3A_1425 = tpu.memref_squeeze %dma_start3A_1424 : memref<1x1x24x128xf32, #tpu.memory_space<vmem>> -> memref<1x24x128xf32, #tpu.memory_space<vmem>>
      %dma_start3A_1426 = arith.constant 0 : i32
      %dma_start3A_1427 = arith.constant 0 : i32
      %dma_start3A_1428 = tpu.memref_slice %arg2[%squeeze3A_102, %dma_start3A_1426, %dma_start3A_1427] : memref<16384x24x128xf32, #tpu.memory_space<hbm>> -> memref<1x24x128xf32, #tpu.memory_space<hbm>>
      tpu.enqueue_dma source(%dma_start3A_1428 : memref<1x24x128xf32, #tpu.memory_space<hbm>>) target(%dma_start3A_1425 : memref<1x24x128xf32, #tpu.memory_space<vmem>>) target_semaphore(%dma_start3A_1420 : memref<!tpu.dma_semaphore, #tpu.memory_space<semaphore_mem>>)
    } else {
    }
    %ge3A_109 = arith.constant 16384 : i32
    %ge3A_110 = arith.cmpi sge, %squeeze3A_102, %ge3A_109 : i32
    %convert_element_type3A_111 = arith.extui %ge3A_110 : i1 to i32
    %cond3A_112 = arith.constant 0 : i32
    %cond3A_113 = arith.constant 0 : i32
    %cond3A_114 = arith.cmpi ne, %convert_element_type3A_111, %cond3A_113 : i32
    scf.if %cond3A_114 {
      %sub3A = arith.constant 16384 : i32
      %sub3A_1410 = arith.subi %squeeze3A_102, %sub3A : i32
      %dma_start3A_1411 = arith.constant 0 : i32
      %dma_start3A_1412 = arith.constant 6 : i32
      %dma_start3A_1413 = arith.constant 0 : i32
      %dma_start3A_1414 = arith.constant 0 : i32
      %dma_start3A_1415 = tpu.memref_slice %arg7[%cond3A_112, %dma_start3A_1412, %dma_start3A_1413, %dma_start3A_1414] : memref<4x8x24x128xf32, #tpu.memory_space<vmem>> -> memref<1x1x24x128xf32, #tpu.memory_space<vmem>>
      %dma_start3A_1416 = tpu.memref_squeeze %dma_start3A_1415 : memref<1x1x24x128xf32, #tpu.memory_space<vmem>> -> memref<1x24x128xf32, #tpu.memory_space<vmem>>
      %dma_start3A_1417 = arith.constant 0 : i32
      %dma_start3A_1418 = arith.constant 0 : i32
      %dma_start3A_1419 = tpu.memref_slice %arg3[%sub3A_1410, %dma_start3A_1417, %dma_start3A_1418] : memref<4096x24x128xf32, #tpu.memory_space<hbm>> -> memref<1x24x128xf32, #tpu.memory_space<hbm>>
      %dma_start3A_1420 = tpu.memref_slice %arg9[%dma_start3A_1411] : memref<4x!tpu.dma_semaphore, #tpu.memory_space<semaphore_mem>> -> memref<1x!tpu.dma_semaphore, #tpu.memory_space<semaphore_mem>>
      %dma_start3A_1421 = tpu.memref_squeeze %dma_start3A_1420 : memref<1x!tpu.dma_semaphore, #tpu.memory_space<semaphore_mem>> -> memref<!tpu.dma_semaphore, #tpu.memory_space<semaphore_mem>>
      %dma_start3A_1422 = arith.constant 6 : i32
      %dma_start3A_1423 = arith.constant 0 : i32
      %dma_start3A_1424 = arith.constant 0 : i32
      %dma_start3A_1425 = tpu.memref_slice %arg7[%cond3A_112, %dma_start3A_1422, %dma_start3A_1423, %dma_start3A_1424] : memref<4x8x24x128xf32, #tpu.memory_space<vmem>> -> memref<1x1x24x128xf32, #tpu.memory_space<vmem>>
      %dma_start3A_1426 = tpu.memref_squeeze %dma_start3A_1425 : memref<1x1x24x128xf32, #tpu.memory_space<vmem>> -> memref<1x24x128xf32, #tpu.memory_space<vmem>>
      %dma_start3A_1427 = arith.constant 0 : i32
      %dma_start3A_1428 = arith.constant 0 : i32
      %dma_start3A_1429 = tpu.memref_slice %arg3[%sub3A_1410, %dma_start3A_1427, %dma_start3A_1428] : memref<4096x24x128xf32, #tpu.memory_space<hbm>> -> memref<1x24x128xf32, #tpu.memory_space<hbm>>
      tpu.enqueue_dma source(%dma_start3A_1429 : memref<1x24x128xf32, #tpu.memory_space<hbm>>) target(%dma_start3A_1426 : memref<1x24x128xf32, #tpu.memory_space<vmem>>) target_semaphore(%dma_start3A_1421 : memref<!tpu.dma_semaphore, #tpu.memory_space<semaphore_mem>>)
    } else {
    }
    %get3A_115 = arith.constant 0 : index
    %get3A_116 = tpu.vector_load %arg6[%get3A_115] {strides = array<i32>} : memref<32xi32, #tpu.memory_space<vmem>>, vector<16xi32>,
    %get3A_117 = vector.shape_cast %get3A_116 : vector<16xi32> to vector<16xi32>
    %slice3A_118 = vector.extract_strided_slice %get3A_117 {offsets = [7], sizes = [1], strides = [1]} : vector<16xi32> to vector<1xi32>
    %squeeze3A_119 = vector.extract %slice3A_118[0] : i32 from vector<1xi32>
    %lt3A_120 = arith.constant 16384 : i32
    %lt3A_121 = arith.cmpi slt, %squeeze3A_119, %lt3A_120 : i32
    %convert_element_type3A_122 = arith.extui %lt3A_121 : i1 to i32
    %cond3A_123 = arith.constant 0 : i32
    %cond3A_124 = arith.constant 0 : i32
    %cond3A_125 = arith.cmpi ne, %convert_element_type3A_122, %cond3A_124 : i32
    scf.if %cond3A_125 {
      %dma_start3A_1410 = arith.constant 0 : i32
      %dma_start3A_1411 = arith.constant 7 : i32
      %dma_start3A_1412 = arith.constant 0 : i32
      %dma_start3A_1413 = arith.constant 0 : i32
      %dma_start3A_1414 = tpu.memref_slice %arg7[%cond3A_123, %dma_start3A_1411, %dma_start3A_1412, %dma_start3A_1413] : memref<4x8x24x128xf32, #tpu.memory_space<vmem>> -> memref<1x1x24x128xf32, #tpu.memory_space<vmem>>
      %dma_start3A_1415 = tpu.memref_squeeze %dma_start3A_1414 : memref<1x1x24x128xf32, #tpu.memory_space<vmem>> -> memref<1x24x128xf32, #tpu.memory_space<vmem>>
      %dma_start3A_1416 = arith.constant 0 : i32
      %dma_start3A_1417 = arith.constant 0 : i32
      %dma_start3A_1418 = tpu.memref_slice %arg2[%squeeze3A_119, %dma_start3A_1416, %dma_start3A_1417] : memref<16384x24x128xf32, #tpu.memory_space<hbm>> -> memref<1x24x128xf32, #tpu.memory_space<hbm>>
      %dma_start3A_1419 = tpu.memref_slice %arg9[%dma_start3A_1410] : memref<4x!tpu.dma_semaphore, #tpu.memory_space<semaphore_mem>> -> memref<1x!tpu.dma_semaphore, #tpu.memory_space<semaphore_mem>>
      %dma_start3A_1420 = tpu.memref_squeeze %dma_start3A_1419 : memref<1x!tpu.dma_semaphore, #tpu.memory_space<semaphore_mem>> -> memref<!tpu.dma_semaphore, #tpu.memory_space<semaphore_mem>>
      %dma_start3A_1421 = arith.constant 7 : i32
      %dma_start3A_1422 = arith.constant 0 : i32
      %dma_start3A_1423 = arith.constant 0 : i32
      %dma_start3A_1424 = tpu.memref_slice %arg7[%cond3A_123, %dma_start3A_1421, %dma_start3A_1422, %dma_start3A_1423] : memref<4x8x24x128xf32, #tpu.memory_space<vmem>> -> memref<1x1x24x128xf32, #tpu.memory_space<vmem>>
      %dma_start3A_1425 = tpu.memref_squeeze %dma_start3A_1424 : memref<1x1x24x128xf32, #tpu.memory_space<vmem>> -> memref<1x24x128xf32, #tpu.memory_space<vmem>>
      %dma_start3A_1426 = arith.constant 0 : i32
      %dma_start3A_1427 = arith.constant 0 : i32
      %dma_start3A_1428 = tpu.memref_slice %arg2[%squeeze3A_119, %dma_start3A_1426, %dma_start3A_1427] : memref<16384x24x128xf32, #tpu.memory_space<hbm>> -> memref<1x24x128xf32, #tpu.memory_space<hbm>>
      tpu.enqueue_dma source(%dma_start3A_1428 : memref<1x24x128xf32, #tpu.memory_space<hbm>>) target(%dma_start3A_1425 : memref<1x24x128xf32, #tpu.memory_space<vmem>>) target_semaphore(%dma_start3A_1420 : memref<!tpu.dma_semaphore, #tpu.memory_space<semaphore_mem>>)
    } else {
    }
    %ge3A_126 = arith.constant 16384 : i32
    %ge3A_127 = arith.cmpi sge, %squeeze3A_119, %ge3A_126 : i32
    %convert_element_type3A_128 = arith.extui %ge3A_127 : i1 to i32
    %cond3A_129 = arith.constant 0 : i32
    %cond3A_130 = arith.constant 0 : i32
    %cond3A_131 = arith.cmpi ne, %convert_element_type3A_128, %cond3A_130 : i32
    scf.if %cond3A_131 {
      %sub3A = arith.constant 16384 : i32
      %sub3A_1410 = arith.subi %squeeze3A_119, %sub3A : i32
      %dma_start3A_1411 = arith.constant 0 : i32
      %dma_start3A_1412 = arith.constant 7 : i32
      %dma_start3A_1413 = arith.constant 0 : i32
      %dma_start3A_1414 = arith.constant 0 : i32
      %dma_start3A_1415 = tpu.memref_slice %arg7[%cond3A_129, %dma_start3A_1412, %dma_start3A_1413, %dma_start3A_1414] : memref<4x8x24x128xf32, #tpu.memory_space<vmem>> -> memref<1x1x24x128xf32, #tpu.memory_space<vmem>>
      %dma_start3A_1416 = tpu.memref_squeeze %dma_start3A_1415 : memref<1x1x24x128xf32, #tpu.memory_space<vmem>> -> memref<1x24x128xf32, #tpu.memory_space<vmem>>
      %dma_start3A_1417 = arith.constant 0 : i32
      %dma_start3A_1418 = arith.constant 0 : i32
      %dma_start3A_1419 = tpu.memref_slice %arg3[%sub3A_1410, %dma_start3A_1417, %dma_start3A_1418] : memref<4096x24x128xf32, #tpu.memory_space<hbm>> -> memref<1x24x128xf32, #tpu.memory_space<hbm>>
      %dma_start3A_1420 = tpu.memref_slice %arg9[%dma_start3A_1411] : memref<4x!tpu.dma_semaphore, #tpu.memory_space<semaphore_mem>> -> memref<1x!tpu.dma_semaphore, #tpu.memory_space<semaphore_mem>>
      %dma_start3A_1421 = tpu.memref_squeeze %dma_start3A_1420 : memref<1x!tpu.dma_semaphore, #tpu.memory_space<semaphore_mem>> -> memref<!tpu.dma_semaphore, #tpu.memory_space<semaphore_mem>>
      %dma_start3A_1422 = arith.constant 7 : i32
      %dma_start3A_1423 = arith.constant 0 : i32
      %dma_start3A_1424 = arith.constant 0 : i32
      %dma_start3A_1425 = tpu.memref_slice %arg7[%cond3A_129, %dma_start3A_1422, %dma_start3A_1423, %dma_start3A_1424] : memref<4x8x24x128xf32, #tpu.memory_space<vmem>> -> memref<1x1x24x128xf32, #tpu.memory_space<vmem>>
      %dma_start3A_1426 = tpu.memref_squeeze %dma_start3A_1425 : memref<1x1x24x128xf32, #tpu.memory_space<vmem>> -> memref<1x24x128xf32, #tpu.memory_space<vmem>>
      %dma_start3A_1427 = arith.constant 0 : i32
      %dma_start3A_1428 = arith.constant 0 : i32
      %dma_start3A_1429 = tpu.memref_slice %arg3[%sub3A_1410, %dma_start3A_1427, %dma_start3A_1428] : memref<4096x24x128xf32, #tpu.memory_space<hbm>> -> memref<1x24x128xf32, #tpu.memory_space<hbm>>
      tpu.enqueue_dma source(%dma_start3A_1429 : memref<1x24x128xf32, #tpu.memory_space<hbm>>) target(%dma_start3A_1426 : memref<1x24x128xf32, #tpu.memory_space<vmem>>) target_semaphore(%dma_start3A_1421 : memref<!tpu.dma_semaphore, #tpu.memory_space<semaphore_mem>>)
    } else {
    }
    %get3A_132 = arith.constant 0 : index
    %get3A_133 = tpu.vector_load %arg6[%get3A_132] {strides = array<i32>} : memref<32xi32, #tpu.memory_space<vmem>>, vector<16xi32>,
    %get3A_134 = vector.shape_cast %get3A_133 : vector<16xi32> to vector<16xi32>
    %slice3A_135 = vector.extract_strided_slice %get3A_134 {offsets = [8], sizes = [1], strides = [1]} : vector<16xi32> to vector<1xi32>
    %squeeze3A_136 = vector.extract %slice3A_135[0] : i32 from vector<1xi32>
    %lt3A_137 = arith.constant 16384 : i32
    %lt3A_138 = arith.cmpi slt, %squeeze3A_136, %lt3A_137 : i32
    %convert_element_type3A_139 = arith.extui %lt3A_138 : i1 to i32
    %cond3A_140 = arith.constant 1 : i32
    %cond3A_141 = arith.constant 0 : i32
    %cond3A_142 = arith.cmpi ne, %convert_element_type3A_139, %cond3A_141 : i32
    scf.if %cond3A_142 {
      %dma_start3A_1410 = arith.constant 1 : i32
      %dma_start3A_1411 = arith.constant 0 : i32
      %dma_start3A_1412 = arith.constant 0 : i32
      %dma_start3A_1413 = arith.constant 0 : i32
      %dma_start3A_1414 = tpu.memref_slice %arg7[%cond3A_140, %dma_start3A_1411, %dma_start3A_1412, %dma_start3A_1413] : memref<4x8x24x128xf32, #tpu.memory_space<vmem>> -> memref<1x1x24x128xf32, #tpu.memory_space<vmem>>
      %dma_start3A_1415 = tpu.memref_squeeze %dma_start3A_1414 : memref<1x1x24x128xf32, #tpu.memory_space<vmem>> -> memref<1x24x128xf32, #tpu.memory_space<vmem>>
      %dma_start3A_1416 = arith.constant 0 : i32
      %dma_start3A_1417 = arith.constant 0 : i32
      %dma_start3A_1418 = tpu.memref_slice %arg2[%squeeze3A_136, %dma_start3A_1416, %dma_start3A_1417] : memref<16384x24x128xf32, #tpu.memory_space<hbm>> -> memref<1x24x128xf32, #tpu.memory_space<hbm>>
      %dma_start3A_1419 = tpu.memref_slice %arg9[%dma_start3A_1410] : memref<4x!tpu.dma_semaphore, #tpu.memory_space<semaphore_mem>> -> memref<1x!tpu.dma_semaphore, #tpu.memory_space<semaphore_mem>>
      %dma_start3A_1420 = tpu.memref_squeeze %dma_start3A_1419 : memref<1x!tpu.dma_semaphore, #tpu.memory_space<semaphore_mem>> -> memref<!tpu.dma_semaphore, #tpu.memory_space<semaphore_mem>>
      %dma_start3A_1421 = arith.constant 0 : i32
      %dma_start3A_1422 = arith.constant 0 : i32
      %dma_start3A_1423 = arith.constant 0 : i32
      %dma_start3A_1424 = tpu.memref_slice %arg7[%cond3A_140, %dma_start3A_1421, %dma_start3A_1422, %dma_start3A_1423] : memref<4x8x24x128xf32, #tpu.memory_space<vmem>> -> memref<1x1x24x128xf32, #tpu.memory_space<vmem>>
      %dma_start3A_1425 = tpu.memref_squeeze %dma_start3A_1424 : memref<1x1x24x128xf32, #tpu.memory_space<vmem>> -> memref<1x24x128xf32, #tpu.memory_space<vmem>>
      %dma_start3A_1426 = arith.constant 0 : i32
      %dma_start3A_1427 = arith.constant 0 : i32
      %dma_start3A_1428 = tpu.memref_slice %arg2[%squeeze3A_136, %dma_start3A_1426, %dma_start3A_1427] : memref<16384x24x128xf32, #tpu.memory_space<hbm>> -> memref<1x24x128xf32, #tpu.memory_space<hbm>>
      tpu.enqueue_dma source(%dma_start3A_1428 : memref<1x24x128xf32, #tpu.memory_space<hbm>>) target(%dma_start3A_1425 : memref<1x24x128xf32, #tpu.memory_space<vmem>>) target_semaphore(%dma_start3A_1420 : memref<!tpu.dma_semaphore, #tpu.memory_space<semaphore_mem>>)
    } else {
    }
    %ge3A_143 = arith.constant 16384 : i32
    %ge3A_144 = arith.cmpi sge, %squeeze3A_136, %ge3A_143 : i32
    %convert_element_type3A_145 = arith.extui %ge3A_144 : i1 to i32
    %cond3A_146 = arith.constant 1 : i32
    %cond3A_147 = arith.constant 0 : i32
    %cond3A_148 = arith.cmpi ne, %convert_element_type3A_145, %cond3A_147 : i32
    scf.if %cond3A_148 {
      %sub3A = arith.constant 16384 : i32
      %sub3A_1410 = arith.subi %squeeze3A_136, %sub3A : i32
      %dma_start3A_1411 = arith.constant 1 : i32
      %dma_start3A_1412 = arith.constant 0 : i32
      %dma_start3A_1413 = arith.constant 0 : i32
      %dma_start3A_1414 = arith.constant 0 : i32
      %dma_start3A_1415 = tpu.memref_slice %arg7[%cond3A_146, %dma_start3A_1412, %dma_start3A_1413, %dma_start3A_1414] : memref<4x8x24x128xf32, #tpu.memory_space<vmem>> -> memref<1x1x24x128xf32, #tpu.memory_space<vmem>>
      %dma_start3A_1416 = tpu.memref_squeeze %dma_start3A_1415 : memref<1x1x24x128xf32, #tpu.memory_space<vmem>> -> memref<1x24x128xf32, #tpu.memory_space<vmem>>
      %dma_start3A_1417 = arith.constant 0 : i32
      %dma_start3A_1418 = arith.constant 0 : i32
      %dma_start3A_1419 = tpu.memref_slice %arg3[%sub3A_1410, %dma_start3A_1417, %dma_start3A_1418] : memref<4096x24x128xf32, #tpu.memory_space<hbm>> -> memref<1x24x128xf32, #tpu.memory_space<hbm>>
      %dma_start3A_1420 = tpu.memref_slice %arg9[%dma_start3A_1411] : memref<4x!tpu.dma_semaphore, #tpu.memory_space<semaphore_mem>> -> memref<1x!tpu.dma_semaphore, #tpu.memory_space<semaphore_mem>>
      %dma_start3A_1421 = tpu.memref_squeeze %dma_start3A_1420 : memref<1x!tpu.dma_semaphore, #tpu.memory_space<semaphore_mem>> -> memref<!tpu.dma_semaphore, #tpu.memory_space<semaphore_mem>>
      %dma_start3A_1422 = arith.constant 0 : i32
      %dma_start3A_1423 = arith.constant 0 : i32
      %dma_start3A_1424 = arith.constant 0 : i32
      %dma_start3A_1425 = tpu.memref_slice %arg7[%cond3A_146, %dma_start3A_1422, %dma_start3A_1423, %dma_start3A_1424] : memref<4x8x24x128xf32, #tpu.memory_space<vmem>> -> memref<1x1x24x128xf32, #tpu.memory_space<vmem>>
      %dma_start3A_1426 = tpu.memref_squeeze %dma_start3A_1425 : memref<1x1x24x128xf32, #tpu.memory_space<vmem>> -> memref<1x24x128xf32, #tpu.memory_space<vmem>>
      %dma_start3A_1427 = arith.constant 0 : i32
      %dma_start3A_1428 = arith.constant 0 : i32
      %dma_start3A_1429 = tpu.memref_slice %arg3[%sub3A_1410, %dma_start3A_1427, %dma_start3A_1428] : memref<4096x24x128xf32, #tpu.memory_space<hbm>> -> memref<1x24x128xf32, #tpu.memory_space<hbm>>
      tpu.enqueue_dma source(%dma_start3A_1429 : memref<1x24x128xf32, #tpu.memory_space<hbm>>) target(%dma_start3A_1426 : memref<1x24x128xf32, #tpu.memory_space<vmem>>) target_semaphore(%dma_start3A_1421 : memref<!tpu.dma_semaphore, #tpu.memory_space<semaphore_mem>>)
    } else {
    }
    %get3A_149 = arith.constant 0 : index
    %get3A_150 = tpu.vector_load %arg6[%get3A_149] {strides = array<i32>} : memref<32xi32, #tpu.memory_space<vmem>>, vector<16xi32>,
    %get3A_151 = vector.shape_cast %get3A_150 : vector<16xi32> to vector<16xi32>
    %slice3A_152 = vector.extract_strided_slice %get3A_151 {offsets = [9], sizes = [1], strides = [1]} : vector<16xi32> to vector<1xi32>
    %squeeze3A_153 = vector.extract %slice3A_152[0] : i32 from vector<1xi32>
    %lt3A_154 = arith.constant 16384 : i32
    %lt3A_155 = arith.cmpi slt, %squeeze3A_153, %lt3A_154 : i32
    %convert_element_type3A_156 = arith.extui %lt3A_155 : i1 to i32
    %cond3A_157 = arith.constant 1 : i32
    %cond3A_158 = arith.constant 0 : i32
    %cond3A_159 = arith.cmpi ne, %convert_element_type3A_156, %cond3A_158 : i32
    scf.if %cond3A_159 {
      %dma_start3A_1410 = arith.constant 1 : i32
      %dma_start3A_1411 = arith.constant 1 : i32
      %dma_start3A_1412 = arith.constant 0 : i32
      %dma_start3A_1413 = arith.constant 0 : i32
      %dma_start3A_1414 = tpu.memref_slice %arg7[%cond3A_157, %dma_start3A_1411, %dma_start3A_1412, %dma_start3A_1413] : memref<4x8x24x128xf32, #tpu.memory_space<vmem>> -> memref<1x1x24x128xf32, #tpu.memory_space<vmem>>
      %dma_start3A_1415 = tpu.memref_squeeze %dma_start3A_1414 : memref<1x1x24x128xf32, #tpu.memory_space<vmem>> -> memref<1x24x128xf32, #tpu.memory_space<vmem>>
      %dma_start3A_1416 = arith.constant 0 : i32
      %dma_start3A_1417 = arith.constant 0 : i32
      %dma_start3A_1418 = tpu.memref_slice %arg2[%squeeze3A_153, %dma_start3A_1416, %dma_start3A_1417] : memref<16384x24x128xf32, #tpu.memory_space<hbm>> -> memref<1x24x128xf32, #tpu.memory_space<hbm>>
      %dma_start3A_1419 = tpu.memref_slice %arg9[%dma_start3A_1410] : memref<4x!tpu.dma_semaphore, #tpu.memory_space<semaphore_mem>> -> memref<1x!tpu.dma_semaphore, #tpu.memory_space<semaphore_mem>>
      %dma_start3A_1420 = tpu.memref_squeeze %dma_start3A_1419 : memref<1x!tpu.dma_semaphore, #tpu.memory_space<semaphore_mem>> -> memref<!tpu.dma_semaphore, #tpu.memory_space<semaphore_mem>>
      %dma_start3A_1421 = arith.constant 1 : i32
      %dma_start3A_1422 = arith.constant 0 : i32
      %dma_start3A_1423 = arith.constant 0 : i32
      %dma_start3A_1424 = tpu.memref_slice %arg7[%cond3A_157, %dma_start3A_1421, %dma_start3A_1422, %dma_start3A_1423] : memref<4x8x24x128xf32, #tpu.memory_space<vmem>> -> memref<1x1x24x128xf32, #tpu.memory_space<vmem>>
      %dma_start3A_1425 = tpu.memref_squeeze %dma_start3A_1424 : memref<1x1x24x128xf32, #tpu.memory_space<vmem>> -> memref<1x24x128xf32, #tpu.memory_space<vmem>>
      %dma_start3A_1426 = arith.constant 0 : i32
      %dma_start3A_1427 = arith.constant 0 : i32
      %dma_start3A_1428 = tpu.memref_slice %arg2[%squeeze3A_153, %dma_start3A_1426, %dma_start3A_1427] : memref<16384x24x128xf32, #tpu.memory_space<hbm>> -> memref<1x24x128xf32, #tpu.memory_space<hbm>>
      tpu.enqueue_dma source(%dma_start3A_1428 : memref<1x24x128xf32, #tpu.memory_space<hbm>>) target(%dma_start3A_1425 : memref<1x24x128xf32, #tpu.memory_space<vmem>>) target_semaphore(%dma_start3A_1420 : memref<!tpu.dma_semaphore, #tpu.memory_space<semaphore_mem>>)
    } else {
    }
    %ge3A_160 = arith.constant 16384 : i32
    %ge3A_161 = arith.cmpi sge, %squeeze3A_153, %ge3A_160 : i32
    %convert_element_type3A_162 = arith.extui %ge3A_161 : i1 to i32
    %cond3A_163 = arith.constant 1 : i32
    %cond3A_164 = arith.constant 0 : i32
    %cond3A_165 = arith.cmpi ne, %convert_element_type3A_162, %cond3A_164 : i32
    scf.if %cond3A_165 {
      %sub3A = arith.constant 16384 : i32
      %sub3A_1410 = arith.subi %squeeze3A_153, %sub3A : i32
      %dma_start3A_1411 = arith.constant 1 : i32
      %dma_start3A_1412 = arith.constant 1 : i32
      %dma_start3A_1413 = arith.constant 0 : i32
      %dma_start3A_1414 = arith.constant 0 : i32
      %dma_start3A_1415 = tpu.memref_slice %arg7[%cond3A_163, %dma_start3A_1412, %dma_start3A_1413, %dma_start3A_1414] : memref<4x8x24x128xf32, #tpu.memory_space<vmem>> -> memref<1x1x24x128xf32, #tpu.memory_space<vmem>>
      %dma_start3A_1416 = tpu.memref_squeeze %dma_start3A_1415 : memref<1x1x24x128xf32, #tpu.memory_space<vmem>> -> memref<1x24x128xf32, #tpu.memory_space<vmem>>
      %dma_start3A_1417 = arith.constant 0 : i32
      %dma_start3A_1418 = arith.constant 0 : i32
      %dma_start3A_1419 = tpu.memref_slice %arg3[%sub3A_1410, %dma_start3A_1417, %dma_start3A_1418] : memref<4096x24x128xf32, #tpu.memory_space<hbm>> -> memref<1x24x128xf32, #tpu.memory_space<hbm>>
      %dma_start3A_1420 = tpu.memref_slice %arg9[%dma_start3A_1411] : memref<4x!tpu.dma_semaphore, #tpu.memory_space<semaphore_mem>> -> memref<1x!tpu.dma_semaphore, #tpu.memory_space<semaphore_mem>>
      %dma_start3A_1421 = tpu.memref_squeeze %dma_start3A_1420 : memref<1x!tpu.dma_semaphore, #tpu.memory_space<semaphore_mem>> -> memref<!tpu.dma_semaphore, #tpu.memory_space<semaphore_mem>>
      %dma_start3A_1422 = arith.constant 1 : i32
      %dma_start3A_1423 = arith.constant 0 : i32
      %dma_start3A_1424 = arith.constant 0 : i32
      %dma_start3A_1425 = tpu.memref_slice %arg7[%cond3A_163, %dma_start3A_1422, %dma_start3A_1423, %dma_start3A_1424] : memref<4x8x24x128xf32, #tpu.memory_space<vmem>> -> memref<1x1x24x128xf32, #tpu.memory_space<vmem>>
      %dma_start3A_1426 = tpu.memref_squeeze %dma_start3A_1425 : memref<1x1x24x128xf32, #tpu.memory_space<vmem>> -> memref<1x24x128xf32, #tpu.memory_space<vmem>>
      %dma_start3A_1427 = arith.constant 0 : i32
      %dma_start3A_1428 = arith.constant 0 : i32
      %dma_start3A_1429 = tpu.memref_slice %arg3[%sub3A_1410, %dma_start3A_1427, %dma_start3A_1428] : memref<4096x24x128xf32, #tpu.memory_space<hbm>> -> memref<1x24x128xf32, #tpu.memory_space<hbm>>
      tpu.enqueue_dma source(%dma_start3A_1429 : memref<1x24x128xf32, #tpu.memory_space<hbm>>) target(%dma_start3A_1426 : memref<1x24x128xf32, #tpu.memory_space<vmem>>) target_semaphore(%dma_start3A_1421 : memref<!tpu.dma_semaphore, #tpu.memory_space<semaphore_mem>>)
    } else {
    }
    %get3A_166 = arith.constant 0 : index
    %get3A_167 = tpu.vector_load %arg6[%get3A_166] {strides = array<i32>} : memref<32xi32, #tpu.memory_space<vmem>>, vector<16xi32>,
    %get3A_168 = vector.shape_cast %get3A_167 : vector<16xi32> to vector<16xi32>
    %slice3A_169 = vector.extract_strided_slice %get3A_168 {offsets = [10], sizes = [1], strides = [1]} : vector<16xi32> to vector<1xi32>
    %squeeze3A_170 = vector.extract %slice3A_169[0] : i32 from vector<1xi32>
    %lt3A_171 = arith.constant 16384 : i32
    %lt3A_172 = arith.cmpi slt, %squeeze3A_170, %lt3A_171 : i32
    %convert_element_type3A_173 = arith.extui %lt3A_172 : i1 to i32
    %cond3A_174 = arith.constant 1 : i32
    %cond3A_175 = arith.constant 0 : i32
    %cond3A_176 = arith.cmpi ne, %convert_element_type3A_173, %cond3A_175 : i32
    scf.if %cond3A_176 {
      %dma_start3A_1410 = arith.constant 1 : i32
      %dma_start3A_1411 = arith.constant 2 : i32
      %dma_start3A_1412 = arith.constant 0 : i32
      %dma_start3A_1413 = arith.constant 0 : i32
      %dma_start3A_1414 = tpu.memref_slice %arg7[%cond3A_174, %dma_start3A_1411, %dma_start3A_1412, %dma_start3A_1413] : memref<4x8x24x128xf32, #tpu.memory_space<vmem>> -> memref<1x1x24x128xf32, #tpu.memory_space<vmem>>
      %dma_start3A_1415 = tpu.memref_squeeze %dma_start3A_1414 : memref<1x1x24x128xf32, #tpu.memory_space<vmem>> -> memref<1x24x128xf32, #tpu.memory_space<vmem>>
      %dma_start3A_1416 = arith.constant 0 : i32
      %dma_start3A_1417 = arith.constant 0 : i32
      %dma_start3A_1418 = tpu.memref_slice %arg2[%squeeze3A_170, %dma_start3A_1416, %dma_start3A_1417] : memref<16384x24x128xf32, #tpu.memory_space<hbm>> -> memref<1x24x128xf32, #tpu.memory_space<hbm>>
      %dma_start3A_1419 = tpu.memref_slice %arg9[%dma_start3A_1410] : memref<4x!tpu.dma_semaphore, #tpu.memory_space<semaphore_mem>> -> memref<1x!tpu.dma_semaphore, #tpu.memory_space<semaphore_mem>>
      %dma_start3A_1420 = tpu.memref_squeeze %dma_start3A_1419 : memref<1x!tpu.dma_semaphore, #tpu.memory_space<semaphore_mem>> -> memref<!tpu.dma_semaphore, #tpu.memory_space<semaphore_mem>>
      %dma_start3A_1421 = arith.constant 2 : i32
      %dma_start3A_1422 = arith.constant 0 : i32
      %dma_start3A_1423 = arith.constant 0 : i32
      %dma_start3A_1424 = tpu.memref_slice %arg7[%cond3A_174, %dma_start3A_1421, %dma_start3A_1422, %dma_start3A_1423] : memref<4x8x24x128xf32, #tpu.memory_space<vmem>> -> memref<1x1x24x128xf32, #tpu.memory_space<vmem>>
      %dma_start3A_1425 = tpu.memref_squeeze %dma_start3A_1424 : memref<1x1x24x128xf32, #tpu.memory_space<vmem>> -> memref<1x24x128xf32, #tpu.memory_space<vmem>>
      %dma_start3A_1426 = arith.constant 0 : i32
      %dma_start3A_1427 = arith.constant 0 : i32
      %dma_start3A_1428 = tpu.memref_slice %arg2[%squeeze3A_170, %dma_start3A_1426, %dma_start3A_1427] : memref<16384x24x128xf32, #tpu.memory_space<hbm>> -> memref<1x24x128xf32, #tpu.memory_space<hbm>>
      tpu.enqueue_dma source(%dma_start3A_1428 : memref<1x24x128xf32, #tpu.memory_space<hbm>>) target(%dma_start3A_1425 : memref<1x24x128xf32, #tpu.memory_space<vmem>>) target_semaphore(%dma_start3A_1420 : memref<!tpu.dma_semaphore, #tpu.memory_space<semaphore_mem>>)
    } else {
    }
    %ge3A_177 = arith.constant 16384 : i32
    %ge3A_178 = arith.cmpi sge, %squeeze3A_170, %ge3A_177 : i32
    %convert_element_type3A_179 = arith.extui %ge3A_178 : i1 to i32
    %cond3A_180 = arith.constant 1 : i32
    %cond3A_181 = arith.constant 0 : i32
    %cond3A_182 = arith.cmpi ne, %convert_element_type3A_179, %cond3A_181 : i32
    scf.if %cond3A_182 {
      %sub3A = arith.constant 16384 : i32
      %sub3A_1410 = arith.subi %squeeze3A_170, %sub3A : i32
      %dma_start3A_1411 = arith.constant 1 : i32
      %dma_start3A_1412 = arith.constant 2 : i32
      %dma_start3A_1413 = arith.constant 0 : i32
      %dma_start3A_1414 = arith.constant 0 : i32
      %dma_start3A_1415 = tpu.memref_slice %arg7[%cond3A_180, %dma_start3A_1412, %dma_start3A_1413, %dma_start3A_1414] : memref<4x8x24x128xf32, #tpu.memory_space<vmem>> -> memref<1x1x24x128xf32, #tpu.memory_space<vmem>>
      %dma_start3A_1416 = tpu.memref_squeeze %dma_start3A_1415 : memref<1x1x24x128xf32, #tpu.memory_space<vmem>> -> memref<1x24x128xf32, #tpu.memory_space<vmem>>
      %dma_start3A_1417 = arith.constant 0 : i32
      %dma_start3A_1418 = arith.constant 0 : i32
      %dma_start3A_1419 = tpu.memref_slice %arg3[%sub3A_1410, %dma_start3A_1417, %dma_start3A_1418] : memref<4096x24x128xf32, #tpu.memory_space<hbm>> -> memref<1x24x128xf32, #tpu.memory_space<hbm>>
      %dma_start3A_1420 = tpu.memref_slice %arg9[%dma_start3A_1411] : memref<4x!tpu.dma_semaphore, #tpu.memory_space<semaphore_mem>> -> memref<1x!tpu.dma_semaphore, #tpu.memory_space<semaphore_mem>>
      %dma_start3A_1421 = tpu.memref_squeeze %dma_start3A_1420 : memref<1x!tpu.dma_semaphore, #tpu.memory_space<semaphore_mem>> -> memref<!tpu.dma_semaphore, #tpu.memory_space<semaphore_mem>>
      %dma_start3A_1422 = arith.constant 2 : i32
      %dma_start3A_1423 = arith.constant 0 : i32
      %dma_start3A_1424 = arith.constant 0 : i32
      %dma_start3A_1425 = tpu.memref_slice %arg7[%cond3A_180, %dma_start3A_1422, %dma_start3A_1423, %dma_start3A_1424] : memref<4x8x24x128xf32, #tpu.memory_space<vmem>> -> memref<1x1x24x128xf32, #tpu.memory_space<vmem>>
      %dma_start3A_1426 = tpu.memref_squeeze %dma_start3A_1425 : memref<1x1x24x128xf32, #tpu.memory_space<vmem>> -> memref<1x24x128xf32, #tpu.memory_space<vmem>>
      %dma_start3A_1427 = arith.constant 0 : i32
      %dma_start3A_1428 = arith.constant 0 : i32
      %dma_start3A_1429 = tpu.memref_slice %arg3[%sub3A_1410, %dma_start3A_1427, %dma_start3A_1428] : memref<4096x24x128xf32, #tpu.memory_space<hbm>> -> memref<1x24x128xf32, #tpu.memory_space<hbm>>
      tpu.enqueue_dma source(%dma_start3A_1429 : memref<1x24x128xf32, #tpu.memory_space<hbm>>) target(%dma_start3A_1426 : memref<1x24x128xf32, #tpu.memory_space<vmem>>) target_semaphore(%dma_start3A_1421 : memref<!tpu.dma_semaphore, #tpu.memory_space<semaphore_mem>>)
    } else {
    }
    %get3A_183 = arith.constant 0 : index
    %get3A_184 = tpu.vector_load %arg6[%get3A_183] {strides = array<i32>} : memref<32xi32, #tpu.memory_space<vmem>>, vector<16xi32>,
    %get3A_185 = vector.shape_cast %get3A_184 : vector<16xi32> to vector<16xi32>
    %slice3A_186 = vector.extract_strided_slice %get3A_185 {offsets = [11], sizes = [1], strides = [1]} : vector<16xi32> to vector<1xi32>
    %squeeze3A_187 = vector.extract %slice3A_186[0] : i32 from vector<1xi32>
    %lt3A_188 = arith.constant 16384 : i32
    %lt3A_189 = arith.cmpi slt, %squeeze3A_187, %lt3A_188 : i32
    %convert_element_type3A_190 = arith.extui %lt3A_189 : i1 to i32
    %cond3A_191 = arith.constant 1 : i32
    %cond3A_192 = arith.constant 0 : i32
    %cond3A_193 = arith.cmpi ne, %convert_element_type3A_190, %cond3A_192 : i32
    scf.if %cond3A_193 {
      %dma_start3A_1410 = arith.constant 1 : i32
      %dma_start3A_1411 = arith.constant 3 : i32
      %dma_start3A_1412 = arith.constant 0 : i32
      %dma_start3A_1413 = arith.constant 0 : i32
      %dma_start3A_1414 = tpu.memref_slice %arg7[%cond3A_191, %dma_start3A_1411, %dma_start3A_1412, %dma_start3A_1413] : memref<4x8x24x128xf32, #tpu.memory_space<vmem>> -> memref<1x1x24x128xf32, #tpu.memory_space<vmem>>
      %dma_start3A_1415 = tpu.memref_squeeze %dma_start3A_1414 : memref<1x1x24x128xf32, #tpu.memory_space<vmem>> -> memref<1x24x128xf32, #tpu.memory_space<vmem>>
      %dma_start3A_1416 = arith.constant 0 : i32
      %dma_start3A_1417 = arith.constant 0 : i32
      %dma_start3A_1418 = tpu.memref_slice %arg2[%squeeze3A_187, %dma_start3A_1416, %dma_start3A_1417] : memref<16384x24x128xf32, #tpu.memory_space<hbm>> -> memref<1x24x128xf32, #tpu.memory_space<hbm>>
      %dma_start3A_1419 = tpu.memref_slice %arg9[%dma_start3A_1410] : memref<4x!tpu.dma_semaphore, #tpu.memory_space<semaphore_mem>> -> memref<1x!tpu.dma_semaphore, #tpu.memory_space<semaphore_mem>>
      %dma_start3A_1420 = tpu.memref_squeeze %dma_start3A_1419 : memref<1x!tpu.dma_semaphore, #tpu.memory_space<semaphore_mem>> -> memref<!tpu.dma_semaphore, #tpu.memory_space<semaphore_mem>>
      %dma_start3A_1421 = arith.constant 3 : i32
      %dma_start3A_1422 = arith.constant 0 : i32
      %dma_start3A_1423 = arith.constant 0 : i32
      %dma_start3A_1424 = tpu.memref_slice %arg7[%cond3A_191, %dma_start3A_1421, %dma_start3A_1422, %dma_start3A_1423] : memref<4x8x24x128xf32, #tpu.memory_space<vmem>> -> memref<1x1x24x128xf32, #tpu.memory_space<vmem>>
      %dma_start3A_1425 = tpu.memref_squeeze %dma_start3A_1424 : memref<1x1x24x128xf32, #tpu.memory_space<vmem>> -> memref<1x24x128xf32, #tpu.memory_space<vmem>>
      %dma_start3A_1426 = arith.constant 0 : i32
      %dma_start3A_1427 = arith.constant 0 : i32
      %dma_start3A_1428 = tpu.memref_slice %arg2[%squeeze3A_187, %dma_start3A_1426, %dma_start3A_1427] : memref<16384x24x128xf32, #tpu.memory_space<hbm>> -> memref<1x24x128xf32, #tpu.memory_space<hbm>>
      tpu.enqueue_dma source(%dma_start3A_1428 : memref<1x24x128xf32, #tpu.memory_space<hbm>>) target(%dma_start3A_1425 : memref<1x24x128xf32, #tpu.memory_space<vmem>>) target_semaphore(%dma_start3A_1420 : memref<!tpu.dma_semaphore, #tpu.memory_space<semaphore_mem>>)
    } else {
    }
    %ge3A_194 = arith.constant 16384 : i32
    %ge3A_195 = arith.cmpi sge, %squeeze3A_187, %ge3A_194 : i32
    %convert_element_type3A_196 = arith.extui %ge3A_195 : i1 to i32
    %cond3A_197 = arith.constant 1 : i32
    %cond3A_198 = arith.constant 0 : i32
    %cond3A_199 = arith.cmpi ne, %convert_element_type3A_196, %cond3A_198 : i32
    scf.if %cond3A_199 {
      %sub3A = arith.constant 16384 : i32
      %sub3A_1410 = arith.subi %squeeze3A_187, %sub3A : i32
      %dma_start3A_1411 = arith.constant 1 : i32
      %dma_start3A_1412 = arith.constant 3 : i32
      %dma_start3A_1413 = arith.constant 0 : i32
      %dma_start3A_1414 = arith.constant 0 : i32
      %dma_start3A_1415 = tpu.memref_slice %arg7[%cond3A_197, %dma_start3A_1412, %dma_start3A_1413, %dma_start3A_1414] : memref<4x8x24x128xf32, #tpu.memory_space<vmem>> -> memref<1x1x24x128xf32, #tpu.memory_space<vmem>>
      %dma_start3A_1416 = tpu.memref_squeeze %dma_start3A_1415 : memref<1x1x24x128xf32, #tpu.memory_space<vmem>> -> memref<1x24x128xf32, #tpu.memory_space<vmem>>
      %dma_start3A_1417 = arith.constant 0 : i32
      %dma_start3A_1418 = arith.constant 0 : i32
      %dma_start3A_1419 = tpu.memref_slice %arg3[%sub3A_1410, %dma_start3A_1417, %dma_start3A_1418] : memref<4096x24x128xf32, #tpu.memory_space<hbm>> -> memref<1x24x128xf32, #tpu.memory_space<hbm>>
      %dma_start3A_1420 = tpu.memref_slice %arg9[%dma_start3A_1411] : memref<4x!tpu.dma_semaphore, #tpu.memory_space<semaphore_mem>> -> memref<1x!tpu.dma_semaphore, #tpu.memory_space<semaphore_mem>>
      %dma_start3A_1421 = tpu.memref_squeeze %dma_start3A_1420 : memref<1x!tpu.dma_semaphore, #tpu.memory_space<semaphore_mem>> -> memref<!tpu.dma_semaphore, #tpu.memory_space<semaphore_mem>>
      %dma_start3A_1422 = arith.constant 3 : i32
      %dma_start3A_1423 = arith.constant 0 : i32
      %dma_start3A_1424 = arith.constant 0 : i32
      %dma_start3A_1425 = tpu.memref_slice %arg7[%cond3A_197, %dma_start3A_1422, %dma_start3A_1423, %dma_start3A_1424] : memref<4x8x24x128xf32, #tpu.memory_space<vmem>> -> memref<1x1x24x128xf32, #tpu.memory_space<vmem>>
      %dma_start3A_1426 = tpu.memref_squeeze %dma_start3A_1425 : memref<1x1x24x128xf32, #tpu.memory_space<vmem>> -> memref<1x24x128xf32, #tpu.memory_space<vmem>>
      %dma_start3A_1427 = arith.constant 0 : i32
      %dma_start3A_1428 = arith.constant 0 : i32
      %dma_start3A_1429 = tpu.memref_slice %arg3[%sub3A_1410, %dma_start3A_1427, %dma_start3A_1428] : memref<4096x24x128xf32, #tpu.memory_space<hbm>> -> memref<1x24x128xf32, #tpu.memory_space<hbm>>
      tpu.enqueue_dma source(%dma_start3A_1429 : memref<1x24x128xf32, #tpu.memory_space<hbm>>) target(%dma_start3A_1426 : memref<1x24x128xf32, #tpu.memory_space<vmem>>) target_semaphore(%dma_start3A_1421 : memref<!tpu.dma_semaphore, #tpu.memory_space<semaphore_mem>>)
    } else {
    }
    %get3A_200 = arith.constant 0 : index
    %get3A_201 = tpu.vector_load %arg6[%get3A_200] {strides = array<i32>} : memref<32xi32, #tpu.memory_space<vmem>>, vector<16xi32>,
    %get3A_202 = vector.shape_cast %get3A_201 : vector<16xi32> to vector<16xi32>
    %slice3A_203 = vector.extract_strided_slice %get3A_202 {offsets = [12], sizes = [1], strides = [1]} : vector<16xi32> to vector<1xi32>
    %squeeze3A_204 = vector.extract %slice3A_203[0] : i32 from vector<1xi32>
    %lt3A_205 = arith.constant 16384 : i32
    %lt3A_206 = arith.cmpi slt, %squeeze3A_204, %lt3A_205 : i32
    %convert_element_type3A_207 = arith.extui %lt3A_206 : i1 to i32
    %cond3A_208 = arith.constant 1 : i32
    %cond3A_209 = arith.constant 0 : i32
    %cond3A_210 = arith.cmpi ne, %convert_element_type3A_207, %cond3A_209 : i32
    scf.if %cond3A_210 {
      %dma_start3A_1410 = arith.constant 1 : i32
      %dma_start3A_1411 = arith.constant 4 : i32
      %dma_start3A_1412 = arith.constant 0 : i32
      %dma_start3A_1413 = arith.constant 0 : i32
      %dma_start3A_1414 = tpu.memref_slice %arg7[%cond3A_208, %dma_start3A_1411, %dma_start3A_1412, %dma_start3A_1413] : memref<4x8x24x128xf32, #tpu.memory_space<vmem>> -> memref<1x1x24x128xf32, #tpu.memory_space<vmem>>
      %dma_start3A_1415 = tpu.memref_squeeze %dma_start3A_1414 : memref<1x1x24x128xf32, #tpu.memory_space<vmem>> -> memref<1x24x128xf32, #tpu.memory_space<vmem>>
      %dma_start3A_1416 = arith.constant 0 : i32
      %dma_start3A_1417 = arith.constant 0 : i32
      %dma_start3A_1418 = tpu.memref_slice %arg2[%squeeze3A_204, %dma_start3A_1416, %dma_start3A_1417] : memref<16384x24x128xf32, #tpu.memory_space<hbm>> -> memref<1x24x128xf32, #tpu.memory_space<hbm>>
      %dma_start3A_1419 = tpu.memref_slice %arg9[%dma_start3A_1410] : memref<4x!tpu.dma_semaphore, #tpu.memory_space<semaphore_mem>> -> memref<1x!tpu.dma_semaphore, #tpu.memory_space<semaphore_mem>>
      %dma_start3A_1420 = tpu.memref_squeeze %dma_start3A_1419 : memref<1x!tpu.dma_semaphore, #tpu.memory_space<semaphore_mem>> -> memref<!tpu.dma_semaphore, #tpu.memory_space<semaphore_mem>>
      %dma_start3A_1421 = arith.constant 4 : i32
      %dma_start3A_1422 = arith.constant 0 : i32
      %dma_start3A_1423 = arith.constant 0 : i32
      %dma_start3A_1424 = tpu.memref_slice %arg7[%cond3A_208, %dma_start3A_1421, %dma_start3A_1422, %dma_start3A_1423] : memref<4x8x24x128xf32, #tpu.memory_space<vmem>> -> memref<1x1x24x128xf32, #tpu.memory_space<vmem>>
      %dma_start3A_1425 = tpu.memref_squeeze %dma_start3A_1424 : memref<1x1x24x128xf32, #tpu.memory_space<vmem>> -> memref<1x24x128xf32, #tpu.memory_space<vmem>>
      %dma_start3A_1426 = arith.constant 0 : i32
      %dma_start3A_1427 = arith.constant 0 : i32
      %dma_start3A_1428 = tpu.memref_slice %arg2[%squeeze3A_204, %dma_start3A_1426, %dma_start3A_1427] : memref<16384x24x128xf32, #tpu.memory_space<hbm>> -> memref<1x24x128xf32, #tpu.memory_space<hbm>>
      tpu.enqueue_dma source(%dma_start3A_1428 : memref<1x24x128xf32, #tpu.memory_space<hbm>>) target(%dma_start3A_1425 : memref<1x24x128xf32, #tpu.memory_space<vmem>>) target_semaphore(%dma_start3A_1420 : memref<!tpu.dma_semaphore, #tpu.memory_space<semaphore_mem>>)
    } else {
    }
    %ge3A_211 = arith.constant 16384 : i32
    %ge3A_212 = arith.cmpi sge, %squeeze3A_204, %ge3A_211 : i32
    %convert_element_type3A_213 = arith.extui %ge3A_212 : i1 to i32
    %cond3A_214 = arith.constant 1 : i32
    %cond3A_215 = arith.constant 0 : i32
    %cond3A_216 = arith.cmpi ne, %convert_element_type3A_213, %cond3A_215 : i32
    scf.if %cond3A_216 {
      %sub3A = arith.constant 16384 : i32
      %sub3A_1410 = arith.subi %squeeze3A_204, %sub3A : i32
      %dma_start3A_1411 = arith.constant 1 : i32
      %dma_start3A_1412 = arith.constant 4 : i32
      %dma_start3A_1413 = arith.constant 0 : i32
      %dma_start3A_1414 = arith.constant 0 : i32
      %dma_start3A_1415 = tpu.memref_slice %arg7[%cond3A_214, %dma_start3A_1412, %dma_start3A_1413, %dma_start3A_1414] : memref<4x8x24x128xf32, #tpu.memory_space<vmem>> -> memref<1x1x24x128xf32, #tpu.memory_space<vmem>>
      %dma_start3A_1416 = tpu.memref_squeeze %dma_start3A_1415 : memref<1x1x24x128xf32, #tpu.memory_space<vmem>> -> memref<1x24x128xf32, #tpu.memory_space<vmem>>
      %dma_start3A_1417 = arith.constant 0 : i32
      %dma_start3A_1418 = arith.constant 0 : i32
      %dma_start3A_1419 = tpu.memref_slice %arg3[%sub3A_1410, %dma_start3A_1417, %dma_start3A_1418] : memref<4096x24x128xf32, #tpu.memory_space<hbm>> -> memref<1x24x128xf32, #tpu.memory_space<hbm>>
      %dma_start3A_1420 = tpu.memref_slice %arg9[%dma_start3A_1411] : memref<4x!tpu.dma_semaphore, #tpu.memory_space<semaphore_mem>> -> memref<1x!tpu.dma_semaphore, #tpu.memory_space<semaphore_mem>>
      %dma_start3A_1421 = tpu.memref_squeeze %dma_start3A_1420 : memref<1x!tpu.dma_semaphore, #tpu.memory_space<semaphore_mem>> -> memref<!tpu.dma_semaphore, #tpu.memory_space<semaphore_mem>>
      %dma_start3A_1422 = arith.constant 4 : i32
      %dma_start3A_1423 = arith.constant 0 : i32
      %dma_start3A_1424 = arith.constant 0 : i32
      %dma_start3A_1425 = tpu.memref_slice %arg7[%cond3A_214, %dma_start3A_1422, %dma_start3A_1423, %dma_start3A_1424] : memref<4x8x24x128xf32, #tpu.memory_space<vmem>> -> memref<1x1x24x128xf32, #tpu.memory_space<vmem>>
      %dma_start3A_1426 = tpu.memref_squeeze %dma_start3A_1425 : memref<1x1x24x128xf32, #tpu.memory_space<vmem>> -> memref<1x24x128xf32, #tpu.memory_space<vmem>>
      %dma_start3A_1427 = arith.constant 0 : i32
      %dma_start3A_1428 = arith.constant 0 : i32
      %dma_start3A_1429 = tpu.memref_slice %arg3[%sub3A_1410, %dma_start3A_1427, %dma_start3A_1428] : memref<4096x24x128xf32, #tpu.memory_space<hbm>> -> memref<1x24x128xf32, #tpu.memory_space<hbm>>
      tpu.enqueue_dma source(%dma_start3A_1429 : memref<1x24x128xf32, #tpu.memory_space<hbm>>) target(%dma_start3A_1426 : memref<1x24x128xf32, #tpu.memory_space<vmem>>) target_semaphore(%dma_start3A_1421 : memref<!tpu.dma_semaphore, #tpu.memory_space<semaphore_mem>>)
    } else {
    }
    %get3A_217 = arith.constant 0 : index
    %get3A_218 = tpu.vector_load %arg6[%get3A_217] {strides = array<i32>} : memref<32xi32, #tpu.memory_space<vmem>>, vector<16xi32>,
    %get3A_219 = vector.shape_cast %get3A_218 : vector<16xi32> to vector<16xi32>
    %slice3A_220 = vector.extract_strided_slice %get3A_219 {offsets = [13], sizes = [1], strides = [1]} : vector<16xi32> to vector<1xi32>
    %squeeze3A_221 = vector.extract %slice3A_220[0] : i32 from vector<1xi32>
    %lt3A_222 = arith.constant 16384 : i32
    %lt3A_223 = arith.cmpi slt, %squeeze3A_221, %lt3A_222 : i32
    %convert_element_type3A_224 = arith.extui %lt3A_223 : i1 to i32
    %cond3A_225 = arith.constant 1 : i32
    %cond3A_226 = arith.constant 0 : i32
    %cond3A_227 = arith.cmpi ne, %convert_element_type3A_224, %cond3A_226 : i32
    scf.if %cond3A_227 {
      %dma_start3A_1410 = arith.constant 1 : i32
      %dma_start3A_1411 = arith.constant 5 : i32
      %dma_start3A_1412 = arith.constant 0 : i32
      %dma_start3A_1413 = arith.constant 0 : i32
      %dma_start3A_1414 = tpu.memref_slice %arg7[%cond3A_225, %dma_start3A_1411, %dma_start3A_1412, %dma_start3A_1413] : memref<4x8x24x128xf32, #tpu.memory_space<vmem>> -> memref<1x1x24x128xf32, #tpu.memory_space<vmem>>
      %dma_start3A_1415 = tpu.memref_squeeze %dma_start3A_1414 : memref<1x1x24x128xf32, #tpu.memory_space<vmem>> -> memref<1x24x128xf32, #tpu.memory_space<vmem>>
      %dma_start3A_1416 = arith.constant 0 : i32
      %dma_start3A_1417 = arith.constant 0 : i32
      %dma_start3A_1418 = tpu.memref_slice %arg2[%squeeze3A_221, %dma_start3A_1416, %dma_start3A_1417] : memref<16384x24x128xf32, #tpu.memory_space<hbm>> -> memref<1x24x128xf32, #tpu.memory_space<hbm>>
      %dma_start3A_1419 = tpu.memref_slice %arg9[%dma_start3A_1410] : memref<4x!tpu.dma_semaphore, #tpu.memory_space<semaphore_mem>> -> memref<1x!tpu.dma_semaphore, #tpu.memory_space<semaphore_mem>>
      %dma_start3A_1420 = tpu.memref_squeeze %dma_start3A_1419 : memref<1x!tpu.dma_semaphore, #tpu.memory_space<semaphore_mem>> -> memref<!tpu.dma_semaphore, #tpu.memory_space<semaphore_mem>>
      %dma_start3A_1421 = arith.constant 5 : i32
      %dma_start3A_1422 = arith.constant 0 : i32
      %dma_start3A_1423 = arith.constant 0 : i32
      %dma_start3A_1424 = tpu.memref_slice %arg7[%cond3A_225, %dma_start3A_1421, %dma_start3A_1422, %dma_start3A_1423] : memref<4x8x24x128xf32, #tpu.memory_space<vmem>> -> memref<1x1x24x128xf32, #tpu.memory_space<vmem>>
      %dma_start3A_1425 = tpu.memref_squeeze %dma_start3A_1424 : memref<1x1x24x128xf32, #tpu.memory_space<vmem>> -> memref<1x24x128xf32, #tpu.memory_space<vmem>>
      %dma_start3A_1426 = arith.constant 0 : i32
      %dma_start3A_1427 = arith.constant 0 : i32
      %dma_start3A_1428 = tpu.memref_slice %arg2[%squeeze3A_221, %dma_start3A_1426, %dma_start3A_1427] : memref<16384x24x128xf32, #tpu.memory_space<hbm>> -> memref<1x24x128xf32, #tpu.memory_space<hbm>>
      tpu.enqueue_dma source(%dma_start3A_1428 : memref<1x24x128xf32, #tpu.memory_space<hbm>>) target(%dma_start3A_1425 : memref<1x24x128xf32, #tpu.memory_space<vmem>>) target_semaphore(%dma_start3A_1420 : memref<!tpu.dma_semaphore, #tpu.memory_space<semaphore_mem>>)
    } else {
    }
    %ge3A_228 = arith.constant 16384 : i32
    %ge3A_229 = arith.cmpi sge, %squeeze3A_221, %ge3A_228 : i32
    %convert_element_type3A_230 = arith.extui %ge3A_229 : i1 to i32
    %cond3A_231 = arith.constant 1 : i32
    %cond3A_232 = arith.constant 0 : i32
    %cond3A_233 = arith.cmpi ne, %convert_element_type3A_230, %cond3A_232 : i32
    scf.if %cond3A_233 {
      %sub3A = arith.constant 16384 : i32
      %sub3A_1410 = arith.subi %squeeze3A_221, %sub3A : i32
      %dma_start3A_1411 = arith.constant 1 : i32
      %dma_start3A_1412 = arith.constant 5 : i32
      %dma_start3A_1413 = arith.constant 0 : i32
      %dma_start3A_1414 = arith.constant 0 : i32
      %dma_start3A_1415 = tpu.memref_slice %arg7[%cond3A_231, %dma_start3A_1412, %dma_start3A_1413, %dma_start3A_1414] : memref<4x8x24x128xf32, #tpu.memory_space<vmem>> -> memref<1x1x24x128xf32, #tpu.memory_space<vmem>>
      %dma_start3A_1416 = tpu.memref_squeeze %dma_start3A_1415 : memref<1x1x24x128xf32, #tpu.memory_space<vmem>> -> memref<1x24x128xf32, #tpu.memory_space<vmem>>
      %dma_start3A_1417 = arith.constant 0 : i32
      %dma_start3A_1418 = arith.constant 0 : i32
      %dma_start3A_1419 = tpu.memref_slice %arg3[%sub3A_1410, %dma_start3A_1417, %dma_start3A_1418] : memref<4096x24x128xf32, #tpu.memory_space<hbm>> -> memref<1x24x128xf32, #tpu.memory_space<hbm>>
      %dma_start3A_1420 = tpu.memref_slice %arg9[%dma_start3A_1411] : memref<4x!tpu.dma_semaphore, #tpu.memory_space<semaphore_mem>> -> memref<1x!tpu.dma_semaphore, #tpu.memory_space<semaphore_mem>>
      %dma_start3A_1421 = tpu.memref_squeeze %dma_start3A_1420 : memref<1x!tpu.dma_semaphore, #tpu.memory_space<semaphore_mem>> -> memref<!tpu.dma_semaphore, #tpu.memory_space<semaphore_mem>>
      %dma_start3A_1422 = arith.constant 5 : i32
      %dma_start3A_1423 = arith.constant 0 : i32
      %dma_start3A_1424 = arith.constant 0 : i32
      %dma_start3A_1425 = tpu.memref_slice %arg7[%cond3A_231, %dma_start3A_1422, %dma_start3A_1423, %dma_start3A_1424] : memref<4x8x24x128xf32, #tpu.memory_space<vmem>> -> memref<1x1x24x128xf32, #tpu.memory_space<vmem>>
      %dma_start3A_1426 = tpu.memref_squeeze %dma_start3A_1425 : memref<1x1x24x128xf32, #tpu.memory_space<vmem>> -> memref<1x24x128xf32, #tpu.memory_space<vmem>>
      %dma_start3A_1427 = arith.constant 0 : i32
      %dma_start3A_1428 = arith.constant 0 : i32
      %dma_start3A_1429 = tpu.memref_slice %arg3[%sub3A_1410, %dma_start3A_1427, %dma_start3A_1428] : memref<4096x24x128xf32, #tpu.memory_space<hbm>> -> memref<1x24x128xf32, #tpu.memory_space<hbm>>
      tpu.enqueue_dma source(%dma_start3A_1429 : memref<1x24x128xf32, #tpu.memory_space<hbm>>) target(%dma_start3A_1426 : memref<1x24x128xf32, #tpu.memory_space<vmem>>) target_semaphore(%dma_start3A_1421 : memref<!tpu.dma_semaphore, #tpu.memory_space<semaphore_mem>>)
    } else {
    }
    %get3A_234 = arith.constant 0 : index
    %get3A_235 = tpu.vector_load %arg6[%get3A_234] {strides = array<i32>} : memref<32xi32, #tpu.memory_space<vmem>>, vector<16xi32>,
    %get3A_236 = vector.shape_cast %get3A_235 : vector<16xi32> to vector<16xi32>
    %slice3A_237 = vector.extract_strided_slice %get3A_236 {offsets = [14], sizes = [1], strides = [1]} : vector<16xi32> to vector<1xi32>
    %squeeze3A_238 = vector.extract %slice3A_237[0] : i32 from vector<1xi32>
    %lt3A_239 = arith.constant 16384 : i32
    %lt3A_240 = arith.cmpi slt, %squeeze3A_238, %lt3A_239 : i32
    %convert_element_type3A_241 = arith.extui %lt3A_240 : i1 to i32
    %cond3A_242 = arith.constant 1 : i32
    %cond3A_243 = arith.constant 0 : i32
    %cond3A_244 = arith.cmpi ne, %convert_element_type3A_241, %cond3A_243 : i32
    scf.if %cond3A_244 {
      %dma_start3A_1410 = arith.constant 1 : i32
      %dma_start3A_1411 = arith.constant 6 : i32
      %dma_start3A_1412 = arith.constant 0 : i32
      %dma_start3A_1413 = arith.constant 0 : i32
      %dma_start3A_1414 = tpu.memref_slice %arg7[%cond3A_242, %dma_start3A_1411, %dma_start3A_1412, %dma_start3A_1413] : memref<4x8x24x128xf32, #tpu.memory_space<vmem>> -> memref<1x1x24x128xf32, #tpu.memory_space<vmem>>
      %dma_start3A_1415 = tpu.memref_squeeze %dma_start3A_1414 : memref<1x1x24x128xf32, #tpu.memory_space<vmem>> -> memref<1x24x128xf32, #tpu.memory_space<vmem>>
      %dma_start3A_1416 = arith.constant 0 : i32
      %dma_start3A_1417 = arith.constant 0 : i32
      %dma_start3A_1418 = tpu.memref_slice %arg2[%squeeze3A_238, %dma_start3A_1416, %dma_start3A_1417] : memref<16384x24x128xf32, #tpu.memory_space<hbm>> -> memref<1x24x128xf32, #tpu.memory_space<hbm>>
      %dma_start3A_1419 = tpu.memref_slice %arg9[%dma_start3A_1410] : memref<4x!tpu.dma_semaphore, #tpu.memory_space<semaphore_mem>> -> memref<1x!tpu.dma_semaphore, #tpu.memory_space<semaphore_mem>>
      %dma_start3A_1420 = tpu.memref_squeeze %dma_start3A_1419 : memref<1x!tpu.dma_semaphore, #tpu.memory_space<semaphore_mem>> -> memref<!tpu.dma_semaphore, #tpu.memory_space<semaphore_mem>>
      %dma_start3A_1421 = arith.constant 6 : i32
      %dma_start3A_1422 = arith.constant 0 : i32
      %dma_start3A_1423 = arith.constant 0 : i32
      %dma_start3A_1424 = tpu.memref_slice %arg7[%cond3A_242, %dma_start3A_1421, %dma_start3A_1422, %dma_start3A_1423] : memref<4x8x24x128xf32, #tpu.memory_space<vmem>> -> memref<1x1x24x128xf32, #tpu.memory_space<vmem>>
      %dma_start3A_1425 = tpu.memref_squeeze %dma_start3A_1424 : memref<1x1x24x128xf32, #tpu.memory_space<vmem>> -> memref<1x24x128xf32, #tpu.memory_space<vmem>>
      %dma_start3A_1426 = arith.constant 0 : i32
      %dma_start3A_1427 = arith.constant 0 : i32
      %dma_start3A_1428 = tpu.memref_slice %arg2[%squeeze3A_238, %dma_start3A_1426, %dma_start3A_1427] : memref<16384x24x128xf32, #tpu.memory_space<hbm>> -> memref<1x24x128xf32, #tpu.memory_space<hbm>>
      tpu.enqueue_dma source(%dma_start3A_1428 : memref<1x24x128xf32, #tpu.memory_space<hbm>>) target(%dma_start3A_1425 : memref<1x24x128xf32, #tpu.memory_space<vmem>>) target_semaphore(%dma_start3A_1420 : memref<!tpu.dma_semaphore, #tpu.memory_space<semaphore_mem>>)
    } else {
    }
    %ge3A_245 = arith.constant 16384 : i32
    %ge3A_246 = arith.cmpi sge, %squeeze3A_238, %ge3A_245 : i32
    %convert_element_type3A_247 = arith.extui %ge3A_246 : i1 to i32
    %cond3A_248 = arith.constant 1 : i32
    %cond3A_249 = arith.constant 0 : i32
    %cond3A_250 = arith.cmpi ne, %convert_element_type3A_247, %cond3A_249 : i32
    scf.if %cond3A_250 {
      %sub3A = arith.constant 16384 : i32
      %sub3A_1410 = arith.subi %squeeze3A_238, %sub3A : i32
      %dma_start3A_1411 = arith.constant 1 : i32
      %dma_start3A_1412 = arith.constant 6 : i32
      %dma_start3A_1413 = arith.constant 0 : i32
      %dma_start3A_1414 = arith.constant 0 : i32
      %dma_start3A_1415 = tpu.memref_slice %arg7[%cond3A_248, %dma_start3A_1412, %dma_start3A_1413, %dma_start3A_1414] : memref<4x8x24x128xf32, #tpu.memory_space<vmem>> -> memref<1x1x24x128xf32, #tpu.memory_space<vmem>>
      %dma_start3A_1416 = tpu.memref_squeeze %dma_start3A_1415 : memref<1x1x24x128xf32, #tpu.memory_space<vmem>> -> memref<1x24x128xf32, #tpu.memory_space<vmem>>
      %dma_start3A_1417 = arith.constant 0 : i32
      %dma_start3A_1418 = arith.constant 0 : i32
      %dma_start3A_1419 = tpu.memref_slice %arg3[%sub3A_1410, %dma_start3A_1417, %dma_start3A_1418] : memref<4096x24x128xf32, #tpu.memory_space<hbm>> -> memref<1x24x128xf32, #tpu.memory_space<hbm>>
      %dma_start3A_1420 = tpu.memref_slice %arg9[%dma_start3A_1411] : memref<4x!tpu.dma_semaphore, #tpu.memory_space<semaphore_mem>> -> memref<1x!tpu.dma_semaphore, #tpu.memory_space<semaphore_mem>>
      %dma_start3A_1421 = tpu.memref_squeeze %dma_start3A_1420 : memref<1x!tpu.dma_semaphore, #tpu.memory_space<semaphore_mem>> -> memref<!tpu.dma_semaphore, #tpu.memory_space<semaphore_mem>>
      %dma_start3A_1422 = arith.constant 6 : i32
      %dma_start3A_1423 = arith.constant 0 : i32
      %dma_start3A_1424 = arith.constant 0 : i32
      %dma_start3A_1425 = tpu.memref_slice %arg7[%cond3A_248, %dma_start3A_1422, %dma_start3A_1423, %dma_start3A_1424] : memref<4x8x24x128xf32, #tpu.memory_space<vmem>> -> memref<1x1x24x128xf32, #tpu.memory_space<vmem>>
      %dma_start3A_1426 = tpu.memref_squeeze %dma_start3A_1425 : memref<1x1x24x128xf32, #tpu.memory_space<vmem>> -> memref<1x24x128xf32, #tpu.memory_space<vmem>>
      %dma_start3A_1427 = arith.constant 0 : i32
      %dma_start3A_1428 = arith.constant 0 : i32
      %dma_start3A_1429 = tpu.memref_slice %arg3[%sub3A_1410, %dma_start3A_1427, %dma_start3A_1428] : memref<4096x24x128xf32, #tpu.memory_space<hbm>> -> memref<1x24x128xf32, #tpu.memory_space<hbm>>
      tpu.enqueue_dma source(%dma_start3A_1429 : memref<1x24x128xf32, #tpu.memory_space<hbm>>) target(%dma_start3A_1426 : memref<1x24x128xf32, #tpu.memory_space<vmem>>) target_semaphore(%dma_start3A_1421 : memref<!tpu.dma_semaphore, #tpu.memory_space<semaphore_mem>>)
    } else {
    }
    %get3A_251 = arith.constant 0 : index
    %get3A_252 = tpu.vector_load %arg6[%get3A_251] {strides = array<i32>} : memref<32xi32, #tpu.memory_space<vmem>>, vector<16xi32>,
    %get3A_253 = vector.shape_cast %get3A_252 : vector<16xi32> to vector<16xi32>
    %slice3A_254 = vector.extract_strided_slice %get3A_253 {offsets = [15], sizes = [1], strides = [1]} : vector<16xi32> to vector<1xi32>
    %squeeze3A_255 = vector.extract %slice3A_254[0] : i32 from vector<1xi32>
    %lt3A_256 = arith.constant 16384 : i32
    %lt3A_257 = arith.cmpi slt, %squeeze3A_255, %lt3A_256 : i32
    %convert_element_type3A_258 = arith.extui %lt3A_257 : i1 to i32
    %cond3A_259 = arith.constant 1 : i32
    %cond3A_260 = arith.constant 0 : i32
    %cond3A_261 = arith.cmpi ne, %convert_element_type3A_258, %cond3A_260 : i32
    scf.if %cond3A_261 {
      %dma_start3A_1410 = arith.constant 1 : i32
      %dma_start3A_1411 = arith.constant 7 : i32
      %dma_start3A_1412 = arith.constant 0 : i32
      %dma_start3A_1413 = arith.constant 0 : i32
      %dma_start3A_1414 = tpu.memref_slice %arg7[%cond3A_259, %dma_start3A_1411, %dma_start3A_1412, %dma_start3A_1413] : memref<4x8x24x128xf32, #tpu.memory_space<vmem>> -> memref<1x1x24x128xf32, #tpu.memory_space<vmem>>
      %dma_start3A_1415 = tpu.memref_squeeze %dma_start3A_1414 : memref<1x1x24x128xf32, #tpu.memory_space<vmem>> -> memref<1x24x128xf32, #tpu.memory_space<vmem>>
      %dma_start3A_1416 = arith.constant 0 : i32
      %dma_start3A_1417 = arith.constant 0 : i32
      %dma_start3A_1418 = tpu.memref_slice %arg2[%squeeze3A_255, %dma_start3A_1416, %dma_start3A_1417] : memref<16384x24x128xf32, #tpu.memory_space<hbm>> -> memref<1x24x128xf32, #tpu.memory_space<hbm>>
      %dma_start3A_1419 = tpu.memref_slice %arg9[%dma_start3A_1410] : memref<4x!tpu.dma_semaphore, #tpu.memory_space<semaphore_mem>> -> memref<1x!tpu.dma_semaphore, #tpu.memory_space<semaphore_mem>>
      %dma_start3A_1420 = tpu.memref_squeeze %dma_start3A_1419 : memref<1x!tpu.dma_semaphore, #tpu.memory_space<semaphore_mem>> -> memref<!tpu.dma_semaphore, #tpu.memory_space<semaphore_mem>>
      %dma_start3A_1421 = arith.constant 7 : i32
      %dma_start3A_1422 = arith.constant 0 : i32
      %dma_start3A_1423 = arith.constant 0 : i32
      %dma_start3A_1424 = tpu.memref_slice %arg7[%cond3A_259, %dma_start3A_1421, %dma_start3A_1422, %dma_start3A_1423] : memref<4x8x24x128xf32, #tpu.memory_space<vmem>> -> memref<1x1x24x128xf32, #tpu.memory_space<vmem>>
      %dma_start3A_1425 = tpu.memref_squeeze %dma_start3A_1424 : memref<1x1x24x128xf32, #tpu.memory_space<vmem>> -> memref<1x24x128xf32, #tpu.memory_space<vmem>>
      %dma_start3A_1426 = arith.constant 0 : i32
      %dma_start3A_1427 = arith.constant 0 : i32
      %dma_start3A_1428 = tpu.memref_slice %arg2[%squeeze3A_255, %dma_start3A_1426, %dma_start3A_1427] : memref<16384x24x128xf32, #tpu.memory_space<hbm>> -> memref<1x24x128xf32, #tpu.memory_space<hbm>>
      tpu.enqueue_dma source(%dma_start3A_1428 : memref<1x24x128xf32, #tpu.memory_space<hbm>>) target(%dma_start3A_1425 : memref<1x24x128xf32, #tpu.memory_space<vmem>>) target_semaphore(%dma_start3A_1420 : memref<!tpu.dma_semaphore, #tpu.memory_space<semaphore_mem>>)
    } else {
    }
    %ge3A_262 = arith.constant 16384 : i32
    %ge3A_263 = arith.cmpi sge, %squeeze3A_255, %ge3A_262 : i32
    %convert_element_type3A_264 = arith.extui %ge3A_263 : i1 to i32
    %cond3A_265 = arith.constant 1 : i32
    %cond3A_266 = arith.constant 0 : i32
    %cond3A_267 = arith.cmpi ne, %convert_element_type3A_264, %cond3A_266 : i32
    scf.if %cond3A_267 {
      %sub3A = arith.constant 16384 : i32
      %sub3A_1410 = arith.subi %squeeze3A_255, %sub3A : i32
      %dma_start3A_1411 = arith.constant 1 : i32
      %dma_start3A_1412 = arith.constant 7 : i32
      %dma_start3A_1413 = arith.constant 0 : i32
      %dma_start3A_1414 = arith.constant 0 : i32
      %dma_start3A_1415 = tpu.memref_slice %arg7[%cond3A_265, %dma_start3A_1412, %dma_start3A_1413, %dma_start3A_1414] : memref<4x8x24x128xf32, #tpu.memory_space<vmem>> -> memref<1x1x24x128xf32, #tpu.memory_space<vmem>>
      %dma_start3A_1416 = tpu.memref_squeeze %dma_start3A_1415 : memref<1x1x24x128xf32, #tpu.memory_space<vmem>> -> memref<1x24x128xf32, #tpu.memory_space<vmem>>
      %dma_start3A_1417 = arith.constant 0 : i32
      %dma_start3A_1418 = arith.constant 0 : i32
      %dma_start3A_1419 = tpu.memref_slice %arg3[%sub3A_1410, %dma_start3A_1417, %dma_start3A_1418] : memref<4096x24x128xf32, #tpu.memory_space<hbm>> -> memref<1x24x128xf32, #tpu.memory_space<hbm>>
      %dma_start3A_1420 = tpu.memref_slice %arg9[%dma_start3A_1411] : memref<4x!tpu.dma_semaphore, #tpu.memory_space<semaphore_mem>> -> memref<1x!tpu.dma_semaphore, #tpu.memory_space<semaphore_mem>>
      %dma_start3A_1421 = tpu.memref_squeeze %dma_start3A_1420 : memref<1x!tpu.dma_semaphore, #tpu.memory_space<semaphore_mem>> -> memref<!tpu.dma_semaphore, #tpu.memory_space<semaphore_mem>>
      %dma_start3A_1422 = arith.constant 7 : i32
      %dma_start3A_1423 = arith.constant 0 : i32
      %dma_start3A_1424 = arith.constant 0 : i32
      %dma_start3A_1425 = tpu.memref_slice %arg7[%cond3A_265, %dma_start3A_1422, %dma_start3A_1423, %dma_start3A_1424] : memref<4x8x24x128xf32, #tpu.memory_space<vmem>> -> memref<1x1x24x128xf32, #tpu.memory_space<vmem>>
      %dma_start3A_1426 = tpu.memref_squeeze %dma_start3A_1425 : memref<1x1x24x128xf32, #tpu.memory_space<vmem>> -> memref<1x24x128xf32, #tpu.memory_space<vmem>>
      %dma_start3A_1427 = arith.constant 0 : i32
      %dma_start3A_1428 = arith.constant 0 : i32
      %dma_start3A_1429 = tpu.memref_slice %arg3[%sub3A_1410, %dma_start3A_1427, %dma_start3A_1428] : memref<4096x24x128xf32, #tpu.memory_space<hbm>> -> memref<1x24x128xf32, #tpu.memory_space<hbm>>
      tpu.enqueue_dma source(%dma_start3A_1429 : memref<1x24x128xf32, #tpu.memory_space<hbm>>) target(%dma_start3A_1426 : memref<1x24x128xf32, #tpu.memory_space<vmem>>) target_semaphore(%dma_start3A_1421 : memref<!tpu.dma_semaphore, #tpu.memory_space<semaphore_mem>>)
    } else {
    }
    %get3A_268 = arith.constant 16 : index
    %get3A_269 = tpu.vector_load %arg6[%get3A_268] {strides = array<i32>} : memref<32xi32, #tpu.memory_space<vmem>>, vector<16xi32>,
    %get3A_270 = vector.shape_cast %get3A_269 : vector<16xi32> to vector<16xi32>
    %slice3A_271 = vector.extract_strided_slice %get3A_270 {offsets = [0], sizes = [1], strides = [1]} : vector<16xi32> to vector<1xi32>
    %squeeze3A_272 = vector.extract %slice3A_271[0] : i32 from vector<1xi32>
    %lt3A_273 = arith.constant 16384 : i32
    %lt3A_274 = arith.cmpi slt, %squeeze3A_272, %lt3A_273 : i32
    %convert_element_type3A_275 = arith.extui %lt3A_274 : i1 to i32
    %cond3A_276 = arith.constant 2 : i32
    %cond3A_277 = arith.constant 0 : i32
    %cond3A_278 = arith.cmpi ne, %convert_element_type3A_275, %cond3A_277 : i32
    scf.if %cond3A_278 {
      %dma_start3A_1410 = arith.constant 2 : i32
      %dma_start3A_1411 = arith.constant 0 : i32
      %dma_start3A_1412 = arith.constant 0 : i32
      %dma_start3A_1413 = arith.constant 0 : i32
      %dma_start3A_1414 = tpu.memref_slice %arg7[%cond3A_276, %dma_start3A_1411, %dma_start3A_1412, %dma_start3A_1413] : memref<4x8x24x128xf32, #tpu.memory_space<vmem>> -> memref<1x1x24x128xf32, #tpu.memory_space<vmem>>
      %dma_start3A_1415 = tpu.memref_squeeze %dma_start3A_1414 : memref<1x1x24x128xf32, #tpu.memory_space<vmem>> -> memref<1x24x128xf32, #tpu.memory_space<vmem>>
      %dma_start3A_1416 = arith.constant 0 : i32
      %dma_start3A_1417 = arith.constant 0 : i32
      %dma_start3A_1418 = tpu.memref_slice %arg2[%squeeze3A_272, %dma_start3A_1416, %dma_start3A_1417] : memref<16384x24x128xf32, #tpu.memory_space<hbm>> -> memref<1x24x128xf32, #tpu.memory_space<hbm>>
      %dma_start3A_1419 = tpu.memref_slice %arg9[%dma_start3A_1410] : memref<4x!tpu.dma_semaphore, #tpu.memory_space<semaphore_mem>> -> memref<1x!tpu.dma_semaphore, #tpu.memory_space<semaphore_mem>>
      %dma_start3A_1420 = tpu.memref_squeeze %dma_start3A_1419 : memref<1x!tpu.dma_semaphore, #tpu.memory_space<semaphore_mem>> -> memref<!tpu.dma_semaphore, #tpu.memory_space<semaphore_mem>>
      %dma_start3A_1421 = arith.constant 0 : i32
      %dma_start3A_1422 = arith.constant 0 : i32
      %dma_start3A_1423 = arith.constant 0 : i32
      %dma_start3A_1424 = tpu.memref_slice %arg7[%cond3A_276, %dma_start3A_1421, %dma_start3A_1422, %dma_start3A_1423] : memref<4x8x24x128xf32, #tpu.memory_space<vmem>> -> memref<1x1x24x128xf32, #tpu.memory_space<vmem>>
      %dma_start3A_1425 = tpu.memref_squeeze %dma_start3A_1424 : memref<1x1x24x128xf32, #tpu.memory_space<vmem>> -> memref<1x24x128xf32, #tpu.memory_space<vmem>>
      %dma_start3A_1426 = arith.constant 0 : i32
      %dma_start3A_1427 = arith.constant 0 : i32
      %dma_start3A_1428 = tpu.memref_slice %arg2[%squeeze3A_272, %dma_start3A_1426, %dma_start3A_1427] : memref<16384x24x128xf32, #tpu.memory_space<hbm>> -> memref<1x24x128xf32, #tpu.memory_space<hbm>>
      tpu.enqueue_dma source(%dma_start3A_1428 : memref<1x24x128xf32, #tpu.memory_space<hbm>>) target(%dma_start3A_1425 : memref<1x24x128xf32, #tpu.memory_space<vmem>>) target_semaphore(%dma_start3A_1420 : memref<!tpu.dma_semaphore, #tpu.memory_space<semaphore_mem>>)
    } else {
    }
    %ge3A_279 = arith.constant 16384 : i32
    %ge3A_280 = arith.cmpi sge, %squeeze3A_272, %ge3A_279 : i32
    %convert_element_type3A_281 = arith.extui %ge3A_280 : i1 to i32
    %cond3A_282 = arith.constant 2 : i32
    %cond3A_283 = arith.constant 0 : i32
    %cond3A_284 = arith.cmpi ne, %convert_element_type3A_281, %cond3A_283 : i32
    scf.if %cond3A_284 {
      %sub3A = arith.constant 16384 : i32
      %sub3A_1410 = arith.subi %squeeze3A_272, %sub3A : i32
      %dma_start3A_1411 = arith.constant 2 : i32
      %dma_start3A_1412 = arith.constant 0 : i32
      %dma_start3A_1413 = arith.constant 0 : i32
      %dma_start3A_1414 = arith.constant 0 : i32
      %dma_start3A_1415 = tpu.memref_slice %arg7[%cond3A_282, %dma_start3A_1412, %dma_start3A_1413, %dma_start3A_1414] : memref<4x8x24x128xf32, #tpu.memory_space<vmem>> -> memref<1x1x24x128xf32, #tpu.memory_space<vmem>>
      %dma_start3A_1416 = tpu.memref_squeeze %dma_start3A_1415 : memref<1x1x24x128xf32, #tpu.memory_space<vmem>> -> memref<1x24x128xf32, #tpu.memory_space<vmem>>
      %dma_start3A_1417 = arith.constant 0 : i32
      %dma_start3A_1418 = arith.constant 0 : i32
      %dma_start3A_1419 = tpu.memref_slice %arg3[%sub3A_1410, %dma_start3A_1417, %dma_start3A_1418] : memref<4096x24x128xf32, #tpu.memory_space<hbm>> -> memref<1x24x128xf32, #tpu.memory_space<hbm>>
      %dma_start3A_1420 = tpu.memref_slice %arg9[%dma_start3A_1411] : memref<4x!tpu.dma_semaphore, #tpu.memory_space<semaphore_mem>> -> memref<1x!tpu.dma_semaphore, #tpu.memory_space<semaphore_mem>>
      %dma_start3A_1421 = tpu.memref_squeeze %dma_start3A_1420 : memref<1x!tpu.dma_semaphore, #tpu.memory_space<semaphore_mem>> -> memref<!tpu.dma_semaphore, #tpu.memory_space<semaphore_mem>>
      %dma_start3A_1422 = arith.constant 0 : i32
      %dma_start3A_1423 = arith.constant 0 : i32
      %dma_start3A_1424 = arith.constant 0 : i32
      %dma_start3A_1425 = tpu.memref_slice %arg7[%cond3A_282, %dma_start3A_1422, %dma_start3A_1423, %dma_start3A_1424] : memref<4x8x24x128xf32, #tpu.memory_space<vmem>> -> memref<1x1x24x128xf32, #tpu.memory_space<vmem>>
      %dma_start3A_1426 = tpu.memref_squeeze %dma_start3A_1425 : memref<1x1x24x128xf32, #tpu.memory_space<vmem>> -> memref<1x24x128xf32, #tpu.memory_space<vmem>>
      %dma_start3A_1427 = arith.constant 0 : i32
      %dma_start3A_1428 = arith.constant 0 : i32
      %dma_start3A_1429 = tpu.memref_slice %arg3[%sub3A_1410, %dma_start3A_1427, %dma_start3A_1428] : memref<4096x24x128xf32, #tpu.memory_space<hbm>> -> memref<1x24x128xf32, #tpu.memory_space<hbm>>
      tpu.enqueue_dma source(%dma_start3A_1429 : memref<1x24x128xf32, #tpu.memory_space<hbm>>) target(%dma_start3A_1426 : memref<1x24x128xf32, #tpu.memory_space<vmem>>) target_semaphore(%dma_start3A_1421 : memref<!tpu.dma_semaphore, #tpu.memory_space<semaphore_mem>>)
    } else {
    }
    %get3A_285 = arith.constant 16 : index
    %get3A_286 = tpu.vector_load %arg6[%get3A_285] {strides = array<i32>} : memref<32xi32, #tpu.memory_space<vmem>>, vector<16xi32>,
    %get3A_287 = vector.shape_cast %get3A_286 : vector<16xi32> to vector<16xi32>
    %slice3A_288 = vector.extract_strided_slice %get3A_287 {offsets = [1], sizes = [1], strides = [1]} : vector<16xi32> to vector<1xi32>
    %squeeze3A_289 = vector.extract %slice3A_288[0] : i32 from vector<1xi32>
    %lt3A_290 = arith.constant 16384 : i32
    %lt3A_291 = arith.cmpi slt, %squeeze3A_289, %lt3A_290 : i32
    %convert_element_type3A_292 = arith.extui %lt3A_291 : i1 to i32
    %cond3A_293 = arith.constant 2 : i32
    %cond3A_294 = arith.constant 0 : i32
    %cond3A_295 = arith.cmpi ne, %convert_element_type3A_292, %cond3A_294 : i32
    scf.if %cond3A_295 {
      %dma_start3A_1410 = arith.constant 2 : i32
      %dma_start3A_1411 = arith.constant 1 : i32
      %dma_start3A_1412 = arith.constant 0 : i32
      %dma_start3A_1413 = arith.constant 0 : i32
      %dma_start3A_1414 = tpu.memref_slice %arg7[%cond3A_293, %dma_start3A_1411, %dma_start3A_1412, %dma_start3A_1413] : memref<4x8x24x128xf32, #tpu.memory_space<vmem>> -> memref<1x1x24x128xf32, #tpu.memory_space<vmem>>
      %dma_start3A_1415 = tpu.memref_squeeze %dma_start3A_1414 : memref<1x1x24x128xf32, #tpu.memory_space<vmem>> -> memref<1x24x128xf32, #tpu.memory_space<vmem>>
      %dma_start3A_1416 = arith.constant 0 : i32
      %dma_start3A_1417 = arith.constant 0 : i32
      %dma_start3A_1418 = tpu.memref_slice %arg2[%squeeze3A_289, %dma_start3A_1416, %dma_start3A_1417] : memref<16384x24x128xf32, #tpu.memory_space<hbm>> -> memref<1x24x128xf32, #tpu.memory_space<hbm>>
      %dma_start3A_1419 = tpu.memref_slice %arg9[%dma_start3A_1410] : memref<4x!tpu.dma_semaphore, #tpu.memory_space<semaphore_mem>> -> memref<1x!tpu.dma_semaphore, #tpu.memory_space<semaphore_mem>>
      %dma_start3A_1420 = tpu.memref_squeeze %dma_start3A_1419 : memref<1x!tpu.dma_semaphore, #tpu.memory_space<semaphore_mem>> -> memref<!tpu.dma_semaphore, #tpu.memory_space<semaphore_mem>>
      %dma_start3A_1421 = arith.constant 1 : i32
      %dma_start3A_1422 = arith.constant 0 : i32
      %dma_start3A_1423 = arith.constant 0 : i32
      %dma_start3A_1424 = tpu.memref_slice %arg7[%cond3A_293, %dma_start3A_1421, %dma_start3A_1422, %dma_start3A_1423] : memref<4x8x24x128xf32, #tpu.memory_space<vmem>> -> memref<1x1x24x128xf32, #tpu.memory_space<vmem>>
      %dma_start3A_1425 = tpu.memref_squeeze %dma_start3A_1424 : memref<1x1x24x128xf32, #tpu.memory_space<vmem>> -> memref<1x24x128xf32, #tpu.memory_space<vmem>>
      %dma_start3A_1426 = arith.constant 0 : i32
      %dma_start3A_1427 = arith.constant 0 : i32
      %dma_start3A_1428 = tpu.memref_slice %arg2[%squeeze3A_289, %dma_start3A_1426, %dma_start3A_1427] : memref<16384x24x128xf32, #tpu.memory_space<hbm>> -> memref<1x24x128xf32, #tpu.memory_space<hbm>>
      tpu.enqueue_dma source(%dma_start3A_1428 : memref<1x24x128xf32, #tpu.memory_space<hbm>>) target(%dma_start3A_1425 : memref<1x24x128xf32, #tpu.memory_space<vmem>>) target_semaphore(%dma_start3A_1420 : memref<!tpu.dma_semaphore, #tpu.memory_space<semaphore_mem>>)
    } else {
    }
    %ge3A_296 = arith.constant 16384 : i32
    %ge3A_297 = arith.cmpi sge, %squeeze3A_289, %ge3A_296 : i32
    %convert_element_type3A_298 = arith.extui %ge3A_297 : i1 to i32
    %cond3A_299 = arith.constant 2 : i32
    %cond3A_300 = arith.constant 0 : i32
    %cond3A_301 = arith.cmpi ne, %convert_element_type3A_298, %cond3A_300 : i32
    scf.if %cond3A_301 {
      %sub3A = arith.constant 16384 : i32
      %sub3A_1410 = arith.subi %squeeze3A_289, %sub3A : i32
      %dma_start3A_1411 = arith.constant 2 : i32
      %dma_start3A_1412 = arith.constant 1 : i32
      %dma_start3A_1413 = arith.constant 0 : i32
      %dma_start3A_1414 = arith.constant 0 : i32
      %dma_start3A_1415 = tpu.memref_slice %arg7[%cond3A_299, %dma_start3A_1412, %dma_start3A_1413, %dma_start3A_1414] : memref<4x8x24x128xf32, #tpu.memory_space<vmem>> -> memref<1x1x24x128xf32, #tpu.memory_space<vmem>>
      %dma_start3A_1416 = tpu.memref_squeeze %dma_start3A_1415 : memref<1x1x24x128xf32, #tpu.memory_space<vmem>> -> memref<1x24x128xf32, #tpu.memory_space<vmem>>
      %dma_start3A_1417 = arith.constant 0 : i32
      %dma_start3A_1418 = arith.constant 0 : i32
      %dma_start3A_1419 = tpu.memref_slice %arg3[%sub3A_1410, %dma_start3A_1417, %dma_start3A_1418] : memref<4096x24x128xf32, #tpu.memory_space<hbm>> -> memref<1x24x128xf32, #tpu.memory_space<hbm>>
      %dma_start3A_1420 = tpu.memref_slice %arg9[%dma_start3A_1411] : memref<4x!tpu.dma_semaphore, #tpu.memory_space<semaphore_mem>> -> memref<1x!tpu.dma_semaphore, #tpu.memory_space<semaphore_mem>>
      %dma_start3A_1421 = tpu.memref_squeeze %dma_start3A_1420 : memref<1x!tpu.dma_semaphore, #tpu.memory_space<semaphore_mem>> -> memref<!tpu.dma_semaphore, #tpu.memory_space<semaphore_mem>>
      %dma_start3A_1422 = arith.constant 1 : i32
      %dma_start3A_1423 = arith.constant 0 : i32
      %dma_start3A_1424 = arith.constant 0 : i32
      %dma_start3A_1425 = tpu.memref_slice %arg7[%cond3A_299, %dma_start3A_1422, %dma_start3A_1423, %dma_start3A_1424] : memref<4x8x24x128xf32, #tpu.memory_space<vmem>> -> memref<1x1x24x128xf32, #tpu.memory_space<vmem>>
      %dma_start3A_1426 = tpu.memref_squeeze %dma_start3A_1425 : memref<1x1x24x128xf32, #tpu.memory_space<vmem>> -> memref<1x24x128xf32, #tpu.memory_space<vmem>>
      %dma_start3A_1427 = arith.constant 0 : i32
      %dma_start3A_1428 = arith.constant 0 : i32
      %dma_start3A_1429 = tpu.memref_slice %arg3[%sub3A_1410, %dma_start3A_1427, %dma_start3A_1428] : memref<4096x24x128xf32, #tpu.memory_space<hbm>> -> memref<1x24x128xf32, #tpu.memory_space<hbm>>
      tpu.enqueue_dma source(%dma_start3A_1429 : memref<1x24x128xf32, #tpu.memory_space<hbm>>) target(%dma_start3A_1426 : memref<1x24x128xf32, #tpu.memory_space<vmem>>) target_semaphore(%dma_start3A_1421 : memref<!tpu.dma_semaphore, #tpu.memory_space<semaphore_mem>>)
    } else {
    }
    %get3A_302 = arith.constant 16 : index
    %get3A_303 = tpu.vector_load %arg6[%get3A_302] {strides = array<i32>} : memref<32xi32, #tpu.memory_space<vmem>>, vector<16xi32>,
    %get3A_304 = vector.shape_cast %get3A_303 : vector<16xi32> to vector<16xi32>
    %slice3A_305 = vector.extract_strided_slice %get3A_304 {offsets = [2], sizes = [1], strides = [1]} : vector<16xi32> to vector<1xi32>
    %squeeze3A_306 = vector.extract %slice3A_305[0] : i32 from vector<1xi32>
    %lt3A_307 = arith.constant 16384 : i32
    %lt3A_308 = arith.cmpi slt, %squeeze3A_306, %lt3A_307 : i32
    %convert_element_type3A_309 = arith.extui %lt3A_308 : i1 to i32
    %cond3A_310 = arith.constant 2 : i32
    %cond3A_311 = arith.constant 0 : i32
    %cond3A_312 = arith.cmpi ne, %convert_element_type3A_309, %cond3A_311 : i32
    scf.if %cond3A_312 {
      %dma_start3A_1410 = arith.constant 2 : i32
      %dma_start3A_1411 = arith.constant 2 : i32
      %dma_start3A_1412 = arith.constant 0 : i32
      %dma_start3A_1413 = arith.constant 0 : i32
      %dma_start3A_1414 = tpu.memref_slice %arg7[%cond3A_310, %dma_start3A_1411, %dma_start3A_1412, %dma_start3A_1413] : memref<4x8x24x128xf32, #tpu.memory_space<vmem>> -> memref<1x1x24x128xf32, #tpu.memory_space<vmem>>
      %dma_start3A_1415 = tpu.memref_squeeze %dma_start3A_1414 : memref<1x1x24x128xf32, #tpu.memory_space<vmem>> -> memref<1x24x128xf32, #tpu.memory_space<vmem>>
      %dma_start3A_1416 = arith.constant 0 : i32
      %dma_start3A_1417 = arith.constant 0 : i32
      %dma_start3A_1418 = tpu.memref_slice %arg2[%squeeze3A_306, %dma_start3A_1416, %dma_start3A_1417] : memref<16384x24x128xf32, #tpu.memory_space<hbm>> -> memref<1x24x128xf32, #tpu.memory_space<hbm>>
      %dma_start3A_1419 = tpu.memref_slice %arg9[%dma_start3A_1410] : memref<4x!tpu.dma_semaphore, #tpu.memory_space<semaphore_mem>> -> memref<1x!tpu.dma_semaphore, #tpu.memory_space<semaphore_mem>>
      %dma_start3A_1420 = tpu.memref_squeeze %dma_start3A_1419 : memref<1x!tpu.dma_semaphore, #tpu.memory_space<semaphore_mem>> -> memref<!tpu.dma_semaphore, #tpu.memory_space<semaphore_mem>>
      %dma_start3A_1421 = arith.constant 2 : i32
      %dma_start3A_1422 = arith.constant 0 : i32
      %dma_start3A_1423 = arith.constant 0 : i32
      %dma_start3A_1424 = tpu.memref_slice %arg7[%cond3A_310, %dma_start3A_1421, %dma_start3A_1422, %dma_start3A_1423] : memref<4x8x24x128xf32, #tpu.memory_space<vmem>> -> memref<1x1x24x128xf32, #tpu.memory_space<vmem>>
      %dma_start3A_1425 = tpu.memref_squeeze %dma_start3A_1424 : memref<1x1x24x128xf32, #tpu.memory_space<vmem>> -> memref<1x24x128xf32, #tpu.memory_space<vmem>>
      %dma_start3A_1426 = arith.constant 0 : i32
      %dma_start3A_1427 = arith.constant 0 : i32
      %dma_start3A_1428 = tpu.memref_slice %arg2[%squeeze3A_306, %dma_start3A_1426, %dma_start3A_1427] : memref<16384x24x128xf32, #tpu.memory_space<hbm>> -> memref<1x24x128xf32, #tpu.memory_space<hbm>>
      tpu.enqueue_dma source(%dma_start3A_1428 : memref<1x24x128xf32, #tpu.memory_space<hbm>>) target(%dma_start3A_1425 : memref<1x24x128xf32, #tpu.memory_space<vmem>>) target_semaphore(%dma_start3A_1420 : memref<!tpu.dma_semaphore, #tpu.memory_space<semaphore_mem>>)
    } else {
    }
    %ge3A_313 = arith.constant 16384 : i32
    %ge3A_314 = arith.cmpi sge, %squeeze3A_306, %ge3A_313 : i32
    %convert_element_type3A_315 = arith.extui %ge3A_314 : i1 to i32
    %cond3A_316 = arith.constant 2 : i32
    %cond3A_317 = arith.constant 0 : i32
    %cond3A_318 = arith.cmpi ne, %convert_element_type3A_315, %cond3A_317 : i32
    scf.if %cond3A_318 {
      %sub3A = arith.constant 16384 : i32
      %sub3A_1410 = arith.subi %squeeze3A_306, %sub3A : i32
      %dma_start3A_1411 = arith.constant 2 : i32
      %dma_start3A_1412 = arith.constant 2 : i32
      %dma_start3A_1413 = arith.constant 0 : i32
      %dma_start3A_1414 = arith.constant 0 : i32
      %dma_start3A_1415 = tpu.memref_slice %arg7[%cond3A_316, %dma_start3A_1412, %dma_start3A_1413, %dma_start3A_1414] : memref<4x8x24x128xf32, #tpu.memory_space<vmem>> -> memref<1x1x24x128xf32, #tpu.memory_space<vmem>>
      %dma_start3A_1416 = tpu.memref_squeeze %dma_start3A_1415 : memref<1x1x24x128xf32, #tpu.memory_space<vmem>> -> memref<1x24x128xf32, #tpu.memory_space<vmem>>
      %dma_start3A_1417 = arith.constant 0 : i32
      %dma_start3A_1418 = arith.constant 0 : i32
      %dma_start3A_1419 = tpu.memref_slice %arg3[%sub3A_1410, %dma_start3A_1417, %dma_start3A_1418] : memref<4096x24x128xf32, #tpu.memory_space<hbm>> -> memref<1x24x128xf32, #tpu.memory_space<hbm>>
      %dma_start3A_1420 = tpu.memref_slice %arg9[%dma_start3A_1411] : memref<4x!tpu.dma_semaphore, #tpu.memory_space<semaphore_mem>> -> memref<1x!tpu.dma_semaphore, #tpu.memory_space<semaphore_mem>>
      %dma_start3A_1421 = tpu.memref_squeeze %dma_start3A_1420 : memref<1x!tpu.dma_semaphore, #tpu.memory_space<semaphore_mem>> -> memref<!tpu.dma_semaphore, #tpu.memory_space<semaphore_mem>>
      %dma_start3A_1422 = arith.constant 2 : i32
      %dma_start3A_1423 = arith.constant 0 : i32
      %dma_start3A_1424 = arith.constant 0 : i32
      %dma_start3A_1425 = tpu.memref_slice %arg7[%cond3A_316, %dma_start3A_1422, %dma_start3A_1423, %dma_start3A_1424] : memref<4x8x24x128xf32, #tpu.memory_space<vmem>> -> memref<1x1x24x128xf32, #tpu.memory_space<vmem>>
      %dma_start3A_1426 = tpu.memref_squeeze %dma_start3A_1425 : memref<1x1x24x128xf32, #tpu.memory_space<vmem>> -> memref<1x24x128xf32, #tpu.memory_space<vmem>>
      %dma_start3A_1427 = arith.constant 0 : i32
      %dma_start3A_1428 = arith.constant 0 : i32
      %dma_start3A_1429 = tpu.memref_slice %arg3[%sub3A_1410, %dma_start3A_1427, %dma_start3A_1428] : memref<4096x24x128xf32, #tpu.memory_space<hbm>> -> memref<1x24x128xf32, #tpu.memory_space<hbm>>
      tpu.enqueue_dma source(%dma_start3A_1429 : memref<1x24x128xf32, #tpu.memory_space<hbm>>) target(%dma_start3A_1426 : memref<1x24x128xf32, #tpu.memory_space<vmem>>) target_semaphore(%dma_start3A_1421 : memref<!tpu.dma_semaphore, #tpu.memory_space<semaphore_mem>>)
    } else {
    }
    %get3A_319 = arith.constant 16 : index
    %get3A_320 = tpu.vector_load %arg6[%get3A_319] {strides = array<i32>} : memref<32xi32, #tpu.memory_space<vmem>>, vector<16xi32>,
    %get3A_321 = vector.shape_cast %get3A_320 : vector<16xi32> to vector<16xi32>
    %slice3A_322 = vector.extract_strided_slice %get3A_321 {offsets = [3], sizes = [1], strides = [1]} : vector<16xi32> to vector<1xi32>
    %squeeze3A_323 = vector.extract %slice3A_322[0] : i32 from vector<1xi32>
    %lt3A_324 = arith.constant 16384 : i32
    %lt3A_325 = arith.cmpi slt, %squeeze3A_323, %lt3A_324 : i32
    %convert_element_type3A_326 = arith.extui %lt3A_325 : i1 to i32
    %cond3A_327 = arith.constant 2 : i32
    %cond3A_328 = arith.constant 0 : i32
    %cond3A_329 = arith.cmpi ne, %convert_element_type3A_326, %cond3A_328 : i32
    scf.if %cond3A_329 {
      %dma_start3A_1410 = arith.constant 2 : i32
      %dma_start3A_1411 = arith.constant 3 : i32
      %dma_start3A_1412 = arith.constant 0 : i32
      %dma_start3A_1413 = arith.constant 0 : i32
      %dma_start3A_1414 = tpu.memref_slice %arg7[%cond3A_327, %dma_start3A_1411, %dma_start3A_1412, %dma_start3A_1413] : memref<4x8x24x128xf32, #tpu.memory_space<vmem>> -> memref<1x1x24x128xf32, #tpu.memory_space<vmem>>
      %dma_start3A_1415 = tpu.memref_squeeze %dma_start3A_1414 : memref<1x1x24x128xf32, #tpu.memory_space<vmem>> -> memref<1x24x128xf32, #tpu.memory_space<vmem>>
      %dma_start3A_1416 = arith.constant 0 : i32
      %dma_start3A_1417 = arith.constant 0 : i32
      %dma_start3A_1418 = tpu.memref_slice %arg2[%squeeze3A_323, %dma_start3A_1416, %dma_start3A_1417] : memref<16384x24x128xf32, #tpu.memory_space<hbm>> -> memref<1x24x128xf32, #tpu.memory_space<hbm>>
      %dma_start3A_1419 = tpu.memref_slice %arg9[%dma_start3A_1410] : memref<4x!tpu.dma_semaphore, #tpu.memory_space<semaphore_mem>> -> memref<1x!tpu.dma_semaphore, #tpu.memory_space<semaphore_mem>>
      %dma_start3A_1420 = tpu.memref_squeeze %dma_start3A_1419 : memref<1x!tpu.dma_semaphore, #tpu.memory_space<semaphore_mem>> -> memref<!tpu.dma_semaphore, #tpu.memory_space<semaphore_mem>>
      %dma_start3A_1421 = arith.constant 3 : i32
      %dma_start3A_1422 = arith.constant 0 : i32
      %dma_start3A_1423 = arith.constant 0 : i32
      %dma_start3A_1424 = tpu.memref_slice %arg7[%cond3A_327, %dma_start3A_1421, %dma_start3A_1422, %dma_start3A_1423] : memref<4x8x24x128xf32, #tpu.memory_space<vmem>> -> memref<1x1x24x128xf32, #tpu.memory_space<vmem>>
      %dma_start3A_1425 = tpu.memref_squeeze %dma_start3A_1424 : memref<1x1x24x128xf32, #tpu.memory_space<vmem>> -> memref<1x24x128xf32, #tpu.memory_space<vmem>>
      %dma_start3A_1426 = arith.constant 0 : i32
      %dma_start3A_1427 = arith.constant 0 : i32
      %dma_start3A_1428 = tpu.memref_slice %arg2[%squeeze3A_323, %dma_start3A_1426, %dma_start3A_1427] : memref<16384x24x128xf32, #tpu.memory_space<hbm>> -> memref<1x24x128xf32, #tpu.memory_space<hbm>>
      tpu.enqueue_dma source(%dma_start3A_1428 : memref<1x24x128xf32, #tpu.memory_space<hbm>>) target(%dma_start3A_1425 : memref<1x24x128xf32, #tpu.memory_space<vmem>>) target_semaphore(%dma_start3A_1420 : memref<!tpu.dma_semaphore, #tpu.memory_space<semaphore_mem>>)
    } else {
    }
    %ge3A_330 = arith.constant 16384 : i32
    %ge3A_331 = arith.cmpi sge, %squeeze3A_323, %ge3A_330 : i32
    %convert_element_type3A_332 = arith.extui %ge3A_331 : i1 to i32
    %cond3A_333 = arith.constant 2 : i32
    %cond3A_334 = arith.constant 0 : i32
    %cond3A_335 = arith.cmpi ne, %convert_element_type3A_332, %cond3A_334 : i32
    scf.if %cond3A_335 {
      %sub3A = arith.constant 16384 : i32
      %sub3A_1410 = arith.subi %squeeze3A_323, %sub3A : i32
      %dma_start3A_1411 = arith.constant 2 : i32
      %dma_start3A_1412 = arith.constant 3 : i32
      %dma_start3A_1413 = arith.constant 0 : i32
      %dma_start3A_1414 = arith.constant 0 : i32
      %dma_start3A_1415 = tpu.memref_slice %arg7[%cond3A_333, %dma_start3A_1412, %dma_start3A_1413, %dma_start3A_1414] : memref<4x8x24x128xf32, #tpu.memory_space<vmem>> -> memref<1x1x24x128xf32, #tpu.memory_space<vmem>>
      %dma_start3A_1416 = tpu.memref_squeeze %dma_start3A_1415 : memref<1x1x24x128xf32, #tpu.memory_space<vmem>> -> memref<1x24x128xf32, #tpu.memory_space<vmem>>
      %dma_start3A_1417 = arith.constant 0 : i32
      %dma_start3A_1418 = arith.constant 0 : i32
      %dma_start3A_1419 = tpu.memref_slice %arg3[%sub3A_1410, %dma_start3A_1417, %dma_start3A_1418] : memref<4096x24x128xf32, #tpu.memory_space<hbm>> -> memref<1x24x128xf32, #tpu.memory_space<hbm>>
      %dma_start3A_1420 = tpu.memref_slice %arg9[%dma_start3A_1411] : memref<4x!tpu.dma_semaphore, #tpu.memory_space<semaphore_mem>> -> memref<1x!tpu.dma_semaphore, #tpu.memory_space<semaphore_mem>>
      %dma_start3A_1421 = tpu.memref_squeeze %dma_start3A_1420 : memref<1x!tpu.dma_semaphore, #tpu.memory_space<semaphore_mem>> -> memref<!tpu.dma_semaphore, #tpu.memory_space<semaphore_mem>>
      %dma_start3A_1422 = arith.constant 3 : i32
      %dma_start3A_1423 = arith.constant 0 : i32
      %dma_start3A_1424 = arith.constant 0 : i32
      %dma_start3A_1425 = tpu.memref_slice %arg7[%cond3A_333, %dma_start3A_1422, %dma_start3A_1423, %dma_start3A_1424] : memref<4x8x24x128xf32, #tpu.memory_space<vmem>> -> memref<1x1x24x128xf32, #tpu.memory_space<vmem>>
      %dma_start3A_1426 = tpu.memref_squeeze %dma_start3A_1425 : memref<1x1x24x128xf32, #tpu.memory_space<vmem>> -> memref<1x24x128xf32, #tpu.memory_space<vmem>>
      %dma_start3A_1427 = arith.constant 0 : i32
      %dma_start3A_1428 = arith.constant 0 : i32
      %dma_start3A_1429 = tpu.memref_slice %arg3[%sub3A_1410, %dma_start3A_1427, %dma_start3A_1428] : memref<4096x24x128xf32, #tpu.memory_space<hbm>> -> memref<1x24x128xf32, #tpu.memory_space<hbm>>
      tpu.enqueue_dma source(%dma_start3A_1429 : memref<1x24x128xf32, #tpu.memory_space<hbm>>) target(%dma_start3A_1426 : memref<1x24x128xf32, #tpu.memory_space<vmem>>) target_semaphore(%dma_start3A_1421 : memref<!tpu.dma_semaphore, #tpu.memory_space<semaphore_mem>>)
    } else {
    }
    %get3A_336 = arith.constant 16 : index
    %get3A_337 = tpu.vector_load %arg6[%get3A_336] {strides = array<i32>} : memref<32xi32, #tpu.memory_space<vmem>>, vector<16xi32>,
    %get3A_338 = vector.shape_cast %get3A_337 : vector<16xi32> to vector<16xi32>
    %slice3A_339 = vector.extract_strided_slice %get3A_338 {offsets = [4], sizes = [1], strides = [1]} : vector<16xi32> to vector<1xi32>
    %squeeze3A_340 = vector.extract %slice3A_339[0] : i32 from vector<1xi32>
    %lt3A_341 = arith.constant 16384 : i32
    %lt3A_342 = arith.cmpi slt, %squeeze3A_340, %lt3A_341 : i32
    %convert_element_type3A_343 = arith.extui %lt3A_342 : i1 to i32
    %cond3A_344 = arith.constant 2 : i32
    %cond3A_345 = arith.constant 0 : i32
    %cond3A_346 = arith.cmpi ne, %convert_element_type3A_343, %cond3A_345 : i32
    scf.if %cond3A_346 {
      %dma_start3A_1410 = arith.constant 2 : i32
      %dma_start3A_1411 = arith.constant 4 : i32
      %dma_start3A_1412 = arith.constant 0 : i32
      %dma_start3A_1413 = arith.constant 0 : i32
      %dma_start3A_1414 = tpu.memref_slice %arg7[%cond3A_344, %dma_start3A_1411, %dma_start3A_1412, %dma_start3A_1413] : memref<4x8x24x128xf32, #tpu.memory_space<vmem>> -> memref<1x1x24x128xf32, #tpu.memory_space<vmem>>
      %dma_start3A_1415 = tpu.memref_squeeze %dma_start3A_1414 : memref<1x1x24x128xf32, #tpu.memory_space<vmem>> -> memref<1x24x128xf32, #tpu.memory_space<vmem>>
      %dma_start3A_1416 = arith.constant 0 : i32
      %dma_start3A_1417 = arith.constant 0 : i32
      %dma_start3A_1418 = tpu.memref_slice %arg2[%squeeze3A_340, %dma_start3A_1416, %dma_start3A_1417] : memref<16384x24x128xf32, #tpu.memory_space<hbm>> -> memref<1x24x128xf32, #tpu.memory_space<hbm>>
      %dma_start3A_1419 = tpu.memref_slice %arg9[%dma_start3A_1410] : memref<4x!tpu.dma_semaphore, #tpu.memory_space<semaphore_mem>> -> memref<1x!tpu.dma_semaphore, #tpu.memory_space<semaphore_mem>>
      %dma_start3A_1420 = tpu.memref_squeeze %dma_start3A_1419 : memref<1x!tpu.dma_semaphore, #tpu.memory_space<semaphore_mem>> -> memref<!tpu.dma_semaphore, #tpu.memory_space<semaphore_mem>>
      %dma_start3A_1421 = arith.constant 4 : i32
      %dma_start3A_1422 = arith.constant 0 : i32
      %dma_start3A_1423 = arith.constant 0 : i32
      %dma_start3A_1424 = tpu.memref_slice %arg7[%cond3A_344, %dma_start3A_1421, %dma_start3A_1422, %dma_start3A_1423] : memref<4x8x24x128xf32, #tpu.memory_space<vmem>> -> memref<1x1x24x128xf32, #tpu.memory_space<vmem>>
      %dma_start3A_1425 = tpu.memref_squeeze %dma_start3A_1424 : memref<1x1x24x128xf32, #tpu.memory_space<vmem>> -> memref<1x24x128xf32, #tpu.memory_space<vmem>>
      %dma_start3A_1426 = arith.constant 0 : i32
      %dma_start3A_1427 = arith.constant 0 : i32
      %dma_start3A_1428 = tpu.memref_slice %arg2[%squeeze3A_340, %dma_start3A_1426, %dma_start3A_1427] : memref<16384x24x128xf32, #tpu.memory_space<hbm>> -> memref<1x24x128xf32, #tpu.memory_space<hbm>>
      tpu.enqueue_dma source(%dma_start3A_1428 : memref<1x24x128xf32, #tpu.memory_space<hbm>>) target(%dma_start3A_1425 : memref<1x24x128xf32, #tpu.memory_space<vmem>>) target_semaphore(%dma_start3A_1420 : memref<!tpu.dma_semaphore, #tpu.memory_space<semaphore_mem>>)
    } else {
    }
    %ge3A_347 = arith.constant 16384 : i32
    %ge3A_348 = arith.cmpi sge, %squeeze3A_340, %ge3A_347 : i32
    %convert_element_type3A_349 = arith.extui %ge3A_348 : i1 to i32
    %cond3A_350 = arith.constant 2 : i32
    %cond3A_351 = arith.constant 0 : i32
    %cond3A_352 = arith.cmpi ne, %convert_element_type3A_349, %cond3A_351 : i32
    scf.if %cond3A_352 {
      %sub3A = arith.constant 16384 : i32
      %sub3A_1410 = arith.subi %squeeze3A_340, %sub3A : i32
      %dma_start3A_1411 = arith.constant 2 : i32
      %dma_start3A_1412 = arith.constant 4 : i32
      %dma_start3A_1413 = arith.constant 0 : i32
      %dma_start3A_1414 = arith.constant 0 : i32
      %dma_start3A_1415 = tpu.memref_slice %arg7[%cond3A_350, %dma_start3A_1412, %dma_start3A_1413, %dma_start3A_1414] : memref<4x8x24x128xf32, #tpu.memory_space<vmem>> -> memref<1x1x24x128xf32, #tpu.memory_space<vmem>>
      %dma_start3A_1416 = tpu.memref_squeeze %dma_start3A_1415 : memref<1x1x24x128xf32, #tpu.memory_space<vmem>> -> memref<1x24x128xf32, #tpu.memory_space<vmem>>
      %dma_start3A_1417 = arith.constant 0 : i32
      %dma_start3A_1418 = arith.constant 0 : i32
      %dma_start3A_1419 = tpu.memref_slice %arg3[%sub3A_1410, %dma_start3A_1417, %dma_start3A_1418] : memref<4096x24x128xf32, #tpu.memory_space<hbm>> -> memref<1x24x128xf32, #tpu.memory_space<hbm>>
      %dma_start3A_1420 = tpu.memref_slice %arg9[%dma_start3A_1411] : memref<4x!tpu.dma_semaphore, #tpu.memory_space<semaphore_mem>> -> memref<1x!tpu.dma_semaphore, #tpu.memory_space<semaphore_mem>>
      %dma_start3A_1421 = tpu.memref_squeeze %dma_start3A_1420 : memref<1x!tpu.dma_semaphore, #tpu.memory_space<semaphore_mem>> -> memref<!tpu.dma_semaphore, #tpu.memory_space<semaphore_mem>>
      %dma_start3A_1422 = arith.constant 4 : i32
      %dma_start3A_1423 = arith.constant 0 : i32
      %dma_start3A_1424 = arith.constant 0 : i32
      %dma_start3A_1425 = tpu.memref_slice %arg7[%cond3A_350, %dma_start3A_1422, %dma_start3A_1423, %dma_start3A_1424] : memref<4x8x24x128xf32, #tpu.memory_space<vmem>> -> memref<1x1x24x128xf32, #tpu.memory_space<vmem>>
      %dma_start3A_1426 = tpu.memref_squeeze %dma_start3A_1425 : memref<1x1x24x128xf32, #tpu.memory_space<vmem>> -> memref<1x24x128xf32, #tpu.memory_space<vmem>>
      %dma_start3A_1427 = arith.constant 0 : i32
      %dma_start3A_1428 = arith.constant 0 : i32
      %dma_start3A_1429 = tpu.memref_slice %arg3[%sub3A_1410, %dma_start3A_1427, %dma_start3A_1428] : memref<4096x24x128xf32, #tpu.memory_space<hbm>> -> memref<1x24x128xf32, #tpu.memory_space<hbm>>
      tpu.enqueue_dma source(%dma_start3A_1429 : memref<1x24x128xf32, #tpu.memory_space<hbm>>) target(%dma_start3A_1426 : memref<1x24x128xf32, #tpu.memory_space<vmem>>) target_semaphore(%dma_start3A_1421 : memref<!tpu.dma_semaphore, #tpu.memory_space<semaphore_mem>>)
    } else {
    }
    %get3A_353 = arith.constant 16 : index
    %get3A_354 = tpu.vector_load %arg6[%get3A_353] {strides = array<i32>} : memref<32xi32, #tpu.memory_space<vmem>>, vector<16xi32>,
    %get3A_355 = vector.shape_cast %get3A_354 : vector<16xi32> to vector<16xi32>
    %slice3A_356 = vector.extract_strided_slice %get3A_355 {offsets = [5], sizes = [1], strides = [1]} : vector<16xi32> to vector<1xi32>
    %squeeze3A_357 = vector.extract %slice3A_356[0] : i32 from vector<1xi32>
    %lt3A_358 = arith.constant 16384 : i32
    %lt3A_359 = arith.cmpi slt, %squeeze3A_357, %lt3A_358 : i32
    %convert_element_type3A_360 = arith.extui %lt3A_359 : i1 to i32
    %cond3A_361 = arith.constant 2 : i32
    %cond3A_362 = arith.constant 0 : i32
    %cond3A_363 = arith.cmpi ne, %convert_element_type3A_360, %cond3A_362 : i32
    scf.if %cond3A_363 {
      %dma_start3A_1410 = arith.constant 2 : i32
      %dma_start3A_1411 = arith.constant 5 : i32
      %dma_start3A_1412 = arith.constant 0 : i32
      %dma_start3A_1413 = arith.constant 0 : i32
      %dma_start3A_1414 = tpu.memref_slice %arg7[%cond3A_361, %dma_start3A_1411, %dma_start3A_1412, %dma_start3A_1413] : memref<4x8x24x128xf32, #tpu.memory_space<vmem>> -> memref<1x1x24x128xf32, #tpu.memory_space<vmem>>
      %dma_start3A_1415 = tpu.memref_squeeze %dma_start3A_1414 : memref<1x1x24x128xf32, #tpu.memory_space<vmem>> -> memref<1x24x128xf32, #tpu.memory_space<vmem>>
      %dma_start3A_1416 = arith.constant 0 : i32
      %dma_start3A_1417 = arith.constant 0 : i32
      %dma_start3A_1418 = tpu.memref_slice %arg2[%squeeze3A_357, %dma_start3A_1416, %dma_start3A_1417] : memref<16384x24x128xf32, #tpu.memory_space<hbm>> -> memref<1x24x128xf32, #tpu.memory_space<hbm>>
      %dma_start3A_1419 = tpu.memref_slice %arg9[%dma_start3A_1410] : memref<4x!tpu.dma_semaphore, #tpu.memory_space<semaphore_mem>> -> memref<1x!tpu.dma_semaphore, #tpu.memory_space<semaphore_mem>>
      %dma_start3A_1420 = tpu.memref_squeeze %dma_start3A_1419 : memref<1x!tpu.dma_semaphore, #tpu.memory_space<semaphore_mem>> -> memref<!tpu.dma_semaphore, #tpu.memory_space<semaphore_mem>>
      %dma_start3A_1421 = arith.constant 5 : i32
      %dma_start3A_1422 = arith.constant 0 : i32
      %dma_start3A_1423 = arith.constant 0 : i32
      %dma_start3A_1424 = tpu.memref_slice %arg7[%cond3A_361, %dma_start3A_1421, %dma_start3A_1422, %dma_start3A_1423] : memref<4x8x24x128xf32, #tpu.memory_space<vmem>> -> memref<1x1x24x128xf32, #tpu.memory_space<vmem>>
      %dma_start3A_1425 = tpu.memref_squeeze %dma_start3A_1424 : memref<1x1x24x128xf32, #tpu.memory_space<vmem>> -> memref<1x24x128xf32, #tpu.memory_space<vmem>>
      %dma_start3A_1426 = arith.constant 0 : i32
      %dma_start3A_1427 = arith.constant 0 : i32
      %dma_start3A_1428 = tpu.memref_slice %arg2[%squeeze3A_357, %dma_start3A_1426, %dma_start3A_1427] : memref<16384x24x128xf32, #tpu.memory_space<hbm>> -> memref<1x24x128xf32, #tpu.memory_space<hbm>>
      tpu.enqueue_dma source(%dma_start3A_1428 : memref<1x24x128xf32, #tpu.memory_space<hbm>>) target(%dma_start3A_1425 : memref<1x24x128xf32, #tpu.memory_space<vmem>>) target_semaphore(%dma_start3A_1420 : memref<!tpu.dma_semaphore, #tpu.memory_space<semaphore_mem>>)
    } else {
    }
    %ge3A_364 = arith.constant 16384 : i32
    %ge3A_365 = arith.cmpi sge, %squeeze3A_357, %ge3A_364 : i32
    %convert_element_type3A_366 = arith.extui %ge3A_365 : i1 to i32
    %cond3A_367 = arith.constant 2 : i32
    %cond3A_368 = arith.constant 0 : i32
    %cond3A_369 = arith.cmpi ne, %convert_element_type3A_366, %cond3A_368 : i32
    scf.if %cond3A_369 {
      %sub3A = arith.constant 16384 : i32
      %sub3A_1410 = arith.subi %squeeze3A_357, %sub3A : i32
      %dma_start3A_1411 = arith.constant 2 : i32
      %dma_start3A_1412 = arith.constant 5 : i32
      %dma_start3A_1413 = arith.constant 0 : i32
      %dma_start3A_1414 = arith.constant 0 : i32
      %dma_start3A_1415 = tpu.memref_slice %arg7[%cond3A_367, %dma_start3A_1412, %dma_start3A_1413, %dma_start3A_1414] : memref<4x8x24x128xf32, #tpu.memory_space<vmem>> -> memref<1x1x24x128xf32, #tpu.memory_space<vmem>>
      %dma_start3A_1416 = tpu.memref_squeeze %dma_start3A_1415 : memref<1x1x24x128xf32, #tpu.memory_space<vmem>> -> memref<1x24x128xf32, #tpu.memory_space<vmem>>
      %dma_start3A_1417 = arith.constant 0 : i32
      %dma_start3A_1418 = arith.constant 0 : i32
      %dma_start3A_1419 = tpu.memref_slice %arg3[%sub3A_1410, %dma_start3A_1417, %dma_start3A_1418] : memref<4096x24x128xf32, #tpu.memory_space<hbm>> -> memref<1x24x128xf32, #tpu.memory_space<hbm>>
      %dma_start3A_1420 = tpu.memref_slice %arg9[%dma_start3A_1411] : memref<4x!tpu.dma_semaphore, #tpu.memory_space<semaphore_mem>> -> memref<1x!tpu.dma_semaphore, #tpu.memory_space<semaphore_mem>>
      %dma_start3A_1421 = tpu.memref_squeeze %dma_start3A_1420 : memref<1x!tpu.dma_semaphore, #tpu.memory_space<semaphore_mem>> -> memref<!tpu.dma_semaphore, #tpu.memory_space<semaphore_mem>>
      %dma_start3A_1422 = arith.constant 5 : i32
      %dma_start3A_1423 = arith.constant 0 : i32
      %dma_start3A_1424 = arith.constant 0 : i32
      %dma_start3A_1425 = tpu.memref_slice %arg7[%cond3A_367, %dma_start3A_1422, %dma_start3A_1423, %dma_start3A_1424] : memref<4x8x24x128xf32, #tpu.memory_space<vmem>> -> memref<1x1x24x128xf32, #tpu.memory_space<vmem>>
      %dma_start3A_1426 = tpu.memref_squeeze %dma_start3A_1425 : memref<1x1x24x128xf32, #tpu.memory_space<vmem>> -> memref<1x24x128xf32, #tpu.memory_space<vmem>>
      %dma_start3A_1427 = arith.constant 0 : i32
      %dma_start3A_1428 = arith.constant 0 : i32
      %dma_start3A_1429 = tpu.memref_slice %arg3[%sub3A_1410, %dma_start3A_1427, %dma_start3A_1428] : memref<4096x24x128xf32, #tpu.memory_space<hbm>> -> memref<1x24x128xf32, #tpu.memory_space<hbm>>
      tpu.enqueue_dma source(%dma_start3A_1429 : memref<1x24x128xf32, #tpu.memory_space<hbm>>) target(%dma_start3A_1426 : memref<1x24x128xf32, #tpu.memory_space<vmem>>) target_semaphore(%dma_start3A_1421 : memref<!tpu.dma_semaphore, #tpu.memory_space<semaphore_mem>>)
    } else {
    }
    %get3A_370 = arith.constant 16 : index
    %get3A_371 = tpu.vector_load %arg6[%get3A_370] {strides = array<i32>} : memref<32xi32, #tpu.memory_space<vmem>>, vector<16xi32>,
    %get3A_372 = vector.shape_cast %get3A_371 : vector<16xi32> to vector<16xi32>
    %slice3A_373 = vector.extract_strided_slice %get3A_372 {offsets = [6], sizes = [1], strides = [1]} : vector<16xi32> to vector<1xi32>
    %squeeze3A_374 = vector.extract %slice3A_373[0] : i32 from vector<1xi32>
    %lt3A_375 = arith.constant 16384 : i32
    %lt3A_376 = arith.cmpi slt, %squeeze3A_374, %lt3A_375 : i32
    %convert_element_type3A_377 = arith.extui %lt3A_376 : i1 to i32
    %cond3A_378 = arith.constant 2 : i32
    %cond3A_379 = arith.constant 0 : i32
    %cond3A_380 = arith.cmpi ne, %convert_element_type3A_377, %cond3A_379 : i32
    scf.if %cond3A_380 {
      %dma_start3A_1410 = arith.constant 2 : i32
      %dma_start3A_1411 = arith.constant 6 : i32
      %dma_start3A_1412 = arith.constant 0 : i32
      %dma_start3A_1413 = arith.constant 0 : i32
      %dma_start3A_1414 = tpu.memref_slice %arg7[%cond3A_378, %dma_start3A_1411, %dma_start3A_1412, %dma_start3A_1413] : memref<4x8x24x128xf32, #tpu.memory_space<vmem>> -> memref<1x1x24x128xf32, #tpu.memory_space<vmem>>
      %dma_start3A_1415 = tpu.memref_squeeze %dma_start3A_1414 : memref<1x1x24x128xf32, #tpu.memory_space<vmem>> -> memref<1x24x128xf32, #tpu.memory_space<vmem>>
      %dma_start3A_1416 = arith.constant 0 : i32
      %dma_start3A_1417 = arith.constant 0 : i32
      %dma_start3A_1418 = tpu.memref_slice %arg2[%squeeze3A_374, %dma_start3A_1416, %dma_start3A_1417] : memref<16384x24x128xf32, #tpu.memory_space<hbm>> -> memref<1x24x128xf32, #tpu.memory_space<hbm>>
      %dma_start3A_1419 = tpu.memref_slice %arg9[%dma_start3A_1410] : memref<4x!tpu.dma_semaphore, #tpu.memory_space<semaphore_mem>> -> memref<1x!tpu.dma_semaphore, #tpu.memory_space<semaphore_mem>>
      %dma_start3A_1420 = tpu.memref_squeeze %dma_start3A_1419 : memref<1x!tpu.dma_semaphore, #tpu.memory_space<semaphore_mem>> -> memref<!tpu.dma_semaphore, #tpu.memory_space<semaphore_mem>>
      %dma_start3A_1421 = arith.constant 6 : i32
      %dma_start3A_1422 = arith.constant 0 : i32
      %dma_start3A_1423 = arith.constant 0 : i32
      %dma_start3A_1424 = tpu.memref_slice %arg7[%cond3A_378, %dma_start3A_1421, %dma_start3A_1422, %dma_start3A_1423] : memref<4x8x24x128xf32, #tpu.memory_space<vmem>> -> memref<1x1x24x128xf32, #tpu.memory_space<vmem>>
      %dma_start3A_1425 = tpu.memref_squeeze %dma_start3A_1424 : memref<1x1x24x128xf32, #tpu.memory_space<vmem>> -> memref<1x24x128xf32, #tpu.memory_space<vmem>>
      %dma_start3A_1426 = arith.constant 0 : i32
      %dma_start3A_1427 = arith.constant 0 : i32
      %dma_start3A_1428 = tpu.memref_slice %arg2[%squeeze3A_374, %dma_start3A_1426, %dma_start3A_1427] : memref<16384x24x128xf32, #tpu.memory_space<hbm>> -> memref<1x24x128xf32, #tpu.memory_space<hbm>>
      tpu.enqueue_dma source(%dma_start3A_1428 : memref<1x24x128xf32, #tpu.memory_space<hbm>>) target(%dma_start3A_1425 : memref<1x24x128xf32, #tpu.memory_space<vmem>>) target_semaphore(%dma_start3A_1420 : memref<!tpu.dma_semaphore, #tpu.memory_space<semaphore_mem>>)
    } else {
    }
    %ge3A_381 = arith.constant 16384 : i32
    %ge3A_382 = arith.cmpi sge, %squeeze3A_374, %ge3A_381 : i32
    %convert_element_type3A_383 = arith.extui %ge3A_382 : i1 to i32
    %cond3A_384 = arith.constant 2 : i32
    %cond3A_385 = arith.constant 0 : i32
    %cond3A_386 = arith.cmpi ne, %convert_element_type3A_383, %cond3A_385 : i32
    scf.if %cond3A_386 {
      %sub3A = arith.constant 16384 : i32
      %sub3A_1410 = arith.subi %squeeze3A_374, %sub3A : i32
      %dma_start3A_1411 = arith.constant 2 : i32
      %dma_start3A_1412 = arith.constant 6 : i32
      %dma_start3A_1413 = arith.constant 0 : i32
      %dma_start3A_1414 = arith.constant 0 : i32
      %dma_start3A_1415 = tpu.memref_slice %arg7[%cond3A_384, %dma_start3A_1412, %dma_start3A_1413, %dma_start3A_1414] : memref<4x8x24x128xf32, #tpu.memory_space<vmem>> -> memref<1x1x24x128xf32, #tpu.memory_space<vmem>>
      %dma_start3A_1416 = tpu.memref_squeeze %dma_start3A_1415 : memref<1x1x24x128xf32, #tpu.memory_space<vmem>> -> memref<1x24x128xf32, #tpu.memory_space<vmem>>
      %dma_start3A_1417 = arith.constant 0 : i32
      %dma_start3A_1418 = arith.constant 0 : i32
      %dma_start3A_1419 = tpu.memref_slice %arg3[%sub3A_1410, %dma_start3A_1417, %dma_start3A_1418] : memref<4096x24x128xf32, #tpu.memory_space<hbm>> -> memref<1x24x128xf32, #tpu.memory_space<hbm>>
      %dma_start3A_1420 = tpu.memref_slice %arg9[%dma_start3A_1411] : memref<4x!tpu.dma_semaphore, #tpu.memory_space<semaphore_mem>> -> memref<1x!tpu.dma_semaphore, #tpu.memory_space<semaphore_mem>>
      %dma_start3A_1421 = tpu.memref_squeeze %dma_start3A_1420 : memref<1x!tpu.dma_semaphore, #tpu.memory_space<semaphore_mem>> -> memref<!tpu.dma_semaphore, #tpu.memory_space<semaphore_mem>>
      %dma_start3A_1422 = arith.constant 6 : i32
      %dma_start3A_1423 = arith.constant 0 : i32
      %dma_start3A_1424 = arith.constant 0 : i32
      %dma_start3A_1425 = tpu.memref_slice %arg7[%cond3A_384, %dma_start3A_1422, %dma_start3A_1423, %dma_start3A_1424] : memref<4x8x24x128xf32, #tpu.memory_space<vmem>> -> memref<1x1x24x128xf32, #tpu.memory_space<vmem>>
      %dma_start3A_1426 = tpu.memref_squeeze %dma_start3A_1425 : memref<1x1x24x128xf32, #tpu.memory_space<vmem>> -> memref<1x24x128xf32, #tpu.memory_space<vmem>>
      %dma_start3A_1427 = arith.constant 0 : i32
      %dma_start3A_1428 = arith.constant 0 : i32
      %dma_start3A_1429 = tpu.memref_slice %arg3[%sub3A_1410, %dma_start3A_1427, %dma_start3A_1428] : memref<4096x24x128xf32, #tpu.memory_space<hbm>> -> memref<1x24x128xf32, #tpu.memory_space<hbm>>
      tpu.enqueue_dma source(%dma_start3A_1429 : memref<1x24x128xf32, #tpu.memory_space<hbm>>) target(%dma_start3A_1426 : memref<1x24x128xf32, #tpu.memory_space<vmem>>) target_semaphore(%dma_start3A_1421 : memref<!tpu.dma_semaphore, #tpu.memory_space<semaphore_mem>>)
    } else {
    }
    %get3A_387 = arith.constant 16 : index
    %get3A_388 = tpu.vector_load %arg6[%get3A_387] {strides = array<i32>} : memref<32xi32, #tpu.memory_space<vmem>>, vector<16xi32>,
    %get3A_389 = vector.shape_cast %get3A_388 : vector<16xi32> to vector<16xi32>
    %slice3A_390 = vector.extract_strided_slice %get3A_389 {offsets = [7], sizes = [1], strides = [1]} : vector<16xi32> to vector<1xi32>
    %squeeze3A_391 = vector.extract %slice3A_390[0] : i32 from vector<1xi32>
    %lt3A_392 = arith.constant 16384 : i32
    %lt3A_393 = arith.cmpi slt, %squeeze3A_391, %lt3A_392 : i32
    %convert_element_type3A_394 = arith.extui %lt3A_393 : i1 to i32
    %cond3A_395 = arith.constant 2 : i32
    %cond3A_396 = arith.constant 0 : i32
    %cond3A_397 = arith.cmpi ne, %convert_element_type3A_394, %cond3A_396 : i32
    scf.if %cond3A_397 {
      %dma_start3A_1410 = arith.constant 2 : i32
      %dma_start3A_1411 = arith.constant 7 : i32
      %dma_start3A_1412 = arith.constant 0 : i32
      %dma_start3A_1413 = arith.constant 0 : i32
      %dma_start3A_1414 = tpu.memref_slice %arg7[%cond3A_395, %dma_start3A_1411, %dma_start3A_1412, %dma_start3A_1413] : memref<4x8x24x128xf32, #tpu.memory_space<vmem>> -> memref<1x1x24x128xf32, #tpu.memory_space<vmem>>
      %dma_start3A_1415 = tpu.memref_squeeze %dma_start3A_1414 : memref<1x1x24x128xf32, #tpu.memory_space<vmem>> -> memref<1x24x128xf32, #tpu.memory_space<vmem>>
      %dma_start3A_1416 = arith.constant 0 : i32
      %dma_start3A_1417 = arith.constant 0 : i32
      %dma_start3A_1418 = tpu.memref_slice %arg2[%squeeze3A_391, %dma_start3A_1416, %dma_start3A_1417] : memref<16384x24x128xf32, #tpu.memory_space<hbm>> -> memref<1x24x128xf32, #tpu.memory_space<hbm>>
      %dma_start3A_1419 = tpu.memref_slice %arg9[%dma_start3A_1410] : memref<4x!tpu.dma_semaphore, #tpu.memory_space<semaphore_mem>> -> memref<1x!tpu.dma_semaphore, #tpu.memory_space<semaphore_mem>>
      %dma_start3A_1420 = tpu.memref_squeeze %dma_start3A_1419 : memref<1x!tpu.dma_semaphore, #tpu.memory_space<semaphore_mem>> -> memref<!tpu.dma_semaphore, #tpu.memory_space<semaphore_mem>>
      %dma_start3A_1421 = arith.constant 7 : i32
      %dma_start3A_1422 = arith.constant 0 : i32
      %dma_start3A_1423 = arith.constant 0 : i32
      %dma_start3A_1424 = tpu.memref_slice %arg7[%cond3A_395, %dma_start3A_1421, %dma_start3A_1422, %dma_start3A_1423] : memref<4x8x24x128xf32, #tpu.memory_space<vmem>> -> memref<1x1x24x128xf32, #tpu.memory_space<vmem>>
      %dma_start3A_1425 = tpu.memref_squeeze %dma_start3A_1424 : memref<1x1x24x128xf32, #tpu.memory_space<vmem>> -> memref<1x24x128xf32, #tpu.memory_space<vmem>>
      %dma_start3A_1426 = arith.constant 0 : i32
      %dma_start3A_1427 = arith.constant 0 : i32
      %dma_start3A_1428 = tpu.memref_slice %arg2[%squeeze3A_391, %dma_start3A_1426, %dma_start3A_1427] : memref<16384x24x128xf32, #tpu.memory_space<hbm>> -> memref<1x24x128xf32, #tpu.memory_space<hbm>>
      tpu.enqueue_dma source(%dma_start3A_1428 : memref<1x24x128xf32, #tpu.memory_space<hbm>>) target(%dma_start3A_1425 : memref<1x24x128xf32, #tpu.memory_space<vmem>>) target_semaphore(%dma_start3A_1420 : memref<!tpu.dma_semaphore, #tpu.memory_space<semaphore_mem>>)
    } else {
    }
    %ge3A_398 = arith.constant 16384 : i32
    %ge3A_399 = arith.cmpi sge, %squeeze3A_391, %ge3A_398 : i32
    %convert_element_type3A_400 = arith.extui %ge3A_399 : i1 to i32
    %cond3A_401 = arith.constant 2 : i32
    %cond3A_402 = arith.constant 0 : i32
    %cond3A_403 = arith.cmpi ne, %convert_element_type3A_400, %cond3A_402 : i32
    scf.if %cond3A_403 {
      %sub3A = arith.constant 16384 : i32
      %sub3A_1410 = arith.subi %squeeze3A_391, %sub3A : i32
      %dma_start3A_1411 = arith.constant 2 : i32
      %dma_start3A_1412 = arith.constant 7 : i32
      %dma_start3A_1413 = arith.constant 0 : i32
      %dma_start3A_1414 = arith.constant 0 : i32
      %dma_start3A_1415 = tpu.memref_slice %arg7[%cond3A_401, %dma_start3A_1412, %dma_start3A_1413, %dma_start3A_1414] : memref<4x8x24x128xf32, #tpu.memory_space<vmem>> -> memref<1x1x24x128xf32, #tpu.memory_space<vmem>>
      %dma_start3A_1416 = tpu.memref_squeeze %dma_start3A_1415 : memref<1x1x24x128xf32, #tpu.memory_space<vmem>> -> memref<1x24x128xf32, #tpu.memory_space<vmem>>
      %dma_start3A_1417 = arith.constant 0 : i32
      %dma_start3A_1418 = arith.constant 0 : i32
      %dma_start3A_1419 = tpu.memref_slice %arg3[%sub3A_1410, %dma_start3A_1417, %dma_start3A_1418] : memref<4096x24x128xf32, #tpu.memory_space<hbm>> -> memref<1x24x128xf32, #tpu.memory_space<hbm>>
      %dma_start3A_1420 = tpu.memref_slice %arg9[%dma_start3A_1411] : memref<4x!tpu.dma_semaphore, #tpu.memory_space<semaphore_mem>> -> memref<1x!tpu.dma_semaphore, #tpu.memory_space<semaphore_mem>>
      %dma_start3A_1421 = tpu.memref_squeeze %dma_start3A_1420 : memref<1x!tpu.dma_semaphore, #tpu.memory_space<semaphore_mem>> -> memref<!tpu.dma_semaphore, #tpu.memory_space<semaphore_mem>>
      %dma_start3A_1422 = arith.constant 7 : i32
      %dma_start3A_1423 = arith.constant 0 : i32
      %dma_start3A_1424 = arith.constant 0 : i32
      %dma_start3A_1425 = tpu.memref_slice %arg7[%cond3A_401, %dma_start3A_1422, %dma_start3A_1423, %dma_start3A_1424] : memref<4x8x24x128xf32, #tpu.memory_space<vmem>> -> memref<1x1x24x128xf32, #tpu.memory_space<vmem>>
      %dma_start3A_1426 = tpu.memref_squeeze %dma_start3A_1425 : memref<1x1x24x128xf32, #tpu.memory_space<vmem>> -> memref<1x24x128xf32, #tpu.memory_space<vmem>>
      %dma_start3A_1427 = arith.constant 0 : i32
      %dma_start3A_1428 = arith.constant 0 : i32
      %dma_start3A_1429 = tpu.memref_slice %arg3[%sub3A_1410, %dma_start3A_1427, %dma_start3A_1428] : memref<4096x24x128xf32, #tpu.memory_space<hbm>> -> memref<1x24x128xf32, #tpu.memory_space<hbm>>
      tpu.enqueue_dma source(%dma_start3A_1429 : memref<1x24x128xf32, #tpu.memory_space<hbm>>) target(%dma_start3A_1426 : memref<1x24x128xf32, #tpu.memory_space<vmem>>) target_semaphore(%dma_start3A_1421 : memref<!tpu.dma_semaphore, #tpu.memory_space<semaphore_mem>>)
    } else {
    }
    %get3A_404 = arith.constant 16 : index
    %get3A_405 = tpu.vector_load %arg6[%get3A_404] {strides = array<i32>} : memref<32xi32, #tpu.memory_space<vmem>>, vector<16xi32>,
    %get3A_406 = vector.shape_cast %get3A_405 : vector<16xi32> to vector<16xi32>
    %slice3A_407 = vector.extract_strided_slice %get3A_406 {offsets = [8], sizes = [1], strides = [1]} : vector<16xi32> to vector<1xi32>
    %squeeze3A_408 = vector.extract %slice3A_407[0] : i32 from vector<1xi32>
    %lt3A_409 = arith.constant 16384 : i32
    %lt3A_410 = arith.cmpi slt, %squeeze3A_408, %lt3A_409 : i32
    %convert_element_type3A_411 = arith.extui %lt3A_410 : i1 to i32
    %cond3A_412 = arith.constant 3 : i32
    %cond3A_413 = arith.constant 0 : i32
    %cond3A_414 = arith.cmpi ne, %convert_element_type3A_411, %cond3A_413 : i32
    scf.if %cond3A_414 {
      %dma_start3A_1410 = arith.constant 3 : i32
      %dma_start3A_1411 = arith.constant 0 : i32
      %dma_start3A_1412 = arith.constant 0 : i32
      %dma_start3A_1413 = arith.constant 0 : i32
      %dma_start3A_1414 = tpu.memref_slice %arg7[%cond3A_412, %dma_start3A_1411, %dma_start3A_1412, %dma_start3A_1413] : memref<4x8x24x128xf32, #tpu.memory_space<vmem>> -> memref<1x1x24x128xf32, #tpu.memory_space<vmem>>
      %dma_start3A_1415 = tpu.memref_squeeze %dma_start3A_1414 : memref<1x1x24x128xf32, #tpu.memory_space<vmem>> -> memref<1x24x128xf32, #tpu.memory_space<vmem>>
      %dma_start3A_1416 = arith.constant 0 : i32
      %dma_start3A_1417 = arith.constant 0 : i32
      %dma_start3A_1418 = tpu.memref_slice %arg2[%squeeze3A_408, %dma_start3A_1416, %dma_start3A_1417] : memref<16384x24x128xf32, #tpu.memory_space<hbm>> -> memref<1x24x128xf32, #tpu.memory_space<hbm>>
      %dma_start3A_1419 = tpu.memref_slice %arg9[%dma_start3A_1410] : memref<4x!tpu.dma_semaphore, #tpu.memory_space<semaphore_mem>> -> memref<1x!tpu.dma_semaphore, #tpu.memory_space<semaphore_mem>>
      %dma_start3A_1420 = tpu.memref_squeeze %dma_start3A_1419 : memref<1x!tpu.dma_semaphore, #tpu.memory_space<semaphore_mem>> -> memref<!tpu.dma_semaphore, #tpu.memory_space<semaphore_mem>>
      %dma_start3A_1421 = arith.constant 0 : i32
      %dma_start3A_1422 = arith.constant 0 : i32
      %dma_start3A_1423 = arith.constant 0 : i32
      %dma_start3A_1424 = tpu.memref_slice %arg7[%cond3A_412, %dma_start3A_1421, %dma_start3A_1422, %dma_start3A_1423] : memref<4x8x24x128xf32, #tpu.memory_space<vmem>> -> memref<1x1x24x128xf32, #tpu.memory_space<vmem>>
      %dma_start3A_1425 = tpu.memref_squeeze %dma_start3A_1424 : memref<1x1x24x128xf32, #tpu.memory_space<vmem>> -> memref<1x24x128xf32, #tpu.memory_space<vmem>>
      %dma_start3A_1426 = arith.constant 0 : i32
      %dma_start3A_1427 = arith.constant 0 : i32
      %dma_start3A_1428 = tpu.memref_slice %arg2[%squeeze3A_408, %dma_start3A_1426, %dma_start3A_1427] : memref<16384x24x128xf32, #tpu.memory_space<hbm>> -> memref<1x24x128xf32, #tpu.memory_space<hbm>>
      tpu.enqueue_dma source(%dma_start3A_1428 : memref<1x24x128xf32, #tpu.memory_space<hbm>>) target(%dma_start3A_1425 : memref<1x24x128xf32, #tpu.memory_space<vmem>>) target_semaphore(%dma_start3A_1420 : memref<!tpu.dma_semaphore, #tpu.memory_space<semaphore_mem>>)
    } else {
    }
    %ge3A_415 = arith.constant 16384 : i32
    %ge3A_416 = arith.cmpi sge, %squeeze3A_408, %ge3A_415 : i32
    %convert_element_type3A_417 = arith.extui %ge3A_416 : i1 to i32
    %cond3A_418 = arith.constant 3 : i32
    %cond3A_419 = arith.constant 0 : i32
    %cond3A_420 = arith.cmpi ne, %convert_element_type3A_417, %cond3A_419 : i32
    scf.if %cond3A_420 {
      %sub3A = arith.constant 16384 : i32
      %sub3A_1410 = arith.subi %squeeze3A_408, %sub3A : i32
      %dma_start3A_1411 = arith.constant 3 : i32
      %dma_start3A_1412 = arith.constant 0 : i32
      %dma_start3A_1413 = arith.constant 0 : i32
      %dma_start3A_1414 = arith.constant 0 : i32
      %dma_start3A_1415 = tpu.memref_slice %arg7[%cond3A_418, %dma_start3A_1412, %dma_start3A_1413, %dma_start3A_1414] : memref<4x8x24x128xf32, #tpu.memory_space<vmem>> -> memref<1x1x24x128xf32, #tpu.memory_space<vmem>>
      %dma_start3A_1416 = tpu.memref_squeeze %dma_start3A_1415 : memref<1x1x24x128xf32, #tpu.memory_space<vmem>> -> memref<1x24x128xf32, #tpu.memory_space<vmem>>
      %dma_start3A_1417 = arith.constant 0 : i32
      %dma_start3A_1418 = arith.constant 0 : i32
      %dma_start3A_1419 = tpu.memref_slice %arg3[%sub3A_1410, %dma_start3A_1417, %dma_start3A_1418] : memref<4096x24x128xf32, #tpu.memory_space<hbm>> -> memref<1x24x128xf32, #tpu.memory_space<hbm>>
      %dma_start3A_1420 = tpu.memref_slice %arg9[%dma_start3A_1411] : memref<4x!tpu.dma_semaphore, #tpu.memory_space<semaphore_mem>> -> memref<1x!tpu.dma_semaphore, #tpu.memory_space<semaphore_mem>>
      %dma_start3A_1421 = tpu.memref_squeeze %dma_start3A_1420 : memref<1x!tpu.dma_semaphore, #tpu.memory_space<semaphore_mem>> -> memref<!tpu.dma_semaphore, #tpu.memory_space<semaphore_mem>>
      %dma_start3A_1422 = arith.constant 0 : i32
      %dma_start3A_1423 = arith.constant 0 : i32
      %dma_start3A_1424 = arith.constant 0 : i32
      %dma_start3A_1425 = tpu.memref_slice %arg7[%cond3A_418, %dma_start3A_1422, %dma_start3A_1423, %dma_start3A_1424] : memref<4x8x24x128xf32, #tpu.memory_space<vmem>> -> memref<1x1x24x128xf32, #tpu.memory_space<vmem>>
      %dma_start3A_1426 = tpu.memref_squeeze %dma_start3A_1425 : memref<1x1x24x128xf32, #tpu.memory_space<vmem>> -> memref<1x24x128xf32, #tpu.memory_space<vmem>>
      %dma_start3A_1427 = arith.constant 0 : i32
      %dma_start3A_1428 = arith.constant 0 : i32
      %dma_start3A_1429 = tpu.memref_slice %arg3[%sub3A_1410, %dma_start3A_1427, %dma_start3A_1428] : memref<4096x24x128xf32, #tpu.memory_space<hbm>> -> memref<1x24x128xf32, #tpu.memory_space<hbm>>
      tpu.enqueue_dma source(%dma_start3A_1429 : memref<1x24x128xf32, #tpu.memory_space<hbm>>) target(%dma_start3A_1426 : memref<1x24x128xf32, #tpu.memory_space<vmem>>) target_semaphore(%dma_start3A_1421 : memref<!tpu.dma_semaphore, #tpu.memory_space<semaphore_mem>>)
    } else {
    }
    %get3A_421 = arith.constant 16 : index
    %get3A_422 = tpu.vector_load %arg6[%get3A_421] {strides = array<i32>} : memref<32xi32, #tpu.memory_space<vmem>>, vector<16xi32>,
    %get3A_423 = vector.shape_cast %get3A_422 : vector<16xi32> to vector<16xi32>
    %slice3A_424 = vector.extract_strided_slice %get3A_423 {offsets = [9], sizes = [1], strides = [1]} : vector<16xi32> to vector<1xi32>
    %squeeze3A_425 = vector.extract %slice3A_424[0] : i32 from vector<1xi32>
    %lt3A_426 = arith.constant 16384 : i32
    %lt3A_427 = arith.cmpi slt, %squeeze3A_425, %lt3A_426 : i32
    %convert_element_type3A_428 = arith.extui %lt3A_427 : i1 to i32
    %cond3A_429 = arith.constant 3 : i32
    %cond3A_430 = arith.constant 0 : i32
    %cond3A_431 = arith.cmpi ne, %convert_element_type3A_428, %cond3A_430 : i32
    scf.if %cond3A_431 {
      %dma_start3A_1410 = arith.constant 3 : i32
      %dma_start3A_1411 = arith.constant 1 : i32
      %dma_start3A_1412 = arith.constant 0 : i32
      %dma_start3A_1413 = arith.constant 0 : i32
      %dma_start3A_1414 = tpu.memref_slice %arg7[%cond3A_429, %dma_start3A_1411, %dma_start3A_1412, %dma_start3A_1413] : memref<4x8x24x128xf32, #tpu.memory_space<vmem>> -> memref<1x1x24x128xf32, #tpu.memory_space<vmem>>
      %dma_start3A_1415 = tpu.memref_squeeze %dma_start3A_1414 : memref<1x1x24x128xf32, #tpu.memory_space<vmem>> -> memref<1x24x128xf32, #tpu.memory_space<vmem>>
      %dma_start3A_1416 = arith.constant 0 : i32
      %dma_start3A_1417 = arith.constant 0 : i32
      %dma_start3A_1418 = tpu.memref_slice %arg2[%squeeze3A_425, %dma_start3A_1416, %dma_start3A_1417] : memref<16384x24x128xf32, #tpu.memory_space<hbm>> -> memref<1x24x128xf32, #tpu.memory_space<hbm>>
      %dma_start3A_1419 = tpu.memref_slice %arg9[%dma_start3A_1410] : memref<4x!tpu.dma_semaphore, #tpu.memory_space<semaphore_mem>> -> memref<1x!tpu.dma_semaphore, #tpu.memory_space<semaphore_mem>>
      %dma_start3A_1420 = tpu.memref_squeeze %dma_start3A_1419 : memref<1x!tpu.dma_semaphore, #tpu.memory_space<semaphore_mem>> -> memref<!tpu.dma_semaphore, #tpu.memory_space<semaphore_mem>>
      %dma_start3A_1421 = arith.constant 1 : i32
      %dma_start3A_1422 = arith.constant 0 : i32
      %dma_start3A_1423 = arith.constant 0 : i32
      %dma_start3A_1424 = tpu.memref_slice %arg7[%cond3A_429, %dma_start3A_1421, %dma_start3A_1422, %dma_start3A_1423] : memref<4x8x24x128xf32, #tpu.memory_space<vmem>> -> memref<1x1x24x128xf32, #tpu.memory_space<vmem>>
      %dma_start3A_1425 = tpu.memref_squeeze %dma_start3A_1424 : memref<1x1x24x128xf32, #tpu.memory_space<vmem>> -> memref<1x24x128xf32, #tpu.memory_space<vmem>>
      %dma_start3A_1426 = arith.constant 0 : i32
      %dma_start3A_1427 = arith.constant 0 : i32
      %dma_start3A_1428 = tpu.memref_slice %arg2[%squeeze3A_425, %dma_start3A_1426, %dma_start3A_1427] : memref<16384x24x128xf32, #tpu.memory_space<hbm>> -> memref<1x24x128xf32, #tpu.memory_space<hbm>>
      tpu.enqueue_dma source(%dma_start3A_1428 : memref<1x24x128xf32, #tpu.memory_space<hbm>>) target(%dma_start3A_1425 : memref<1x24x128xf32, #tpu.memory_space<vmem>>) target_semaphore(%dma_start3A_1420 : memref<!tpu.dma_semaphore, #tpu.memory_space<semaphore_mem>>)
    } else {
    }
    %ge3A_432 = arith.constant 16384 : i32
    %ge3A_433 = arith.cmpi sge, %squeeze3A_425, %ge3A_432 : i32
    %convert_element_type3A_434 = arith.extui %ge3A_433 : i1 to i32
    %cond3A_435 = arith.constant 3 : i32
    %cond3A_436 = arith.constant 0 : i32
    %cond3A_437 = arith.cmpi ne, %convert_element_type3A_434, %cond3A_436 : i32
    scf.if %cond3A_437 {
      %sub3A = arith.constant 16384 : i32
      %sub3A_1410 = arith.subi %squeeze3A_425, %sub3A : i32
      %dma_start3A_1411 = arith.constant 3 : i32
      %dma_start3A_1412 = arith.constant 1 : i32
      %dma_start3A_1413 = arith.constant 0 : i32
      %dma_start3A_1414 = arith.constant 0 : i32
      %dma_start3A_1415 = tpu.memref_slice %arg7[%cond3A_435, %dma_start3A_1412, %dma_start3A_1413, %dma_start3A_1414] : memref<4x8x24x128xf32, #tpu.memory_space<vmem>> -> memref<1x1x24x128xf32, #tpu.memory_space<vmem>>
      %dma_start3A_1416 = tpu.memref_squeeze %dma_start3A_1415 : memref<1x1x24x128xf32, #tpu.memory_space<vmem>> -> memref<1x24x128xf32, #tpu.memory_space<vmem>>
      %dma_start3A_1417 = arith.constant 0 : i32
      %dma_start3A_1418 = arith.constant 0 : i32
      %dma_start3A_1419 = tpu.memref_slice %arg3[%sub3A_1410, %dma_start3A_1417, %dma_start3A_1418] : memref<4096x24x128xf32, #tpu.memory_space<hbm>> -> memref<1x24x128xf32, #tpu.memory_space<hbm>>
      %dma_start3A_1420 = tpu.memref_slice %arg9[%dma_start3A_1411] : memref<4x!tpu.dma_semaphore, #tpu.memory_space<semaphore_mem>> -> memref<1x!tpu.dma_semaphore, #tpu.memory_space<semaphore_mem>>
      %dma_start3A_1421 = tpu.memref_squeeze %dma_start3A_1420 : memref<1x!tpu.dma_semaphore, #tpu.memory_space<semaphore_mem>> -> memref<!tpu.dma_semaphore, #tpu.memory_space<semaphore_mem>>
      %dma_start3A_1422 = arith.constant 1 : i32
      %dma_start3A_1423 = arith.constant 0 : i32
      %dma_start3A_1424 = arith.constant 0 : i32
      %dma_start3A_1425 = tpu.memref_slice %arg7[%cond3A_435, %dma_start3A_1422, %dma_start3A_1423, %dma_start3A_1424] : memref<4x8x24x128xf32, #tpu.memory_space<vmem>> -> memref<1x1x24x128xf32, #tpu.memory_space<vmem>>
      %dma_start3A_1426 = tpu.memref_squeeze %dma_start3A_1425 : memref<1x1x24x128xf32, #tpu.memory_space<vmem>> -> memref<1x24x128xf32, #tpu.memory_space<vmem>>
      %dma_start3A_1427 = arith.constant 0 : i32
      %dma_start3A_1428 = arith.constant 0 : i32
      %dma_start3A_1429 = tpu.memref_slice %arg3[%sub3A_1410, %dma_start3A_1427, %dma_start3A_1428] : memref<4096x24x128xf32, #tpu.memory_space<hbm>> -> memref<1x24x128xf32, #tpu.memory_space<hbm>>
      tpu.enqueue_dma source(%dma_start3A_1429 : memref<1x24x128xf32, #tpu.memory_space<hbm>>) target(%dma_start3A_1426 : memref<1x24x128xf32, #tpu.memory_space<vmem>>) target_semaphore(%dma_start3A_1421 : memref<!tpu.dma_semaphore, #tpu.memory_space<semaphore_mem>>)
    } else {
    }
    %get3A_438 = arith.constant 16 : index
    %get3A_439 = tpu.vector_load %arg6[%get3A_438] {strides = array<i32>} : memref<32xi32, #tpu.memory_space<vmem>>, vector<16xi32>,
    %get3A_440 = vector.shape_cast %get3A_439 : vector<16xi32> to vector<16xi32>
    %slice3A_441 = vector.extract_strided_slice %get3A_440 {offsets = [10], sizes = [1], strides = [1]} : vector<16xi32> to vector<1xi32>
    %squeeze3A_442 = vector.extract %slice3A_441[0] : i32 from vector<1xi32>
    %lt3A_443 = arith.constant 16384 : i32
    %lt3A_444 = arith.cmpi slt, %squeeze3A_442, %lt3A_443 : i32
    %convert_element_type3A_445 = arith.extui %lt3A_444 : i1 to i32
    %cond3A_446 = arith.constant 3 : i32
    %cond3A_447 = arith.constant 0 : i32
    %cond3A_448 = arith.cmpi ne, %convert_element_type3A_445, %cond3A_447 : i32
    scf.if %cond3A_448 {
      %dma_start3A_1410 = arith.constant 3 : i32
      %dma_start3A_1411 = arith.constant 2 : i32
      %dma_start3A_1412 = arith.constant 0 : i32
      %dma_start3A_1413 = arith.constant 0 : i32
      %dma_start3A_1414 = tpu.memref_slice %arg7[%cond3A_446, %dma_start3A_1411, %dma_start3A_1412, %dma_start3A_1413] : memref<4x8x24x128xf32, #tpu.memory_space<vmem>> -> memref<1x1x24x128xf32, #tpu.memory_space<vmem>>
      %dma_start3A_1415 = tpu.memref_squeeze %dma_start3A_1414 : memref<1x1x24x128xf32, #tpu.memory_space<vmem>> -> memref<1x24x128xf32, #tpu.memory_space<vmem>>
      %dma_start3A_1416 = arith.constant 0 : i32
      %dma_start3A_1417 = arith.constant 0 : i32
      %dma_start3A_1418 = tpu.memref_slice %arg2[%squeeze3A_442, %dma_start3A_1416, %dma_start3A_1417] : memref<16384x24x128xf32, #tpu.memory_space<hbm>> -> memref<1x24x128xf32, #tpu.memory_space<hbm>>
      %dma_start3A_1419 = tpu.memref_slice %arg9[%dma_start3A_1410] : memref<4x!tpu.dma_semaphore, #tpu.memory_space<semaphore_mem>> -> memref<1x!tpu.dma_semaphore, #tpu.memory_space<semaphore_mem>>
      %dma_start3A_1420 = tpu.memref_squeeze %dma_start3A_1419 : memref<1x!tpu.dma_semaphore, #tpu.memory_space<semaphore_mem>> -> memref<!tpu.dma_semaphore, #tpu.memory_space<semaphore_mem>>
      %dma_start3A_1421 = arith.constant 2 : i32
      %dma_start3A_1422 = arith.constant 0 : i32
      %dma_start3A_1423 = arith.constant 0 : i32
      %dma_start3A_1424 = tpu.memref_slice %arg7[%cond3A_446, %dma_start3A_1421, %dma_start3A_1422, %dma_start3A_1423] : memref<4x8x24x128xf32, #tpu.memory_space<vmem>> -> memref<1x1x24x128xf32, #tpu.memory_space<vmem>>
      %dma_start3A_1425 = tpu.memref_squeeze %dma_start3A_1424 : memref<1x1x24x128xf32, #tpu.memory_space<vmem>> -> memref<1x24x128xf32, #tpu.memory_space<vmem>>
      %dma_start3A_1426 = arith.constant 0 : i32
      %dma_start3A_1427 = arith.constant 0 : i32
      %dma_start3A_1428 = tpu.memref_slice %arg2[%squeeze3A_442, %dma_start3A_1426, %dma_start3A_1427] : memref<16384x24x128xf32, #tpu.memory_space<hbm>> -> memref<1x24x128xf32, #tpu.memory_space<hbm>>
      tpu.enqueue_dma source(%dma_start3A_1428 : memref<1x24x128xf32, #tpu.memory_space<hbm>>) target(%dma_start3A_1425 : memref<1x24x128xf32, #tpu.memory_space<vmem>>) target_semaphore(%dma_start3A_1420 : memref<!tpu.dma_semaphore, #tpu.memory_space<semaphore_mem>>)
    } else {
    }
    %ge3A_449 = arith.constant 16384 : i32
    %ge3A_450 = arith.cmpi sge, %squeeze3A_442, %ge3A_449 : i32
    %convert_element_type3A_451 = arith.extui %ge3A_450 : i1 to i32
    %cond3A_452 = arith.constant 3 : i32
    %cond3A_453 = arith.constant 0 : i32
    %cond3A_454 = arith.cmpi ne, %convert_element_type3A_451, %cond3A_453 : i32
    scf.if %cond3A_454 {
      %sub3A = arith.constant 16384 : i32
      %sub3A_1410 = arith.subi %squeeze3A_442, %sub3A : i32
      %dma_start3A_1411 = arith.constant 3 : i32
      %dma_start3A_1412 = arith.constant 2 : i32
      %dma_start3A_1413 = arith.constant 0 : i32
      %dma_start3A_1414 = arith.constant 0 : i32
      %dma_start3A_1415 = tpu.memref_slice %arg7[%cond3A_452, %dma_start3A_1412, %dma_start3A_1413, %dma_start3A_1414] : memref<4x8x24x128xf32, #tpu.memory_space<vmem>> -> memref<1x1x24x128xf32, #tpu.memory_space<vmem>>
      %dma_start3A_1416 = tpu.memref_squeeze %dma_start3A_1415 : memref<1x1x24x128xf32, #tpu.memory_space<vmem>> -> memref<1x24x128xf32, #tpu.memory_space<vmem>>
      %dma_start3A_1417 = arith.constant 0 : i32
      %dma_start3A_1418 = arith.constant 0 : i32
      %dma_start3A_1419 = tpu.memref_slice %arg3[%sub3A_1410, %dma_start3A_1417, %dma_start3A_1418] : memref<4096x24x128xf32, #tpu.memory_space<hbm>> -> memref<1x24x128xf32, #tpu.memory_space<hbm>>
      %dma_start3A_1420 = tpu.memref_slice %arg9[%dma_start3A_1411] : memref<4x!tpu.dma_semaphore, #tpu.memory_space<semaphore_mem>> -> memref<1x!tpu.dma_semaphore, #tpu.memory_space<semaphore_mem>>
      %dma_start3A_1421 = tpu.memref_squeeze %dma_start3A_1420 : memref<1x!tpu.dma_semaphore, #tpu.memory_space<semaphore_mem>> -> memref<!tpu.dma_semaphore, #tpu.memory_space<semaphore_mem>>
      %dma_start3A_1422 = arith.constant 2 : i32
      %dma_start3A_1423 = arith.constant 0 : i32
      %dma_start3A_1424 = arith.constant 0 : i32
      %dma_start3A_1425 = tpu.memref_slice %arg7[%cond3A_452, %dma_start3A_1422, %dma_start3A_1423, %dma_start3A_1424] : memref<4x8x24x128xf32, #tpu.memory_space<vmem>> -> memref<1x1x24x128xf32, #tpu.memory_space<vmem>>
      %dma_start3A_1426 = tpu.memref_squeeze %dma_start3A_1425 : memref<1x1x24x128xf32, #tpu.memory_space<vmem>> -> memref<1x24x128xf32, #tpu.memory_space<vmem>>
      %dma_start3A_1427 = arith.constant 0 : i32
      %dma_start3A_1428 = arith.constant 0 : i32
      %dma_start3A_1429 = tpu.memref_slice %arg3[%sub3A_1410, %dma_start3A_1427, %dma_start3A_1428] : memref<4096x24x128xf32, #tpu.memory_space<hbm>> -> memref<1x24x128xf32, #tpu.memory_space<hbm>>
      tpu.enqueue_dma source(%dma_start3A_1429 : memref<1x24x128xf32, #tpu.memory_space<hbm>>) target(%dma_start3A_1426 : memref<1x24x128xf32, #tpu.memory_space<vmem>>) target_semaphore(%dma_start3A_1421 : memref<!tpu.dma_semaphore, #tpu.memory_space<semaphore_mem>>)
    } else {
    }
    %get3A_455 = arith.constant 16 : index
    %get3A_456 = tpu.vector_load %arg6[%get3A_455] {strides = array<i32>} : memref<32xi32, #tpu.memory_space<vmem>>, vector<16xi32>,
    %get3A_457 = vector.shape_cast %get3A_456 : vector<16xi32> to vector<16xi32>
    %slice3A_458 = vector.extract_strided_slice %get3A_457 {offsets = [11], sizes = [1], strides = [1]} : vector<16xi32> to vector<1xi32>
    %squeeze3A_459 = vector.extract %slice3A_458[0] : i32 from vector<1xi32>
    %lt3A_460 = arith.constant 16384 : i32
    %lt3A_461 = arith.cmpi slt, %squeeze3A_459, %lt3A_460 : i32
    %convert_element_type3A_462 = arith.extui %lt3A_461 : i1 to i32
    %cond3A_463 = arith.constant 3 : i32
    %cond3A_464 = arith.constant 0 : i32
    %cond3A_465 = arith.cmpi ne, %convert_element_type3A_462, %cond3A_464 : i32
    scf.if %cond3A_465 {
      %dma_start3A_1410 = arith.constant 3 : i32
      %dma_start3A_1411 = arith.constant 3 : i32
      %dma_start3A_1412 = arith.constant 0 : i32
      %dma_start3A_1413 = arith.constant 0 : i32
      %dma_start3A_1414 = tpu.memref_slice %arg7[%cond3A_463, %dma_start3A_1411, %dma_start3A_1412, %dma_start3A_1413] : memref<4x8x24x128xf32, #tpu.memory_space<vmem>> -> memref<1x1x24x128xf32, #tpu.memory_space<vmem>>
      %dma_start3A_1415 = tpu.memref_squeeze %dma_start3A_1414 : memref<1x1x24x128xf32, #tpu.memory_space<vmem>> -> memref<1x24x128xf32, #tpu.memory_space<vmem>>
      %dma_start3A_1416 = arith.constant 0 : i32
      %dma_start3A_1417 = arith.constant 0 : i32
      %dma_start3A_1418 = tpu.memref_slice %arg2[%squeeze3A_459, %dma_start3A_1416, %dma_start3A_1417] : memref<16384x24x128xf32, #tpu.memory_space<hbm>> -> memref<1x24x128xf32, #tpu.memory_space<hbm>>
      %dma_start3A_1419 = tpu.memref_slice %arg9[%dma_start3A_1410] : memref<4x!tpu.dma_semaphore, #tpu.memory_space<semaphore_mem>> -> memref<1x!tpu.dma_semaphore, #tpu.memory_space<semaphore_mem>>
      %dma_start3A_1420 = tpu.memref_squeeze %dma_start3A_1419 : memref<1x!tpu.dma_semaphore, #tpu.memory_space<semaphore_mem>> -> memref<!tpu.dma_semaphore, #tpu.memory_space<semaphore_mem>>
      %dma_start3A_1421 = arith.constant 3 : i32
      %dma_start3A_1422 = arith.constant 0 : i32
      %dma_start3A_1423 = arith.constant 0 : i32
      %dma_start3A_1424 = tpu.memref_slice %arg7[%cond3A_463, %dma_start3A_1421, %dma_start3A_1422, %dma_start3A_1423] : memref<4x8x24x128xf32, #tpu.memory_space<vmem>> -> memref<1x1x24x128xf32, #tpu.memory_space<vmem>>
      %dma_start3A_1425 = tpu.memref_squeeze %dma_start3A_1424 : memref<1x1x24x128xf32, #tpu.memory_space<vmem>> -> memref<1x24x128xf32, #tpu.memory_space<vmem>>
      %dma_start3A_1426 = arith.constant 0 : i32
      %dma_start3A_1427 = arith.constant 0 : i32
      %dma_start3A_1428 = tpu.memref_slice %arg2[%squeeze3A_459, %dma_start3A_1426, %dma_start3A_1427] : memref<16384x24x128xf32, #tpu.memory_space<hbm>> -> memref<1x24x128xf32, #tpu.memory_space<hbm>>
      tpu.enqueue_dma source(%dma_start3A_1428 : memref<1x24x128xf32, #tpu.memory_space<hbm>>) target(%dma_start3A_1425 : memref<1x24x128xf32, #tpu.memory_space<vmem>>) target_semaphore(%dma_start3A_1420 : memref<!tpu.dma_semaphore, #tpu.memory_space<semaphore_mem>>)
    } else {
    }
    %ge3A_466 = arith.constant 16384 : i32
    %ge3A_467 = arith.cmpi sge, %squeeze3A_459, %ge3A_466 : i32
    %convert_element_type3A_468 = arith.extui %ge3A_467 : i1 to i32
    %cond3A_469 = arith.constant 3 : i32
    %cond3A_470 = arith.constant 0 : i32
    %cond3A_471 = arith.cmpi ne, %convert_element_type3A_468, %cond3A_470 : i32
    scf.if %cond3A_471 {
      %sub3A = arith.constant 16384 : i32
      %sub3A_1410 = arith.subi %squeeze3A_459, %sub3A : i32
      %dma_start3A_1411 = arith.constant 3 : i32
      %dma_start3A_1412 = arith.constant 3 : i32
      %dma_start3A_1413 = arith.constant 0 : i32
      %dma_start3A_1414 = arith.constant 0 : i32
      %dma_start3A_1415 = tpu.memref_slice %arg7[%cond3A_469, %dma_start3A_1412, %dma_start3A_1413, %dma_start3A_1414] : memref<4x8x24x128xf32, #tpu.memory_space<vmem>> -> memref<1x1x24x128xf32, #tpu.memory_space<vmem>>
      %dma_start3A_1416 = tpu.memref_squeeze %dma_start3A_1415 : memref<1x1x24x128xf32, #tpu.memory_space<vmem>> -> memref<1x24x128xf32, #tpu.memory_space<vmem>>
      %dma_start3A_1417 = arith.constant 0 : i32
      %dma_start3A_1418 = arith.constant 0 : i32
      %dma_start3A_1419 = tpu.memref_slice %arg3[%sub3A_1410, %dma_start3A_1417, %dma_start3A_1418] : memref<4096x24x128xf32, #tpu.memory_space<hbm>> -> memref<1x24x128xf32, #tpu.memory_space<hbm>>
      %dma_start3A_1420 = tpu.memref_slice %arg9[%dma_start3A_1411] : memref<4x!tpu.dma_semaphore, #tpu.memory_space<semaphore_mem>> -> memref<1x!tpu.dma_semaphore, #tpu.memory_space<semaphore_mem>>
      %dma_start3A_1421 = tpu.memref_squeeze %dma_start3A_1420 : memref<1x!tpu.dma_semaphore, #tpu.memory_space<semaphore_mem>> -> memref<!tpu.dma_semaphore, #tpu.memory_space<semaphore_mem>>
      %dma_start3A_1422 = arith.constant 3 : i32
      %dma_start3A_1423 = arith.constant 0 : i32
      %dma_start3A_1424 = arith.constant 0 : i32
      %dma_start3A_1425 = tpu.memref_slice %arg7[%cond3A_469, %dma_start3A_1422, %dma_start3A_1423, %dma_start3A_1424] : memref<4x8x24x128xf32, #tpu.memory_space<vmem>> -> memref<1x1x24x128xf32, #tpu.memory_space<vmem>>
      %dma_start3A_1426 = tpu.memref_squeeze %dma_start3A_1425 : memref<1x1x24x128xf32, #tpu.memory_space<vmem>> -> memref<1x24x128xf32, #tpu.memory_space<vmem>>
      %dma_start3A_1427 = arith.constant 0 : i32
      %dma_start3A_1428 = arith.constant 0 : i32
      %dma_start3A_1429 = tpu.memref_slice %arg3[%sub3A_1410, %dma_start3A_1427, %dma_start3A_1428] : memref<4096x24x128xf32, #tpu.memory_space<hbm>> -> memref<1x24x128xf32, #tpu.memory_space<hbm>>
      tpu.enqueue_dma source(%dma_start3A_1429 : memref<1x24x128xf32, #tpu.memory_space<hbm>>) target(%dma_start3A_1426 : memref<1x24x128xf32, #tpu.memory_space<vmem>>) target_semaphore(%dma_start3A_1421 : memref<!tpu.dma_semaphore, #tpu.memory_space<semaphore_mem>>)
    } else {
    }
    %get3A_472 = arith.constant 16 : index
    %get3A_473 = tpu.vector_load %arg6[%get3A_472] {strides = array<i32>} : memref<32xi32, #tpu.memory_space<vmem>>, vector<16xi32>,
    %get3A_474 = vector.shape_cast %get3A_473 : vector<16xi32> to vector<16xi32>
    %slice3A_475 = vector.extract_strided_slice %get3A_474 {offsets = [12], sizes = [1], strides = [1]} : vector<16xi32> to vector<1xi32>
    %squeeze3A_476 = vector.extract %slice3A_475[0] : i32 from vector<1xi32>
    %lt3A_477 = arith.constant 16384 : i32
    %lt3A_478 = arith.cmpi slt, %squeeze3A_476, %lt3A_477 : i32
    %convert_element_type3A_479 = arith.extui %lt3A_478 : i1 to i32
    %cond3A_480 = arith.constant 3 : i32
    %cond3A_481 = arith.constant 0 : i32
    %cond3A_482 = arith.cmpi ne, %convert_element_type3A_479, %cond3A_481 : i32
    scf.if %cond3A_482 {
      %dma_start3A_1410 = arith.constant 3 : i32
      %dma_start3A_1411 = arith.constant 4 : i32
      %dma_start3A_1412 = arith.constant 0 : i32
      %dma_start3A_1413 = arith.constant 0 : i32
      %dma_start3A_1414 = tpu.memref_slice %arg7[%cond3A_480, %dma_start3A_1411, %dma_start3A_1412, %dma_start3A_1413] : memref<4x8x24x128xf32, #tpu.memory_space<vmem>> -> memref<1x1x24x128xf32, #tpu.memory_space<vmem>>
      %dma_start3A_1415 = tpu.memref_squeeze %dma_start3A_1414 : memref<1x1x24x128xf32, #tpu.memory_space<vmem>> -> memref<1x24x128xf32, #tpu.memory_space<vmem>>
      %dma_start3A_1416 = arith.constant 0 : i32
      %dma_start3A_1417 = arith.constant 0 : i32
      %dma_start3A_1418 = tpu.memref_slice %arg2[%squeeze3A_476, %dma_start3A_1416, %dma_start3A_1417] : memref<16384x24x128xf32, #tpu.memory_space<hbm>> -> memref<1x24x128xf32, #tpu.memory_space<hbm>>
      %dma_start3A_1419 = tpu.memref_slice %arg9[%dma_start3A_1410] : memref<4x!tpu.dma_semaphore, #tpu.memory_space<semaphore_mem>> -> memref<1x!tpu.dma_semaphore, #tpu.memory_space<semaphore_mem>>
      %dma_start3A_1420 = tpu.memref_squeeze %dma_start3A_1419 : memref<1x!tpu.dma_semaphore, #tpu.memory_space<semaphore_mem>> -> memref<!tpu.dma_semaphore, #tpu.memory_space<semaphore_mem>>
      %dma_start3A_1421 = arith.constant 4 : i32
      %dma_start3A_1422 = arith.constant 0 : i32
      %dma_start3A_1423 = arith.constant 0 : i32
      %dma_start3A_1424 = tpu.memref_slice %arg7[%cond3A_480, %dma_start3A_1421, %dma_start3A_1422, %dma_start3A_1423] : memref<4x8x24x128xf32, #tpu.memory_space<vmem>> -> memref<1x1x24x128xf32, #tpu.memory_space<vmem>>
      %dma_start3A_1425 = tpu.memref_squeeze %dma_start3A_1424 : memref<1x1x24x128xf32, #tpu.memory_space<vmem>> -> memref<1x24x128xf32, #tpu.memory_space<vmem>>
      %dma_start3A_1426 = arith.constant 0 : i32
      %dma_start3A_1427 = arith.constant 0 : i32
      %dma_start3A_1428 = tpu.memref_slice %arg2[%squeeze3A_476, %dma_start3A_1426, %dma_start3A_1427] : memref<16384x24x128xf32, #tpu.memory_space<hbm>> -> memref<1x24x128xf32, #tpu.memory_space<hbm>>
      tpu.enqueue_dma source(%dma_start3A_1428 : memref<1x24x128xf32, #tpu.memory_space<hbm>>) target(%dma_start3A_1425 : memref<1x24x128xf32, #tpu.memory_space<vmem>>) target_semaphore(%dma_start3A_1420 : memref<!tpu.dma_semaphore, #tpu.memory_space<semaphore_mem>>)
    } else {
    }
    %ge3A_483 = arith.constant 16384 : i32
    %ge3A_484 = arith.cmpi sge, %squeeze3A_476, %ge3A_483 : i32
    %convert_element_type3A_485 = arith.extui %ge3A_484 : i1 to i32
    %cond3A_486 = arith.constant 3 : i32
    %cond3A_487 = arith.constant 0 : i32
    %cond3A_488 = arith.cmpi ne, %convert_element_type3A_485, %cond3A_487 : i32
    scf.if %cond3A_488 {
      %sub3A = arith.constant 16384 : i32
      %sub3A_1410 = arith.subi %squeeze3A_476, %sub3A : i32
      %dma_start3A_1411 = arith.constant 3 : i32
      %dma_start3A_1412 = arith.constant 4 : i32
      %dma_start3A_1413 = arith.constant 0 : i32
      %dma_start3A_1414 = arith.constant 0 : i32
      %dma_start3A_1415 = tpu.memref_slice %arg7[%cond3A_486, %dma_start3A_1412, %dma_start3A_1413, %dma_start3A_1414] : memref<4x8x24x128xf32, #tpu.memory_space<vmem>> -> memref<1x1x24x128xf32, #tpu.memory_space<vmem>>
      %dma_start3A_1416 = tpu.memref_squeeze %dma_start3A_1415 : memref<1x1x24x128xf32, #tpu.memory_space<vmem>> -> memref<1x24x128xf32, #tpu.memory_space<vmem>>
      %dma_start3A_1417 = arith.constant 0 : i32
      %dma_start3A_1418 = arith.constant 0 : i32
      %dma_start3A_1419 = tpu.memref_slice %arg3[%sub3A_1410, %dma_start3A_1417, %dma_start3A_1418] : memref<4096x24x128xf32, #tpu.memory_space<hbm>> -> memref<1x24x128xf32, #tpu.memory_space<hbm>>
      %dma_start3A_1420 = tpu.memref_slice %arg9[%dma_start3A_1411] : memref<4x!tpu.dma_semaphore, #tpu.memory_space<semaphore_mem>> -> memref<1x!tpu.dma_semaphore, #tpu.memory_space<semaphore_mem>>
      %dma_start3A_1421 = tpu.memref_squeeze %dma_start3A_1420 : memref<1x!tpu.dma_semaphore, #tpu.memory_space<semaphore_mem>> -> memref<!tpu.dma_semaphore, #tpu.memory_space<semaphore_mem>>
      %dma_start3A_1422 = arith.constant 4 : i32
      %dma_start3A_1423 = arith.constant 0 : i32
      %dma_start3A_1424 = arith.constant 0 : i32
      %dma_start3A_1425 = tpu.memref_slice %arg7[%cond3A_486, %dma_start3A_1422, %dma_start3A_1423, %dma_start3A_1424] : memref<4x8x24x128xf32, #tpu.memory_space<vmem>> -> memref<1x1x24x128xf32, #tpu.memory_space<vmem>>
      %dma_start3A_1426 = tpu.memref_squeeze %dma_start3A_1425 : memref<1x1x24x128xf32, #tpu.memory_space<vmem>> -> memref<1x24x128xf32, #tpu.memory_space<vmem>>
      %dma_start3A_1427 = arith.constant 0 : i32
      %dma_start3A_1428 = arith.constant 0 : i32
      %dma_start3A_1429 = tpu.memref_slice %arg3[%sub3A_1410, %dma_start3A_1427, %dma_start3A_1428] : memref<4096x24x128xf32, #tpu.memory_space<hbm>> -> memref<1x24x128xf32, #tpu.memory_space<hbm>>
      tpu.enqueue_dma source(%dma_start3A_1429 : memref<1x24x128xf32, #tpu.memory_space<hbm>>) target(%dma_start3A_1426 : memref<1x24x128xf32, #tpu.memory_space<vmem>>) target_semaphore(%dma_start3A_1421 : memref<!tpu.dma_semaphore, #tpu.memory_space<semaphore_mem>>)
    } else {
    }
    %get3A_489 = arith.constant 16 : index
    %get3A_490 = tpu.vector_load %arg6[%get3A_489] {strides = array<i32>} : memref<32xi32, #tpu.memory_space<vmem>>, vector<16xi32>,
    %get3A_491 = vector.shape_cast %get3A_490 : vector<16xi32> to vector<16xi32>
    %slice3A_492 = vector.extract_strided_slice %get3A_491 {offsets = [13], sizes = [1], strides = [1]} : vector<16xi32> to vector<1xi32>
    %squeeze3A_493 = vector.extract %slice3A_492[0] : i32 from vector<1xi32>
    %lt3A_494 = arith.constant 16384 : i32
    %lt3A_495 = arith.cmpi slt, %squeeze3A_493, %lt3A_494 : i32
    %convert_element_type3A_496 = arith.extui %lt3A_495 : i1 to i32
    %cond3A_497 = arith.constant 3 : i32
    %cond3A_498 = arith.constant 0 : i32
    %cond3A_499 = arith.cmpi ne, %convert_element_type3A_496, %cond3A_498 : i32
    scf.if %cond3A_499 {
      %dma_start3A_1410 = arith.constant 3 : i32
      %dma_start3A_1411 = arith.constant 5 : i32
      %dma_start3A_1412 = arith.constant 0 : i32
      %dma_start3A_1413 = arith.constant 0 : i32
      %dma_start3A_1414 = tpu.memref_slice %arg7[%cond3A_497, %dma_start3A_1411, %dma_start3A_1412, %dma_start3A_1413] : memref<4x8x24x128xf32, #tpu.memory_space<vmem>> -> memref<1x1x24x128xf32, #tpu.memory_space<vmem>>
      %dma_start3A_1415 = tpu.memref_squeeze %dma_start3A_1414 : memref<1x1x24x128xf32, #tpu.memory_space<vmem>> -> memref<1x24x128xf32, #tpu.memory_space<vmem>>
      %dma_start3A_1416 = arith.constant 0 : i32
      %dma_start3A_1417 = arith.constant 0 : i32
      %dma_start3A_1418 = tpu.memref_slice %arg2[%squeeze3A_493, %dma_start3A_1416, %dma_start3A_1417] : memref<16384x24x128xf32, #tpu.memory_space<hbm>> -> memref<1x24x128xf32, #tpu.memory_space<hbm>>
      %dma_start3A_1419 = tpu.memref_slice %arg9[%dma_start3A_1410] : memref<4x!tpu.dma_semaphore, #tpu.memory_space<semaphore_mem>> -> memref<1x!tpu.dma_semaphore, #tpu.memory_space<semaphore_mem>>
      %dma_start3A_1420 = tpu.memref_squeeze %dma_start3A_1419 : memref<1x!tpu.dma_semaphore, #tpu.memory_space<semaphore_mem>> -> memref<!tpu.dma_semaphore, #tpu.memory_space<semaphore_mem>>
      %dma_start3A_1421 = arith.constant 5 : i32
      %dma_start3A_1422 = arith.constant 0 : i32
      %dma_start3A_1423 = arith.constant 0 : i32
      %dma_start3A_1424 = tpu.memref_slice %arg7[%cond3A_497, %dma_start3A_1421, %dma_start3A_1422, %dma_start3A_1423] : memref<4x8x24x128xf32, #tpu.memory_space<vmem>> -> memref<1x1x24x128xf32, #tpu.memory_space<vmem>>
      %dma_start3A_1425 = tpu.memref_squeeze %dma_start3A_1424 : memref<1x1x24x128xf32, #tpu.memory_space<vmem>> -> memref<1x24x128xf32, #tpu.memory_space<vmem>>
      %dma_start3A_1426 = arith.constant 0 : i32
      %dma_start3A_1427 = arith.constant 0 : i32
      %dma_start3A_1428 = tpu.memref_slice %arg2[%squeeze3A_493, %dma_start3A_1426, %dma_start3A_1427] : memref<16384x24x128xf32, #tpu.memory_space<hbm>> -> memref<1x24x128xf32, #tpu.memory_space<hbm>>
      tpu.enqueue_dma source(%dma_start3A_1428 : memref<1x24x128xf32, #tpu.memory_space<hbm>>) target(%dma_start3A_1425 : memref<1x24x128xf32, #tpu.memory_space<vmem>>) target_semaphore(%dma_start3A_1420 : memref<!tpu.dma_semaphore, #tpu.memory_space<semaphore_mem>>)
    } else {
    }
    %ge3A_500 = arith.constant 16384 : i32
    %ge3A_501 = arith.cmpi sge, %squeeze3A_493, %ge3A_500 : i32
    %convert_element_type3A_502 = arith.extui %ge3A_501 : i1 to i32
    %cond3A_503 = arith.constant 3 : i32
    %cond3A_504 = arith.constant 0 : i32
    %cond3A_505 = arith.cmpi ne, %convert_element_type3A_502, %cond3A_504 : i32
    scf.if %cond3A_505 {
      %sub3A = arith.constant 16384 : i32
      %sub3A_1410 = arith.subi %squeeze3A_493, %sub3A : i32
      %dma_start3A_1411 = arith.constant 3 : i32
      %dma_start3A_1412 = arith.constant 5 : i32
      %dma_start3A_1413 = arith.constant 0 : i32
      %dma_start3A_1414 = arith.constant 0 : i32
      %dma_start3A_1415 = tpu.memref_slice %arg7[%cond3A_503, %dma_start3A_1412, %dma_start3A_1413, %dma_start3A_1414] : memref<4x8x24x128xf32, #tpu.memory_space<vmem>> -> memref<1x1x24x128xf32, #tpu.memory_space<vmem>>
      %dma_start3A_1416 = tpu.memref_squeeze %dma_start3A_1415 : memref<1x1x24x128xf32, #tpu.memory_space<vmem>> -> memref<1x24x128xf32, #tpu.memory_space<vmem>>
      %dma_start3A_1417 = arith.constant 0 : i32
      %dma_start3A_1418 = arith.constant 0 : i32
      %dma_start3A_1419 = tpu.memref_slice %arg3[%sub3A_1410, %dma_start3A_1417, %dma_start3A_1418] : memref<4096x24x128xf32, #tpu.memory_space<hbm>> -> memref<1x24x128xf32, #tpu.memory_space<hbm>>
      %dma_start3A_1420 = tpu.memref_slice %arg9[%dma_start3A_1411] : memref<4x!tpu.dma_semaphore, #tpu.memory_space<semaphore_mem>> -> memref<1x!tpu.dma_semaphore, #tpu.memory_space<semaphore_mem>>
      %dma_start3A_1421 = tpu.memref_squeeze %dma_start3A_1420 : memref<1x!tpu.dma_semaphore, #tpu.memory_space<semaphore_mem>> -> memref<!tpu.dma_semaphore, #tpu.memory_space<semaphore_mem>>
      %dma_start3A_1422 = arith.constant 5 : i32
      %dma_start3A_1423 = arith.constant 0 : i32
      %dma_start3A_1424 = arith.constant 0 : i32
      %dma_start3A_1425 = tpu.memref_slice %arg7[%cond3A_503, %dma_start3A_1422, %dma_start3A_1423, %dma_start3A_1424] : memref<4x8x24x128xf32, #tpu.memory_space<vmem>> -> memref<1x1x24x128xf32, #tpu.memory_space<vmem>>
      %dma_start3A_1426 = tpu.memref_squeeze %dma_start3A_1425 : memref<1x1x24x128xf32, #tpu.memory_space<vmem>> -> memref<1x24x128xf32, #tpu.memory_space<vmem>>
      %dma_start3A_1427 = arith.constant 0 : i32
      %dma_start3A_1428 = arith.constant 0 : i32
      %dma_start3A_1429 = tpu.memref_slice %arg3[%sub3A_1410, %dma_start3A_1427, %dma_start3A_1428] : memref<4096x24x128xf32, #tpu.memory_space<hbm>> -> memref<1x24x128xf32, #tpu.memory_space<hbm>>
      tpu.enqueue_dma source(%dma_start3A_1429 : memref<1x24x128xf32, #tpu.memory_space<hbm>>) target(%dma_start3A_1426 : memref<1x24x128xf32, #tpu.memory_space<vmem>>) target_semaphore(%dma_start3A_1421 : memref<!tpu.dma_semaphore, #tpu.memory_space<semaphore_mem>>)
    } else {
    }
    %get3A_506 = arith.constant 16 : index
    %get3A_507 = tpu.vector_load %arg6[%get3A_506] {strides = array<i32>} : memref<32xi32, #tpu.memory_space<vmem>>, vector<16xi32>,
    %get3A_508 = vector.shape_cast %get3A_507 : vector<16xi32> to vector<16xi32>
    %slice3A_509 = vector.extract_strided_slice %get3A_508 {offsets = [14], sizes = [1], strides = [1]} : vector<16xi32> to vector<1xi32>
    %squeeze3A_510 = vector.extract %slice3A_509[0] : i32 from vector<1xi32>
    %lt3A_511 = arith.constant 16384 : i32
    %lt3A_512 = arith.cmpi slt, %squeeze3A_510, %lt3A_511 : i32
    %convert_element_type3A_513 = arith.extui %lt3A_512 : i1 to i32
    %cond3A_514 = arith.constant 3 : i32
    %cond3A_515 = arith.constant 0 : i32
    %cond3A_516 = arith.cmpi ne, %convert_element_type3A_513, %cond3A_515 : i32
    scf.if %cond3A_516 {
      %dma_start3A_1410 = arith.constant 3 : i32
      %dma_start3A_1411 = arith.constant 6 : i32
      %dma_start3A_1412 = arith.constant 0 : i32
      %dma_start3A_1413 = arith.constant 0 : i32
      %dma_start3A_1414 = tpu.memref_slice %arg7[%cond3A_514, %dma_start3A_1411, %dma_start3A_1412, %dma_start3A_1413] : memref<4x8x24x128xf32, #tpu.memory_space<vmem>> -> memref<1x1x24x128xf32, #tpu.memory_space<vmem>>
      %dma_start3A_1415 = tpu.memref_squeeze %dma_start3A_1414 : memref<1x1x24x128xf32, #tpu.memory_space<vmem>> -> memref<1x24x128xf32, #tpu.memory_space<vmem>>
      %dma_start3A_1416 = arith.constant 0 : i32
      %dma_start3A_1417 = arith.constant 0 : i32
      %dma_start3A_1418 = tpu.memref_slice %arg2[%squeeze3A_510, %dma_start3A_1416, %dma_start3A_1417] : memref<16384x24x128xf32, #tpu.memory_space<hbm>> -> memref<1x24x128xf32, #tpu.memory_space<hbm>>
      %dma_start3A_1419 = tpu.memref_slice %arg9[%dma_start3A_1410] : memref<4x!tpu.dma_semaphore, #tpu.memory_space<semaphore_mem>> -> memref<1x!tpu.dma_semaphore, #tpu.memory_space<semaphore_mem>>
      %dma_start3A_1420 = tpu.memref_squeeze %dma_start3A_1419 : memref<1x!tpu.dma_semaphore, #tpu.memory_space<semaphore_mem>> -> memref<!tpu.dma_semaphore, #tpu.memory_space<semaphore_mem>>
      %dma_start3A_1421 = arith.constant 6 : i32
      %dma_start3A_1422 = arith.constant 0 : i32
      %dma_start3A_1423 = arith.constant 0 : i32
      %dma_start3A_1424 = tpu.memref_slice %arg7[%cond3A_514, %dma_start3A_1421, %dma_start3A_1422, %dma_start3A_1423] : memref<4x8x24x128xf32, #tpu.memory_space<vmem>> -> memref<1x1x24x128xf32, #tpu.memory_space<vmem>>
      %dma_start3A_1425 = tpu.memref_squeeze %dma_start3A_1424 : memref<1x1x24x128xf32, #tpu.memory_space<vmem>> -> memref<1x24x128xf32, #tpu.memory_space<vmem>>
      %dma_start3A_1426 = arith.constant 0 : i32
      %dma_start3A_1427 = arith.constant 0 : i32
      %dma_start3A_1428 = tpu.memref_slice %arg2[%squeeze3A_510, %dma_start3A_1426, %dma_start3A_1427] : memref<16384x24x128xf32, #tpu.memory_space<hbm>> -> memref<1x24x128xf32, #tpu.memory_space<hbm>>
      tpu.enqueue_dma source(%dma_start3A_1428 : memref<1x24x128xf32, #tpu.memory_space<hbm>>) target(%dma_start3A_1425 : memref<1x24x128xf32, #tpu.memory_space<vmem>>) target_semaphore(%dma_start3A_1420 : memref<!tpu.dma_semaphore, #tpu.memory_space<semaphore_mem>>)
    } else {
    }
    %ge3A_517 = arith.constant 16384 : i32
    %ge3A_518 = arith.cmpi sge, %squeeze3A_510, %ge3A_517 : i32
    %convert_element_type3A_519 = arith.extui %ge3A_518 : i1 to i32
    %cond3A_520 = arith.constant 3 : i32
    %cond3A_521 = arith.constant 0 : i32
    %cond3A_522 = arith.cmpi ne, %convert_element_type3A_519, %cond3A_521 : i32
    scf.if %cond3A_522 {
      %sub3A = arith.constant 16384 : i32
      %sub3A_1410 = arith.subi %squeeze3A_510, %sub3A : i32
      %dma_start3A_1411 = arith.constant 3 : i32
      %dma_start3A_1412 = arith.constant 6 : i32
      %dma_start3A_1413 = arith.constant 0 : i32
      %dma_start3A_1414 = arith.constant 0 : i32
      %dma_start3A_1415 = tpu.memref_slice %arg7[%cond3A_520, %dma_start3A_1412, %dma_start3A_1413, %dma_start3A_1414] : memref<4x8x24x128xf32, #tpu.memory_space<vmem>> -> memref<1x1x24x128xf32, #tpu.memory_space<vmem>>
      %dma_start3A_1416 = tpu.memref_squeeze %dma_start3A_1415 : memref<1x1x24x128xf32, #tpu.memory_space<vmem>> -> memref<1x24x128xf32, #tpu.memory_space<vmem>>
      %dma_start3A_1417 = arith.constant 0 : i32
      %dma_start3A_1418 = arith.constant 0 : i32
      %dma_start3A_1419 = tpu.memref_slice %arg3[%sub3A_1410, %dma_start3A_1417, %dma_start3A_1418] : memref<4096x24x128xf32, #tpu.memory_space<hbm>> -> memref<1x24x128xf32, #tpu.memory_space<hbm>>
      %dma_start3A_1420 = tpu.memref_slice %arg9[%dma_start3A_1411] : memref<4x!tpu.dma_semaphore, #tpu.memory_space<semaphore_mem>> -> memref<1x!tpu.dma_semaphore, #tpu.memory_space<semaphore_mem>>
      %dma_start3A_1421 = tpu.memref_squeeze %dma_start3A_1420 : memref<1x!tpu.dma_semaphore, #tpu.memory_space<semaphore_mem>> -> memref<!tpu.dma_semaphore, #tpu.memory_space<semaphore_mem>>
      %dma_start3A_1422 = arith.constant 6 : i32
      %dma_start3A_1423 = arith.constant 0 : i32
      %dma_start3A_1424 = arith.constant 0 : i32
      %dma_start3A_1425 = tpu.memref_slice %arg7[%cond3A_520, %dma_start3A_1422, %dma_start3A_1423, %dma_start3A_1424] : memref<4x8x24x128xf32, #tpu.memory_space<vmem>> -> memref<1x1x24x128xf32, #tpu.memory_space<vmem>>
      %dma_start3A_1426 = tpu.memref_squeeze %dma_start3A_1425 : memref<1x1x24x128xf32, #tpu.memory_space<vmem>> -> memref<1x24x128xf32, #tpu.memory_space<vmem>>
      %dma_start3A_1427 = arith.constant 0 : i32
      %dma_start3A_1428 = arith.constant 0 : i32
      %dma_start3A_1429 = tpu.memref_slice %arg3[%sub3A_1410, %dma_start3A_1427, %dma_start3A_1428] : memref<4096x24x128xf32, #tpu.memory_space<hbm>> -> memref<1x24x128xf32, #tpu.memory_space<hbm>>
      tpu.enqueue_dma source(%dma_start3A_1429 : memref<1x24x128xf32, #tpu.memory_space<hbm>>) target(%dma_start3A_1426 : memref<1x24x128xf32, #tpu.memory_space<vmem>>) target_semaphore(%dma_start3A_1421 : memref<!tpu.dma_semaphore, #tpu.memory_space<semaphore_mem>>)
    } else {
    }
    %get3A_523 = arith.constant 16 : index
    %get3A_524 = tpu.vector_load %arg6[%get3A_523] {strides = array<i32>} : memref<32xi32, #tpu.memory_space<vmem>>, vector<16xi32>,
    %get3A_525 = vector.shape_cast %get3A_524 : vector<16xi32> to vector<16xi32>
    %slice3A_526 = vector.extract_strided_slice %get3A_525 {offsets = [15], sizes = [1], strides = [1]} : vector<16xi32> to vector<1xi32>
    %squeeze3A_527 = vector.extract %slice3A_526[0] : i32 from vector<1xi32>
    %lt3A_528 = arith.constant 16384 : i32
    %lt3A_529 = arith.cmpi slt, %squeeze3A_527, %lt3A_528 : i32
    %convert_element_type3A_530 = arith.extui %lt3A_529 : i1 to i32
    %cond3A_531 = arith.constant 3 : i32
    %cond3A_532 = arith.constant 0 : i32
    %cond3A_533 = arith.cmpi ne, %convert_element_type3A_530, %cond3A_532 : i32
    scf.if %cond3A_533 {
      %dma_start3A_1410 = arith.constant 3 : i32
      %dma_start3A_1411 = arith.constant 7 : i32
      %dma_start3A_1412 = arith.constant 0 : i32
      %dma_start3A_1413 = arith.constant 0 : i32
      %dma_start3A_1414 = tpu.memref_slice %arg7[%cond3A_531, %dma_start3A_1411, %dma_start3A_1412, %dma_start3A_1413] : memref<4x8x24x128xf32, #tpu.memory_space<vmem>> -> memref<1x1x24x128xf32, #tpu.memory_space<vmem>>
      %dma_start3A_1415 = tpu.memref_squeeze %dma_start3A_1414 : memref<1x1x24x128xf32, #tpu.memory_space<vmem>> -> memref<1x24x128xf32, #tpu.memory_space<vmem>>
      %dma_start3A_1416 = arith.constant 0 : i32
      %dma_start3A_1417 = arith.constant 0 : i32
      %dma_start3A_1418 = tpu.memref_slice %arg2[%squeeze3A_527, %dma_start3A_1416, %dma_start3A_1417] : memref<16384x24x128xf32, #tpu.memory_space<hbm>> -> memref<1x24x128xf32, #tpu.memory_space<hbm>>
      %dma_start3A_1419 = tpu.memref_slice %arg9[%dma_start3A_1410] : memref<4x!tpu.dma_semaphore, #tpu.memory_space<semaphore_mem>> -> memref<1x!tpu.dma_semaphore, #tpu.memory_space<semaphore_mem>>
      %dma_start3A_1420 = tpu.memref_squeeze %dma_start3A_1419 : memref<1x!tpu.dma_semaphore, #tpu.memory_space<semaphore_mem>> -> memref<!tpu.dma_semaphore, #tpu.memory_space<semaphore_mem>>
      %dma_start3A_1421 = arith.constant 7 : i32
      %dma_start3A_1422 = arith.constant 0 : i32
      %dma_start3A_1423 = arith.constant 0 : i32
      %dma_start3A_1424 = tpu.memref_slice %arg7[%cond3A_531, %dma_start3A_1421, %dma_start3A_1422, %dma_start3A_1423] : memref<4x8x24x128xf32, #tpu.memory_space<vmem>> -> memref<1x1x24x128xf32, #tpu.memory_space<vmem>>
      %dma_start3A_1425 = tpu.memref_squeeze %dma_start3A_1424 : memref<1x1x24x128xf32, #tpu.memory_space<vmem>> -> memref<1x24x128xf32, #tpu.memory_space<vmem>>
      %dma_start3A_1426 = arith.constant 0 : i32
      %dma_start3A_1427 = arith.constant 0 : i32
      %dma_start3A_1428 = tpu.memref_slice %arg2[%squeeze3A_527, %dma_start3A_1426, %dma_start3A_1427] : memref<16384x24x128xf32, #tpu.memory_space<hbm>> -> memref<1x24x128xf32, #tpu.memory_space<hbm>>
      tpu.enqueue_dma source(%dma_start3A_1428 : memref<1x24x128xf32, #tpu.memory_space<hbm>>) target(%dma_start3A_1425 : memref<1x24x128xf32, #tpu.memory_space<vmem>>) target_semaphore(%dma_start3A_1420 : memref<!tpu.dma_semaphore, #tpu.memory_space<semaphore_mem>>)
    } else {
    }
    %ge3A_534 = arith.constant 16384 : i32
    %ge3A_535 = arith.cmpi sge, %squeeze3A_527, %ge3A_534 : i32
    %convert_element_type3A_536 = arith.extui %ge3A_535 : i1 to i32
    %cond3A_537 = arith.constant 3 : i32
    %cond3A_538 = arith.constant 0 : i32
    %cond3A_539 = arith.cmpi ne, %convert_element_type3A_536, %cond3A_538 : i32
    scf.if %cond3A_539 {
      %sub3A = arith.constant 16384 : i32
      %sub3A_1410 = arith.subi %squeeze3A_527, %sub3A : i32
      %dma_start3A_1411 = arith.constant 3 : i32
      %dma_start3A_1412 = arith.constant 7 : i32
      %dma_start3A_1413 = arith.constant 0 : i32
      %dma_start3A_1414 = arith.constant 0 : i32
      %dma_start3A_1415 = tpu.memref_slice %arg7[%cond3A_537, %dma_start3A_1412, %dma_start3A_1413, %dma_start3A_1414] : memref<4x8x24x128xf32, #tpu.memory_space<vmem>> -> memref<1x1x24x128xf32, #tpu.memory_space<vmem>>
      %dma_start3A_1416 = tpu.memref_squeeze %dma_start3A_1415 : memref<1x1x24x128xf32, #tpu.memory_space<vmem>> -> memref<1x24x128xf32, #tpu.memory_space<vmem>>
      %dma_start3A_1417 = arith.constant 0 : i32
      %dma_start3A_1418 = arith.constant 0 : i32
      %dma_start3A_1419 = tpu.memref_slice %arg3[%sub3A_1410, %dma_start3A_1417, %dma_start3A_1418] : memref<4096x24x128xf32, #tpu.memory_space<hbm>> -> memref<1x24x128xf32, #tpu.memory_space<hbm>>
      %dma_start3A_1420 = tpu.memref_slice %arg9[%dma_start3A_1411] : memref<4x!tpu.dma_semaphore, #tpu.memory_space<semaphore_mem>> -> memref<1x!tpu.dma_semaphore, #tpu.memory_space<semaphore_mem>>
      %dma_start3A_1421 = tpu.memref_squeeze %dma_start3A_1420 : memref<1x!tpu.dma_semaphore, #tpu.memory_space<semaphore_mem>> -> memref<!tpu.dma_semaphore, #tpu.memory_space<semaphore_mem>>
      %dma_start3A_1422 = arith.constant 7 : i32
      %dma_start3A_1423 = arith.constant 0 : i32
      %dma_start3A_1424 = arith.constant 0 : i32
      %dma_start3A_1425 = tpu.memref_slice %arg7[%cond3A_537, %dma_start3A_1422, %dma_start3A_1423, %dma_start3A_1424] : memref<4x8x24x128xf32, #tpu.memory_space<vmem>> -> memref<1x1x24x128xf32, #tpu.memory_space<vmem>>
      %dma_start3A_1426 = tpu.memref_squeeze %dma_start3A_1425 : memref<1x1x24x128xf32, #tpu.memory_space<vmem>> -> memref<1x24x128xf32, #tpu.memory_space<vmem>>
      %dma_start3A_1427 = arith.constant 0 : i32
      %dma_start3A_1428 = arith.constant 0 : i32
      %dma_start3A_1429 = tpu.memref_slice %arg3[%sub3A_1410, %dma_start3A_1427, %dma_start3A_1428] : memref<4096x24x128xf32, #tpu.memory_space<hbm>> -> memref<1x24x128xf32, #tpu.memory_space<hbm>>
      tpu.enqueue_dma source(%dma_start3A_1429 : memref<1x24x128xf32, #tpu.memory_space<hbm>>) target(%dma_start3A_1426 : memref<1x24x128xf32, #tpu.memory_space<vmem>>) target_semaphore(%dma_start3A_1421 : memref<!tpu.dma_semaphore, #tpu.memory_space<semaphore_mem>>)
    } else {
    }
    %dma_wait3A = arith.constant 0 : i32
    %dma_wait3A_540 = arith.constant 0 : i32
    %dma_wait3A_541 = arith.constant 0 : i32
    %dma_wait3A_542 = arith.constant 0 : i32
    %dma_wait3A_543 = arith.constant 0 : i32
    %dma_wait3A_544 = tpu.memref_slice %arg7[%dma_wait3A, %dma_wait3A_541, %dma_wait3A_542, %dma_wait3A_543] : memref<4x8x24x128xf32, #tpu.memory_space<vmem>> -> memref<1x1x24x128xf32, #tpu.memory_space<vmem>>
    %dma_wait3A_545 = tpu.memref_squeeze %dma_wait3A_544 : memref<1x1x24x128xf32, #tpu.memory_space<vmem>> -> memref<1x24x128xf32, #tpu.memory_space<vmem>>
    %dma_wait3A_546 = arith.constant 0 : i32
    %dma_wait3A_547 = arith.constant 0 : i32
    %dma_wait3A_548 = arith.constant 0 : i32
    %dma_wait3A_549 = tpu.memref_slice %arg2[%dma_wait3A_546, %dma_wait3A_547, %dma_wait3A_548] : memref<16384x24x128xf32, #tpu.memory_space<hbm>> -> memref<1x24x128xf32, #tpu.memory_space<hbm>>
    %dma_wait3A_550 = tpu.memref_slice %arg9[%dma_wait3A_540] : memref<4x!tpu.dma_semaphore, #tpu.memory_space<semaphore_mem>> -> memref<1x!tpu.dma_semaphore, #tpu.memory_space<semaphore_mem>>
    %dma_wait3A_551 = tpu.memref_squeeze %dma_wait3A_550 : memref<1x!tpu.dma_semaphore, #tpu.memory_space<semaphore_mem>> -> memref<!tpu.dma_semaphore, #tpu.memory_space<semaphore_mem>>
    %dma_wait3A_552 = arith.constant 0 : i32
    %dma_wait3A_553 = arith.constant 0 : i32
    %dma_wait3A_554 = arith.constant 0 : i32
    %dma_wait3A_555 = tpu.memref_slice %arg7[%dma_wait3A, %dma_wait3A_552, %dma_wait3A_553, %dma_wait3A_554] : memref<4x8x24x128xf32, #tpu.memory_space<vmem>> -> memref<1x1x24x128xf32, #tpu.memory_space<vmem>>
    %dma_wait3A_556 = tpu.memref_squeeze %dma_wait3A_555 : memref<1x1x24x128xf32, #tpu.memory_space<vmem>> -> memref<1x24x128xf32, #tpu.memory_space<vmem>>
    %dma_wait3A_557 = arith.constant 0 : i32
    %dma_wait3A_558 = arith.constant 0 : i32
    %dma_wait3A_559 = arith.constant 0 : i32
    %dma_wait3A_560 = tpu.memref_slice %arg2[%dma_wait3A_557, %dma_wait3A_558, %dma_wait3A_559] : memref<16384x24x128xf32, #tpu.memory_space<hbm>> -> memref<1x24x128xf32, #tpu.memory_space<hbm>>
    tpu.wait_dma2 semaphore(%dma_wait3A_551 : memref<!tpu.dma_semaphore, #tpu.memory_space<semaphore_mem>>) src(%dma_wait3A_560 : memref<1x24x128xf32, #tpu.memory_space<hbm>>) dst(%dma_wait3A_556 : memref<1x24x128xf32, #tpu.memory_space<vmem>>)
    %dma_wait3A_561 = arith.constant 0 : i32
    %dma_wait3A_562 = arith.constant 0 : i32
    %dma_wait3A_563 = arith.constant 1 : i32
    %dma_wait3A_564 = arith.constant 0 : i32
    %dma_wait3A_565 = arith.constant 0 : i32
    %dma_wait3A_566 = tpu.memref_slice %arg7[%dma_wait3A_561, %dma_wait3A_563, %dma_wait3A_564, %dma_wait3A_565] : memref<4x8x24x128xf32, #tpu.memory_space<vmem>> -> memref<1x1x24x128xf32, #tpu.memory_space<vmem>>
    %dma_wait3A_567 = tpu.memref_squeeze %dma_wait3A_566 : memref<1x1x24x128xf32, #tpu.memory_space<vmem>> -> memref<1x24x128xf32, #tpu.memory_space<vmem>>
    %dma_wait3A_568 = arith.constant 0 : i32
    %dma_wait3A_569 = arith.constant 0 : i32
    %dma_wait3A_570 = arith.constant 0 : i32
    %dma_wait3A_571 = tpu.memref_slice %arg2[%dma_wait3A_568, %dma_wait3A_569, %dma_wait3A_570] : memref<16384x24x128xf32, #tpu.memory_space<hbm>> -> memref<1x24x128xf32, #tpu.memory_space<hbm>>
    %dma_wait3A_572 = tpu.memref_slice %arg9[%dma_wait3A_562] : memref<4x!tpu.dma_semaphore, #tpu.memory_space<semaphore_mem>> -> memref<1x!tpu.dma_semaphore, #tpu.memory_space<semaphore_mem>>
    %dma_wait3A_573 = tpu.memref_squeeze %dma_wait3A_572 : memref<1x!tpu.dma_semaphore, #tpu.memory_space<semaphore_mem>> -> memref<!tpu.dma_semaphore, #tpu.memory_space<semaphore_mem>>
    %dma_wait3A_574 = arith.constant 1 : i32
    %dma_wait3A_575 = arith.constant 0 : i32
    %dma_wait3A_576 = arith.constant 0 : i32
    %dma_wait3A_577 = tpu.memref_slice %arg7[%dma_wait3A_561, %dma_wait3A_574, %dma_wait3A_575, %dma_wait3A_576] : memref<4x8x24x128xf32, #tpu.memory_space<vmem>> -> memref<1x1x24x128xf32, #tpu.memory_space<vmem>>
    %dma_wait3A_578 = tpu.memref_squeeze %dma_wait3A_577 : memref<1x1x24x128xf32, #tpu.memory_space<vmem>> -> memref<1x24x128xf32, #tpu.memory_space<vmem>>
    %dma_wait3A_579 = arith.constant 0 : i32
    %dma_wait3A_580 = arith.constant 0 : i32
    %dma_wait3A_581 = arith.constant 0 : i32
    %dma_wait3A_582 = tpu.memref_slice %arg2[%dma_wait3A_579, %dma_wait3A_580, %dma_wait3A_581] : memref<16384x24x128xf32, #tpu.memory_space<hbm>> -> memref<1x24x128xf32, #tpu.memory_space<hbm>>
    tpu.wait_dma2 semaphore(%dma_wait3A_573 : memref<!tpu.dma_semaphore, #tpu.memory_space<semaphore_mem>>) src(%dma_wait3A_582 : memref<1x24x128xf32, #tpu.memory_space<hbm>>) dst(%dma_wait3A_578 : memref<1x24x128xf32, #tpu.memory_space<vmem>>)
    %dma_wait3A_583 = arith.constant 0 : i32
    %dma_wait3A_584 = arith.constant 0 : i32
    %dma_wait3A_585 = arith.constant 2 : i32
    %dma_wait3A_586 = arith.constant 0 : i32
    %dma_wait3A_587 = arith.constant 0 : i32
    %dma_wait3A_588 = tpu.memref_slice %arg7[%dma_wait3A_583, %dma_wait3A_585, %dma_wait3A_586, %dma_wait3A_587] : memref<4x8x24x128xf32, #tpu.memory_space<vmem>> -> memref<1x1x24x128xf32, #tpu.memory_space<vmem>>
    %dma_wait3A_589 = tpu.memref_squeeze %dma_wait3A_588 : memref<1x1x24x128xf32, #tpu.memory_space<vmem>> -> memref<1x24x128xf32, #tpu.memory_space<vmem>>
    %dma_wait3A_590 = arith.constant 0 : i32
    %dma_wait3A_591 = arith.constant 0 : i32
    %dma_wait3A_592 = arith.constant 0 : i32
    %dma_wait3A_593 = tpu.memref_slice %arg2[%dma_wait3A_590, %dma_wait3A_591, %dma_wait3A_592] : memref<16384x24x128xf32, #tpu.memory_space<hbm>> -> memref<1x24x128xf32, #tpu.memory_space<hbm>>
    %dma_wait3A_594 = tpu.memref_slice %arg9[%dma_wait3A_584] : memref<4x!tpu.dma_semaphore, #tpu.memory_space<semaphore_mem>> -> memref<1x!tpu.dma_semaphore, #tpu.memory_space<semaphore_mem>>
    %dma_wait3A_595 = tpu.memref_squeeze %dma_wait3A_594 : memref<1x!tpu.dma_semaphore, #tpu.memory_space<semaphore_mem>> -> memref<!tpu.dma_semaphore, #tpu.memory_space<semaphore_mem>>
    %dma_wait3A_596 = arith.constant 2 : i32
    %dma_wait3A_597 = arith.constant 0 : i32
    %dma_wait3A_598 = arith.constant 0 : i32
    %dma_wait3A_599 = tpu.memref_slice %arg7[%dma_wait3A_583, %dma_wait3A_596, %dma_wait3A_597, %dma_wait3A_598] : memref<4x8x24x128xf32, #tpu.memory_space<vmem>> -> memref<1x1x24x128xf32, #tpu.memory_space<vmem>>
    %dma_wait3A_600 = tpu.memref_squeeze %dma_wait3A_599 : memref<1x1x24x128xf32, #tpu.memory_space<vmem>> -> memref<1x24x128xf32, #tpu.memory_space<vmem>>
    %dma_wait3A_601 = arith.constant 0 : i32
    %dma_wait3A_602 = arith.constant 0 : i32
    %dma_wait3A_603 = arith.constant 0 : i32
    %dma_wait3A_604 = tpu.memref_slice %arg2[%dma_wait3A_601, %dma_wait3A_602, %dma_wait3A_603] : memref<16384x24x128xf32, #tpu.memory_space<hbm>> -> memref<1x24x128xf32, #tpu.memory_space<hbm>>
    tpu.wait_dma2 semaphore(%dma_wait3A_595 : memref<!tpu.dma_semaphore, #tpu.memory_space<semaphore_mem>>) src(%dma_wait3A_604 : memref<1x24x128xf32, #tpu.memory_space<hbm>>) dst(%dma_wait3A_600 : memref<1x24x128xf32, #tpu.memory_space<vmem>>)
    %dma_wait3A_605 = arith.constant 0 : i32
    %dma_wait3A_606 = arith.constant 0 : i32
    %dma_wait3A_607 = arith.constant 3 : i32
    %dma_wait3A_608 = arith.constant 0 : i32
    %dma_wait3A_609 = arith.constant 0 : i32
    %dma_wait3A_610 = tpu.memref_slice %arg7[%dma_wait3A_605, %dma_wait3A_607, %dma_wait3A_608, %dma_wait3A_609] : memref<4x8x24x128xf32, #tpu.memory_space<vmem>> -> memref<1x1x24x128xf32, #tpu.memory_space<vmem>>
    %dma_wait3A_611 = tpu.memref_squeeze %dma_wait3A_610 : memref<1x1x24x128xf32, #tpu.memory_space<vmem>> -> memref<1x24x128xf32, #tpu.memory_space<vmem>>
    %dma_wait3A_612 = arith.constant 0 : i32
    %dma_wait3A_613 = arith.constant 0 : i32
    %dma_wait3A_614 = arith.constant 0 : i32
    %dma_wait3A_615 = tpu.memref_slice %arg2[%dma_wait3A_612, %dma_wait3A_613, %dma_wait3A_614] : memref<16384x24x128xf32, #tpu.memory_space<hbm>> -> memref<1x24x128xf32, #tpu.memory_space<hbm>>
    %dma_wait3A_616 = tpu.memref_slice %arg9[%dma_wait3A_606] : memref<4x!tpu.dma_semaphore, #tpu.memory_space<semaphore_mem>> -> memref<1x!tpu.dma_semaphore, #tpu.memory_space<semaphore_mem>>
    %dma_wait3A_617 = tpu.memref_squeeze %dma_wait3A_616 : memref<1x!tpu.dma_semaphore, #tpu.memory_space<semaphore_mem>> -> memref<!tpu.dma_semaphore, #tpu.memory_space<semaphore_mem>>
    %dma_wait3A_618 = arith.constant 3 : i32
    %dma_wait3A_619 = arith.constant 0 : i32
    %dma_wait3A_620 = arith.constant 0 : i32
    %dma_wait3A_621 = tpu.memref_slice %arg7[%dma_wait3A_605, %dma_wait3A_618, %dma_wait3A_619, %dma_wait3A_620] : memref<4x8x24x128xf32, #tpu.memory_space<vmem>> -> memref<1x1x24x128xf32, #tpu.memory_space<vmem>>
    %dma_wait3A_622 = tpu.memref_squeeze %dma_wait3A_621 : memref<1x1x24x128xf32, #tpu.memory_space<vmem>> -> memref<1x24x128xf32, #tpu.memory_space<vmem>>
    %dma_wait3A_623 = arith.constant 0 : i32
    %dma_wait3A_624 = arith.constant 0 : i32
    %dma_wait3A_625 = arith.constant 0 : i32
    %dma_wait3A_626 = tpu.memref_slice %arg2[%dma_wait3A_623, %dma_wait3A_624, %dma_wait3A_625] : memref<16384x24x128xf32, #tpu.memory_space<hbm>> -> memref<1x24x128xf32, #tpu.memory_space<hbm>>
    tpu.wait_dma2 semaphore(%dma_wait3A_617 : memref<!tpu.dma_semaphore, #tpu.memory_space<semaphore_mem>>) src(%dma_wait3A_626 : memref<1x24x128xf32, #tpu.memory_space<hbm>>) dst(%dma_wait3A_622 : memref<1x24x128xf32, #tpu.memory_space<vmem>>)
    %dma_wait3A_627 = arith.constant 0 : i32
    %dma_wait3A_628 = arith.constant 0 : i32
    %dma_wait3A_629 = arith.constant 4 : i32
    %dma_wait3A_630 = arith.constant 0 : i32
    %dma_wait3A_631 = arith.constant 0 : i32
    %dma_wait3A_632 = tpu.memref_slice %arg7[%dma_wait3A_627, %dma_wait3A_629, %dma_wait3A_630, %dma_wait3A_631] : memref<4x8x24x128xf32, #tpu.memory_space<vmem>> -> memref<1x1x24x128xf32, #tpu.memory_space<vmem>>
    %dma_wait3A_633 = tpu.memref_squeeze %dma_wait3A_632 : memref<1x1x24x128xf32, #tpu.memory_space<vmem>> -> memref<1x24x128xf32, #tpu.memory_space<vmem>>
    %dma_wait3A_634 = arith.constant 0 : i32
    %dma_wait3A_635 = arith.constant 0 : i32
    %dma_wait3A_636 = arith.constant 0 : i32
    %dma_wait3A_637 = tpu.memref_slice %arg2[%dma_wait3A_634, %dma_wait3A_635, %dma_wait3A_636] : memref<16384x24x128xf32, #tpu.memory_space<hbm>> -> memref<1x24x128xf32, #tpu.memory_space<hbm>>
    %dma_wait3A_638 = tpu.memref_slice %arg9[%dma_wait3A_628] : memref<4x!tpu.dma_semaphore, #tpu.memory_space<semaphore_mem>> -> memref<1x!tpu.dma_semaphore, #tpu.memory_space<semaphore_mem>>
    %dma_wait3A_639 = tpu.memref_squeeze %dma_wait3A_638 : memref<1x!tpu.dma_semaphore, #tpu.memory_space<semaphore_mem>> -> memref<!tpu.dma_semaphore, #tpu.memory_space<semaphore_mem>>
    %dma_wait3A_640 = arith.constant 4 : i32
    %dma_wait3A_641 = arith.constant 0 : i32
    %dma_wait3A_642 = arith.constant 0 : i32
    %dma_wait3A_643 = tpu.memref_slice %arg7[%dma_wait3A_627, %dma_wait3A_640, %dma_wait3A_641, %dma_wait3A_642] : memref<4x8x24x128xf32, #tpu.memory_space<vmem>> -> memref<1x1x24x128xf32, #tpu.memory_space<vmem>>
    %dma_wait3A_644 = tpu.memref_squeeze %dma_wait3A_643 : memref<1x1x24x128xf32, #tpu.memory_space<vmem>> -> memref<1x24x128xf32, #tpu.memory_space<vmem>>
    %dma_wait3A_645 = arith.constant 0 : i32
    %dma_wait3A_646 = arith.constant 0 : i32
    %dma_wait3A_647 = arith.constant 0 : i32
    %dma_wait3A_648 = tpu.memref_slice %arg2[%dma_wait3A_645, %dma_wait3A_646, %dma_wait3A_647] : memref<16384x24x128xf32, #tpu.memory_space<hbm>> -> memref<1x24x128xf32, #tpu.memory_space<hbm>>
    tpu.wait_dma2 semaphore(%dma_wait3A_639 : memref<!tpu.dma_semaphore, #tpu.memory_space<semaphore_mem>>) src(%dma_wait3A_648 : memref<1x24x128xf32, #tpu.memory_space<hbm>>) dst(%dma_wait3A_644 : memref<1x24x128xf32, #tpu.memory_space<vmem>>)
    %dma_wait3A_649 = arith.constant 0 : i32
    %dma_wait3A_650 = arith.constant 0 : i32
    %dma_wait3A_651 = arith.constant 5 : i32
    %dma_wait3A_652 = arith.constant 0 : i32
    %dma_wait3A_653 = arith.constant 0 : i32
    %dma_wait3A_654 = tpu.memref_slice %arg7[%dma_wait3A_649, %dma_wait3A_651, %dma_wait3A_652, %dma_wait3A_653] : memref<4x8x24x128xf32, #tpu.memory_space<vmem>> -> memref<1x1x24x128xf32, #tpu.memory_space<vmem>>
    %dma_wait3A_655 = tpu.memref_squeeze %dma_wait3A_654 : memref<1x1x24x128xf32, #tpu.memory_space<vmem>> -> memref<1x24x128xf32, #tpu.memory_space<vmem>>
    %dma_wait3A_656 = arith.constant 0 : i32
    %dma_wait3A_657 = arith.constant 0 : i32
    %dma_wait3A_658 = arith.constant 0 : i32
    %dma_wait3A_659 = tpu.memref_slice %arg2[%dma_wait3A_656, %dma_wait3A_657, %dma_wait3A_658] : memref<16384x24x128xf32, #tpu.memory_space<hbm>> -> memref<1x24x128xf32, #tpu.memory_space<hbm>>
    %dma_wait3A_660 = tpu.memref_slice %arg9[%dma_wait3A_650] : memref<4x!tpu.dma_semaphore, #tpu.memory_space<semaphore_mem>> -> memref<1x!tpu.dma_semaphore, #tpu.memory_space<semaphore_mem>>
    %dma_wait3A_661 = tpu.memref_squeeze %dma_wait3A_660 : memref<1x!tpu.dma_semaphore, #tpu.memory_space<semaphore_mem>> -> memref<!tpu.dma_semaphore, #tpu.memory_space<semaphore_mem>>
    %dma_wait3A_662 = arith.constant 5 : i32
    %dma_wait3A_663 = arith.constant 0 : i32
    %dma_wait3A_664 = arith.constant 0 : i32
    %dma_wait3A_665 = tpu.memref_slice %arg7[%dma_wait3A_649, %dma_wait3A_662, %dma_wait3A_663, %dma_wait3A_664] : memref<4x8x24x128xf32, #tpu.memory_space<vmem>> -> memref<1x1x24x128xf32, #tpu.memory_space<vmem>>
    %dma_wait3A_666 = tpu.memref_squeeze %dma_wait3A_665 : memref<1x1x24x128xf32, #tpu.memory_space<vmem>> -> memref<1x24x128xf32, #tpu.memory_space<vmem>>
    %dma_wait3A_667 = arith.constant 0 : i32
    %dma_wait3A_668 = arith.constant 0 : i32
    %dma_wait3A_669 = arith.constant 0 : i32
    %dma_wait3A_670 = tpu.memref_slice %arg2[%dma_wait3A_667, %dma_wait3A_668, %dma_wait3A_669] : memref<16384x24x128xf32, #tpu.memory_space<hbm>> -> memref<1x24x128xf32, #tpu.memory_space<hbm>>
    tpu.wait_dma2 semaphore(%dma_wait3A_661 : memref<!tpu.dma_semaphore, #tpu.memory_space<semaphore_mem>>) src(%dma_wait3A_670 : memref<1x24x128xf32, #tpu.memory_space<hbm>>) dst(%dma_wait3A_666 : memref<1x24x128xf32, #tpu.memory_space<vmem>>)
    %dma_wait3A_671 = arith.constant 0 : i32
    %dma_wait3A_672 = arith.constant 0 : i32
    %dma_wait3A_673 = arith.constant 6 : i32
    %dma_wait3A_674 = arith.constant 0 : i32
    %dma_wait3A_675 = arith.constant 0 : i32
    %dma_wait3A_676 = tpu.memref_slice %arg7[%dma_wait3A_671, %dma_wait3A_673, %dma_wait3A_674, %dma_wait3A_675] : memref<4x8x24x128xf32, #tpu.memory_space<vmem>> -> memref<1x1x24x128xf32, #tpu.memory_space<vmem>>
    %dma_wait3A_677 = tpu.memref_squeeze %dma_wait3A_676 : memref<1x1x24x128xf32, #tpu.memory_space<vmem>> -> memref<1x24x128xf32, #tpu.memory_space<vmem>>
    %dma_wait3A_678 = arith.constant 0 : i32
    %dma_wait3A_679 = arith.constant 0 : i32
    %dma_wait3A_680 = arith.constant 0 : i32
    %dma_wait3A_681 = tpu.memref_slice %arg2[%dma_wait3A_678, %dma_wait3A_679, %dma_wait3A_680] : memref<16384x24x128xf32, #tpu.memory_space<hbm>> -> memref<1x24x128xf32, #tpu.memory_space<hbm>>
    %dma_wait3A_682 = tpu.memref_slice %arg9[%dma_wait3A_672] : memref<4x!tpu.dma_semaphore, #tpu.memory_space<semaphore_mem>> -> memref<1x!tpu.dma_semaphore, #tpu.memory_space<semaphore_mem>>
    %dma_wait3A_683 = tpu.memref_squeeze %dma_wait3A_682 : memref<1x!tpu.dma_semaphore, #tpu.memory_space<semaphore_mem>> -> memref<!tpu.dma_semaphore, #tpu.memory_space<semaphore_mem>>
    %dma_wait3A_684 = arith.constant 6 : i32
    %dma_wait3A_685 = arith.constant 0 : i32
    %dma_wait3A_686 = arith.constant 0 : i32
    %dma_wait3A_687 = tpu.memref_slice %arg7[%dma_wait3A_671, %dma_wait3A_684, %dma_wait3A_685, %dma_wait3A_686] : memref<4x8x24x128xf32, #tpu.memory_space<vmem>> -> memref<1x1x24x128xf32, #tpu.memory_space<vmem>>
    %dma_wait3A_688 = tpu.memref_squeeze %dma_wait3A_687 : memref<1x1x24x128xf32, #tpu.memory_space<vmem>> -> memref<1x24x128xf32, #tpu.memory_space<vmem>>
    %dma_wait3A_689 = arith.constant 0 : i32
    %dma_wait3A_690 = arith.constant 0 : i32
    %dma_wait3A_691 = arith.constant 0 : i32
    %dma_wait3A_692 = tpu.memref_slice %arg2[%dma_wait3A_689, %dma_wait3A_690, %dma_wait3A_691] : memref<16384x24x128xf32, #tpu.memory_space<hbm>> -> memref<1x24x128xf32, #tpu.memory_space<hbm>>
    tpu.wait_dma2 semaphore(%dma_wait3A_683 : memref<!tpu.dma_semaphore, #tpu.memory_space<semaphore_mem>>) src(%dma_wait3A_692 : memref<1x24x128xf32, #tpu.memory_space<hbm>>) dst(%dma_wait3A_688 : memref<1x24x128xf32, #tpu.memory_space<vmem>>)
    %dma_wait3A_693 = arith.constant 0 : i32
    %dma_wait3A_694 = arith.constant 0 : i32
    %dma_wait3A_695 = arith.constant 7 : i32
    %dma_wait3A_696 = arith.constant 0 : i32
    %dma_wait3A_697 = arith.constant 0 : i32
    %dma_wait3A_698 = tpu.memref_slice %arg7[%dma_wait3A_693, %dma_wait3A_695, %dma_wait3A_696, %dma_wait3A_697] : memref<4x8x24x128xf32, #tpu.memory_space<vmem>> -> memref<1x1x24x128xf32, #tpu.memory_space<vmem>>
    %dma_wait3A_699 = tpu.memref_squeeze %dma_wait3A_698 : memref<1x1x24x128xf32, #tpu.memory_space<vmem>> -> memref<1x24x128xf32, #tpu.memory_space<vmem>>
    %dma_wait3A_700 = arith.constant 0 : i32
    %dma_wait3A_701 = arith.constant 0 : i32
    %dma_wait3A_702 = arith.constant 0 : i32
    %dma_wait3A_703 = tpu.memref_slice %arg2[%dma_wait3A_700, %dma_wait3A_701, %dma_wait3A_702] : memref<16384x24x128xf32, #tpu.memory_space<hbm>> -> memref<1x24x128xf32, #tpu.memory_space<hbm>>
    %dma_wait3A_704 = tpu.memref_slice %arg9[%dma_wait3A_694] : memref<4x!tpu.dma_semaphore, #tpu.memory_space<semaphore_mem>> -> memref<1x!tpu.dma_semaphore, #tpu.memory_space<semaphore_mem>>
    %dma_wait3A_705 = tpu.memref_squeeze %dma_wait3A_704 : memref<1x!tpu.dma_semaphore, #tpu.memory_space<semaphore_mem>> -> memref<!tpu.dma_semaphore, #tpu.memory_space<semaphore_mem>>
    %dma_wait3A_706 = arith.constant 7 : i32
    %dma_wait3A_707 = arith.constant 0 : i32
    %dma_wait3A_708 = arith.constant 0 : i32
    %dma_wait3A_709 = tpu.memref_slice %arg7[%dma_wait3A_693, %dma_wait3A_706, %dma_wait3A_707, %dma_wait3A_708] : memref<4x8x24x128xf32, #tpu.memory_space<vmem>> -> memref<1x1x24x128xf32, #tpu.memory_space<vmem>>
    %dma_wait3A_710 = tpu.memref_squeeze %dma_wait3A_709 : memref<1x1x24x128xf32, #tpu.memory_space<vmem>> -> memref<1x24x128xf32, #tpu.memory_space<vmem>>
    %dma_wait3A_711 = arith.constant 0 : i32
    %dma_wait3A_712 = arith.constant 0 : i32
    %dma_wait3A_713 = arith.constant 0 : i32
    %dma_wait3A_714 = tpu.memref_slice %arg2[%dma_wait3A_711, %dma_wait3A_712, %dma_wait3A_713] : memref<16384x24x128xf32, #tpu.memory_space<hbm>> -> memref<1x24x128xf32, #tpu.memory_space<hbm>>
    tpu.wait_dma2 semaphore(%dma_wait3A_705 : memref<!tpu.dma_semaphore, #tpu.memory_space<semaphore_mem>>) src(%dma_wait3A_714 : memref<1x24x128xf32, #tpu.memory_space<hbm>>) dst(%dma_wait3A_710 : memref<1x24x128xf32, #tpu.memory_space<vmem>>)
    %add3A_715 = arith.constant 0 : i32
    %add3A_716 = arith.addi %mul3A_2, %add3A_715 : i32
    %dma_start3A = arith.constant 0 : i32
    %dma_start3A_717 = arith.constant 0 : i32
    %dma_start3A_718 = arith.constant 0 : i32
    %dma_start3A_719 = arith.constant 0 : i32
    %dma_start3A_720 = arith.constant 0 : i32
    %dma_start3A_721 = tpu.memref_slice %arg7[%dma_start3A, %dma_start3A_718, %dma_start3A_719, %dma_start3A_720] : memref<4x8x24x128xf32, #tpu.memory_space<vmem>> -> memref<1x8x24x128xf32, #tpu.memory_space<vmem>>
    %dma_start3A_722 = tpu.memref_squeeze %dma_start3A_721 : memref<1x8x24x128xf32, #tpu.memory_space<vmem>> -> memref<8x24x128xf32, #tpu.memory_space<vmem>>
    %dma_start3A_723 = arith.constant 0 : i32
    %dma_start3A_724 = arith.constant 0 : i32
    %dma_start3A_725 = tpu.memref_slice %arg5[%add3A_716, %dma_start3A_723, %dma_start3A_724] : memref<1024x24x128xf32, #tpu.memory_space<hbm>> -> memref<8x24x128xf32, #tpu.memory_space<hbm>>
    %dma_start3A_726 = tpu.memref_slice %arg10[%dma_start3A_717] : memref<4x!tpu.dma_semaphore, #tpu.memory_space<semaphore_mem>> -> memref<1x!tpu.dma_semaphore, #tpu.memory_space<semaphore_mem>>
    %dma_start3A_727 = tpu.memref_squeeze %dma_start3A_726 : memref<1x!tpu.dma_semaphore, #tpu.memory_space<semaphore_mem>> -> memref<!tpu.dma_semaphore, #tpu.memory_space<semaphore_mem>>
    %dma_start3A_728 = arith.constant 0 : i32
    %dma_start3A_729 = arith.constant 0 : i32
    %dma_start3A_730 = tpu.memref_slice %arg5[%add3A_716, %dma_start3A_728, %dma_start3A_729] : memref<1024x24x128xf32, #tpu.memory_space<hbm>> -> memref<8x24x128xf32, #tpu.memory_space<hbm>>
    %dma_start3A_731 = arith.constant 0 : i32
    %dma_start3A_732 = arith.constant 0 : i32
    %dma_start3A_733 = arith.constant 0 : i32
    %dma_start3A_734 = tpu.memref_slice %arg7[%dma_start3A, %dma_start3A_731, %dma_start3A_732, %dma_start3A_733] : memref<4x8x24x128xf32, #tpu.memory_space<vmem>> -> memref<1x8x24x128xf32, #tpu.memory_space<vmem>>
    %dma_start3A_735 = tpu.memref_squeeze %dma_start3A_734 : memref<1x8x24x128xf32, #tpu.memory_space<vmem>> -> memref<8x24x128xf32, #tpu.memory_space<vmem>>
    tpu.enqueue_dma source(%dma_start3A_735 : memref<8x24x128xf32, #tpu.memory_space<vmem>>) target(%dma_start3A_730 : memref<8x24x128xf32, #tpu.memory_space<hbm>>) target_semaphore(%dma_start3A_727 : memref<!tpu.dma_semaphore, #tpu.memory_space<semaphore_mem>>)
    %dma_wait3A_736 = arith.constant 1 : i32
    %dma_wait3A_737 = arith.constant 1 : i32
    %dma_wait3A_738 = arith.constant 0 : i32
    %dma_wait3A_739 = arith.constant 0 : i32
    %dma_wait3A_740 = arith.constant 0 : i32
    %dma_wait3A_741 = tpu.memref_slice %arg7[%dma_wait3A_736, %dma_wait3A_738, %dma_wait3A_739, %dma_wait3A_740] : memref<4x8x24x128xf32, #tpu.memory_space<vmem>> -> memref<1x1x24x128xf32, #tpu.memory_space<vmem>>
    %dma_wait3A_742 = tpu.memref_squeeze %dma_wait3A_741 : memref<1x1x24x128xf32, #tpu.memory_space<vmem>> -> memref<1x24x128xf32, #tpu.memory_space<vmem>>
    %dma_wait3A_743 = arith.constant 0 : i32
    %dma_wait3A_744 = arith.constant 0 : i32
    %dma_wait3A_745 = arith.constant 0 : i32
    %dma_wait3A_746 = tpu.memref_slice %arg2[%dma_wait3A_743, %dma_wait3A_744, %dma_wait3A_745] : memref<16384x24x128xf32, #tpu.memory_space<hbm>> -> memref<1x24x128xf32, #tpu.memory_space<hbm>>
    %dma_wait3A_747 = tpu.memref_slice %arg9[%dma_wait3A_737] : memref<4x!tpu.dma_semaphore, #tpu.memory_space<semaphore_mem>> -> memref<1x!tpu.dma_semaphore, #tpu.memory_space<semaphore_mem>>
    %dma_wait3A_748 = tpu.memref_squeeze %dma_wait3A_747 : memref<1x!tpu.dma_semaphore, #tpu.memory_space<semaphore_mem>> -> memref<!tpu.dma_semaphore, #tpu.memory_space<semaphore_mem>>
    %dma_wait3A_749 = arith.constant 0 : i32
    %dma_wait3A_750 = arith.constant 0 : i32
    %dma_wait3A_751 = arith.constant 0 : i32
    %dma_wait3A_752 = tpu.memref_slice %arg7[%dma_wait3A_736, %dma_wait3A_749, %dma_wait3A_750, %dma_wait3A_751] : memref<4x8x24x128xf32, #tpu.memory_space<vmem>> -> memref<1x1x24x128xf32, #tpu.memory_space<vmem>>
    %dma_wait3A_753 = tpu.memref_squeeze %dma_wait3A_752 : memref<1x1x24x128xf32, #tpu.memory_space<vmem>> -> memref<1x24x128xf32, #tpu.memory_space<vmem>>
    %dma_wait3A_754 = arith.constant 0 : i32
    %dma_wait3A_755 = arith.constant 0 : i32
    %dma_wait3A_756 = arith.constant 0 : i32
    %dma_wait3A_757 = tpu.memref_slice %arg2[%dma_wait3A_754, %dma_wait3A_755, %dma_wait3A_756] : memref<16384x24x128xf32, #tpu.memory_space<hbm>> -> memref<1x24x128xf32, #tpu.memory_space<hbm>>
    tpu.wait_dma2 semaphore(%dma_wait3A_748 : memref<!tpu.dma_semaphore, #tpu.memory_space<semaphore_mem>>) src(%dma_wait3A_757 : memref<1x24x128xf32, #tpu.memory_space<hbm>>) dst(%dma_wait3A_753 : memref<1x24x128xf32, #tpu.memory_space<vmem>>)
    %dma_wait3A_758 = arith.constant 1 : i32
    %dma_wait3A_759 = arith.constant 1 : i32
    %dma_wait3A_760 = arith.constant 1 : i32
    %dma_wait3A_761 = arith.constant 0 : i32
    %dma_wait3A_762 = arith.constant 0 : i32
    %dma_wait3A_763 = tpu.memref_slice %arg7[%dma_wait3A_758, %dma_wait3A_760, %dma_wait3A_761, %dma_wait3A_762] : memref<4x8x24x128xf32, #tpu.memory_space<vmem>> -> memref<1x1x24x128xf32, #tpu.memory_space<vmem>>
    %dma_wait3A_764 = tpu.memref_squeeze %dma_wait3A_763 : memref<1x1x24x128xf32, #tpu.memory_space<vmem>> -> memref<1x24x128xf32, #tpu.memory_space<vmem>>
    %dma_wait3A_765 = arith.constant 0 : i32
    %dma_wait3A_766 = arith.constant 0 : i32
    %dma_wait3A_767 = arith.constant 0 : i32
    %dma_wait3A_768 = tpu.memref_slice %arg2[%dma_wait3A_765, %dma_wait3A_766, %dma_wait3A_767] : memref<16384x24x128xf32, #tpu.memory_space<hbm>> -> memref<1x24x128xf32, #tpu.memory_space<hbm>>
    %dma_wait3A_769 = tpu.memref_slice %arg9[%dma_wait3A_759] : memref<4x!tpu.dma_semaphore, #tpu.memory_space<semaphore_mem>> -> memref<1x!tpu.dma_semaphore, #tpu.memory_space<semaphore_mem>>
    %dma_wait3A_770 = tpu.memref_squeeze %dma_wait3A_769 : memref<1x!tpu.dma_semaphore, #tpu.memory_space<semaphore_mem>> -> memref<!tpu.dma_semaphore, #tpu.memory_space<semaphore_mem>>
    %dma_wait3A_771 = arith.constant 1 : i32
    %dma_wait3A_772 = arith.constant 0 : i32
    %dma_wait3A_773 = arith.constant 0 : i32
    %dma_wait3A_774 = tpu.memref_slice %arg7[%dma_wait3A_758, %dma_wait3A_771, %dma_wait3A_772, %dma_wait3A_773] : memref<4x8x24x128xf32, #tpu.memory_space<vmem>> -> memref<1x1x24x128xf32, #tpu.memory_space<vmem>>
    %dma_wait3A_775 = tpu.memref_squeeze %dma_wait3A_774 : memref<1x1x24x128xf32, #tpu.memory_space<vmem>> -> memref<1x24x128xf32, #tpu.memory_space<vmem>>
    %dma_wait3A_776 = arith.constant 0 : i32
    %dma_wait3A_777 = arith.constant 0 : i32
    %dma_wait3A_778 = arith.constant 0 : i32
    %dma_wait3A_779 = tpu.memref_slice %arg2[%dma_wait3A_776, %dma_wait3A_777, %dma_wait3A_778] : memref<16384x24x128xf32, #tpu.memory_space<hbm>> -> memref<1x24x128xf32, #tpu.memory_space<hbm>>
    tpu.wait_dma2 semaphore(%dma_wait3A_770 : memref<!tpu.dma_semaphore, #tpu.memory_space<semaphore_mem>>) src(%dma_wait3A_779 : memref<1x24x128xf32, #tpu.memory_space<hbm>>) dst(%dma_wait3A_775 : memref<1x24x128xf32, #tpu.memory_space<vmem>>)
    %dma_wait3A_780 = arith.constant 1 : i32
    %dma_wait3A_781 = arith.constant 1 : i32
    %dma_wait3A_782 = arith.constant 2 : i32
    %dma_wait3A_783 = arith.constant 0 : i32
    %dma_wait3A_784 = arith.constant 0 : i32
    %dma_wait3A_785 = tpu.memref_slice %arg7[%dma_wait3A_780, %dma_wait3A_782, %dma_wait3A_783, %dma_wait3A_784] : memref<4x8x24x128xf32, #tpu.memory_space<vmem>> -> memref<1x1x24x128xf32, #tpu.memory_space<vmem>>
    %dma_wait3A_786 = tpu.memref_squeeze %dma_wait3A_785 : memref<1x1x24x128xf32, #tpu.memory_space<vmem>> -> memref<1x24x128xf32, #tpu.memory_space<vmem>>
    %dma_wait3A_787 = arith.constant 0 : i32
    %dma_wait3A_788 = arith.constant 0 : i32
    %dma_wait3A_789 = arith.constant 0 : i32
    %dma_wait3A_790 = tpu.memref_slice %arg2[%dma_wait3A_787, %dma_wait3A_788, %dma_wait3A_789] : memref<16384x24x128xf32, #tpu.memory_space<hbm>> -> memref<1x24x128xf32, #tpu.memory_space<hbm>>
    %dma_wait3A_791 = tpu.memref_slice %arg9[%dma_wait3A_781] : memref<4x!tpu.dma_semaphore, #tpu.memory_space<semaphore_mem>> -> memref<1x!tpu.dma_semaphore, #tpu.memory_space<semaphore_mem>>
    %dma_wait3A_792 = tpu.memref_squeeze %dma_wait3A_791 : memref<1x!tpu.dma_semaphore, #tpu.memory_space<semaphore_mem>> -> memref<!tpu.dma_semaphore, #tpu.memory_space<semaphore_mem>>
    %dma_wait3A_793 = arith.constant 2 : i32
    %dma_wait3A_794 = arith.constant 0 : i32
    %dma_wait3A_795 = arith.constant 0 : i32
    %dma_wait3A_796 = tpu.memref_slice %arg7[%dma_wait3A_780, %dma_wait3A_793, %dma_wait3A_794, %dma_wait3A_795] : memref<4x8x24x128xf32, #tpu.memory_space<vmem>> -> memref<1x1x24x128xf32, #tpu.memory_space<vmem>>
    %dma_wait3A_797 = tpu.memref_squeeze %dma_wait3A_796 : memref<1x1x24x128xf32, #tpu.memory_space<vmem>> -> memref<1x24x128xf32, #tpu.memory_space<vmem>>
    %dma_wait3A_798 = arith.constant 0 : i32
    %dma_wait3A_799 = arith.constant 0 : i32
    %dma_wait3A_800 = arith.constant 0 : i32
    %dma_wait3A_801 = tpu.memref_slice %arg2[%dma_wait3A_798, %dma_wait3A_799, %dma_wait3A_800] : memref<16384x24x128xf32, #tpu.memory_space<hbm>> -> memref<1x24x128xf32, #tpu.memory_space<hbm>>
    tpu.wait_dma2 semaphore(%dma_wait3A_792 : memref<!tpu.dma_semaphore, #tpu.memory_space<semaphore_mem>>) src(%dma_wait3A_801 : memref<1x24x128xf32, #tpu.memory_space<hbm>>) dst(%dma_wait3A_797 : memref<1x24x128xf32, #tpu.memory_space<vmem>>)
    %dma_wait3A_802 = arith.constant 1 : i32
    %dma_wait3A_803 = arith.constant 1 : i32
    %dma_wait3A_804 = arith.constant 3 : i32
    %dma_wait3A_805 = arith.constant 0 : i32
    %dma_wait3A_806 = arith.constant 0 : i32
    %dma_wait3A_807 = tpu.memref_slice %arg7[%dma_wait3A_802, %dma_wait3A_804, %dma_wait3A_805, %dma_wait3A_806] : memref<4x8x24x128xf32, #tpu.memory_space<vmem>> -> memref<1x1x24x128xf32, #tpu.memory_space<vmem>>
    %dma_wait3A_808 = tpu.memref_squeeze %dma_wait3A_807 : memref<1x1x24x128xf32, #tpu.memory_space<vmem>> -> memref<1x24x128xf32, #tpu.memory_space<vmem>>
    %dma_wait3A_809 = arith.constant 0 : i32
    %dma_wait3A_810 = arith.constant 0 : i32
    %dma_wait3A_811 = arith.constant 0 : i32
    %dma_wait3A_812 = tpu.memref_slice %arg2[%dma_wait3A_809, %dma_wait3A_810, %dma_wait3A_811] : memref<16384x24x128xf32, #tpu.memory_space<hbm>> -> memref<1x24x128xf32, #tpu.memory_space<hbm>>
    %dma_wait3A_813 = tpu.memref_slice %arg9[%dma_wait3A_803] : memref<4x!tpu.dma_semaphore, #tpu.memory_space<semaphore_mem>> -> memref<1x!tpu.dma_semaphore, #tpu.memory_space<semaphore_mem>>
    %dma_wait3A_814 = tpu.memref_squeeze %dma_wait3A_813 : memref<1x!tpu.dma_semaphore, #tpu.memory_space<semaphore_mem>> -> memref<!tpu.dma_semaphore, #tpu.memory_space<semaphore_mem>>
    %dma_wait3A_815 = arith.constant 3 : i32
    %dma_wait3A_816 = arith.constant 0 : i32
    %dma_wait3A_817 = arith.constant 0 : i32
    %dma_wait3A_818 = tpu.memref_slice %arg7[%dma_wait3A_802, %dma_wait3A_815, %dma_wait3A_816, %dma_wait3A_817] : memref<4x8x24x128xf32, #tpu.memory_space<vmem>> -> memref<1x1x24x128xf32, #tpu.memory_space<vmem>>
    %dma_wait3A_819 = tpu.memref_squeeze %dma_wait3A_818 : memref<1x1x24x128xf32, #tpu.memory_space<vmem>> -> memref<1x24x128xf32, #tpu.memory_space<vmem>>
    %dma_wait3A_820 = arith.constant 0 : i32
    %dma_wait3A_821 = arith.constant 0 : i32
    %dma_wait3A_822 = arith.constant 0 : i32
    %dma_wait3A_823 = tpu.memref_slice %arg2[%dma_wait3A_820, %dma_wait3A_821, %dma_wait3A_822] : memref<16384x24x128xf32, #tpu.memory_space<hbm>> -> memref<1x24x128xf32, #tpu.memory_space<hbm>>
    tpu.wait_dma2 semaphore(%dma_wait3A_814 : memref<!tpu.dma_semaphore, #tpu.memory_space<semaphore_mem>>) src(%dma_wait3A_823 : memref<1x24x128xf32, #tpu.memory_space<hbm>>) dst(%dma_wait3A_819 : memref<1x24x128xf32, #tpu.memory_space<vmem>>)
    %dma_wait3A_824 = arith.constant 1 : i32
    %dma_wait3A_825 = arith.constant 1 : i32
    %dma_wait3A_826 = arith.constant 4 : i32
    %dma_wait3A_827 = arith.constant 0 : i32
    %dma_wait3A_828 = arith.constant 0 : i32
    %dma_wait3A_829 = tpu.memref_slice %arg7[%dma_wait3A_824, %dma_wait3A_826, %dma_wait3A_827, %dma_wait3A_828] : memref<4x8x24x128xf32, #tpu.memory_space<vmem>> -> memref<1x1x24x128xf32, #tpu.memory_space<vmem>>
    %dma_wait3A_830 = tpu.memref_squeeze %dma_wait3A_829 : memref<1x1x24x128xf32, #tpu.memory_space<vmem>> -> memref<1x24x128xf32, #tpu.memory_space<vmem>>
    %dma_wait3A_831 = arith.constant 0 : i32
    %dma_wait3A_832 = arith.constant 0 : i32
    %dma_wait3A_833 = arith.constant 0 : i32
    %dma_wait3A_834 = tpu.memref_slice %arg2[%dma_wait3A_831, %dma_wait3A_832, %dma_wait3A_833] : memref<16384x24x128xf32, #tpu.memory_space<hbm>> -> memref<1x24x128xf32, #tpu.memory_space<hbm>>
    %dma_wait3A_835 = tpu.memref_slice %arg9[%dma_wait3A_825] : memref<4x!tpu.dma_semaphore, #tpu.memory_space<semaphore_mem>> -> memref<1x!tpu.dma_semaphore, #tpu.memory_space<semaphore_mem>>
    %dma_wait3A_836 = tpu.memref_squeeze %dma_wait3A_835 : memref<1x!tpu.dma_semaphore, #tpu.memory_space<semaphore_mem>> -> memref<!tpu.dma_semaphore, #tpu.memory_space<semaphore_mem>>
    %dma_wait3A_837 = arith.constant 4 : i32
    %dma_wait3A_838 = arith.constant 0 : i32
    %dma_wait3A_839 = arith.constant 0 : i32
    %dma_wait3A_840 = tpu.memref_slice %arg7[%dma_wait3A_824, %dma_wait3A_837, %dma_wait3A_838, %dma_wait3A_839] : memref<4x8x24x128xf32, #tpu.memory_space<vmem>> -> memref<1x1x24x128xf32, #tpu.memory_space<vmem>>
    %dma_wait3A_841 = tpu.memref_squeeze %dma_wait3A_840 : memref<1x1x24x128xf32, #tpu.memory_space<vmem>> -> memref<1x24x128xf32, #tpu.memory_space<vmem>>
    %dma_wait3A_842 = arith.constant 0 : i32
    %dma_wait3A_843 = arith.constant 0 : i32
    %dma_wait3A_844 = arith.constant 0 : i32
    %dma_wait3A_845 = tpu.memref_slice %arg2[%dma_wait3A_842, %dma_wait3A_843, %dma_wait3A_844] : memref<16384x24x128xf32, #tpu.memory_space<hbm>> -> memref<1x24x128xf32, #tpu.memory_space<hbm>>
    tpu.wait_dma2 semaphore(%dma_wait3A_836 : memref<!tpu.dma_semaphore, #tpu.memory_space<semaphore_mem>>) src(%dma_wait3A_845 : memref<1x24x128xf32, #tpu.memory_space<hbm>>) dst(%dma_wait3A_841 : memref<1x24x128xf32, #tpu.memory_space<vmem>>)
    %dma_wait3A_846 = arith.constant 1 : i32
    %dma_wait3A_847 = arith.constant 1 : i32
    %dma_wait3A_848 = arith.constant 5 : i32
    %dma_wait3A_849 = arith.constant 0 : i32
    %dma_wait3A_850 = arith.constant 0 : i32
    %dma_wait3A_851 = tpu.memref_slice %arg7[%dma_wait3A_846, %dma_wait3A_848, %dma_wait3A_849, %dma_wait3A_850] : memref<4x8x24x128xf32, #tpu.memory_space<vmem>> -> memref<1x1x24x128xf32, #tpu.memory_space<vmem>>
    %dma_wait3A_852 = tpu.memref_squeeze %dma_wait3A_851 : memref<1x1x24x128xf32, #tpu.memory_space<vmem>> -> memref<1x24x128xf32, #tpu.memory_space<vmem>>
    %dma_wait3A_853 = arith.constant 0 : i32
    %dma_wait3A_854 = arith.constant 0 : i32
    %dma_wait3A_855 = arith.constant 0 : i32
    %dma_wait3A_856 = tpu.memref_slice %arg2[%dma_wait3A_853, %dma_wait3A_854, %dma_wait3A_855] : memref<16384x24x128xf32, #tpu.memory_space<hbm>> -> memref<1x24x128xf32, #tpu.memory_space<hbm>>
    %dma_wait3A_857 = tpu.memref_slice %arg9[%dma_wait3A_847] : memref<4x!tpu.dma_semaphore, #tpu.memory_space<semaphore_mem>> -> memref<1x!tpu.dma_semaphore, #tpu.memory_space<semaphore_mem>>
    %dma_wait3A_858 = tpu.memref_squeeze %dma_wait3A_857 : memref<1x!tpu.dma_semaphore, #tpu.memory_space<semaphore_mem>> -> memref<!tpu.dma_semaphore, #tpu.memory_space<semaphore_mem>>
    %dma_wait3A_859 = arith.constant 5 : i32
    %dma_wait3A_860 = arith.constant 0 : i32
    %dma_wait3A_861 = arith.constant 0 : i32
    %dma_wait3A_862 = tpu.memref_slice %arg7[%dma_wait3A_846, %dma_wait3A_859, %dma_wait3A_860, %dma_wait3A_861] : memref<4x8x24x128xf32, #tpu.memory_space<vmem>> -> memref<1x1x24x128xf32, #tpu.memory_space<vmem>>
    %dma_wait3A_863 = tpu.memref_squeeze %dma_wait3A_862 : memref<1x1x24x128xf32, #tpu.memory_space<vmem>> -> memref<1x24x128xf32, #tpu.memory_space<vmem>>
    %dma_wait3A_864 = arith.constant 0 : i32
    %dma_wait3A_865 = arith.constant 0 : i32
    %dma_wait3A_866 = arith.constant 0 : i32
    %dma_wait3A_867 = tpu.memref_slice %arg2[%dma_wait3A_864, %dma_wait3A_865, %dma_wait3A_866] : memref<16384x24x128xf32, #tpu.memory_space<hbm>> -> memref<1x24x128xf32, #tpu.memory_space<hbm>>
    tpu.wait_dma2 semaphore(%dma_wait3A_858 : memref<!tpu.dma_semaphore, #tpu.memory_space<semaphore_mem>>) src(%dma_wait3A_867 : memref<1x24x128xf32, #tpu.memory_space<hbm>>) dst(%dma_wait3A_863 : memref<1x24x128xf32, #tpu.memory_space<vmem>>)
    %dma_wait3A_868 = arith.constant 1 : i32
    %dma_wait3A_869 = arith.constant 1 : i32
    %dma_wait3A_870 = arith.constant 6 : i32
    %dma_wait3A_871 = arith.constant 0 : i32
    %dma_wait3A_872 = arith.constant 0 : i32
    %dma_wait3A_873 = tpu.memref_slice %arg7[%dma_wait3A_868, %dma_wait3A_870, %dma_wait3A_871, %dma_wait3A_872] : memref<4x8x24x128xf32, #tpu.memory_space<vmem>> -> memref<1x1x24x128xf32, #tpu.memory_space<vmem>>
    %dma_wait3A_874 = tpu.memref_squeeze %dma_wait3A_873 : memref<1x1x24x128xf32, #tpu.memory_space<vmem>> -> memref<1x24x128xf32, #tpu.memory_space<vmem>>
    %dma_wait3A_875 = arith.constant 0 : i32
    %dma_wait3A_876 = arith.constant 0 : i32
    %dma_wait3A_877 = arith.constant 0 : i32
    %dma_wait3A_878 = tpu.memref_slice %arg2[%dma_wait3A_875, %dma_wait3A_876, %dma_wait3A_877] : memref<16384x24x128xf32, #tpu.memory_space<hbm>> -> memref<1x24x128xf32, #tpu.memory_space<hbm>>
    %dma_wait3A_879 = tpu.memref_slice %arg9[%dma_wait3A_869] : memref<4x!tpu.dma_semaphore, #tpu.memory_space<semaphore_mem>> -> memref<1x!tpu.dma_semaphore, #tpu.memory_space<semaphore_mem>>
    %dma_wait3A_880 = tpu.memref_squeeze %dma_wait3A_879 : memref<1x!tpu.dma_semaphore, #tpu.memory_space<semaphore_mem>> -> memref<!tpu.dma_semaphore, #tpu.memory_space<semaphore_mem>>
    %dma_wait3A_881 = arith.constant 6 : i32
    %dma_wait3A_882 = arith.constant 0 : i32
    %dma_wait3A_883 = arith.constant 0 : i32
    %dma_wait3A_884 = tpu.memref_slice %arg7[%dma_wait3A_868, %dma_wait3A_881, %dma_wait3A_882, %dma_wait3A_883] : memref<4x8x24x128xf32, #tpu.memory_space<vmem>> -> memref<1x1x24x128xf32, #tpu.memory_space<vmem>>
    %dma_wait3A_885 = tpu.memref_squeeze %dma_wait3A_884 : memref<1x1x24x128xf32, #tpu.memory_space<vmem>> -> memref<1x24x128xf32, #tpu.memory_space<vmem>>
    %dma_wait3A_886 = arith.constant 0 : i32
    %dma_wait3A_887 = arith.constant 0 : i32
    %dma_wait3A_888 = arith.constant 0 : i32
    %dma_wait3A_889 = tpu.memref_slice %arg2[%dma_wait3A_886, %dma_wait3A_887, %dma_wait3A_888] : memref<16384x24x128xf32, #tpu.memory_space<hbm>> -> memref<1x24x128xf32, #tpu.memory_space<hbm>>
    tpu.wait_dma2 semaphore(%dma_wait3A_880 : memref<!tpu.dma_semaphore, #tpu.memory_space<semaphore_mem>>) src(%dma_wait3A_889 : memref<1x24x128xf32, #tpu.memory_space<hbm>>) dst(%dma_wait3A_885 : memref<1x24x128xf32, #tpu.memory_space<vmem>>)
    %dma_wait3A_890 = arith.constant 1 : i32
    %dma_wait3A_891 = arith.constant 1 : i32
    %dma_wait3A_892 = arith.constant 7 : i32
    %dma_wait3A_893 = arith.constant 0 : i32
    %dma_wait3A_894 = arith.constant 0 : i32
    %dma_wait3A_895 = tpu.memref_slice %arg7[%dma_wait3A_890, %dma_wait3A_892, %dma_wait3A_893, %dma_wait3A_894] : memref<4x8x24x128xf32, #tpu.memory_space<vmem>> -> memref<1x1x24x128xf32, #tpu.memory_space<vmem>>
    %dma_wait3A_896 = tpu.memref_squeeze %dma_wait3A_895 : memref<1x1x24x128xf32, #tpu.memory_space<vmem>> -> memref<1x24x128xf32, #tpu.memory_space<vmem>>
    %dma_wait3A_897 = arith.constant 0 : i32
    %dma_wait3A_898 = arith.constant 0 : i32
    %dma_wait3A_899 = arith.constant 0 : i32
    %dma_wait3A_900 = tpu.memref_slice %arg2[%dma_wait3A_897, %dma_wait3A_898, %dma_wait3A_899] : memref<16384x24x128xf32, #tpu.memory_space<hbm>> -> memref<1x24x128xf32, #tpu.memory_space<hbm>>
    %dma_wait3A_901 = tpu.memref_slice %arg9[%dma_wait3A_891] : memref<4x!tpu.dma_semaphore, #tpu.memory_space<semaphore_mem>> -> memref<1x!tpu.dma_semaphore, #tpu.memory_space<semaphore_mem>>
    %dma_wait3A_902 = tpu.memref_squeeze %dma_wait3A_901 : memref<1x!tpu.dma_semaphore, #tpu.memory_space<semaphore_mem>> -> memref<!tpu.dma_semaphore, #tpu.memory_space<semaphore_mem>>
    %dma_wait3A_903 = arith.constant 7 : i32
    %dma_wait3A_904 = arith.constant 0 : i32
    %dma_wait3A_905 = arith.constant 0 : i32
    %dma_wait3A_906 = tpu.memref_slice %arg7[%dma_wait3A_890, %dma_wait3A_903, %dma_wait3A_904, %dma_wait3A_905] : memref<4x8x24x128xf32, #tpu.memory_space<vmem>> -> memref<1x1x24x128xf32, #tpu.memory_space<vmem>>
    %dma_wait3A_907 = tpu.memref_squeeze %dma_wait3A_906 : memref<1x1x24x128xf32, #tpu.memory_space<vmem>> -> memref<1x24x128xf32, #tpu.memory_space<vmem>>
    %dma_wait3A_908 = arith.constant 0 : i32
    %dma_wait3A_909 = arith.constant 0 : i32
    %dma_wait3A_910 = arith.constant 0 : i32
    %dma_wait3A_911 = tpu.memref_slice %arg2[%dma_wait3A_908, %dma_wait3A_909, %dma_wait3A_910] : memref<16384x24x128xf32, #tpu.memory_space<hbm>> -> memref<1x24x128xf32, #tpu.memory_space<hbm>>
    tpu.wait_dma2 semaphore(%dma_wait3A_902 : memref<!tpu.dma_semaphore, #tpu.memory_space<semaphore_mem>>) src(%dma_wait3A_911 : memref<1x24x128xf32, #tpu.memory_space<hbm>>) dst(%dma_wait3A_907 : memref<1x24x128xf32, #tpu.memory_space<vmem>>)
    %add3A_912 = arith.constant 8 : i32
    %add3A_913 = arith.addi %mul3A_2, %add3A_912 : i32
    %dma_start3A_914 = arith.constant 1 : i32
    %dma_start3A_915 = arith.constant 1 : i32
    %dma_start3A_916 = arith.constant 0 : i32
    %dma_start3A_917 = arith.constant 0 : i32
    %dma_start3A_918 = arith.constant 0 : i32
    %dma_start3A_919 = tpu.memref_slice %arg7[%dma_start3A_914, %dma_start3A_916, %dma_start3A_917, %dma_start3A_918] : memref<4x8x24x128xf32, #tpu.memory_space<vmem>> -> memref<1x8x24x128xf32, #tpu.memory_space<vmem>>
    %dma_start3A_920 = tpu.memref_squeeze %dma_start3A_919 : memref<1x8x24x128xf32, #tpu.memory_space<vmem>> -> memref<8x24x128xf32, #tpu.memory_space<vmem>>
    %dma_start3A_921 = arith.constant 0 : i32
    %dma_start3A_922 = arith.constant 0 : i32
    %dma_start3A_923 = tpu.memref_slice %arg5[%add3A_913, %dma_start3A_921, %dma_start3A_922] : memref<1024x24x128xf32, #tpu.memory_space<hbm>> -> memref<8x24x128xf32, #tpu.memory_space<hbm>>
    %dma_start3A_924 = tpu.memref_slice %arg10[%dma_start3A_915] : memref<4x!tpu.dma_semaphore, #tpu.memory_space<semaphore_mem>> -> memref<1x!tpu.dma_semaphore, #tpu.memory_space<semaphore_mem>>
    %dma_start3A_925 = tpu.memref_squeeze %dma_start3A_924 : memref<1x!tpu.dma_semaphore, #tpu.memory_space<semaphore_mem>> -> memref<!tpu.dma_semaphore, #tpu.memory_space<semaphore_mem>>
    %dma_start3A_926 = arith.constant 0 : i32
    %dma_start3A_927 = arith.constant 0 : i32
    %dma_start3A_928 = tpu.memref_slice %arg5[%add3A_913, %dma_start3A_926, %dma_start3A_927] : memref<1024x24x128xf32, #tpu.memory_space<hbm>> -> memref<8x24x128xf32, #tpu.memory_space<hbm>>
    %dma_start3A_929 = arith.constant 0 : i32
    %dma_start3A_930 = arith.constant 0 : i32
    %dma_start3A_931 = arith.constant 0 : i32
    %dma_start3A_932 = tpu.memref_slice %arg7[%dma_start3A_914, %dma_start3A_929, %dma_start3A_930, %dma_start3A_931] : memref<4x8x24x128xf32, #tpu.memory_space<vmem>> -> memref<1x8x24x128xf32, #tpu.memory_space<vmem>>
    %dma_start3A_933 = tpu.memref_squeeze %dma_start3A_932 : memref<1x8x24x128xf32, #tpu.memory_space<vmem>> -> memref<8x24x128xf32, #tpu.memory_space<vmem>>
    tpu.enqueue_dma source(%dma_start3A_933 : memref<8x24x128xf32, #tpu.memory_space<vmem>>) target(%dma_start3A_928 : memref<8x24x128xf32, #tpu.memory_space<hbm>>) target_semaphore(%dma_start3A_925 : memref<!tpu.dma_semaphore, #tpu.memory_space<semaphore_mem>>)
    %dma_wait3A_934 = arith.constant 2 : i32
    %dma_wait3A_935 = arith.constant 2 : i32
    %dma_wait3A_936 = arith.constant 0 : i32
    %dma_wait3A_937 = arith.constant 0 : i32
    %dma_wait3A_938 = arith.constant 0 : i32
    %dma_wait3A_939 = tpu.memref_slice %arg7[%dma_wait3A_934, %dma_wait3A_936, %dma_wait3A_937, %dma_wait3A_938] : memref<4x8x24x128xf32, #tpu.memory_space<vmem>> -> memref<1x1x24x128xf32, #tpu.memory_space<vmem>>
    %dma_wait3A_940 = tpu.memref_squeeze %dma_wait3A_939 : memref<1x1x24x128xf32, #tpu.memory_space<vmem>> -> memref<1x24x128xf32, #tpu.memory_space<vmem>>
    %dma_wait3A_941 = arith.constant 0 : i32
    %dma_wait3A_942 = arith.constant 0 : i32
    %dma_wait3A_943 = arith.constant 0 : i32
    %dma_wait3A_944 = tpu.memref_slice %arg2[%dma_wait3A_941, %dma_wait3A_942, %dma_wait3A_943] : memref<16384x24x128xf32, #tpu.memory_space<hbm>> -> memref<1x24x128xf32, #tpu.memory_space<hbm>>
    %dma_wait3A_945 = tpu.memref_slice %arg9[%dma_wait3A_935] : memref<4x!tpu.dma_semaphore, #tpu.memory_space<semaphore_mem>> -> memref<1x!tpu.dma_semaphore, #tpu.memory_space<semaphore_mem>>
    %dma_wait3A_946 = tpu.memref_squeeze %dma_wait3A_945 : memref<1x!tpu.dma_semaphore, #tpu.memory_space<semaphore_mem>> -> memref<!tpu.dma_semaphore, #tpu.memory_space<semaphore_mem>>
    %dma_wait3A_947 = arith.constant 0 : i32
    %dma_wait3A_948 = arith.constant 0 : i32
    %dma_wait3A_949 = arith.constant 0 : i32
    %dma_wait3A_950 = tpu.memref_slice %arg7[%dma_wait3A_934, %dma_wait3A_947, %dma_wait3A_948, %dma_wait3A_949] : memref<4x8x24x128xf32, #tpu.memory_space<vmem>> -> memref<1x1x24x128xf32, #tpu.memory_space<vmem>>
    %dma_wait3A_951 = tpu.memref_squeeze %dma_wait3A_950 : memref<1x1x24x128xf32, #tpu.memory_space<vmem>> -> memref<1x24x128xf32, #tpu.memory_space<vmem>>
    %dma_wait3A_952 = arith.constant 0 : i32
    %dma_wait3A_953 = arith.constant 0 : i32
    %dma_wait3A_954 = arith.constant 0 : i32
    %dma_wait3A_955 = tpu.memref_slice %arg2[%dma_wait3A_952, %dma_wait3A_953, %dma_wait3A_954] : memref<16384x24x128xf32, #tpu.memory_space<hbm>> -> memref<1x24x128xf32, #tpu.memory_space<hbm>>
    tpu.wait_dma2 semaphore(%dma_wait3A_946 : memref<!tpu.dma_semaphore, #tpu.memory_space<semaphore_mem>>) src(%dma_wait3A_955 : memref<1x24x128xf32, #tpu.memory_space<hbm>>) dst(%dma_wait3A_951 : memref<1x24x128xf32, #tpu.memory_space<vmem>>)
    %dma_wait3A_956 = arith.constant 2 : i32
    %dma_wait3A_957 = arith.constant 2 : i32
    %dma_wait3A_958 = arith.constant 1 : i32
    %dma_wait3A_959 = arith.constant 0 : i32
    %dma_wait3A_960 = arith.constant 0 : i32
    %dma_wait3A_961 = tpu.memref_slice %arg7[%dma_wait3A_956, %dma_wait3A_958, %dma_wait3A_959, %dma_wait3A_960] : memref<4x8x24x128xf32, #tpu.memory_space<vmem>> -> memref<1x1x24x128xf32, #tpu.memory_space<vmem>>
    %dma_wait3A_962 = tpu.memref_squeeze %dma_wait3A_961 : memref<1x1x24x128xf32, #tpu.memory_space<vmem>> -> memref<1x24x128xf32, #tpu.memory_space<vmem>>
    %dma_wait3A_963 = arith.constant 0 : i32
    %dma_wait3A_964 = arith.constant 0 : i32
    %dma_wait3A_965 = arith.constant 0 : i32
    %dma_wait3A_966 = tpu.memref_slice %arg2[%dma_wait3A_963, %dma_wait3A_964, %dma_wait3A_965] : memref<16384x24x128xf32, #tpu.memory_space<hbm>> -> memref<1x24x128xf32, #tpu.memory_space<hbm>>
    %dma_wait3A_967 = tpu.memref_slice %arg9[%dma_wait3A_957] : memref<4x!tpu.dma_semaphore, #tpu.memory_space<semaphore_mem>> -> memref<1x!tpu.dma_semaphore, #tpu.memory_space<semaphore_mem>>
    %dma_wait3A_968 = tpu.memref_squeeze %dma_wait3A_967 : memref<1x!tpu.dma_semaphore, #tpu.memory_space<semaphore_mem>> -> memref<!tpu.dma_semaphore, #tpu.memory_space<semaphore_mem>>
    %dma_wait3A_969 = arith.constant 1 : i32
    %dma_wait3A_970 = arith.constant 0 : i32
    %dma_wait3A_971 = arith.constant 0 : i32
    %dma_wait3A_972 = tpu.memref_slice %arg7[%dma_wait3A_956, %dma_wait3A_969, %dma_wait3A_970, %dma_wait3A_971] : memref<4x8x24x128xf32, #tpu.memory_space<vmem>> -> memref<1x1x24x128xf32, #tpu.memory_space<vmem>>
    %dma_wait3A_973 = tpu.memref_squeeze %dma_wait3A_972 : memref<1x1x24x128xf32, #tpu.memory_space<vmem>> -> memref<1x24x128xf32, #tpu.memory_space<vmem>>
    %dma_wait3A_974 = arith.constant 0 : i32
    %dma_wait3A_975 = arith.constant 0 : i32
    %dma_wait3A_976 = arith.constant 0 : i32
    %dma_wait3A_977 = tpu.memref_slice %arg2[%dma_wait3A_974, %dma_wait3A_975, %dma_wait3A_976] : memref<16384x24x128xf32, #tpu.memory_space<hbm>> -> memref<1x24x128xf32, #tpu.memory_space<hbm>>
    tpu.wait_dma2 semaphore(%dma_wait3A_968 : memref<!tpu.dma_semaphore, #tpu.memory_space<semaphore_mem>>) src(%dma_wait3A_977 : memref<1x24x128xf32, #tpu.memory_space<hbm>>) dst(%dma_wait3A_973 : memref<1x24x128xf32, #tpu.memory_space<vmem>>)
    %dma_wait3A_978 = arith.constant 2 : i32
    %dma_wait3A_979 = arith.constant 2 : i32
    %dma_wait3A_980 = arith.constant 2 : i32
    %dma_wait3A_981 = arith.constant 0 : i32
    %dma_wait3A_982 = arith.constant 0 : i32
    %dma_wait3A_983 = tpu.memref_slice %arg7[%dma_wait3A_978, %dma_wait3A_980, %dma_wait3A_981, %dma_wait3A_982] : memref<4x8x24x128xf32, #tpu.memory_space<vmem>> -> memref<1x1x24x128xf32, #tpu.memory_space<vmem>>
    %dma_wait3A_984 = tpu.memref_squeeze %dma_wait3A_983 : memref<1x1x24x128xf32, #tpu.memory_space<vmem>> -> memref<1x24x128xf32, #tpu.memory_space<vmem>>
    %dma_wait3A_985 = arith.constant 0 : i32
    %dma_wait3A_986 = arith.constant 0 : i32
    %dma_wait3A_987 = arith.constant 0 : i32
    %dma_wait3A_988 = tpu.memref_slice %arg2[%dma_wait3A_985, %dma_wait3A_986, %dma_wait3A_987] : memref<16384x24x128xf32, #tpu.memory_space<hbm>> -> memref<1x24x128xf32, #tpu.memory_space<hbm>>
    %dma_wait3A_989 = tpu.memref_slice %arg9[%dma_wait3A_979] : memref<4x!tpu.dma_semaphore, #tpu.memory_space<semaphore_mem>> -> memref<1x!tpu.dma_semaphore, #tpu.memory_space<semaphore_mem>>
    %dma_wait3A_990 = tpu.memref_squeeze %dma_wait3A_989 : memref<1x!tpu.dma_semaphore, #tpu.memory_space<semaphore_mem>> -> memref<!tpu.dma_semaphore, #tpu.memory_space<semaphore_mem>>
    %dma_wait3A_991 = arith.constant 2 : i32
    %dma_wait3A_992 = arith.constant 0 : i32
    %dma_wait3A_993 = arith.constant 0 : i32
    %dma_wait3A_994 = tpu.memref_slice %arg7[%dma_wait3A_978, %dma_wait3A_991, %dma_wait3A_992, %dma_wait3A_993] : memref<4x8x24x128xf32, #tpu.memory_space<vmem>> -> memref<1x1x24x128xf32, #tpu.memory_space<vmem>>
    %dma_wait3A_995 = tpu.memref_squeeze %dma_wait3A_994 : memref<1x1x24x128xf32, #tpu.memory_space<vmem>> -> memref<1x24x128xf32, #tpu.memory_space<vmem>>
    %dma_wait3A_996 = arith.constant 0 : i32
    %dma_wait3A_997 = arith.constant 0 : i32
    %dma_wait3A_998 = arith.constant 0 : i32
    %dma_wait3A_999 = tpu.memref_slice %arg2[%dma_wait3A_996, %dma_wait3A_997, %dma_wait3A_998] : memref<16384x24x128xf32, #tpu.memory_space<hbm>> -> memref<1x24x128xf32, #tpu.memory_space<hbm>>
    tpu.wait_dma2 semaphore(%dma_wait3A_990 : memref<!tpu.dma_semaphore, #tpu.memory_space<semaphore_mem>>) src(%dma_wait3A_999 : memref<1x24x128xf32, #tpu.memory_space<hbm>>) dst(%dma_wait3A_995 : memref<1x24x128xf32, #tpu.memory_space<vmem>>)
    %dma_wait3A_1000 = arith.constant 2 : i32
    %dma_wait3A_1001 = arith.constant 2 : i32
    %dma_wait3A_1002 = arith.constant 3 : i32
    %dma_wait3A_1003 = arith.constant 0 : i32
    %dma_wait3A_1004 = arith.constant 0 : i32
    %dma_wait3A_1005 = tpu.memref_slice %arg7[%dma_wait3A_1000, %dma_wait3A_1002, %dma_wait3A_1003, %dma_wait3A_1004] : memref<4x8x24x128xf32, #tpu.memory_space<vmem>> -> memref<1x1x24x128xf32, #tpu.memory_space<vmem>>
    %dma_wait3A_1006 = tpu.memref_squeeze %dma_wait3A_1005 : memref<1x1x24x128xf32, #tpu.memory_space<vmem>> -> memref<1x24x128xf32, #tpu.memory_space<vmem>>
    %dma_wait3A_1007 = arith.constant 0 : i32
    %dma_wait3A_1008 = arith.constant 0 : i32
    %dma_wait3A_1009 = arith.constant 0 : i32
    %dma_wait3A_1010 = tpu.memref_slice %arg2[%dma_wait3A_1007, %dma_wait3A_1008, %dma_wait3A_1009] : memref<16384x24x128xf32, #tpu.memory_space<hbm>> -> memref<1x24x128xf32, #tpu.memory_space<hbm>>
    %dma_wait3A_1011 = tpu.memref_slice %arg9[%dma_wait3A_1001] : memref<4x!tpu.dma_semaphore, #tpu.memory_space<semaphore_mem>> -> memref<1x!tpu.dma_semaphore, #tpu.memory_space<semaphore_mem>>
    %dma_wait3A_1012 = tpu.memref_squeeze %dma_wait3A_1011 : memref<1x!tpu.dma_semaphore, #tpu.memory_space<semaphore_mem>> -> memref<!tpu.dma_semaphore, #tpu.memory_space<semaphore_mem>>
    %dma_wait3A_1013 = arith.constant 3 : i32
    %dma_wait3A_1014 = arith.constant 0 : i32
    %dma_wait3A_1015 = arith.constant 0 : i32
    %dma_wait3A_1016 = tpu.memref_slice %arg7[%dma_wait3A_1000, %dma_wait3A_1013, %dma_wait3A_1014, %dma_wait3A_1015] : memref<4x8x24x128xf32, #tpu.memory_space<vmem>> -> memref<1x1x24x128xf32, #tpu.memory_space<vmem>>
    %dma_wait3A_1017 = tpu.memref_squeeze %dma_wait3A_1016 : memref<1x1x24x128xf32, #tpu.memory_space<vmem>> -> memref<1x24x128xf32, #tpu.memory_space<vmem>>
    %dma_wait3A_1018 = arith.constant 0 : i32
    %dma_wait3A_1019 = arith.constant 0 : i32
    %dma_wait3A_1020 = arith.constant 0 : i32
    %dma_wait3A_1021 = tpu.memref_slice %arg2[%dma_wait3A_1018, %dma_wait3A_1019, %dma_wait3A_1020] : memref<16384x24x128xf32, #tpu.memory_space<hbm>> -> memref<1x24x128xf32, #tpu.memory_space<hbm>>
    tpu.wait_dma2 semaphore(%dma_wait3A_1012 : memref<!tpu.dma_semaphore, #tpu.memory_space<semaphore_mem>>) src(%dma_wait3A_1021 : memref<1x24x128xf32, #tpu.memory_space<hbm>>) dst(%dma_wait3A_1017 : memref<1x24x128xf32, #tpu.memory_space<vmem>>)
    %dma_wait3A_1022 = arith.constant 2 : i32
    %dma_wait3A_1023 = arith.constant 2 : i32
    %dma_wait3A_1024 = arith.constant 4 : i32
    %dma_wait3A_1025 = arith.constant 0 : i32
    %dma_wait3A_1026 = arith.constant 0 : i32
    %dma_wait3A_1027 = tpu.memref_slice %arg7[%dma_wait3A_1022, %dma_wait3A_1024, %dma_wait3A_1025, %dma_wait3A_1026] : memref<4x8x24x128xf32, #tpu.memory_space<vmem>> -> memref<1x1x24x128xf32, #tpu.memory_space<vmem>>
    %dma_wait3A_1028 = tpu.memref_squeeze %dma_wait3A_1027 : memref<1x1x24x128xf32, #tpu.memory_space<vmem>> -> memref<1x24x128xf32, #tpu.memory_space<vmem>>
    %dma_wait3A_1029 = arith.constant 0 : i32
    %dma_wait3A_1030 = arith.constant 0 : i32
    %dma_wait3A_1031 = arith.constant 0 : i32
    %dma_wait3A_1032 = tpu.memref_slice %arg2[%dma_wait3A_1029, %dma_wait3A_1030, %dma_wait3A_1031] : memref<16384x24x128xf32, #tpu.memory_space<hbm>> -> memref<1x24x128xf32, #tpu.memory_space<hbm>>
    %dma_wait3A_1033 = tpu.memref_slice %arg9[%dma_wait3A_1023] : memref<4x!tpu.dma_semaphore, #tpu.memory_space<semaphore_mem>> -> memref<1x!tpu.dma_semaphore, #tpu.memory_space<semaphore_mem>>
    %dma_wait3A_1034 = tpu.memref_squeeze %dma_wait3A_1033 : memref<1x!tpu.dma_semaphore, #tpu.memory_space<semaphore_mem>> -> memref<!tpu.dma_semaphore, #tpu.memory_space<semaphore_mem>>
    %dma_wait3A_1035 = arith.constant 4 : i32
    %dma_wait3A_1036 = arith.constant 0 : i32
    %dma_wait3A_1037 = arith.constant 0 : i32
    %dma_wait3A_1038 = tpu.memref_slice %arg7[%dma_wait3A_1022, %dma_wait3A_1035, %dma_wait3A_1036, %dma_wait3A_1037] : memref<4x8x24x128xf32, #tpu.memory_space<vmem>> -> memref<1x1x24x128xf32, #tpu.memory_space<vmem>>
    %dma_wait3A_1039 = tpu.memref_squeeze %dma_wait3A_1038 : memref<1x1x24x128xf32, #tpu.memory_space<vmem>> -> memref<1x24x128xf32, #tpu.memory_space<vmem>>
    %dma_wait3A_1040 = arith.constant 0 : i32
    %dma_wait3A_1041 = arith.constant 0 : i32
    %dma_wait3A_1042 = arith.constant 0 : i32
    %dma_wait3A_1043 = tpu.memref_slice %arg2[%dma_wait3A_1040, %dma_wait3A_1041, %dma_wait3A_1042] : memref<16384x24x128xf32, #tpu.memory_space<hbm>> -> memref<1x24x128xf32, #tpu.memory_space<hbm>>
    tpu.wait_dma2 semaphore(%dma_wait3A_1034 : memref<!tpu.dma_semaphore, #tpu.memory_space<semaphore_mem>>) src(%dma_wait3A_1043 : memref<1x24x128xf32, #tpu.memory_space<hbm>>) dst(%dma_wait3A_1039 : memref<1x24x128xf32, #tpu.memory_space<vmem>>)
    %dma_wait3A_1044 = arith.constant 2 : i32
    %dma_wait3A_1045 = arith.constant 2 : i32
    %dma_wait3A_1046 = arith.constant 5 : i32
    %dma_wait3A_1047 = arith.constant 0 : i32
    %dma_wait3A_1048 = arith.constant 0 : i32
    %dma_wait3A_1049 = tpu.memref_slice %arg7[%dma_wait3A_1044, %dma_wait3A_1046, %dma_wait3A_1047, %dma_wait3A_1048] : memref<4x8x24x128xf32, #tpu.memory_space<vmem>> -> memref<1x1x24x128xf32, #tpu.memory_space<vmem>>
    %dma_wait3A_1050 = tpu.memref_squeeze %dma_wait3A_1049 : memref<1x1x24x128xf32, #tpu.memory_space<vmem>> -> memref<1x24x128xf32, #tpu.memory_space<vmem>>
    %dma_wait3A_1051 = arith.constant 0 : i32
    %dma_wait3A_1052 = arith.constant 0 : i32
    %dma_wait3A_1053 = arith.constant 0 : i32
    %dma_wait3A_1054 = tpu.memref_slice %arg2[%dma_wait3A_1051, %dma_wait3A_1052, %dma_wait3A_1053] : memref<16384x24x128xf32, #tpu.memory_space<hbm>> -> memref<1x24x128xf32, #tpu.memory_space<hbm>>
    %dma_wait3A_1055 = tpu.memref_slice %arg9[%dma_wait3A_1045] : memref<4x!tpu.dma_semaphore, #tpu.memory_space<semaphore_mem>> -> memref<1x!tpu.dma_semaphore, #tpu.memory_space<semaphore_mem>>
    %dma_wait3A_1056 = tpu.memref_squeeze %dma_wait3A_1055 : memref<1x!tpu.dma_semaphore, #tpu.memory_space<semaphore_mem>> -> memref<!tpu.dma_semaphore, #tpu.memory_space<semaphore_mem>>
    %dma_wait3A_1057 = arith.constant 5 : i32
    %dma_wait3A_1058 = arith.constant 0 : i32
    %dma_wait3A_1059 = arith.constant 0 : i32
    %dma_wait3A_1060 = tpu.memref_slice %arg7[%dma_wait3A_1044, %dma_wait3A_1057, %dma_wait3A_1058, %dma_wait3A_1059] : memref<4x8x24x128xf32, #tpu.memory_space<vmem>> -> memref<1x1x24x128xf32, #tpu.memory_space<vmem>>
    %dma_wait3A_1061 = tpu.memref_squeeze %dma_wait3A_1060 : memref<1x1x24x128xf32, #tpu.memory_space<vmem>> -> memref<1x24x128xf32, #tpu.memory_space<vmem>>
    %dma_wait3A_1062 = arith.constant 0 : i32
    %dma_wait3A_1063 = arith.constant 0 : i32
    %dma_wait3A_1064 = arith.constant 0 : i32
    %dma_wait3A_1065 = tpu.memref_slice %arg2[%dma_wait3A_1062, %dma_wait3A_1063, %dma_wait3A_1064] : memref<16384x24x128xf32, #tpu.memory_space<hbm>> -> memref<1x24x128xf32, #tpu.memory_space<hbm>>
    tpu.wait_dma2 semaphore(%dma_wait3A_1056 : memref<!tpu.dma_semaphore, #tpu.memory_space<semaphore_mem>>) src(%dma_wait3A_1065 : memref<1x24x128xf32, #tpu.memory_space<hbm>>) dst(%dma_wait3A_1061 : memref<1x24x128xf32, #tpu.memory_space<vmem>>)
    %dma_wait3A_1066 = arith.constant 2 : i32
    %dma_wait3A_1067 = arith.constant 2 : i32
    %dma_wait3A_1068 = arith.constant 6 : i32
    %dma_wait3A_1069 = arith.constant 0 : i32
    %dma_wait3A_1070 = arith.constant 0 : i32
    %dma_wait3A_1071 = tpu.memref_slice %arg7[%dma_wait3A_1066, %dma_wait3A_1068, %dma_wait3A_1069, %dma_wait3A_1070] : memref<4x8x24x128xf32, #tpu.memory_space<vmem>> -> memref<1x1x24x128xf32, #tpu.memory_space<vmem>>
    %dma_wait3A_1072 = tpu.memref_squeeze %dma_wait3A_1071 : memref<1x1x24x128xf32, #tpu.memory_space<vmem>> -> memref<1x24x128xf32, #tpu.memory_space<vmem>>
    %dma_wait3A_1073 = arith.constant 0 : i32
    %dma_wait3A_1074 = arith.constant 0 : i32
    %dma_wait3A_1075 = arith.constant 0 : i32
    %dma_wait3A_1076 = tpu.memref_slice %arg2[%dma_wait3A_1073, %dma_wait3A_1074, %dma_wait3A_1075] : memref<16384x24x128xf32, #tpu.memory_space<hbm>> -> memref<1x24x128xf32, #tpu.memory_space<hbm>>
    %dma_wait3A_1077 = tpu.memref_slice %arg9[%dma_wait3A_1067] : memref<4x!tpu.dma_semaphore, #tpu.memory_space<semaphore_mem>> -> memref<1x!tpu.dma_semaphore, #tpu.memory_space<semaphore_mem>>
    %dma_wait3A_1078 = tpu.memref_squeeze %dma_wait3A_1077 : memref<1x!tpu.dma_semaphore, #tpu.memory_space<semaphore_mem>> -> memref<!tpu.dma_semaphore, #tpu.memory_space<semaphore_mem>>
    %dma_wait3A_1079 = arith.constant 6 : i32
    %dma_wait3A_1080 = arith.constant 0 : i32
    %dma_wait3A_1081 = arith.constant 0 : i32
    %dma_wait3A_1082 = tpu.memref_slice %arg7[%dma_wait3A_1066, %dma_wait3A_1079, %dma_wait3A_1080, %dma_wait3A_1081] : memref<4x8x24x128xf32, #tpu.memory_space<vmem>> -> memref<1x1x24x128xf32, #tpu.memory_space<vmem>>
    %dma_wait3A_1083 = tpu.memref_squeeze %dma_wait3A_1082 : memref<1x1x24x128xf32, #tpu.memory_space<vmem>> -> memref<1x24x128xf32, #tpu.memory_space<vmem>>
    %dma_wait3A_1084 = arith.constant 0 : i32
    %dma_wait3A_1085 = arith.constant 0 : i32
    %dma_wait3A_1086 = arith.constant 0 : i32
    %dma_wait3A_1087 = tpu.memref_slice %arg2[%dma_wait3A_1084, %dma_wait3A_1085, %dma_wait3A_1086] : memref<16384x24x128xf32, #tpu.memory_space<hbm>> -> memref<1x24x128xf32, #tpu.memory_space<hbm>>
    tpu.wait_dma2 semaphore(%dma_wait3A_1078 : memref<!tpu.dma_semaphore, #tpu.memory_space<semaphore_mem>>) src(%dma_wait3A_1087 : memref<1x24x128xf32, #tpu.memory_space<hbm>>) dst(%dma_wait3A_1083 : memref<1x24x128xf32, #tpu.memory_space<vmem>>)
    %dma_wait3A_1088 = arith.constant 2 : i32
    %dma_wait3A_1089 = arith.constant 2 : i32
    %dma_wait3A_1090 = arith.constant 7 : i32
    %dma_wait3A_1091 = arith.constant 0 : i32
    %dma_wait3A_1092 = arith.constant 0 : i32
    %dma_wait3A_1093 = tpu.memref_slice %arg7[%dma_wait3A_1088, %dma_wait3A_1090, %dma_wait3A_1091, %dma_wait3A_1092] : memref<4x8x24x128xf32, #tpu.memory_space<vmem>> -> memref<1x1x24x128xf32, #tpu.memory_space<vmem>>
    %dma_wait3A_1094 = tpu.memref_squeeze %dma_wait3A_1093 : memref<1x1x24x128xf32, #tpu.memory_space<vmem>> -> memref<1x24x128xf32, #tpu.memory_space<vmem>>
    %dma_wait3A_1095 = arith.constant 0 : i32
    %dma_wait3A_1096 = arith.constant 0 : i32
    %dma_wait3A_1097 = arith.constant 0 : i32
    %dma_wait3A_1098 = tpu.memref_slice %arg2[%dma_wait3A_1095, %dma_wait3A_1096, %dma_wait3A_1097] : memref<16384x24x128xf32, #tpu.memory_space<hbm>> -> memref<1x24x128xf32, #tpu.memory_space<hbm>>
    %dma_wait3A_1099 = tpu.memref_slice %arg9[%dma_wait3A_1089] : memref<4x!tpu.dma_semaphore, #tpu.memory_space<semaphore_mem>> -> memref<1x!tpu.dma_semaphore, #tpu.memory_space<semaphore_mem>>
    %dma_wait3A_1100 = tpu.memref_squeeze %dma_wait3A_1099 : memref<1x!tpu.dma_semaphore, #tpu.memory_space<semaphore_mem>> -> memref<!tpu.dma_semaphore, #tpu.memory_space<semaphore_mem>>
    %dma_wait3A_1101 = arith.constant 7 : i32
    %dma_wait3A_1102 = arith.constant 0 : i32
    %dma_wait3A_1103 = arith.constant 0 : i32
    %dma_wait3A_1104 = tpu.memref_slice %arg7[%dma_wait3A_1088, %dma_wait3A_1101, %dma_wait3A_1102, %dma_wait3A_1103] : memref<4x8x24x128xf32, #tpu.memory_space<vmem>> -> memref<1x1x24x128xf32, #tpu.memory_space<vmem>>
    %dma_wait3A_1105 = tpu.memref_squeeze %dma_wait3A_1104 : memref<1x1x24x128xf32, #tpu.memory_space<vmem>> -> memref<1x24x128xf32, #tpu.memory_space<vmem>>
    %dma_wait3A_1106 = arith.constant 0 : i32
    %dma_wait3A_1107 = arith.constant 0 : i32
    %dma_wait3A_1108 = arith.constant 0 : i32
    %dma_wait3A_1109 = tpu.memref_slice %arg2[%dma_wait3A_1106, %dma_wait3A_1107, %dma_wait3A_1108] : memref<16384x24x128xf32, #tpu.memory_space<hbm>> -> memref<1x24x128xf32, #tpu.memory_space<hbm>>
    tpu.wait_dma2 semaphore(%dma_wait3A_1100 : memref<!tpu.dma_semaphore, #tpu.memory_space<semaphore_mem>>) src(%dma_wait3A_1109 : memref<1x24x128xf32, #tpu.memory_space<hbm>>) dst(%dma_wait3A_1105 : memref<1x24x128xf32, #tpu.memory_space<vmem>>)
    %add3A_1110 = arith.constant 16 : i32
    %add3A_1111 = arith.addi %mul3A_2, %add3A_1110 : i32
    %dma_start3A_1112 = arith.constant 2 : i32
    %dma_start3A_1113 = arith.constant 2 : i32
    %dma_start3A_1114 = arith.constant 0 : i32
    %dma_start3A_1115 = arith.constant 0 : i32
    %dma_start3A_1116 = arith.constant 0 : i32
    %dma_start3A_1117 = tpu.memref_slice %arg7[%dma_start3A_1112, %dma_start3A_1114, %dma_start3A_1115, %dma_start3A_1116] : memref<4x8x24x128xf32, #tpu.memory_space<vmem>> -> memref<1x8x24x128xf32, #tpu.memory_space<vmem>>
    %dma_start3A_1118 = tpu.memref_squeeze %dma_start3A_1117 : memref<1x8x24x128xf32, #tpu.memory_space<vmem>> -> memref<8x24x128xf32, #tpu.memory_space<vmem>>
    %dma_start3A_1119 = arith.constant 0 : i32
    %dma_start3A_1120 = arith.constant 0 : i32
    %dma_start3A_1121 = tpu.memref_slice %arg5[%add3A_1111, %dma_start3A_1119, %dma_start3A_1120] : memref<1024x24x128xf32, #tpu.memory_space<hbm>> -> memref<8x24x128xf32, #tpu.memory_space<hbm>>
    %dma_start3A_1122 = tpu.memref_slice %arg10[%dma_start3A_1113] : memref<4x!tpu.dma_semaphore, #tpu.memory_space<semaphore_mem>> -> memref<1x!tpu.dma_semaphore, #tpu.memory_space<semaphore_mem>>
    %dma_start3A_1123 = tpu.memref_squeeze %dma_start3A_1122 : memref<1x!tpu.dma_semaphore, #tpu.memory_space<semaphore_mem>> -> memref<!tpu.dma_semaphore, #tpu.memory_space<semaphore_mem>>
    %dma_start3A_1124 = arith.constant 0 : i32
    %dma_start3A_1125 = arith.constant 0 : i32
    %dma_start3A_1126 = tpu.memref_slice %arg5[%add3A_1111, %dma_start3A_1124, %dma_start3A_1125] : memref<1024x24x128xf32, #tpu.memory_space<hbm>> -> memref<8x24x128xf32, #tpu.memory_space<hbm>>
    %dma_start3A_1127 = arith.constant 0 : i32
    %dma_start3A_1128 = arith.constant 0 : i32
    %dma_start3A_1129 = arith.constant 0 : i32
    %dma_start3A_1130 = tpu.memref_slice %arg7[%dma_start3A_1112, %dma_start3A_1127, %dma_start3A_1128, %dma_start3A_1129] : memref<4x8x24x128xf32, #tpu.memory_space<vmem>> -> memref<1x8x24x128xf32, #tpu.memory_space<vmem>>
    %dma_start3A_1131 = tpu.memref_squeeze %dma_start3A_1130 : memref<1x8x24x128xf32, #tpu.memory_space<vmem>> -> memref<8x24x128xf32, #tpu.memory_space<vmem>>
    tpu.enqueue_dma source(%dma_start3A_1131 : memref<8x24x128xf32, #tpu.memory_space<vmem>>) target(%dma_start3A_1126 : memref<8x24x128xf32, #tpu.memory_space<hbm>>) target_semaphore(%dma_start3A_1123 : memref<!tpu.dma_semaphore, #tpu.memory_space<semaphore_mem>>)
    %dma_wait3A_1132 = arith.constant 3 : i32
    %dma_wait3A_1133 = arith.constant 3 : i32
    %dma_wait3A_1134 = arith.constant 0 : i32
    %dma_wait3A_1135 = arith.constant 0 : i32
    %dma_wait3A_1136 = arith.constant 0 : i32
    %dma_wait3A_1137 = tpu.memref_slice %arg7[%dma_wait3A_1132, %dma_wait3A_1134, %dma_wait3A_1135, %dma_wait3A_1136] : memref<4x8x24x128xf32, #tpu.memory_space<vmem>> -> memref<1x1x24x128xf32, #tpu.memory_space<vmem>>
    %dma_wait3A_1138 = tpu.memref_squeeze %dma_wait3A_1137 : memref<1x1x24x128xf32, #tpu.memory_space<vmem>> -> memref<1x24x128xf32, #tpu.memory_space<vmem>>
    %dma_wait3A_1139 = arith.constant 0 : i32
    %dma_wait3A_1140 = arith.constant 0 : i32
    %dma_wait3A_1141 = arith.constant 0 : i32
    %dma_wait3A_1142 = tpu.memref_slice %arg2[%dma_wait3A_1139, %dma_wait3A_1140, %dma_wait3A_1141] : memref<16384x24x128xf32, #tpu.memory_space<hbm>> -> memref<1x24x128xf32, #tpu.memory_space<hbm>>
    %dma_wait3A_1143 = tpu.memref_slice %arg9[%dma_wait3A_1133] : memref<4x!tpu.dma_semaphore, #tpu.memory_space<semaphore_mem>> -> memref<1x!tpu.dma_semaphore, #tpu.memory_space<semaphore_mem>>
    %dma_wait3A_1144 = tpu.memref_squeeze %dma_wait3A_1143 : memref<1x!tpu.dma_semaphore, #tpu.memory_space<semaphore_mem>> -> memref<!tpu.dma_semaphore, #tpu.memory_space<semaphore_mem>>
    %dma_wait3A_1145 = arith.constant 0 : i32
    %dma_wait3A_1146 = arith.constant 0 : i32
    %dma_wait3A_1147 = arith.constant 0 : i32
    %dma_wait3A_1148 = tpu.memref_slice %arg7[%dma_wait3A_1132, %dma_wait3A_1145, %dma_wait3A_1146, %dma_wait3A_1147] : memref<4x8x24x128xf32, #tpu.memory_space<vmem>> -> memref<1x1x24x128xf32, #tpu.memory_space<vmem>>
    %dma_wait3A_1149 = tpu.memref_squeeze %dma_wait3A_1148 : memref<1x1x24x128xf32, #tpu.memory_space<vmem>> -> memref<1x24x128xf32, #tpu.memory_space<vmem>>
    %dma_wait3A_1150 = arith.constant 0 : i32
    %dma_wait3A_1151 = arith.constant 0 : i32
    %dma_wait3A_1152 = arith.constant 0 : i32
    %dma_wait3A_1153 = tpu.memref_slice %arg2[%dma_wait3A_1150, %dma_wait3A_1151, %dma_wait3A_1152] : memref<16384x24x128xf32, #tpu.memory_space<hbm>> -> memref<1x24x128xf32, #tpu.memory_space<hbm>>
    tpu.wait_dma2 semaphore(%dma_wait3A_1144 : memref<!tpu.dma_semaphore, #tpu.memory_space<semaphore_mem>>) src(%dma_wait3A_1153 : memref<1x24x128xf32, #tpu.memory_space<hbm>>) dst(%dma_wait3A_1149 : memref<1x24x128xf32, #tpu.memory_space<vmem>>)
    %dma_wait3A_1154 = arith.constant 3 : i32
    %dma_wait3A_1155 = arith.constant 3 : i32
    %dma_wait3A_1156 = arith.constant 1 : i32
    %dma_wait3A_1157 = arith.constant 0 : i32
    %dma_wait3A_1158 = arith.constant 0 : i32
    %dma_wait3A_1159 = tpu.memref_slice %arg7[%dma_wait3A_1154, %dma_wait3A_1156, %dma_wait3A_1157, %dma_wait3A_1158] : memref<4x8x24x128xf32, #tpu.memory_space<vmem>> -> memref<1x1x24x128xf32, #tpu.memory_space<vmem>>
    %dma_wait3A_1160 = tpu.memref_squeeze %dma_wait3A_1159 : memref<1x1x24x128xf32, #tpu.memory_space<vmem>> -> memref<1x24x128xf32, #tpu.memory_space<vmem>>
    %dma_wait3A_1161 = arith.constant 0 : i32
    %dma_wait3A_1162 = arith.constant 0 : i32
    %dma_wait3A_1163 = arith.constant 0 : i32
    %dma_wait3A_1164 = tpu.memref_slice %arg2[%dma_wait3A_1161, %dma_wait3A_1162, %dma_wait3A_1163] : memref<16384x24x128xf32, #tpu.memory_space<hbm>> -> memref<1x24x128xf32, #tpu.memory_space<hbm>>
    %dma_wait3A_1165 = tpu.memref_slice %arg9[%dma_wait3A_1155] : memref<4x!tpu.dma_semaphore, #tpu.memory_space<semaphore_mem>> -> memref<1x!tpu.dma_semaphore, #tpu.memory_space<semaphore_mem>>
    %dma_wait3A_1166 = tpu.memref_squeeze %dma_wait3A_1165 : memref<1x!tpu.dma_semaphore, #tpu.memory_space<semaphore_mem>> -> memref<!tpu.dma_semaphore, #tpu.memory_space<semaphore_mem>>
    %dma_wait3A_1167 = arith.constant 1 : i32
    %dma_wait3A_1168 = arith.constant 0 : i32
    %dma_wait3A_1169 = arith.constant 0 : i32
    %dma_wait3A_1170 = tpu.memref_slice %arg7[%dma_wait3A_1154, %dma_wait3A_1167, %dma_wait3A_1168, %dma_wait3A_1169] : memref<4x8x24x128xf32, #tpu.memory_space<vmem>> -> memref<1x1x24x128xf32, #tpu.memory_space<vmem>>
    %dma_wait3A_1171 = tpu.memref_squeeze %dma_wait3A_1170 : memref<1x1x24x128xf32, #tpu.memory_space<vmem>> -> memref<1x24x128xf32, #tpu.memory_space<vmem>>
    %dma_wait3A_1172 = arith.constant 0 : i32
    %dma_wait3A_1173 = arith.constant 0 : i32
    %dma_wait3A_1174 = arith.constant 0 : i32
    %dma_wait3A_1175 = tpu.memref_slice %arg2[%dma_wait3A_1172, %dma_wait3A_1173, %dma_wait3A_1174] : memref<16384x24x128xf32, #tpu.memory_space<hbm>> -> memref<1x24x128xf32, #tpu.memory_space<hbm>>
    tpu.wait_dma2 semaphore(%dma_wait3A_1166 : memref<!tpu.dma_semaphore, #tpu.memory_space<semaphore_mem>>) src(%dma_wait3A_1175 : memref<1x24x128xf32, #tpu.memory_space<hbm>>) dst(%dma_wait3A_1171 : memref<1x24x128xf32, #tpu.memory_space<vmem>>)
    %dma_wait3A_1176 = arith.constant 3 : i32
    %dma_wait3A_1177 = arith.constant 3 : i32
    %dma_wait3A_1178 = arith.constant 2 : i32
    %dma_wait3A_1179 = arith.constant 0 : i32
    %dma_wait3A_1180 = arith.constant 0 : i32
    %dma_wait3A_1181 = tpu.memref_slice %arg7[%dma_wait3A_1176, %dma_wait3A_1178, %dma_wait3A_1179, %dma_wait3A_1180] : memref<4x8x24x128xf32, #tpu.memory_space<vmem>> -> memref<1x1x24x128xf32, #tpu.memory_space<vmem>>
    %dma_wait3A_1182 = tpu.memref_squeeze %dma_wait3A_1181 : memref<1x1x24x128xf32, #tpu.memory_space<vmem>> -> memref<1x24x128xf32, #tpu.memory_space<vmem>>
    %dma_wait3A_1183 = arith.constant 0 : i32
    %dma_wait3A_1184 = arith.constant 0 : i32
    %dma_wait3A_1185 = arith.constant 0 : i32
    %dma_wait3A_1186 = tpu.memref_slice %arg2[%dma_wait3A_1183, %dma_wait3A_1184, %dma_wait3A_1185] : memref<16384x24x128xf32, #tpu.memory_space<hbm>> -> memref<1x24x128xf32, #tpu.memory_space<hbm>>
    %dma_wait3A_1187 = tpu.memref_slice %arg9[%dma_wait3A_1177] : memref<4x!tpu.dma_semaphore, #tpu.memory_space<semaphore_mem>> -> memref<1x!tpu.dma_semaphore, #tpu.memory_space<semaphore_mem>>
    %dma_wait3A_1188 = tpu.memref_squeeze %dma_wait3A_1187 : memref<1x!tpu.dma_semaphore, #tpu.memory_space<semaphore_mem>> -> memref<!tpu.dma_semaphore, #tpu.memory_space<semaphore_mem>>
    %dma_wait3A_1189 = arith.constant 2 : i32
    %dma_wait3A_1190 = arith.constant 0 : i32
    %dma_wait3A_1191 = arith.constant 0 : i32
    %dma_wait3A_1192 = tpu.memref_slice %arg7[%dma_wait3A_1176, %dma_wait3A_1189, %dma_wait3A_1190, %dma_wait3A_1191] : memref<4x8x24x128xf32, #tpu.memory_space<vmem>> -> memref<1x1x24x128xf32, #tpu.memory_space<vmem>>
    %dma_wait3A_1193 = tpu.memref_squeeze %dma_wait3A_1192 : memref<1x1x24x128xf32, #tpu.memory_space<vmem>> -> memref<1x24x128xf32, #tpu.memory_space<vmem>>
    %dma_wait3A_1194 = arith.constant 0 : i32
    %dma_wait3A_1195 = arith.constant 0 : i32
    %dma_wait3A_1196 = arith.constant 0 : i32
    %dma_wait3A_1197 = tpu.memref_slice %arg2[%dma_wait3A_1194, %dma_wait3A_1195, %dma_wait3A_1196] : memref<16384x24x128xf32, #tpu.memory_space<hbm>> -> memref<1x24x128xf32, #tpu.memory_space<hbm>>
    tpu.wait_dma2 semaphore(%dma_wait3A_1188 : memref<!tpu.dma_semaphore, #tpu.memory_space<semaphore_mem>>) src(%dma_wait3A_1197 : memref<1x24x128xf32, #tpu.memory_space<hbm>>) dst(%dma_wait3A_1193 : memref<1x24x128xf32, #tpu.memory_space<vmem>>)
    %dma_wait3A_1198 = arith.constant 3 : i32
    %dma_wait3A_1199 = arith.constant 3 : i32
    %dma_wait3A_1200 = arith.constant 3 : i32
    %dma_wait3A_1201 = arith.constant 0 : i32
    %dma_wait3A_1202 = arith.constant 0 : i32
    %dma_wait3A_1203 = tpu.memref_slice %arg7[%dma_wait3A_1198, %dma_wait3A_1200, %dma_wait3A_1201, %dma_wait3A_1202] : memref<4x8x24x128xf32, #tpu.memory_space<vmem>> -> memref<1x1x24x128xf32, #tpu.memory_space<vmem>>
    %dma_wait3A_1204 = tpu.memref_squeeze %dma_wait3A_1203 : memref<1x1x24x128xf32, #tpu.memory_space<vmem>> -> memref<1x24x128xf32, #tpu.memory_space<vmem>>
    %dma_wait3A_1205 = arith.constant 0 : i32
    %dma_wait3A_1206 = arith.constant 0 : i32
    %dma_wait3A_1207 = arith.constant 0 : i32
    %dma_wait3A_1208 = tpu.memref_slice %arg2[%dma_wait3A_1205, %dma_wait3A_1206, %dma_wait3A_1207] : memref<16384x24x128xf32, #tpu.memory_space<hbm>> -> memref<1x24x128xf32, #tpu.memory_space<hbm>>
    %dma_wait3A_1209 = tpu.memref_slice %arg9[%dma_wait3A_1199] : memref<4x!tpu.dma_semaphore, #tpu.memory_space<semaphore_mem>> -> memref<1x!tpu.dma_semaphore, #tpu.memory_space<semaphore_mem>>
    %dma_wait3A_1210 = tpu.memref_squeeze %dma_wait3A_1209 : memref<1x!tpu.dma_semaphore, #tpu.memory_space<semaphore_mem>> -> memref<!tpu.dma_semaphore, #tpu.memory_space<semaphore_mem>>
    %dma_wait3A_1211 = arith.constant 3 : i32
    %dma_wait3A_1212 = arith.constant 0 : i32
    %dma_wait3A_1213 = arith.constant 0 : i32
    %dma_wait3A_1214 = tpu.memref_slice %arg7[%dma_wait3A_1198, %dma_wait3A_1211, %dma_wait3A_1212, %dma_wait3A_1213] : memref<4x8x24x128xf32, #tpu.memory_space<vmem>> -> memref<1x1x24x128xf32, #tpu.memory_space<vmem>>
    %dma_wait3A_1215 = tpu.memref_squeeze %dma_wait3A_1214 : memref<1x1x24x128xf32, #tpu.memory_space<vmem>> -> memref<1x24x128xf32, #tpu.memory_space<vmem>>
    %dma_wait3A_1216 = arith.constant 0 : i32
    %dma_wait3A_1217 = arith.constant 0 : i32
    %dma_wait3A_1218 = arith.constant 0 : i32
    %dma_wait3A_1219 = tpu.memref_slice %arg2[%dma_wait3A_1216, %dma_wait3A_1217, %dma_wait3A_1218] : memref<16384x24x128xf32, #tpu.memory_space<hbm>> -> memref<1x24x128xf32, #tpu.memory_space<hbm>>
    tpu.wait_dma2 semaphore(%dma_wait3A_1210 : memref<!tpu.dma_semaphore, #tpu.memory_space<semaphore_mem>>) src(%dma_wait3A_1219 : memref<1x24x128xf32, #tpu.memory_space<hbm>>) dst(%dma_wait3A_1215 : memref<1x24x128xf32, #tpu.memory_space<vmem>>)
    %dma_wait3A_1220 = arith.constant 3 : i32
    %dma_wait3A_1221 = arith.constant 3 : i32
    %dma_wait3A_1222 = arith.constant 4 : i32
    %dma_wait3A_1223 = arith.constant 0 : i32
    %dma_wait3A_1224 = arith.constant 0 : i32
    %dma_wait3A_1225 = tpu.memref_slice %arg7[%dma_wait3A_1220, %dma_wait3A_1222, %dma_wait3A_1223, %dma_wait3A_1224] : memref<4x8x24x128xf32, #tpu.memory_space<vmem>> -> memref<1x1x24x128xf32, #tpu.memory_space<vmem>>
    %dma_wait3A_1226 = tpu.memref_squeeze %dma_wait3A_1225 : memref<1x1x24x128xf32, #tpu.memory_space<vmem>> -> memref<1x24x128xf32, #tpu.memory_space<vmem>>
    %dma_wait3A_1227 = arith.constant 0 : i32
    %dma_wait3A_1228 = arith.constant 0 : i32
    %dma_wait3A_1229 = arith.constant 0 : i32
    %dma_wait3A_1230 = tpu.memref_slice %arg2[%dma_wait3A_1227, %dma_wait3A_1228, %dma_wait3A_1229] : memref<16384x24x128xf32, #tpu.memory_space<hbm>> -> memref<1x24x128xf32, #tpu.memory_space<hbm>>
    %dma_wait3A_1231 = tpu.memref_slice %arg9[%dma_wait3A_1221] : memref<4x!tpu.dma_semaphore, #tpu.memory_space<semaphore_mem>> -> memref<1x!tpu.dma_semaphore, #tpu.memory_space<semaphore_mem>>
    %dma_wait3A_1232 = tpu.memref_squeeze %dma_wait3A_1231 : memref<1x!tpu.dma_semaphore, #tpu.memory_space<semaphore_mem>> -> memref<!tpu.dma_semaphore, #tpu.memory_space<semaphore_mem>>
    %dma_wait3A_1233 = arith.constant 4 : i32
    %dma_wait3A_1234 = arith.constant 0 : i32
    %dma_wait3A_1235 = arith.constant 0 : i32
    %dma_wait3A_1236 = tpu.memref_slice %arg7[%dma_wait3A_1220, %dma_wait3A_1233, %dma_wait3A_1234, %dma_wait3A_1235] : memref<4x8x24x128xf32, #tpu.memory_space<vmem>> -> memref<1x1x24x128xf32, #tpu.memory_space<vmem>>
    %dma_wait3A_1237 = tpu.memref_squeeze %dma_wait3A_1236 : memref<1x1x24x128xf32, #tpu.memory_space<vmem>> -> memref<1x24x128xf32, #tpu.memory_space<vmem>>
    %dma_wait3A_1238 = arith.constant 0 : i32
    %dma_wait3A_1239 = arith.constant 0 : i32
    %dma_wait3A_1240 = arith.constant 0 : i32
    %dma_wait3A_1241 = tpu.memref_slice %arg2[%dma_wait3A_1238, %dma_wait3A_1239, %dma_wait3A_1240] : memref<16384x24x128xf32, #tpu.memory_space<hbm>> -> memref<1x24x128xf32, #tpu.memory_space<hbm>>
    tpu.wait_dma2 semaphore(%dma_wait3A_1232 : memref<!tpu.dma_semaphore, #tpu.memory_space<semaphore_mem>>) src(%dma_wait3A_1241 : memref<1x24x128xf32, #tpu.memory_space<hbm>>) dst(%dma_wait3A_1237 : memref<1x24x128xf32, #tpu.memory_space<vmem>>)
    %dma_wait3A_1242 = arith.constant 3 : i32
    %dma_wait3A_1243 = arith.constant 3 : i32
    %dma_wait3A_1244 = arith.constant 5 : i32
    %dma_wait3A_1245 = arith.constant 0 : i32
    %dma_wait3A_1246 = arith.constant 0 : i32
    %dma_wait3A_1247 = tpu.memref_slice %arg7[%dma_wait3A_1242, %dma_wait3A_1244, %dma_wait3A_1245, %dma_wait3A_1246] : memref<4x8x24x128xf32, #tpu.memory_space<vmem>> -> memref<1x1x24x128xf32, #tpu.memory_space<vmem>>
    %dma_wait3A_1248 = tpu.memref_squeeze %dma_wait3A_1247 : memref<1x1x24x128xf32, #tpu.memory_space<vmem>> -> memref<1x24x128xf32, #tpu.memory_space<vmem>>
    %dma_wait3A_1249 = arith.constant 0 : i32
    %dma_wait3A_1250 = arith.constant 0 : i32
    %dma_wait3A_1251 = arith.constant 0 : i32
    %dma_wait3A_1252 = tpu.memref_slice %arg2[%dma_wait3A_1249, %dma_wait3A_1250, %dma_wait3A_1251] : memref<16384x24x128xf32, #tpu.memory_space<hbm>> -> memref<1x24x128xf32, #tpu.memory_space<hbm>>
    %dma_wait3A_1253 = tpu.memref_slice %arg9[%dma_wait3A_1243] : memref<4x!tpu.dma_semaphore, #tpu.memory_space<semaphore_mem>> -> memref<1x!tpu.dma_semaphore, #tpu.memory_space<semaphore_mem>>
    %dma_wait3A_1254 = tpu.memref_squeeze %dma_wait3A_1253 : memref<1x!tpu.dma_semaphore, #tpu.memory_space<semaphore_mem>> -> memref<!tpu.dma_semaphore, #tpu.memory_space<semaphore_mem>>
    %dma_wait3A_1255 = arith.constant 5 : i32
    %dma_wait3A_1256 = arith.constant 0 : i32
    %dma_wait3A_1257 = arith.constant 0 : i32
    %dma_wait3A_1258 = tpu.memref_slice %arg7[%dma_wait3A_1242, %dma_wait3A_1255, %dma_wait3A_1256, %dma_wait3A_1257] : memref<4x8x24x128xf32, #tpu.memory_space<vmem>> -> memref<1x1x24x128xf32, #tpu.memory_space<vmem>>
    %dma_wait3A_1259 = tpu.memref_squeeze %dma_wait3A_1258 : memref<1x1x24x128xf32, #tpu.memory_space<vmem>> -> memref<1x24x128xf32, #tpu.memory_space<vmem>>
    %dma_wait3A_1260 = arith.constant 0 : i32
    %dma_wait3A_1261 = arith.constant 0 : i32
    %dma_wait3A_1262 = arith.constant 0 : i32
    %dma_wait3A_1263 = tpu.memref_slice %arg2[%dma_wait3A_1260, %dma_wait3A_1261, %dma_wait3A_1262] : memref<16384x24x128xf32, #tpu.memory_space<hbm>> -> memref<1x24x128xf32, #tpu.memory_space<hbm>>
    tpu.wait_dma2 semaphore(%dma_wait3A_1254 : memref<!tpu.dma_semaphore, #tpu.memory_space<semaphore_mem>>) src(%dma_wait3A_1263 : memref<1x24x128xf32, #tpu.memory_space<hbm>>) dst(%dma_wait3A_1259 : memref<1x24x128xf32, #tpu.memory_space<vmem>>)
    %dma_wait3A_1264 = arith.constant 3 : i32
    %dma_wait3A_1265 = arith.constant 3 : i32
    %dma_wait3A_1266 = arith.constant 6 : i32
    %dma_wait3A_1267 = arith.constant 0 : i32
    %dma_wait3A_1268 = arith.constant 0 : i32
    %dma_wait3A_1269 = tpu.memref_slice %arg7[%dma_wait3A_1264, %dma_wait3A_1266, %dma_wait3A_1267, %dma_wait3A_1268] : memref<4x8x24x128xf32, #tpu.memory_space<vmem>> -> memref<1x1x24x128xf32, #tpu.memory_space<vmem>>
    %dma_wait3A_1270 = tpu.memref_squeeze %dma_wait3A_1269 : memref<1x1x24x128xf32, #tpu.memory_space<vmem>> -> memref<1x24x128xf32, #tpu.memory_space<vmem>>
    %dma_wait3A_1271 = arith.constant 0 : i32
    %dma_wait3A_1272 = arith.constant 0 : i32
    %dma_wait3A_1273 = arith.constant 0 : i32
    %dma_wait3A_1274 = tpu.memref_slice %arg2[%dma_wait3A_1271, %dma_wait3A_1272, %dma_wait3A_1273] : memref<16384x24x128xf32, #tpu.memory_space<hbm>> -> memref<1x24x128xf32, #tpu.memory_space<hbm>>
    %dma_wait3A_1275 = tpu.memref_slice %arg9[%dma_wait3A_1265] : memref<4x!tpu.dma_semaphore, #tpu.memory_space<semaphore_mem>> -> memref<1x!tpu.dma_semaphore, #tpu.memory_space<semaphore_mem>>
    %dma_wait3A_1276 = tpu.memref_squeeze %dma_wait3A_1275 : memref<1x!tpu.dma_semaphore, #tpu.memory_space<semaphore_mem>> -> memref<!tpu.dma_semaphore, #tpu.memory_space<semaphore_mem>>
    %dma_wait3A_1277 = arith.constant 6 : i32
    %dma_wait3A_1278 = arith.constant 0 : i32
    %dma_wait3A_1279 = arith.constant 0 : i32
    %dma_wait3A_1280 = tpu.memref_slice %arg7[%dma_wait3A_1264, %dma_wait3A_1277, %dma_wait3A_1278, %dma_wait3A_1279] : memref<4x8x24x128xf32, #tpu.memory_space<vmem>> -> memref<1x1x24x128xf32, #tpu.memory_space<vmem>>
    %dma_wait3A_1281 = tpu.memref_squeeze %dma_wait3A_1280 : memref<1x1x24x128xf32, #tpu.memory_space<vmem>> -> memref<1x24x128xf32, #tpu.memory_space<vmem>>
    %dma_wait3A_1282 = arith.constant 0 : i32
    %dma_wait3A_1283 = arith.constant 0 : i32
    %dma_wait3A_1284 = arith.constant 0 : i32
    %dma_wait3A_1285 = tpu.memref_slice %arg2[%dma_wait3A_1282, %dma_wait3A_1283, %dma_wait3A_1284] : memref<16384x24x128xf32, #tpu.memory_space<hbm>> -> memref<1x24x128xf32, #tpu.memory_space<hbm>>
    tpu.wait_dma2 semaphore(%dma_wait3A_1276 : memref<!tpu.dma_semaphore, #tpu.memory_space<semaphore_mem>>) src(%dma_wait3A_1285 : memref<1x24x128xf32, #tpu.memory_space<hbm>>) dst(%dma_wait3A_1281 : memref<1x24x128xf32, #tpu.memory_space<vmem>>)
    %dma_wait3A_1286 = arith.constant 3 : i32
    %dma_wait3A_1287 = arith.constant 3 : i32
    %dma_wait3A_1288 = arith.constant 7 : i32
    %dma_wait3A_1289 = arith.constant 0 : i32
    %dma_wait3A_1290 = arith.constant 0 : i32
    %dma_wait3A_1291 = tpu.memref_slice %arg7[%dma_wait3A_1286, %dma_wait3A_1288, %dma_wait3A_1289, %dma_wait3A_1290] : memref<4x8x24x128xf32, #tpu.memory_space<vmem>> -> memref<1x1x24x128xf32, #tpu.memory_space<vmem>>
    %dma_wait3A_1292 = tpu.memref_squeeze %dma_wait3A_1291 : memref<1x1x24x128xf32, #tpu.memory_space<vmem>> -> memref<1x24x128xf32, #tpu.memory_space<vmem>>
    %dma_wait3A_1293 = arith.constant 0 : i32
    %dma_wait3A_1294 = arith.constant 0 : i32
    %dma_wait3A_1295 = arith.constant 0 : i32
    %dma_wait3A_1296 = tpu.memref_slice %arg2[%dma_wait3A_1293, %dma_wait3A_1294, %dma_wait3A_1295] : memref<16384x24x128xf32, #tpu.memory_space<hbm>> -> memref<1x24x128xf32, #tpu.memory_space<hbm>>
    %dma_wait3A_1297 = tpu.memref_slice %arg9[%dma_wait3A_1287] : memref<4x!tpu.dma_semaphore, #tpu.memory_space<semaphore_mem>> -> memref<1x!tpu.dma_semaphore, #tpu.memory_space<semaphore_mem>>
    %dma_wait3A_1298 = tpu.memref_squeeze %dma_wait3A_1297 : memref<1x!tpu.dma_semaphore, #tpu.memory_space<semaphore_mem>> -> memref<!tpu.dma_semaphore, #tpu.memory_space<semaphore_mem>>
    %dma_wait3A_1299 = arith.constant 7 : i32
    %dma_wait3A_1300 = arith.constant 0 : i32
    %dma_wait3A_1301 = arith.constant 0 : i32
    %dma_wait3A_1302 = tpu.memref_slice %arg7[%dma_wait3A_1286, %dma_wait3A_1299, %dma_wait3A_1300, %dma_wait3A_1301] : memref<4x8x24x128xf32, #tpu.memory_space<vmem>> -> memref<1x1x24x128xf32, #tpu.memory_space<vmem>>
    %dma_wait3A_1303 = tpu.memref_squeeze %dma_wait3A_1302 : memref<1x1x24x128xf32, #tpu.memory_space<vmem>> -> memref<1x24x128xf32, #tpu.memory_space<vmem>>
    %dma_wait3A_1304 = arith.constant 0 : i32
    %dma_wait3A_1305 = arith.constant 0 : i32
    %dma_wait3A_1306 = arith.constant 0 : i32
    %dma_wait3A_1307 = tpu.memref_slice %arg2[%dma_wait3A_1304, %dma_wait3A_1305, %dma_wait3A_1306] : memref<16384x24x128xf32, #tpu.memory_space<hbm>> -> memref<1x24x128xf32, #tpu.memory_space<hbm>>
    tpu.wait_dma2 semaphore(%dma_wait3A_1298 : memref<!tpu.dma_semaphore, #tpu.memory_space<semaphore_mem>>) src(%dma_wait3A_1307 : memref<1x24x128xf32, #tpu.memory_space<hbm>>) dst(%dma_wait3A_1303 : memref<1x24x128xf32, #tpu.memory_space<vmem>>)
    %add3A_1308 = arith.constant 24 : i32
    %add3A_1309 = arith.addi %mul3A_2, %add3A_1308 : i32
    %dma_start3A_1310 = arith.constant 3 : i32
    %dma_start3A_1311 = arith.constant 3 : i32
    %dma_start3A_1312 = arith.constant 0 : i32
    %dma_start3A_1313 = arith.constant 0 : i32
    %dma_start3A_1314 = arith.constant 0 : i32
    %dma_start3A_1315 = tpu.memref_slice %arg7[%dma_start3A_1310, %dma_start3A_1312, %dma_start3A_1313, %dma_start3A_1314] : memref<4x8x24x128xf32, #tpu.memory_space<vmem>> -> memref<1x8x24x128xf32, #tpu.memory_space<vmem>>
    %dma_start3A_1316 = tpu.memref_squeeze %dma_start3A_1315 : memref<1x8x24x128xf32, #tpu.memory_space<vmem>> -> memref<8x24x128xf32, #tpu.memory_space<vmem>>
    %dma_start3A_1317 = arith.constant 0 : i32
    %dma_start3A_1318 = arith.constant 0 : i32
    %dma_start3A_1319 = tpu.memref_slice %arg5[%add3A_1309, %dma_start3A_1317, %dma_start3A_1318] : memref<1024x24x128xf32, #tpu.memory_space<hbm>> -> memref<8x24x128xf32, #tpu.memory_space<hbm>>
    %dma_start3A_1320 = tpu.memref_slice %arg10[%dma_start3A_1311] : memref<4x!tpu.dma_semaphore, #tpu.memory_space<semaphore_mem>> -> memref<1x!tpu.dma_semaphore, #tpu.memory_space<semaphore_mem>>
    %dma_start3A_1321 = tpu.memref_squeeze %dma_start3A_1320 : memref<1x!tpu.dma_semaphore, #tpu.memory_space<semaphore_mem>> -> memref<!tpu.dma_semaphore, #tpu.memory_space<semaphore_mem>>
    %dma_start3A_1322 = arith.constant 0 : i32
    %dma_start3A_1323 = arith.constant 0 : i32
    %dma_start3A_1324 = tpu.memref_slice %arg5[%add3A_1309, %dma_start3A_1322, %dma_start3A_1323] : memref<1024x24x128xf32, #tpu.memory_space<hbm>> -> memref<8x24x128xf32, #tpu.memory_space<hbm>>
    %dma_start3A_1325 = arith.constant 0 : i32
    %dma_start3A_1326 = arith.constant 0 : i32
    %dma_start3A_1327 = arith.constant 0 : i32
    %dma_start3A_1328 = tpu.memref_slice %arg7[%dma_start3A_1310, %dma_start3A_1325, %dma_start3A_1326, %dma_start3A_1327] : memref<4x8x24x128xf32, #tpu.memory_space<vmem>> -> memref<1x8x24x128xf32, #tpu.memory_space<vmem>>
    %dma_start3A_1329 = tpu.memref_squeeze %dma_start3A_1328 : memref<1x8x24x128xf32, #tpu.memory_space<vmem>> -> memref<8x24x128xf32, #tpu.memory_space<vmem>>
    tpu.enqueue_dma source(%dma_start3A_1329 : memref<8x24x128xf32, #tpu.memory_space<vmem>>) target(%dma_start3A_1324 : memref<8x24x128xf32, #tpu.memory_space<hbm>>) target_semaphore(%dma_start3A_1321 : memref<!tpu.dma_semaphore, #tpu.memory_space<semaphore_mem>>)
    %dma_wait3A_1330 = arith.constant 0 : i32
    %dma_wait3A_1331 = arith.constant 0 : i32
    %dma_wait3A_1332 = arith.constant 0 : i32
    %dma_wait3A_1333 = arith.constant 0 : i32
    %dma_wait3A_1334 = arith.constant 0 : i32
    %dma_wait3A_1335 = tpu.memref_slice %arg7[%dma_wait3A_1330, %dma_wait3A_1332, %dma_wait3A_1333, %dma_wait3A_1334] : memref<4x8x24x128xf32, #tpu.memory_space<vmem>> -> memref<1x8x24x128xf32, #tpu.memory_space<vmem>>
    %dma_wait3A_1336 = tpu.memref_squeeze %dma_wait3A_1335 : memref<1x8x24x128xf32, #tpu.memory_space<vmem>> -> memref<8x24x128xf32, #tpu.memory_space<vmem>>
    %dma_wait3A_1337 = arith.constant 0 : i32
    %dma_wait3A_1338 = arith.constant 0 : i32
    %dma_wait3A_1339 = tpu.memref_slice %arg5[%add3A_716, %dma_wait3A_1337, %dma_wait3A_1338] : memref<1024x24x128xf32, #tpu.memory_space<hbm>> -> memref<8x24x128xf32, #tpu.memory_space<hbm>>
    %dma_wait3A_1340 = tpu.memref_slice %arg10[%dma_wait3A_1331] : memref<4x!tpu.dma_semaphore, #tpu.memory_space<semaphore_mem>> -> memref<1x!tpu.dma_semaphore, #tpu.memory_space<semaphore_mem>>
    %dma_wait3A_1341 = tpu.memref_squeeze %dma_wait3A_1340 : memref<1x!tpu.dma_semaphore, #tpu.memory_space<semaphore_mem>> -> memref<!tpu.dma_semaphore, #tpu.memory_space<semaphore_mem>>
    %dma_wait3A_1342 = arith.constant 0 : i32
    %dma_wait3A_1343 = arith.constant 0 : i32
    %dma_wait3A_1344 = tpu.memref_slice %arg5[%add3A_716, %dma_wait3A_1342, %dma_wait3A_1343] : memref<1024x24x128xf32, #tpu.memory_space<hbm>> -> memref<8x24x128xf32, #tpu.memory_space<hbm>>
    %dma_wait3A_1345 = arith.constant 0 : i32
    %dma_wait3A_1346 = arith.constant 0 : i32
    %dma_wait3A_1347 = arith.constant 0 : i32
    %dma_wait3A_1348 = tpu.memref_slice %arg7[%dma_wait3A_1330, %dma_wait3A_1345, %dma_wait3A_1346, %dma_wait3A_1347] : memref<4x8x24x128xf32, #tpu.memory_space<vmem>> -> memref<1x8x24x128xf32, #tpu.memory_space<vmem>>
    %dma_wait3A_1349 = tpu.memref_squeeze %dma_wait3A_1348 : memref<1x8x24x128xf32, #tpu.memory_space<vmem>> -> memref<8x24x128xf32, #tpu.memory_space<vmem>>
    tpu.wait_dma2 semaphore(%dma_wait3A_1341 : memref<!tpu.dma_semaphore, #tpu.memory_space<semaphore_mem>>) src(%dma_wait3A_1349 : memref<8x24x128xf32, #tpu.memory_space<vmem>>) dst(%dma_wait3A_1344 : memref<8x24x128xf32, #tpu.memory_space<hbm>>)
    %dma_wait3A_1350 = arith.constant 1 : i32
    %dma_wait3A_1351 = arith.constant 1 : i32
    %dma_wait3A_1352 = arith.constant 0 : i32
    %dma_wait3A_1353 = arith.constant 0 : i32
    %dma_wait3A_1354 = arith.constant 0 : i32
    %dma_wait3A_1355 = tpu.memref_slice %arg7[%dma_wait3A_1350, %dma_wait3A_1352, %dma_wait3A_1353, %dma_wait3A_1354] : memref<4x8x24x128xf32, #tpu.memory_space<vmem>> -> memref<1x8x24x128xf32, #tpu.memory_space<vmem>>
    %dma_wait3A_1356 = tpu.memref_squeeze %dma_wait3A_1355 : memref<1x8x24x128xf32, #tpu.memory_space<vmem>> -> memref<8x24x128xf32, #tpu.memory_space<vmem>>
    %dma_wait3A_1357 = arith.constant 0 : i32
    %dma_wait3A_1358 = arith.constant 0 : i32
    %dma_wait3A_1359 = tpu.memref_slice %arg5[%add3A_913, %dma_wait3A_1357, %dma_wait3A_1358] : memref<1024x24x128xf32, #tpu.memory_space<hbm>> -> memref<8x24x128xf32, #tpu.memory_space<hbm>>
    %dma_wait3A_1360 = tpu.memref_slice %arg10[%dma_wait3A_1351] : memref<4x!tpu.dma_semaphore, #tpu.memory_space<semaphore_mem>> -> memref<1x!tpu.dma_semaphore, #tpu.memory_space<semaphore_mem>>
    %dma_wait3A_1361 = tpu.memref_squeeze %dma_wait3A_1360 : memref<1x!tpu.dma_semaphore, #tpu.memory_space<semaphore_mem>> -> memref<!tpu.dma_semaphore, #tpu.memory_space<semaphore_mem>>
    %dma_wait3A_1362 = arith.constant 0 : i32
    %dma_wait3A_1363 = arith.constant 0 : i32
    %dma_wait3A_1364 = tpu.memref_slice %arg5[%add3A_913, %dma_wait3A_1362, %dma_wait3A_1363] : memref<1024x24x128xf32, #tpu.memory_space<hbm>> -> memref<8x24x128xf32, #tpu.memory_space<hbm>>
    %dma_wait3A_1365 = arith.constant 0 : i32
    %dma_wait3A_1366 = arith.constant 0 : i32
    %dma_wait3A_1367 = arith.constant 0 : i32
    %dma_wait3A_1368 = tpu.memref_slice %arg7[%dma_wait3A_1350, %dma_wait3A_1365, %dma_wait3A_1366, %dma_wait3A_1367] : memref<4x8x24x128xf32, #tpu.memory_space<vmem>> -> memref<1x8x24x128xf32, #tpu.memory_space<vmem>>
    %dma_wait3A_1369 = tpu.memref_squeeze %dma_wait3A_1368 : memref<1x8x24x128xf32, #tpu.memory_space<vmem>> -> memref<8x24x128xf32, #tpu.memory_space<vmem>>
    tpu.wait_dma2 semaphore(%dma_wait3A_1361 : memref<!tpu.dma_semaphore, #tpu.memory_space<semaphore_mem>>) src(%dma_wait3A_1369 : memref<8x24x128xf32, #tpu.memory_space<vmem>>) dst(%dma_wait3A_1364 : memref<8x24x128xf32, #tpu.memory_space<hbm>>)
    %dma_wait3A_1370 = arith.constant 2 : i32
    %dma_wait3A_1371 = arith.constant 2 : i32
    %dma_wait3A_1372 = arith.constant 0 : i32
    %dma_wait3A_1373 = arith.constant 0 : i32
    %dma_wait3A_1374 = arith.constant 0 : i32
    %dma_wait3A_1375 = tpu.memref_slice %arg7[%dma_wait3A_1370, %dma_wait3A_1372, %dma_wait3A_1373, %dma_wait3A_1374] : memref<4x8x24x128xf32, #tpu.memory_space<vmem>> -> memref<1x8x24x128xf32, #tpu.memory_space<vmem>>
    %dma_wait3A_1376 = tpu.memref_squeeze %dma_wait3A_1375 : memref<1x8x24x128xf32, #tpu.memory_space<vmem>> -> memref<8x24x128xf32, #tpu.memory_space<vmem>>
    %dma_wait3A_1377 = arith.constant 0 : i32
    %dma_wait3A_1378 = arith.constant 0 : i32
    %dma_wait3A_1379 = tpu.memref_slice %arg5[%add3A_1111, %dma_wait3A_1377, %dma_wait3A_1378] : memref<1024x24x128xf32, #tpu.memory_space<hbm>> -> memref<8x24x128xf32, #tpu.memory_space<hbm>>
    %dma_wait3A_1380 = tpu.memref_slice %arg10[%dma_wait3A_1371] : memref<4x!tpu.dma_semaphore, #tpu.memory_space<semaphore_mem>> -> memref<1x!tpu.dma_semaphore, #tpu.memory_space<semaphore_mem>>
    %dma_wait3A_1381 = tpu.memref_squeeze %dma_wait3A_1380 : memref<1x!tpu.dma_semaphore, #tpu.memory_space<semaphore_mem>> -> memref<!tpu.dma_semaphore, #tpu.memory_space<semaphore_mem>>
    %dma_wait3A_1382 = arith.constant 0 : i32
    %dma_wait3A_1383 = arith.constant 0 : i32
    %dma_wait3A_1384 = tpu.memref_slice %arg5[%add3A_1111, %dma_wait3A_1382, %dma_wait3A_1383] : memref<1024x24x128xf32, #tpu.memory_space<hbm>> -> memref<8x24x128xf32, #tpu.memory_space<hbm>>
    %dma_wait3A_1385 = arith.constant 0 : i32
    %dma_wait3A_1386 = arith.constant 0 : i32
    %dma_wait3A_1387 = arith.constant 0 : i32
    %dma_wait3A_1388 = tpu.memref_slice %arg7[%dma_wait3A_1370, %dma_wait3A_1385, %dma_wait3A_1386, %dma_wait3A_1387] : memref<4x8x24x128xf32, #tpu.memory_space<vmem>> -> memref<1x8x24x128xf32, #tpu.memory_space<vmem>>
    %dma_wait3A_1389 = tpu.memref_squeeze %dma_wait3A_1388 : memref<1x8x24x128xf32, #tpu.memory_space<vmem>> -> memref<8x24x128xf32, #tpu.memory_space<vmem>>
    tpu.wait_dma2 semaphore(%dma_wait3A_1381 : memref<!tpu.dma_semaphore, #tpu.memory_space<semaphore_mem>>) src(%dma_wait3A_1389 : memref<8x24x128xf32, #tpu.memory_space<vmem>>) dst(%dma_wait3A_1384 : memref<8x24x128xf32, #tpu.memory_space<hbm>>)
    %dma_wait3A_1390 = arith.constant 3 : i32
    %dma_wait3A_1391 = arith.constant 3 : i32
    %dma_wait3A_1392 = arith.constant 0 : i32
    %dma_wait3A_1393 = arith.constant 0 : i32
    %dma_wait3A_1394 = arith.constant 0 : i32
    %dma_wait3A_1395 = tpu.memref_slice %arg7[%dma_wait3A_1390, %dma_wait3A_1392, %dma_wait3A_1393, %dma_wait3A_1394] : memref<4x8x24x128xf32, #tpu.memory_space<vmem>> -> memref<1x8x24x128xf32, #tpu.memory_space<vmem>>
    %dma_wait3A_1396 = tpu.memref_squeeze %dma_wait3A_1395 : memref<1x8x24x128xf32, #tpu.memory_space<vmem>> -> memref<8x24x128xf32, #tpu.memory_space<vmem>>
    %dma_wait3A_1397 = arith.constant 0 : i32
    %dma_wait3A_1398 = arith.constant 0 : i32
    %dma_wait3A_1399 = tpu.memref_slice %arg5[%add3A_1309, %dma_wait3A_1397, %dma_wait3A_1398] : memref<1024x24x128xf32, #tpu.memory_space<hbm>> -> memref<8x24x128xf32, #tpu.memory_space<hbm>>
    %dma_wait3A_1400 = tpu.memref_slice %arg10[%dma_wait3A_1391] : memref<4x!tpu.dma_semaphore, #tpu.memory_space<semaphore_mem>> -> memref<1x!tpu.dma_semaphore, #tpu.memory_space<semaphore_mem>>
    %dma_wait3A_1401 = tpu.memref_squeeze %dma_wait3A_1400 : memref<1x!tpu.dma_semaphore, #tpu.memory_space<semaphore_mem>> -> memref<!tpu.dma_semaphore, #tpu.memory_space<semaphore_mem>>
    %dma_wait3A_1402 = arith.constant 0 : i32
    %dma_wait3A_1403 = arith.constant 0 : i32
    %dma_wait3A_1404 = tpu.memref_slice %arg5[%add3A_1309, %dma_wait3A_1402, %dma_wait3A_1403] : memref<1024x24x128xf32, #tpu.memory_space<hbm>> -> memref<8x24x128xf32, #tpu.memory_space<hbm>>
    %dma_wait3A_1405 = arith.constant 0 : i32
    %dma_wait3A_1406 = arith.constant 0 : i32
    %dma_wait3A_1407 = arith.constant 0 : i32
    %dma_wait3A_1408 = tpu.memref_slice %arg7[%dma_wait3A_1390, %dma_wait3A_1405, %dma_wait3A_1406, %dma_wait3A_1407] : memref<4x8x24x128xf32, #tpu.memory_space<vmem>> -> memref<1x8x24x128xf32, #tpu.memory_space<vmem>>
    %dma_wait3A_1409 = tpu.memref_squeeze %dma_wait3A_1408 : memref<1x8x24x128xf32, #tpu.memory_space<vmem>> -> memref<8x24x128xf32, #tpu.memory_space<vmem>>
    tpu.wait_dma2 semaphore(%dma_wait3A_1401 : memref<!tpu.dma_semaphore, #tpu.memory_space<semaphore_mem>>) src(%dma_wait3A_1409 : memref<8x24x128xf32, #tpu.memory_space<vmem>>) dst(%dma_wait3A_1404 : memref<8x24x128xf32, #tpu.memory_space<hbm>>)
    return
  }
}

module attributes {stable_mosaic.version = 14 : i64} {
  func.func @_match_body(%arg0: i32, %arg1: memref<1x1x128xi32, #tpu.memory_space<vmem>>, %arg2: memref<4096x1xi32, #tpu.memory_space<vmem>>, %arg3: memref<1x1x128xi32, #tpu.memory_space<vmem>>) attributes {dimension_semantics = [#tpu.dimension_semantics<arbitrary>], iteration_bounds = array<i64: 8>, scalar_prefetch = 0 : i64, scratch_operands = 0 : i64, tpu.core_type = #tpu.core_type<tc>, window_params = [{transform_indices = @transform_0, window_bounds = array<i64: 1, 1, 128>}, {pipeline_mode = #tpu.pipeline_mode<synchronous>, transform_indices = @transform_1, window_bounds = array<i64: 4096, 1>}, {transform_indices = @transform_2, window_bounds = array<i64: 1, 1, 128>}]} {
    %get3A = arith.constant 0 : index
    %get3A_0 = arith.constant 0 : index
    %get3A_1 = arith.constant 0 : index
    %get3A_2 = vector.load %arg1[%get3A, %get3A_0, %get3A_1] : memref<1x1x128xi32, #tpu.memory_space<vmem>>, vector<1x1x128xi32>
    %get3A_3 = vector.shape_cast %get3A_2 : vector<1x1x128xi32> to vector<1x128xi32>
    %get3A_4 = arith.constant 0 : index
    %get3A_5 = arith.constant 0 : index
    %get3A_6 = vector.load %arg2[%get3A_4, %get3A_5] : memref<4096x1xi32, #tpu.memory_space<vmem>>, vector<4096x1xi32>
    %eq3A = vector.broadcast %get3A_6 : vector<4096x1xi32> to vector<4096x128xi32>
    %eq3A_7 = vector.broadcast %get3A_3 : vector<1x128xi32> to vector<4096x128xi32>
    %eq3A_8 = arith.cmpi eq, %eq3A, %eq3A_7 : vector<4096x128xi32>
    %iota3A = tpu.iota {dimensions = array<i32: 0>} : vector<4096x128xi32>
    %jit3A = arith.constant -1 : i32
    %broadcast_in_dim3A = vector.broadcast %jit3A : i32 to vector<4096x128xi32>
    %select_n3A = arith.select %eq3A_8, %iota3A, %broadcast_in_dim3A : vector<4096x128xi1>, vector<4096x128xi32>
    %reduce_max3A = arith.constant dense<-2147483648> : vector<128xi32>
    %reduce_max3A_9 = vector.multi_reduction <maxsi>, %select_n3A, %reduce_max3A [0] : vector<4096x128xi32> to vector<128xi32>
    %broadcast_in_dim3A_10 = vector.shape_cast %reduce_max3A_9 : vector<128xi32> to vector<1x128xi32>
    %ge3A = arith.constant 0 : i32
    %ge3A_11 = vector.broadcast %ge3A : i32 to vector<1x128xi32>
    %ge3A_12 = arith.cmpi sge, %broadcast_in_dim3A_10, %ge3A_11 : vector<1x128xi32>
    %add3A = arith.constant 16384 : i32
    %add3A_13 = vector.broadcast %add3A : i32 to vector<1x128xi32>
    %add3A_14 = arith.addi %add3A_13, %broadcast_in_dim3A_10 : vector<1x128xi32>
    %select_n3A_15 = arith.select %ge3A_12, %add3A_14, %get3A_3 : vector<1x128xi1>, vector<1x128xi32>
    %swap3A = arith.constant 0 : index
    %swap3A_16 = arith.constant 0 : index
    %swap3A_17 = arith.constant 0 : index
    %swap3A_18 = vector.load %arg3[%swap3A, %swap3A_16, %swap3A_17] : memref<1x1x128xi32, #tpu.memory_space<vmem>>, vector<1x1x128xi32>
    %swap3A_19 = vector.shape_cast %swap3A_18 : vector<1x1x128xi32> to vector<1x128xi32>
    %swap3A_20 = vector.shape_cast %select_n3A_15 : vector<1x128xi32> to vector<1x1x128xi32>
    tpu.vector_store %arg3[%swap3A, %swap3A_16, %swap3A_17], %swap3A_20 {strides = array<i32>} : memref<1x1x128xi32, #tpu.memory_space<vmem>>, vector<1x1x128xi32>,
    return
  }
  func.func @transform_0(%arg0: i32) -> (i32, i32, i32) {
    %c0_i32 = arith.constant 0 : i32
    %c0_i32_0 = arith.constant 0 : i32
    %c0_i32_1 = arith.constant 0 : i32
    return %arg0, %c0_i32, %c0_i32_0 : i32, i32, i32
  }
  func.func @transform_1(%arg0: i32) -> (i32, i32) {
    %c0_i32 = arith.constant 0 : i32
    %c0_i32_0 = arith.constant 0 : i32
    %c0_i32_1 = arith.constant 0 : i32
    return %c0_i32, %c0_i32_0 : i32, i32
  }
  func.func @transform_2(%arg0: i32) -> (i32, i32, i32) {
    %c0_i32 = arith.constant 0 : i32
    %c0_i32_0 = arith.constant 0 : i32
    %c0_i32_1 = arith.constant 0 : i32
    return %arg0, %c0_i32, %c0_i32_0 : i32, i32, i32
  }
}

</mosaic_0001>

<sc_bundles>
// kernel: kernel.4.cloned.1.call-start
scs
__scs_entry_jumppad:
0x0: {  	(pc) =	sbr.rel $0x88, $3  }
0x1: {  	(tag) =	ssettag $0x0;
	lr =	simm.s32 $0x1  }
0x2: {  	[smem:$0x3F9D] =	sst lr;
	_ =	strace $0xD0000000  }
0x3: {  	_ = 	snop  }
0x4: {  	_ = 	snop  }
0x5: {  	_ = 	snop  }
0x6: {  	_ = 	snop  }
0x7: {  	_ = 	snop  }
__scs_overlays_trampoline_lowered:
0x8: {  	[smem:$0x3FAC] =	sst s0  }
0x9: {  	[smem:$0x3FAD] =	sst s1  }
0xa: {  	[smem:$0x3FAE] =	sst s2  }
0xb: {  	[smem:$0x3FAF] =	sst s3  }
0xc: {  	[smem:$0x3FB0] =	sst s4  }
0xd: {  	[smem:$0x3FB1] =	sst s5  }
0xe: {  	[smem:$0x3FB2] =	sst s6  }
0xf: {  	[smem:$0x3FB3] =	sst s7  }
0x10: {  	[smem:$0x3FB4] =	sst s8  }
0x11: {  	[smem:$0x3FB5] =	sst s9;
	s0 =	simm.s32 @!p0 $0x0  }
0x12: {  	s1 =	sld [smem:$0x3F9B];
	s0 =	simm.s32 @p0 $0x1  }
0x13: {  	[smem:$0x3FB6] =	sst s0;
	s0 =	simm.s32 @!p1 $0x0  }
0x14: {  	s2 =	sld [smem:$0x3F9A];
	s0 =	simm.s32 @p1 $0x1  }
0x15: {  	[smem:$0x3FB7] =	sst s0;
	s0 =	simm.s32 @!p2 $0x0  }
0x16: {  	s3 =	sld [smem:$0x3FDB];
	s0 =	simm.s32 @p2 $0x1  }
0x17: {  	s4 =	simm.s32 $0x1BF5;
	[smem:$0x3FB9] =	sst s0  }
0x18: {  	s0 =	sld [smem:$0x3F9C];
	_ =	swait.ge [sflag:s4], $0x0  }
0x19: {  	s7 =	sld [smem:$0x3F9D]  }
0x1a: {  	s8 =	sadd.s32 $0xFFFFE003, lr  }
0x1b: {  	s9 =	sadd.s32 $0xFFFFFEF7, lr;
	s5 =	simm.s32 $0xFFFFFFFF;
	p2 =	slt.u32 s8, $0xFFFFF086  }
0x1c: {  	p1 =	slt.u32 s9, $0xF7A;
	s5 =	simm.s32 @!p2 $0x0  }
0x1d: {  	s5 =	simm.s32 @p1 $0x1;
	p0 =	seq.s32 s7, s2  }
0x1e: {  	s7 =	smul.u32 @!p0 $0xF7A, s2;
	p2 =	seq.s32 @!p0 s5, $0x0  }
0x1f: {  	s9 =	smul.u32 $0xF7A, s1;
	s8 =	simm.s32 @!p0 $0x1BF5;
	p2 =	por !p2, p0  }
0x20: {  	[sflag:s8] =	ssyncset.s32 @!p0 $0xFFFFF086;
	s6 =	sadd.s32 @!p0 s3, s7;
	s7 =	simm.s32 @!p0 $0x108  }
0x21: {  	s3 =	sadd.s32 s3, s9;
	s6 =	sadd.s32 @!p0 $0x88, s6;
	s7 =	simm.s32 @p2 $0x1082  }
0x22: {  	[simem:s7], [sflag:s8] =	dma.local @!p0 [hbm:s6], $0xF7A  }
0x23: {  	s9 =	sor.u32 $0xD0000000, s2;
	s6 =	simm.s32 $0x108;
	_ =	swait.ge @!p0 [sflag:s8], $0x0  }
0x24: {  	s3 =	sadd.s32 $0x88, s3;
	s6 =	simm.s32 @!p1 $0x1082;
	[sflag:s4] =	ssyncset.s32 $0xFFFFF086  }
0x25: {  	[simem:s6], [sflag:s4] =	dma.local [hbm:s3], $0xF7A  }
0x26: {  	[smem:$0x3F9D] =	sst s1;
	(tag) =	ssettag s2;
	_ =	strace s9  }
0x27: {  	s1 =	sld [smem:$0x3FAD]  }
0x28: {  	s2 =	sld [smem:$0x3FAE]  }
0x29: {  	s4 =	sld [smem:$0x3FB0]  }
0x2a: {  	p0 =	seq.s32 s5, $0x0;
	s5 =	sld [smem:$0x3FB1]  }
0x2b: {  	s6 =	sld [smem:$0x3FB2]  }
0x2c: {  	s7 =	sld [smem:$0x3FB3]  }
0x2d: {  	s3 =	simm.s32 $0x108;
	s8 =	sld [smem:$0x3FB4]  }
0x2e: {  	s3 =	simm.s32 @!p0 $0x1082;
	s9 =	sld [smem:$0x3FB5]  }
0x2f: {  	lr =	sadd.s32 s0, s3;
	s0 =	sld [smem:$0x3FAC]  }
0x30: {  	s3 =	sld [smem:$0x3FAF]  }
0x31: {  	[smem:$0x3FB8] =	sst s10  }
0x32: {  	s10 =	sld [smem:$0x3FB6];
	_ =	sdelay $0x3  }
0x33: {  	p0 =	seq.s32 s10, $0x1;
	s10 =	sld [smem:$0x3FB8];
	_ =	sdelay $0x3  }
0x34: {  	[smem:$0x3FB8] =	sst s10  }
0x35: {  	s10 =	sld [smem:$0x3FB7];
	_ =	sdelay $0x3  }
0x36: {  	p1 =	seq.s32 s10, $0x1;
	s10 =	sld [smem:$0x3FB8];
	_ =	sdelay $0x3  }
0x37: {  	[smem:$0x3FB8] =	sst s10  }
0x38: {  	s10 =	sld [smem:$0x3FB9]  }
0x39: {  	_ = 	snop;
	(pc) =	sbr.ind lr, $3  }
0x3a: {  	_ = 	snop  }
0x3b: {  	_ = 	snop  }
0x3c: {  	p2 =	seq.s32 s10, $0x1;
	s10 =	sld [smem:$0x3FB8]  }
0x3d: {  	_ =	shalt  }
0x3e: {  	_ =	shalt  }
0x3f: {  	_ =	shalt  }
0x40: {  	_ =	shalt  }
0x41: {  	_ =	shalt  }
0x42: {  	_ =	shalt  }
0x43: {  	_ =	shalt  }
0x44: {  	_ =	shalt  }
0x45: {  	_ =	shalt  }
0x46: {  	_ =	shalt  }
0x47: {  	_ =	shalt  }
0x48: {  	_ =	shalt  }
0x49: {  	_ =	shalt  }
0x4a: {  	_ =	shalt  }
0x4b: {  	_ =	shalt  }
0x4c: {  	_ =	shalt  }
0x4d: {  	_ =	shalt  }
0x4e: {  	_ =	shalt  }
0x4f: {  	_ =	shalt  }
0x50: {  	_ =	shalt  }
0x51: {  	_ =	shalt  }
0x52: {  	_ =	shalt  }
0x53: {  	_ =	shalt  }
0x54: {  	_ =	shalt  }
0x55: {  	_ =	shalt  }
0x56: {  	_ =	shalt  }
0x57: {  	_ =	shalt  }
0x58: {  	_ =	shalt  }
0x59: {  	_ =	shalt  }
0x5a: {  	_ =	shalt  }
0x5b: {  	_ =	shalt  }
0x5c: {  	_ =	shalt  }
0x5d: {  	_ =	shalt  }
0x5e: {  	_ =	shalt  }
0x5f: {  	_ =	shalt  }
0x60: {  	_ =	shalt  }
0x61: {  	_ =	shalt  }
0x62: {  	_ =	shalt  }
0x63: {  	_ =	shalt  }
0x64: {  	_ =	shalt  }
0x65: {  	_ =	shalt  }
0x66: {  	_ =	shalt  }
0x67: {  	_ =	shalt  }
0x68: {  	_ =	shalt  }
0x69: {  	_ =	shalt  }
0x6a: {  	_ =	shalt  }
0x6b: {  	_ =	shalt  }
0x6c: {  	_ =	shalt  }
0x6d: {  	_ =	shalt  }
0x6e: {  	_ =	shalt  }
0x6f: {  	_ =	shalt  }
0x70: {  	_ =	shalt  }
0x71: {  	_ =	shalt  }
0x72: {  	_ =	shalt  }
0x73: {  	_ =	shalt  }
0x74: {  	_ =	shalt  }
0x75: {  	_ =	shalt  }
0x76: {  	_ =	shalt  }
0x77: {  	_ =	shalt  }
0x78: {  	_ =	shalt  }
0x79: {  	_ =	shalt  }
0x7a: {  	_ =	shalt  }
0x7b: {  	_ =	shalt  }
0x7c: {  	_ =	shalt  }
0x7d: {  	_ =	shalt  }
0x7e: {  	_ =	shalt  }
0x7f: {  	_ =	shalt  }
0x80: {  	_ =	shalt  }
0x81: {  	_ =	shalt  }
0x82: {  	_ =	shalt  }
0x83: {  	_ =	shalt  }
0x84: {  	_ =	shalt  }
0x85: {  	_ =	shalt  }
0x86: {  	_ =	shalt  }
0x87: {  	_ =	shalt  }
.Lfunc_end0:
.L_simem_size_0:
called_computation_lowered:
.L_overlay_start_0:
0x88: {  	s2 =	sld [smem:$0x3FD9]  }
0x89: {  	s3 =	sld [smem:$0x3FFE];
	_ =	sdelay $0x1  }
0x8a: {  	s1 =	srdreg.scid  }
0x8b: {  	s0 =	sand.u32 $0x1, s1  }
0x8c: {  	s17 =	sshll.u32 s0, $0xA;
	s2 =	sadd.s32 s3, s2  }
0x8d: {  	s2 =	sadd.s32 s2, s17  }
0x8e: {  	[smem:$0x3FC4] =	sst s2  }
0x8f: {  	_ = 	snop  }
0x90: {  	s2 =	sld [smem:$0x3FD0];
	(tm) =	ssettm $0x1  }
0x91: {  	s18 =	sld [smem:$0x3FFB];
	_ =	sdelay $0x3  }
0x92: {  	_ =	strace s18  }
0x93: {  	s3 =	sld [smem:$0x3FFC];
	_ =	sdelay $0x3  }
0x94: {  	_ =	strace s3  }
0x95: {  	s3 =	sld [smem:$0x3FFD];
	_ =	sdelay $0x3  }
0x96: {  	_ =	strace s3  }
0x97: {  	_ =	strace $0x8FFFFFFF  }
0x98: {  	s19 =	sld [smem:$0x3FDB];
	_ =	sdelay $0x1  }
0x99: {  	s4 =	simm.s32 $_scs_section_size  }
0x9a: {  	s5 =	simm.s32 $_size__tile_overlayer_lowered;
	s6 =	simm.s32 $_tile_overlayer_lowered  }
0x9b: {  	s22 =	simm.s32 $0x1BFF;
	s21 =	sshll.u32 s6, $0x1;
	s3 =	sadd.s32 s4, s19  }
0x9c: {  	s7 =	simm.s32 $0x0;
	s20 =	sshll.u32 s5, $0x1;
	s5 =	sadd.s32 s21, s3  }
0x9d: {  	[timem:s7], [sflag:s22] =	dma.local [hbm:s5], s20  }
0x9e: {  	_ =	swait.ge [sflag:s22], s20  }
0x9f: {  	s4 =	ssub.s32 $0x0, s20;
	[sflag:s22] =	ssyncset.done $0x0  }
0xa0: {  	[sflag:s22] =	ssyncadd.s32 s4;
	_ =	sdelay $0x1  }
0xa1: {  	s23 =	simm.s32 $0x1B8B  }
0xa2: {  	_ =	swait.ge [sflag:s23], $0x1  }
0xa3: {  	[sflag:s23] =	ssyncset.done $0x0  }
0xa4: {  	s25 =	simm.s32 $0x1B8E;
	s24 =	sld [smem:$0x3FFE];
	[sflag:s23] =	ssyncadd.s32 $0xFFFFFFFF  }
0xa5: {  	s26 =	simm.s32 $execute0_lowered;
	[smem:$0x3FD2] =	sst s25  }
0xa6: {  	s5 =	sshll.u32 s26, $0x1;
	_ =	strace $0x80000046;
	[dreg:$0x1] =	wrdreg $0xFFFFFFFF  }
0xa7: {  	s28 =	simm.s32 $_size_execute0_lowered;
	s3 =	sadd.s32 s3, s5;
	[dreg:$0x0] =	wrdreg $0x0  }
0xa8: {  	s5 =	sshll.u32 s28, $0x1;
	[dreg:$0x2] =	wrdreg s3  }
0xa9: {  	[dreg:$0x3] =	wrdreg s5  }
0xaa: {  	[dreg:$0x4] =	wrdreg $0xC0  }
0xab: {  	_ =	task [dreg:s7], $0x5FFFF  }
0xac: {  	[dreg:$0x1] =	wrdreg $0xFFFFFFFF  }
0xad: {  	[dreg:$0x0] =	wrdreg $0x60  }
0xae: {  	[dreg:$0x2] =	wrdreg s24  }
0xaf: {  	[dreg:$0x3] =	wrdreg s2  }
0xb0: {  	[dreg:$0x4] =	wrdreg $0x9  }
0xb1: {  	_ =	task.clear_ibuf [dreg:s7], $0x5FFFF;
	_ =	strace $0x90000046  }
0xb2: {  	s29 =	simm.s32 $0x9;
	_ =	strace $0x80000048  }
0xb3: {  	_ =	swait.ge [sflag:s29], $0x1  }
0xb4: {  	[sflag:s29] =	ssyncadd.s32 $0xFFFFFFFF  }
0xb5: {  	_ =	strace $0x90000048  }
0xb6: {  	_ =	sfence  }
0xb7: {  	s30 =	sld [smem:$0x0];
	_ =	sdelay $0x2  }
0xb8: {  	s31 =	sshll.u32 s1, $0xD;
	s1 =	sshrl.u32 s1, $0x2  }
0xb9: {  	s3 =	sand.u32 $0x4000, s31;
	s1 =	sadd.s32 s1, s30  }
0xba: {  	s0 =	sor.u32 s3, s0;
	s1 =	sshll.u32 s1, $0x11  }
0xbb: {  	s0 =	sor.u32 s1, s0  }
0xbc: {  	s0 =	sadd.s32 $0x8F2B, s0  }
0xbd: {  	[sflag:s0] =	ssyncadd.remote.s32 $0x1  }
0xbe: {  	_ =	sfence.sel $0xFFFF  }
0xbf: {  	[dreg:$0x0] =	wrdreg $0xFFFFFFFF;
	(pc) =	sbr.abs _section_cstart, $3  }
0xc0: {  	[dreg:$0x1] =	wrdreg $0xFFFFFFFF  }
0xc1: {  	_ =	task.clear_ibuf [dreg:s7], $0x2FFFF;
	_ =	strace $0x9FFFFFFF  }
0xc2: {  	(tm) =	ssettm $0x7FFFFFFF  }
0xc3: {  	_ =	shalt  }
tec
execute0_lowered:
.L_overlay_start_1:
0x0: {  	(tag) =	ssettag $0x1  }
0x1: {  	s1 =	srdreg.scid  }
0x2: {  	s0 =	stileid.u32;
	s5 =	rddreg [dreg:$0x0];
	s6 =	sand.u32 $0x1, s1  }
0x3: {  	s3 =	rddreg [dreg:$0x1];
	s24 =	sshll.u32 s0, $0x6;
	s2 =	sshll.u32 s6, $0x5  }
0x4: {  	s1 =	rddreg [dreg:$0x2];
	s4 =	sor.u32 s2, s24;
	s2 =	simm.s32 $0x0  }
0x5: {  	s30 =	simm.s32 $0xC80;
	[smem:$0x7FF] =	sst s2  }
0x6: {  	s31 =	simm.s32 $0x1880;
	_ =	strace $0x80000047;
	[dreg:$0x7] =	wrdreg s30  }
0x7: {  	s10 =	simm.s32 $0x4880;
	[dreg:$0x8] =	wrdreg s31  }
0x8: {  	s11 =	simm.s32 $0x5480;
	[dreg:$0xc] =	wrdreg s10  }
0x9: {  	s12 =	simm.s32 $0x6C80;
	[dreg:$0xd] =	wrdreg s11  }
0xa: {  	s13 =	simm.s32 $0x7880;
	[dreg:$0xe] =	wrdreg s12  }
0xb: {  	s14 =	simm.s32 $0x8480;
	[dreg:$0xf] =	wrdreg s13  }
0xc: {  	s15 =	simm.s32 $0x9080;
	[dreg:$0x10] =	wrdreg s14  }
0xd: {  	s16 =	simm.s32 $0x9C80;
	[dreg:$0x11] =	wrdreg s15  }
0xe: {  	s17 =	simm.s32 $0xA880;
	[dreg:$0x12] =	wrdreg s16  }
0xf: {  	s18 =	simm.s32 $0xB480;
	[dreg:$0x13] =	wrdreg s17  }
0x10: {  	s19 =	simm.s32 $0xCC80;
	s20 =	simm.s32 $0xD880;
	[dreg:$0x14] =	wrdreg s18  }
0x11: {  	s21 =	simm.s32 $0xE480;
	s22 =	simm.s32 $0xF080;
	[dreg:$0x15] =	wrdreg s19  }
0x12: {  	s23 =	simm.s32 $0xFC80;
	s9 =	sadd.s32 $0x780800, s5;
	[dreg:$0x16] =	wrdreg s20  }
0x13: {  	s6 =	ssub.s32 $0x2, s6;
	s7 =	smul.u32 $0x180, s4;
	[dreg:$0x17] =	wrdreg s21  }
0x14: {  	s8 =	smul.u32 $0xC00, s4;
	s4 =	sshrl.u32 s4, $0x3;
	[dreg:$0x18] =	wrdreg s22  }
0x15: {  	s24 =	simm.s32 $0x10880;
	s4 =	sadd.s32 s3, s4;
	[dreg:$0x19] =	wrdreg s23  }
0x16: {  	[dreg:$0x1a] =	wrdreg s24;
	s30 =	simm.s32 $0x14480;
	s10 =	simm.s32 $0x15080  }
0x17: {  	s11 =	simm.s32 $0x15C80;
	s12 =	simm.s32 $0x16880;
	s31 =	simm.s32 $0x17480  }
0x18: {  	s13 =	simm.s32 $0x2;
	s14 =	simm.s32 $0x3;
	[dreg:$0x3] =	wrdreg s4  }
0x19: {  	s15 =	simm.s32 $0x4;
	s16 =	simm.s32 $0x5;
	[dreg:$0x1e] =	wrdreg s30  }
0x1a: {  	s17 =	simm.s32 $0x6;
	s18 =	simm.s32 $0x7;
	[dreg:$0x1f] =	wrdreg s10  }
0x1b: {  	s19 =	simm.s32 $0x8;
	s3 =	sadd.s32 s9, s7;
	[smem:$0x7FB] =	sst s11  }
0x1c: {  	s25 =	sshrl.u32 s8, $0x3;
	s8 =	simm.s32 $0x3080;
	[smem:$0x7FC] =	sst s12  }
0x1d: {  	s4 =	sadd.s32 $0x180800, s5;
	s5 =	sadd.s32 $0x800, s5;
	[smem:$0x7FD] =	sst s31  }
0x1e: {  	s10 =	simm.s32 $0xC080;
	s26 =	sadd.s32 $0xC00, s3;
	[dreg:$0xa] =	wrdreg s8  }
0x1f: {  	s7 =	sadd.s32 s9, s25;
	s9 =	simm.s32 $0x3C80;
	[dreg:$0x4] =	wrdreg s26  }
0x20: {  	s11 =	simm.s32 $0x12080;
	s28 =	sadd.s32 $0x1800, s7;
	[dreg:$0xb] =	wrdreg s9  }
0x21: {  	s12 =	simm.s32 $0x1;
	s29 =	sadd.s32 $0x2400, s7;
	[dreg:$0x5] =	wrdreg s28  }
0x22: {  	s25 =	sshrl.u32 s6, $0x1;
	s7 =	simm.s32 $0x2480;
	[dreg:$0x6] =	wrdreg s29  }
0x23: {  	s8 =	simm.s32 $0x80;
	s26 =	simm.s32 $0x11480;
	[dreg:$0x9] =	wrdreg s7  }
0x24: {  	s6 =	ssub.s32 s6, s25;
	[dreg:$0x1b] =	wrdreg s26;
	s28 =	simm.s32 $0x12C80  }
0x25: {  	s9 =	simm.s32 $0x6080;
	s29 =	simm.s32 $0x13880;
	[dreg:$0x1c] =	wrdreg s28  }
0x26: {  	s6 =	smax.u32 s6, $0x1;
	s7 =	simm.s32 $0x9;
	[dreg:$0x1d] =	wrdreg s29  }
.LBB2_1:
0x27: {  	s20 =	rddreg [dreg:$0x3]  }
0x28: {  	[tilespmem:s2], [sflag:$0x9] =	stream.linear.gather [hbm4b:s20+s2], $0x20, $0x38;
	[tilespmem:$0x18080] =	vst v63  }
0x29: {  	_ =	swait.ge [sflag:s7], $0x20  }
0x2a: {  	[sflag:s7] =	ssyncset.done $0x0  }
0x2b: {  	[sflag:s7] =	ssyncadd.s32 $0xFFFFFFE0  }
0x2c: {  	v0 =	vld [tilespmem:$0x0];
	_ =	sdelay $0x4  }
0x2d: {  	(v2sf) =	vpush v0, $0x0;
	_ =	sdelay $0xe  }
0x2e: {  	s31 =	spop (v2sf)  }
0x2f: {  	s21 =	smul.u32 $0xC00, s31;
	_ =	sdelay $0x1  }
0x30: {  	p0 =	slt.s32 s31, $0x4000;
	s20 =	sadd.s32 $0xFD000000, s21  }
0x31: {  	s20 =	smov.u32 @p0 s21;
	s21 =	smov.u32 s5  }
0x32: {  	s21 =	smov.u32 @p0 s4;
	s20 =	sshrl.u32 s20, $0x3  }
0x33: {  	s20 =	sadd.s32 s21, s20  }
0x34: {  	[tilespmem:s8], [sflag:$0x1] =	stream.linear.gather [hbm4b:s20+s2], $0xC00, $0x38;
	[tilespmem:$0x18080] =	vst v63  }
0x35: {  	v33 =	vld [tilespmem:$0x0];
	_ =	sdelay $0x4  }
0x36: {  	(v2sf) =	vpush v33, $0x1;
	_ =	sdelay $0xe  }
0x37: {  	s22 =	spop (v2sf)  }
0x38: {  	s21 =	smul.u32 $0xC00, s22;
	_ =	sdelay $0x1  }
0x39: {  	p0 =	slt.s32 s22, $0x4000;
	s20 =	sadd.s32 $0xFD000000, s21  }
0x3a: {  	s20 =	smov.u32 @p0 s21;
	s21 =	smov.u32 s5  }
0x3b: {  	s21 =	smov.u32 @p0 s4;
	s20 =	sshrl.u32 s20, $0x3  }
0x3c: {  	s22 =	rddreg [dreg:$0x7];
	s20 =	sadd.s32 s21, s20  }
0x3d: {  	[tilespmem:s22], [sflag:$0x1] =	stream.linear.gather [hbm4b:s20+s2], $0xC00, $0x38;
	[tilespmem:$0x18080] =	vst v63  }
0x3e: {  	v34 =	vld [tilespmem:$0x0];
	_ =	sdelay $0x4  }
0x3f: {  	(v2sf) =	vpush v34, $0x2;
	_ =	sdelay $0xe  }
0x40: {  	s23 =	spop (v2sf)  }
0x41: {  	s21 =	smul.u32 $0xC00, s23;
	_ =	sdelay $0x1  }
0x42: {  	p0 =	slt.s32 s23, $0x4000;
	s20 =	sadd.s32 $0xFD000000, s21  }
0x43: {  	s20 =	smov.u32 @p0 s21;
	s21 =	smov.u32 s5  }
0x44: {  	s21 =	smov.u32 @p0 s4;
	s20 =	sshrl.u32 s20, $0x3  }
0x45: {  	s24 =	rddreg [dreg:$0x8];
	s20 =	sadd.s32 s21, s20  }
0x46: {  	[tilespmem:s24], [sflag:$0x1] =	stream.linear.gather [hbm4b:s20+s2], $0xC00, $0x38;
	[tilespmem:$0x18080] =	vst v63  }
0x47: {  	v35 =	vld [tilespmem:$0x0];
	_ =	sdelay $0x4  }
0x48: {  	(v2sf) =	vpush v35, $0x3;
	_ =	sdelay $0xe  }
0x49: {  	s25 =	spop (v2sf)  }
0x4a: {  	s21 =	smul.u32 $0xC00, s25;
	_ =	sdelay $0x1  }
0x4b: {  	p0 =	slt.s32 s25, $0x4000;
	s20 =	sadd.s32 $0xFD000000, s21  }
0x4c: {  	s20 =	smov.u32 @p0 s21;
	s21 =	smov.u32 s5  }
0x4d: {  	s21 =	smov.u32 @p0 s4;
	s20 =	sshrl.u32 s20, $0x3  }
0x4e: {  	s26 =	rddreg [dreg:$0x9];
	s20 =	sadd.s32 s21, s20  }
0x4f: {  	[tilespmem:s26], [sflag:$0x1] =	stream.linear.gather [hbm4b:s20+s2], $0xC00, $0x38;
	[tilespmem:$0x18080] =	vst v63  }
0x50: {  	v36 =	vld [tilespmem:$0x0];
	_ =	sdelay $0x4  }
0x51: {  	(v2sf) =	vpush v36, $0x4;
	_ =	sdelay $0xe  }
0x52: {  	s28 =	spop (v2sf)  }
0x53: {  	s21 =	smul.u32 $0xC00, s28;
	_ =	sdelay $0x1  }
0x54: {  	p0 =	slt.s32 s28, $0x4000;
	s20 =	sadd.s32 $0xFD000000, s21  }
0x55: {  	s20 =	smov.u32 @p0 s21;
	s21 =	smov.u32 s5  }
0x56: {  	s21 =	smov.u32 @p0 s4;
	s20 =	sshrl.u32 s20, $0x3  }
0x57: {  	s29 =	rddreg [dreg:$0xa];
	s20 =	sadd.s32 s21, s20  }
0x58: {  	[tilespmem:s29], [sflag:$0x1] =	stream.linear.gather [hbm4b:s20+s2], $0xC00, $0x38;
	[tilespmem:$0x18080] =	vst v63  }
0x59: {  	v37 =	vld [tilespmem:$0x0];
	_ =	sdelay $0x4  }
0x5a: {  	(v2sf) =	vpush v37, $0x5;
	_ =	sdelay $0xe  }
0x5b: {  	s30 =	spop (v2sf)  }
0x5c: {  	s21 =	smul.u32 $0xC00, s30;
	_ =	sdelay $0x1  }
0x5d: {  	p0 =	slt.s32 s30, $0x4000;
	s20 =	sadd.s32 $0xFD000000, s21  }
0x5e: {  	s20 =	smov.u32 @p0 s21;
	s21 =	smov.u32 s5  }
0x5f: {  	s21 =	smov.u32 @p0 s4;
	s20 =	sshrl.u32 s20, $0x3  }
0x60: {  	s31 =	rddreg [dreg:$0xb];
	s20 =	sadd.s32 s21, s20  }
0x61: {  	[tilespmem:s31], [sflag:$0x1] =	stream.linear.gather [hbm4b:s20+s2], $0xC00, $0x38;
	[tilespmem:$0x18080] =	vst v63  }
0x62: {  	v38 =	vld [tilespmem:$0x0];
	_ =	sdelay $0x4  }
0x63: {  	(v2sf) =	vpush v38, $0x6;
	_ =	sdelay $0xe  }
0x64: {  	s22 =	spop (v2sf)  }
0x65: {  	s21 =	smul.u32 $0xC00, s22;
	_ =	sdelay $0x1  }
0x66: {  	p0 =	slt.s32 s22, $0x4000;
	s20 =	sadd.s32 $0xFD000000, s21  }
0x67: {  	s20 =	smov.u32 @p0 s21;
	s21 =	smov.u32 s5  }
0x68: {  	s21 =	smov.u32 @p0 s4;
	s20 =	sshrl.u32 s20, $0x3  }
0x69: {  	s23 =	rddreg [dreg:$0xc];
	s20 =	sadd.s32 s21, s20  }
0x6a: {  	[tilespmem:s23], [sflag:$0x1] =	stream.linear.gather [hbm4b:s20+s2], $0xC00, $0x38;
	[tilespmem:$0x18080] =	vst v63  }
0x6b: {  	v39 =	vld [tilespmem:$0x0];
	_ =	sdelay $0x4  }
0x6c: {  	(v2sf) =	vpush v39, $0x7;
	_ =	sdelay $0xe  }
0x6d: {  	s24 =	spop (v2sf)  }
0x6e: {  	s21 =	smul.u32 $0xC00, s24;
	_ =	sdelay $0x1  }
0x6f: {  	p0 =	slt.s32 s24, $0x4000;
	s20 =	sadd.s32 $0xFD000000, s21  }
0x70: {  	s20 =	smov.u32 @p0 s21;
	s21 =	smov.u32 s5  }
0x71: {  	s21 =	smov.u32 @p0 s4;
	s20 =	sshrl.u32 s20, $0x3  }
0x72: {  	s25 =	rddreg [dreg:$0xd];
	s20 =	sadd.s32 s21, s20  }
0x73: {  	[tilespmem:s25], [sflag:$0x1] =	stream.linear.gather [hbm4b:s20+s2], $0xC00, $0x38;
	[tilespmem:$0x18080] =	vst v63  }
0x74: {  	v40 =	vld [tilespmem:$0x0];
	_ =	sdelay $0x4  }
0x75: {  	(v2sf) =	vpush v40, $0x8;
	_ =	sdelay $0xe  }
0x76: {  	s26 =	spop (v2sf)  }
0x77: {  	s21 =	smul.u32 $0xC00, s26;
	_ =	sdelay $0x1  }
0x78: {  	p0 =	slt.s32 s26, $0x4000;
	s20 =	sadd.s32 $0xFD000000, s21  }
0x79: {  	s20 =	smov.u32 @p0 s21;
	s21 =	smov.u32 s5  }
0x7a: {  	s21 =	smov.u32 @p0 s4;
	s20 =	sshrl.u32 s20, $0x3  }
0x7b: {  	s20 =	sadd.s32 s21, s20  }
0x7c: {  	[tilespmem:s9], [sflag:$0x2] =	stream.linear.gather [hbm4b:s20+s2], $0xC00, $0x38;
	[tilespmem:$0x18080] =	vst v63  }
0x7d: {  	v41 =	vld [tilespmem:$0x0];
	_ =	sdelay $0x4  }
0x7e: {  	(v2sf) =	vpush v41, $0x9;
	_ =	sdelay $0xe  }
0x7f: {  	s28 =	spop (v2sf)  }
0x80: {  	s21 =	smul.u32 $0xC00, s28;
	_ =	sdelay $0x1  }
0x81: {  	p0 =	slt.s32 s28, $0x4000;
	s20 =	sadd.s32 $0xFD000000, s21  }
0x82: {  	s20 =	smov.u32 @p0 s21;
	s21 =	smov.u32 s5  }
0x83: {  	s21 =	smov.u32 @p0 s4;
	s20 =	sshrl.u32 s20, $0x3  }
0x84: {  	s29 =	rddreg [dreg:$0xe];
	s20 =	sadd.s32 s21, s20  }
0x85: {  	[tilespmem:s29], [sflag:$0x2] =	stream.linear.gather [hbm4b:s20+s2], $0xC00, $0x38;
	[tilespmem:$0x18080] =	vst v63  }
0x86: {  	v42 =	vld [tilespmem:$0x0];
	_ =	sdelay $0x4  }
0x87: {  	(v2sf) =	vpush v42, $0xA;
	_ =	sdelay $0xe  }
0x88: {  	s30 =	spop (v2sf)  }
0x89: {  	s21 =	smul.u32 $0xC00, s30;
	_ =	sdelay $0x1  }
0x8a: {  	p0 =	slt.s32 s30, $0x4000;
	s20 =	sadd.s32 $0xFD000000, s21  }
0x8b: {  	s20 =	smov.u32 @p0 s21;
	s21 =	smov.u32 s5  }
0x8c: {  	s21 =	smov.u32 @p0 s4;
	s20 =	sshrl.u32 s20, $0x3  }
0x8d: {  	s31 =	rddreg [dreg:$0xf];
	s20 =	sadd.s32 s21, s20  }
0x8e: {  	[tilespmem:s31], [sflag:$0x2] =	stream.linear.gather [hbm4b:s20+s2], $0xC00, $0x38;
	[tilespmem:$0x18080] =	vst v63  }
0x8f: {  	v43 =	vld [tilespmem:$0x0];
	_ =	sdelay $0x4  }
0x90: {  	(v2sf) =	vpush v43, $0xB;
	_ =	sdelay $0xe  }
0x91: {  	s23 =	spop (v2sf)  }
0x92: {  	s21 =	smul.u32 $0xC00, s23;
	_ =	sdelay $0x1  }
0x93: {  	p0 =	slt.s32 s23, $0x4000;
	s20 =	sadd.s32 $0xFD000000, s21  }
0x94: {  	s20 =	smov.u32 @p0 s21;
	s21 =	smov.u32 s5  }
0x95: {  	s21 =	smov.u32 @p0 s4;
	s20 =	sshrl.u32 s20, $0x3  }
0x96: {  	s24 =	rddreg [dreg:$0x10];
	s20 =	sadd.s32 s21, s20  }
0x97: {  	[tilespmem:s24], [sflag:$0x2] =	stream.linear.gather [hbm4b:s20+s2], $0xC00, $0x38;
	[tilespmem:$0x18080] =	vst v63  }
0x98: {  	v44 =	vld [tilespmem:$0x0];
	_ =	sdelay $0x4  }
0x99: {  	(v2sf) =	vpush v44, $0xC;
	_ =	sdelay $0xe  }
0x9a: {  	s25 =	spop (v2sf)  }
0x9b: {  	s21 =	smul.u32 $0xC00, s25;
	_ =	sdelay $0x1  }
0x9c: {  	p0 =	slt.s32 s25, $0x4000;
	s20 =	sadd.s32 $0xFD000000, s21  }
0x9d: {  	s20 =	smov.u32 @p0 s21;
	s21 =	smov.u32 s5  }
0x9e: {  	s21 =	smov.u32 @p0 s4;
	s20 =	sshrl.u32 s20, $0x3  }
0x9f: {  	s26 =	rddreg [dreg:$0x11];
	s20 =	sadd.s32 s21, s20  }
0xa0: {  	[tilespmem:s26], [sflag:$0x2] =	stream.linear.gather [hbm4b:s20+s2], $0xC00, $0x38;
	[tilespmem:$0x18080] =	vst v63  }
0xa1: {  	v45 =	vld [tilespmem:$0x0];
	_ =	sdelay $0x4  }
0xa2: {  	(v2sf) =	vpush v45, $0xD;
	_ =	sdelay $0xe  }
0xa3: {  	s28 =	spop (v2sf)  }
0xa4: {  	s21 =	smul.u32 $0xC00, s28;
	_ =	sdelay $0x1  }
0xa5: {  	p0 =	slt.s32 s28, $0x4000;
	s20 =	sadd.s32 $0xFD000000, s21  }
0xa6: {  	s20 =	smov.u32 @p0 s21;
	s21 =	smov.u32 s5  }
0xa7: {  	s21 =	smov.u32 @p0 s4;
	s20 =	sshrl.u32 s20, $0x3  }
0xa8: {  	s29 =	rddreg [dreg:$0x12];
	s20 =	sadd.s32 s21, s20  }
0xa9: {  	[tilespmem:s29], [sflag:$0x2] =	stream.linear.gather [hbm4b:s20+s2], $0xC00, $0x38;
	[tilespmem:$0x18080] =	vst v63  }
0xaa: {  	v46 =	vld [tilespmem:$0x0];
	_ =	sdelay $0x4  }
0xab: {  	(v2sf) =	vpush v46, $0xE;
	_ =	sdelay $0xe  }
0xac: {  	s30 =	spop (v2sf)  }
0xad: {  	s21 =	smul.u32 $0xC00, s30;
	_ =	sdelay $0x1  }
0xae: {  	p0 =	slt.s32 s30, $0x4000;
	s20 =	sadd.s32 $0xFD000000, s21  }
0xaf: {  	s20 =	smov.u32 @p0 s21;
	s21 =	smov.u32 s5  }
0xb0: {  	s21 =	smov.u32 @p0 s4;
	s20 =	sshrl.u32 s20, $0x3  }
0xb1: {  	s31 =	rddreg [dreg:$0x13];
	s20 =	sadd.s32 s21, s20  }
0xb2: {  	[tilespmem:s31], [sflag:$0x2] =	stream.linear.gather [hbm4b:s20+s2], $0xC00, $0x38;
	[tilespmem:$0x18080] =	vst v63  }
0xb3: {  	v47 =	vld [tilespmem:$0x0];
	_ =	sdelay $0x4  }
0xb4: {  	(v2sf) =	vpush v47, $0xF;
	_ =	sdelay $0xe  }
0xb5: {  	s22 =	spop (v2sf)  }
0xb6: {  	s21 =	smul.u32 $0xC00, s22;
	_ =	sdelay $0x1  }
0xb7: {  	p0 =	slt.s32 s22, $0x4000;
	s20 =	sadd.s32 $0xFD000000, s21  }
0xb8: {  	s20 =	smov.u32 @p0 s21;
	s21 =	smov.u32 s5  }
0xb9: {  	s21 =	smov.u32 @p0 s4;
	s20 =	sshrl.u32 s20, $0x3  }
0xba: {  	s23 =	rddreg [dreg:$0x14];
	s20 =	sadd.s32 s21, s20  }
0xbb: {  	[tilespmem:s23], [sflag:$0x2] =	stream.linear.gather [hbm4b:s20+s2], $0xC00, $0x38;
	[tilespmem:$0x18080] =	vst v63  }
0xbc: {  	v48 =	vld [tilespmem:$0x10];
	_ =	sdelay $0x4  }
0xbd: {  	(v2sf) =	vpush v48, $0x0;
	_ =	sdelay $0xe  }
0xbe: {  	s24 =	spop (v2sf)  }
0xbf: {  	s21 =	smul.u32 $0xC00, s24;
	_ =	sdelay $0x1  }
0xc0: {  	p0 =	slt.s32 s24, $0x4000;
	s20 =	sadd.s32 $0xFD000000, s21  }
0xc1: {  	s20 =	smov.u32 @p0 s21;
	s21 =	smov.u32 s5  }
0xc2: {  	s21 =	smov.u32 @p0 s4;
	s20 =	sshrl.u32 s20, $0x3  }
0xc3: {  	s20 =	sadd.s32 s21, s20  }
0xc4: {  	[tilespmem:s10], [sflag:$0x3] =	stream.linear.gather [hbm4b:s20+s2], $0xC00, $0x38;
	[tilespmem:$0x18080] =	vst v63  }
0xc5: {  	v49 =	vld [tilespmem:$0x10];
	_ =	sdelay $0x4  }
0xc6: {  	(v2sf) =	vpush v49, $0x1;
	_ =	sdelay $0xe  }
0xc7: {  	s25 =	spop (v2sf)  }
0xc8: {  	s21 =	smul.u32 $0xC00, s25;
	_ =	sdelay $0x1  }
0xc9: {  	p0 =	slt.s32 s25, $0x4000;
	s20 =	sadd.s32 $0xFD000000, s21  }
0xca: {  	s20 =	smov.u32 @p0 s21;
	s21 =	smov.u32 s5  }
0xcb: {  	s21 =	smov.u32 @p0 s4;
	s20 =	sshrl.u32 s20, $0x3  }
0xcc: {  	s26 =	rddreg [dreg:$0x15];
	s20 =	sadd.s32 s21, s20  }
0xcd: {  	[tilespmem:s26], [sflag:$0x3] =	stream.linear.gather [hbm4b:s20+s2], $0xC00, $0x38;
	[tilespmem:$0x18080] =	vst v63  }
0xce: {  	v50 =	vld [tilespmem:$0x10];
	_ =	sdelay $0x4  }
0xcf: {  	(v2sf) =	vpush v50, $0x2;
	_ =	sdelay $0xe  }
0xd0: {  	s28 =	spop (v2sf)  }
0xd1: {  	s21 =	smul.u32 $0xC00, s28;
	_ =	sdelay $0x1  }
0xd2: {  	p0 =	slt.s32 s28, $0x4000;
	s20 =	sadd.s32 $0xFD000000, s21  }
0xd3: {  	s20 =	smov.u32 @p0 s21;
	s21 =	smov.u32 s5  }
0xd4: {  	s21 =	smov.u32 @p0 s4;
	s20 =	sshrl.u32 s20, $0x3  }
0xd5: {  	s29 =	rddreg [dreg:$0x16];
	s20 =	sadd.s32 s21, s20  }
0xd6: {  	[tilespmem:s29], [sflag:$0x3] =	stream.linear.gather [hbm4b:s20+s2], $0xC00, $0x38;
	[tilespmem:$0x18080] =	vst v63  }
0xd7: {  	v51 =	vld [tilespmem:$0x10];
	_ =	sdelay $0x4  }
0xd8: {  	(v2sf) =	vpush v51, $0x3;
	_ =	sdelay $0xe  }
0xd9: {  	s30 =	spop (v2sf)  }
0xda: {  	s21 =	smul.u32 $0xC00, s30;
	_ =	sdelay $0x1  }
0xdb: {  	p0 =	slt.s32 s30, $0x4000;
	s20 =	sadd.s32 $0xFD000000, s21  }
0xdc: {  	s20 =	smov.u32 @p0 s21;
	s21 =	smov.u32 s5  }
0xdd: {  	s21 =	smov.u32 @p0 s4;
	s20 =	sshrl.u32 s20, $0x3  }
0xde: {  	s31 =	rddreg [dreg:$0x17];
	s20 =	sadd.s32 s21, s20  }
0xdf: {  	[tilespmem:s31], [sflag:$0x3] =	stream.linear.gather [hbm4b:s20+s2], $0xC00, $0x38;
	[tilespmem:$0x18080] =	vst v63  }
0xe0: {  	v52 =	vld [tilespmem:$0x10];
	_ =	sdelay $0x4  }
0xe1: {  	(v2sf) =	vpush v52, $0x4;
	_ =	sdelay $0xe  }
0xe2: {  	s23 =	spop (v2sf)  }
0xe3: {  	s21 =	smul.u32 $0xC00, s23;
	_ =	sdelay $0x1  }
0xe4: {  	p0 =	slt.s32 s23, $0x4000;
	s20 =	sadd.s32 $0xFD000000, s21  }
0xe5: {  	s20 =	smov.u32 @p0 s21;
	s21 =	smov.u32 s5  }
0xe6: {  	s21 =	smov.u32 @p0 s4;
	s20 =	sshrl.u32 s20, $0x3  }
0xe7: {  	s24 =	rddreg [dreg:$0x18];
	s20 =	sadd.s32 s21, s20  }
0xe8: {  	[tilespmem:s24], [sflag:$0x3] =	stream.linear.gather [hbm4b:s20+s2], $0xC00, $0x38;
	[tilespmem:$0x18080] =	vst v63  }
0xe9: {  	v53 =	vld [tilespmem:$0x10];
	_ =	sdelay $0x4  }
0xea: {  	(v2sf) =	vpush v53, $0x5;
	_ =	sdelay $0xe  }
0xeb: {  	s25 =	spop (v2sf)  }
0xec: {  	s21 =	smul.u32 $0xC00, s25;
	_ =	sdelay $0x1  }
0xed: {  	p0 =	slt.s32 s25, $0x4000;
	s20 =	sadd.s32 $0xFD000000, s21  }
0xee: {  	s20 =	smov.u32 @p0 s21;
	s21 =	smov.u32 s5  }
0xef: {  	s21 =	smov.u32 @p0 s4;
	s20 =	sshrl.u32 s20, $0x3  }
0xf0: {  	s26 =	rddreg [dreg:$0x19];
	s20 =	sadd.s32 s21, s20  }
0xf1: {  	[tilespmem:s26], [sflag:$0x3] =	stream.linear.gather [hbm4b:s20+s2], $0xC00, $0x38;
	[tilespmem:$0x18080] =	vst v63  }
0xf2: {  	v54 =	vld [tilespmem:$0x10];
	_ =	sdelay $0x4  }
0xf3: {  	(v2sf) =	vpush v54, $0x6;
	_ =	sdelay $0xe  }
0xf4: {  	s28 =	spop (v2sf)  }
0xf5: {  	s21 =	smul.u32 $0xC00, s28;
	_ =	sdelay $0x1  }
0xf6: {  	p0 =	slt.s32 s28, $0x4000;
	s20 =	sadd.s32 $0xFD000000, s21  }
0xf7: {  	s20 =	smov.u32 @p0 s21;
	s21 =	smov.u32 s5  }
0xf8: {  	s21 =	smov.u32 @p0 s4;
	s20 =	sshrl.u32 s20, $0x3  }
0xf9: {  	s29 =	rddreg [dreg:$0x1a];
	s20 =	sadd.s32 s21, s20  }
0xfa: {  	[tilespmem:s29], [sflag:$0x3] =	stream.linear.gather [hbm4b:s20+s2], $0xC00, $0x38;
	[tilespmem:$0x18080] =	vst v63  }
0xfb: {  	v55 =	vld [tilespmem:$0x10];
	_ =	sdelay $0x4  }
0xfc: {  	(v2sf) =	vpush v55, $0x7;
	_ =	sdelay $0xe  }
0xfd: {  	s30 =	spop (v2sf)  }
0xfe: {  	s21 =	smul.u32 $0xC00, s30;
	_ =	sdelay $0x1  }
0xff: {  	p0 =	slt.s32 s30, $0x4000;
	s20 =	sadd.s32 $0xFD000000, s21  }
0x100: {  	s20 =	smov.u32 @p0 s21;
	s21 =	smov.u32 s5  }
0x101: {  	s21 =	smov.u32 @p0 s4;
	s20 =	sshrl.u32 s20, $0x3  }
0x102: {  	s31 =	rddreg [dreg:$0x1b];
	s20 =	sadd.s32 s21, s20  }
0x103: {  	[tilespmem:s31], [sflag:$0x3] =	stream.linear.gather [hbm4b:s20+s2], $0xC00, $0x38;
	[tilespmem:$0x18080] =	vst v63  }
0x104: {  	v56 =	vld [tilespmem:$0x10];
	_ =	sdelay $0x4  }
0x105: {  	(v2sf) =	vpush v56, $0x8;
	_ =	sdelay $0xe  }
0x106: {  	s22 =	spop (v2sf)  }
0x107: {  	s21 =	smul.u32 $0xC00, s22;
	_ =	sdelay $0x1  }
0x108: {  	p0 =	slt.s32 s22, $0x4000;
	s20 =	sadd.s32 $0xFD000000, s21  }
0x109: {  	s20 =	smov.u32 @p0 s21;
	s21 =	smov.u32 s5  }
0x10a: {  	s21 =	smov.u32 @p0 s4;
	s20 =	sshrl.u32 s20, $0x3  }
0x10b: {  	s20 =	sadd.s32 s21, s20  }
0x10c: {  	[tilespmem:s11], [sflag:$0x4] =	stream.linear.gather [hbm4b:s20+s2], $0xC00, $0x38;
	[tilespmem:$0x18080] =	vst v63  }
0x10d: {  	v57 =	vld [tilespmem:$0x10];
	_ =	sdelay $0x4  }
0x10e: {  	(v2sf) =	vpush v57, $0x9;
	_ =	sdelay $0xe  }
0x10f: {  	s23 =	spop (v2sf)  }
0x110: {  	s21 =	smul.u32 $0xC00, s23;
	_ =	sdelay $0x1  }
0x111: {  	p0 =	slt.s32 s23, $0x4000;
	s20 =	sadd.s32 $0xFD000000, s21  }
0x112: {  	s20 =	smov.u32 @p0 s21;
	s21 =	smov.u32 s5  }
0x113: {  	s21 =	smov.u32 @p0 s4;
	s20 =	sshrl.u32 s20, $0x3  }
0x114: {  	s24 =	rddreg [dreg:$0x1c];
	s20 =	sadd.s32 s21, s20  }
0x115: {  	[tilespmem:s24], [sflag:$0x4] =	stream.linear.gather [hbm4b:s20+s2], $0xC00, $0x38;
	[tilespmem:$0x18080] =	vst v63  }
0x116: {  	v58 =	vld [tilespmem:$0x10];
	_ =	sdelay $0x4  }
0x117: {  	(v2sf) =	vpush v58, $0xA;
	_ =	sdelay $0xe  }
0x118: {  	s25 =	spop (v2sf)  }
0x119: {  	s21 =	smul.u32 $0xC00, s25;
	_ =	sdelay $0x1  }
0x11a: {  	p0 =	slt.s32 s25, $0x4000;
	s20 =	sadd.s32 $0xFD000000, s21  }
0x11b: {  	s20 =	smov.u32 @p0 s21;
	s21 =	smov.u32 s5  }
0x11c: {  	s21 =	smov.u32 @p0 s4;
	s20 =	sshrl.u32 s20, $0x3  }
0x11d: {  	s26 =	rddreg [dreg:$0x1d];
	s20 =	sadd.s32 s21, s20  }
0x11e: {  	[tilespmem:s26], [sflag:$0x4] =	stream.linear.gather [hbm4b:s20+s2], $0xC00, $0x38;
	[tilespmem:$0x18080] =	vst v63  }
0x11f: {  	v59 =	vld [tilespmem:$0x10];
	_ =	sdelay $0x4  }
0x120: {  	(v2sf) =	vpush v59, $0xB;
	_ =	sdelay $0xe  }
0x121: {  	s28 =	spop (v2sf)  }
0x122: {  	s21 =	smul.u32 $0xC00, s28;
	_ =	sdelay $0x1  }
0x123: {  	p0 =	slt.s32 s28, $0x4000;
	s20 =	sadd.s32 $0xFD000000, s21  }
0x124: {  	s20 =	smov.u32 @p0 s21;
	s21 =	smov.u32 s5  }
0x125: {  	s21 =	smov.u32 @p0 s4;
	s20 =	sshrl.u32 s20, $0x3  }
0x126: {  	s29 =	rddreg [dreg:$0x1e];
	s20 =	sadd.s32 s21, s20  }
0x127: {  	[tilespmem:s29], [sflag:$0x4] =	stream.linear.gather [hbm4b:s20+s2], $0xC00, $0x38;
	[tilespmem:$0x18080] =	vst v63  }
0x128: {  	v60 =	vld [tilespmem:$0x10];
	_ =	sdelay $0x4  }
0x129: {  	(v2sf) =	vpush v60, $0xC;
	_ =	sdelay $0xe  }
0x12a: {  	s30 =	spop (v2sf)  }
0x12b: {  	s21 =	smul.u32 $0xC00, s30;
	_ =	sdelay $0x1  }
0x12c: {  	p0 =	slt.s32 s30, $0x4000;
	s20 =	sadd.s32 $0xFD000000, s21  }
0x12d: {  	s20 =	smov.u32 @p0 s21;
	s21 =	smov.u32 s5  }
0x12e: {  	s21 =	smov.u32 @p0 s4;
	s20 =	sshrl.u32 s20, $0x3  }
0x12f: {  	s31 =	rddreg [dreg:$0x1f];
	s20 =	sadd.s32 s21, s20  }
0x130: {  	[tilespmem:s31], [sflag:$0x4] =	stream.linear.gather [hbm4b:s20+s2], $0xC00, $0x38;
	[tilespmem:$0x18080] =	vst v63  }
0x131: {  	v61 =	vld [tilespmem:$0x10];
	_ =	sdelay $0x4  }
0x132: {  	(v2sf) =	vpush v61, $0xD;
	_ =	sdelay $0xe  }
0x133: {  	s22 =	spop (v2sf)  }
0x134: {  	s21 =	smul.u32 $0xC00, s22;
	_ =	sdelay $0x1  }
0x135: {  	p0 =	slt.s32 s22, $0x4000;
	s20 =	sadd.s32 $0xFD000000, s21  }
0x136: {  	s23 =	sld [smem:$0x7FB];
	s20 =	smov.u32 @p0 s21;
	s21 =	smov.u32 s5  }
0x137: {  	s21 =	smov.u32 @p0 s4;
	s20 =	sshrl.u32 s20, $0x3  }
0x138: {  	s20 =	sadd.s32 s21, s20  }
0x139: {  	[tilespmem:s23], [sflag:$0x4] =	stream.linear.gather [hbm4b:s20+s2], $0xC00, $0x38;
	[tilespmem:$0x18080] =	vst v63  }
0x13a: {  	v62 =	vld [tilespmem:$0x10];
	_ =	sdelay $0x4  }
0x13b: {  	(v2sf) =	vpush v62, $0xE;
	_ =	sdelay $0xe  }
0x13c: {  	s24 =	spop (v2sf)  }
0x13d: {  	s21 =	smul.u32 $0xC00, s24;
	_ =	sdelay $0x1  }
0x13e: {  	p0 =	slt.s32 s24, $0x4000;
	s20 =	sadd.s32 $0xFD000000, s21  }
0x13f: {  	s25 =	sld [smem:$0x7FC];
	s20 =	smov.u32 @p0 s21;
	s21 =	smov.u32 s5  }
0x140: {  	s21 =	smov.u32 @p0 s4;
	s20 =	sshrl.u32 s20, $0x3  }
0x141: {  	s20 =	sadd.s32 s21, s20  }
0x142: {  	[tilespmem:s25], [sflag:$0x4] =	stream.linear.gather [hbm4b:s20+s2], $0xC00, $0x38;
	[tilespmem:$0x18080] =	vst v63  }
0x143: {  	v63 =	vld [tilespmem:$0x10];
	_ =	sdelay $0x4  }
0x144: {  	(v2sf) =	vpush v63, $0xF;
	_ =	sdelay $0xe  }
0x145: {  	s26 =	spop (v2sf)  }
0x146: {  	s21 =	smul.u32 $0xC00, s26;
	_ =	sdelay $0x1  }
0x147: {  	p0 =	slt.s32 s26, $0x4000;
	s20 =	sadd.s32 $0xFD000000, s21  }
0x148: {  	s28 =	sld [smem:$0x7FD];
	s20 =	smov.u32 @p0 s21;
	s21 =	smov.u32 s5  }
0x149: {  	s21 =	smov.u32 @p0 s4;
	s20 =	sshrl.u32 s20, $0x3  }
0x14a: {  	s20 =	sadd.s32 s21, s20  }
0x14b: {  	[tilespmem:s28], [sflag:$0x4] =	stream.linear.gather [hbm4b:s20+s2], $0xC00, $0x38;
	[tilespmem:$0x18080] =	vst v63  }
0x14c: {  	_ =	swait.ge [sflag:s12], $0xC00  }
0x14d: {  	[sflag:s12] =	ssyncset.done $0x0  }
0x14e: {  	[sflag:s12] =	ssyncadd.s32 $0xFFFFF400  }
0x14f: {  	_ =	swait.ge [sflag:s12], $0xC00  }
0x150: {  	[sflag:s12] =	ssyncset.done $0x0  }
0x151: {  	[sflag:s12] =	ssyncadd.s32 $0xFFFFF400  }
0x152: {  	_ =	swait.ge [sflag:s12], $0xC00  }
0x153: {  	[sflag:s12] =	ssyncset.done $0x0  }
0x154: {  	[sflag:s12] =	ssyncadd.s32 $0xFFFFF400  }
0x155: {  	_ =	swait.ge [sflag:s12], $0xC00  }
0x156: {  	[sflag:s12] =	ssyncset.done $0x0  }
0x157: {  	[sflag:s12] =	ssyncadd.s32 $0xFFFFF400  }
0x158: {  	_ =	swait.ge [sflag:s12], $0xC00  }
0x159: {  	[sflag:s12] =	ssyncset.done $0x0  }
0x15a: {  	[sflag:s12] =	ssyncadd.s32 $0xFFFFF400  }
0x15b: {  	_ =	swait.ge [sflag:s12], $0xC00  }
0x15c: {  	[sflag:s12] =	ssyncset.done $0x0  }
0x15d: {  	[sflag:s12] =	ssyncadd.s32 $0xFFFFF400  }
0x15e: {  	_ =	swait.ge [sflag:s12], $0xC00  }
0x15f: {  	[sflag:s12] =	ssyncset.done $0x0  }
0x160: {  	[sflag:s12] =	ssyncadd.s32 $0xFFFFF400  }
0x161: {  	_ =	swait.ge [sflag:s12], $0xC00  }
0x162: {  	[sflag:s12] =	ssyncset.done $0x0  }
0x163: {  	[sflag:s12] =	ssyncadd.s32 $0xFFFFF400  }
0x164: {  	[hbm4b:s3+s2] =	stream.linear.scatter [tilespmem:s8], [sflag:$0x5], $0x6000, $0x38;
	[tilespmem:$0x18080] =	vst v63  }
0x165: {  	_ =	swait.ge [sflag:s13], $0xC00  }
0x166: {  	[sflag:s13] =	ssyncset.done $0x0  }
0x167: {  	[sflag:s13] =	ssyncadd.s32 $0xFFFFF400  }
0x168: {  	_ =	swait.ge [sflag:s13], $0xC00  }
0x169: {  	[sflag:s13] =	ssyncset.done $0x0  }
0x16a: {  	[sflag:s13] =	ssyncadd.s32 $0xFFFFF400  }
0x16b: {  	_ =	swait.ge [sflag:s13], $0xC00  }
0x16c: {  	[sflag:s13] =	ssyncset.done $0x0  }
0x16d: {  	[sflag:s13] =	ssyncadd.s32 $0xFFFFF400  }
0x16e: {  	_ =	swait.ge [sflag:s13], $0xC00  }
0x16f: {  	[sflag:s13] =	ssyncset.done $0x0  }
0x170: {  	[sflag:s13] =	ssyncadd.s32 $0xFFFFF400  }
0x171: {  	_ =	swait.ge [sflag:s13], $0xC00  }
0x172: {  	[sflag:s13] =	ssyncset.done $0x0  }
0x173: {  	[sflag:s13] =	ssyncadd.s32 $0xFFFFF400  }
0x174: {  	_ =	swait.ge [sflag:s13], $0xC00  }
0x175: {  	[sflag:s13] =	ssyncset.done $0x0  }
0x176: {  	[sflag:s13] =	ssyncadd.s32 $0xFFFFF400  }
0x177: {  	_ =	swait.ge [sflag:s13], $0xC00  }
0x178: {  	[sflag:s13] =	ssyncset.done $0x0  }
0x179: {  	[sflag:s13] =	ssyncadd.s32 $0xFFFFF400  }
0x17a: {  	_ =	swait.ge [sflag:s13], $0xC00  }
0x17b: {  	[sflag:s13] =	ssyncset.done $0x0  }
0x17c: {  	s29 =	rddreg [dreg:$0x4];
	[sflag:s13] =	ssyncadd.s32 $0xFFFFF400  }
0x17d: {  	[hbm4b:s29+s2] =	stream.linear.scatter [tilespmem:s9], [sflag:$0x6], $0x6000, $0x38;
	[tilespmem:$0x18080] =	vst v63  }
0x17e: {  	_ =	swait.ge [sflag:s14], $0xC00  }
0x17f: {  	[sflag:s14] =	ssyncset.done $0x0  }
0x180: {  	[sflag:s14] =	ssyncadd.s32 $0xFFFFF400  }
0x181: {  	_ =	swait.ge [sflag:s14], $0xC00  }
0x182: {  	[sflag:s14] =	ssyncset.done $0x0  }
0x183: {  	[sflag:s14] =	ssyncadd.s32 $0xFFFFF400  }
0x184: {  	_ =	swait.ge [sflag:s14], $0xC00  }
0x185: {  	[sflag:s14] =	ssyncset.done $0x0  }
0x186: {  	[sflag:s14] =	ssyncadd.s32 $0xFFFFF400  }
0x187: {  	_ =	swait.ge [sflag:s14], $0xC00  }
0x188: {  	[sflag:s14] =	ssyncset.done $0x0  }
0x189: {  	[sflag:s14] =	ssyncadd.s32 $0xFFFFF400  }
0x18a: {  	_ =	swait.ge [sflag:s14], $0xC00  }
0x18b: {  	[sflag:s14] =	ssyncset.done $0x0  }
0x18c: {  	[sflag:s14] =	ssyncadd.s32 $0xFFFFF400  }
0x18d: {  	_ =	swait.ge [sflag:s14], $0xC00  }
0x18e: {  	[sflag:s14] =	ssyncset.done $0x0  }
0x18f: {  	[sflag:s14] =	ssyncadd.s32 $0xFFFFF400  }
0x190: {  	_ =	swait.ge [sflag:s14], $0xC00  }
0x191: {  	[sflag:s14] =	ssyncset.done $0x0  }
0x192: {  	[sflag:s14] =	ssyncadd.s32 $0xFFFFF400  }
0x193: {  	_ =	swait.ge [sflag:s14], $0xC00  }
0x194: {  	[sflag:s14] =	ssyncset.done $0x0  }
0x195: {  	s30 =	rddreg [dreg:$0x5];
	[sflag:s14] =	ssyncadd.s32 $0xFFFFF400  }
0x196: {  	[hbm4b:s30+s2] =	stream.linear.scatter [tilespmem:s10], [sflag:$0x7], $0x6000, $0x38;
	[tilespmem:$0x18080] =	vst v63  }
0x197: {  	_ =	swait.ge [sflag:s15], $0xC00  }
0x198: {  	[sflag:s15] =	ssyncset.done $0x0  }
0x199: {  	[sflag:s15] =	ssyncadd.s32 $0xFFFFF400  }
0x19a: {  	_ =	swait.ge [sflag:s15], $0xC00  }
0x19b: {  	[sflag:s15] =	ssyncset.done $0x0  }
0x19c: {  	[sflag:s15] =	ssyncadd.s32 $0xFFFFF400  }
0x19d: {  	_ =	swait.ge [sflag:s15], $0xC00  }
0x19e: {  	[sflag:s15] =	ssyncset.done $0x0  }
0x19f: {  	[sflag:s15] =	ssyncadd.s32 $0xFFFFF400  }
0x1a0: {  	_ =	swait.ge [sflag:s15], $0xC00  }
0x1a1: {  	[sflag:s15] =	ssyncset.done $0x0  }
0x1a2: {  	[sflag:s15] =	ssyncadd.s32 $0xFFFFF400  }
0x1a3: {  	_ =	swait.ge [sflag:s15], $0xC00  }
0x1a4: {  	[sflag:s15] =	ssyncset.done $0x0  }
0x1a5: {  	[sflag:s15] =	ssyncadd.s32 $0xFFFFF400  }
0x1a6: {  	_ =	swait.ge [sflag:s15], $0xC00  }
0x1a7: {  	[sflag:s15] =	ssyncset.done $0x0  }
0x1a8: {  	[sflag:s15] =	ssyncadd.s32 $0xFFFFF400  }
0x1a9: {  	_ =	swait.ge [sflag:s15], $0xC00  }
0x1aa: {  	[sflag:s15] =	ssyncset.done $0x0  }
0x1ab: {  	[sflag:s15] =	ssyncadd.s32 $0xFFFFF400  }
0x1ac: {  	_ =	swait.ge [sflag:s15], $0xC00  }
0x1ad: {  	[sflag:s15] =	ssyncset.done $0x0  }
0x1ae: {  	s31 =	rddreg [dreg:$0x6];
	[sflag:s15] =	ssyncadd.s32 $0xFFFFF400  }
0x1af: {  	[hbm4b:s31+s2] =	stream.linear.scatter [tilespmem:s11], [sflag:$0x8], $0x6000, $0x38;
	[tilespmem:$0x18080] =	vst v63  }
0x1b0: {  	_ =	swait.ge [sflag:s16], $0x6000  }
0x1b1: {  	[sflag:s16] =	ssyncset.done $0x0  }
0x1b2: {  	[sflag:s16] =	ssyncadd.s32 $0xFFFFA000  }
0x1b3: {  	_ =	swait.ge [sflag:s17], $0x6000  }
0x1b4: {  	[sflag:s17] =	ssyncset.done $0x0  }
0x1b5: {  	[sflag:s17] =	ssyncadd.s32 $0xFFFFA000  }
0x1b6: {  	p0 =	sne.s32 s6, $0x1;
	_ =	swait.ge [sflag:s18], $0x6000  }
.Ltmp0:
0x1b7: {  	[sflag:s18] =	ssyncset.done $0x0;
	(pc) =	sbr.rel @p0 .LBB2_1-.Ltmp0, $4  }
0x1b8: {  	[sflag:s18] =	ssyncadd.s32 $0xFFFFA000  }
0x1b9: {  	_ =	swait.ge [sflag:s19], $0x6000  }
0x1ba: {  	[sflag:s19] =	ssyncset.done $0x0  }
0x1bb: {  	s6 =	sadd.s32 $0xFFFFFFFF, s6;
	[sflag:s19] =	ssyncadd.s32 $0xFFFFA000  }
0x1bc: {  	_ =	sfence.sel $0x180000  }
0x1bd: {  	[bflag:$0x0] =	sbarrier.arrive $0xFFFF  }
0x1be: {  	p0 =	sne.s32 s0, $0x0;
	_ =	strace $0x90000047  }
0x1bf: {  	s0 =	sadd.s32 @!p0 $0x100000, s1;
	[bflag:$0x2] =	sbarrier.arrive $0xFFFF  }
0x1c0: {  	[sflag:s0] =	ssyncadd.tile.s32 @!p0 $0x1;
	_ =	shalt  }
.Lfunc_end2:
_tile_overlayer_lowered:
.L_overlay_start_2:
0x1c1: {  	(tag) =	ssettag $0x2  }
0x1c2: {  	s0 =	rddreg [dreg:$0x0];
	s2 =	stileid.u32  }
0x1c3: {  	s1 =	rddreg [dreg:$0x1];
	p0 =	sne.s32 s2, $0x0  }
0x1c4: {  	s3 =	rddreg [dreg:$0x2];
	[bflag:$0x3] =	sbarrier.arrive $0xFFFF;
	s2 =	simm.s32 @!p0 $0x1C09  }
0x1c5: {  	[timem:s3], [sflag:s2] =	dma.local @!p0 [hbm:s0], s1  }
0x1c6: {  	s0 =	simm.s32 @!p0 $0x9  }
0x1c7: {  	_ =	swait.ge @!p0 [sflag:s0], s1  }
0x1c8: {  	s1 =	ssub.s32 @!p0 $0x0, s1;
	[sflag:s0] =	ssyncset.done @!p0 $0x0  }
0x1c9: {  	[sflag:s0] =	ssyncadd.s32 @!p0 s1  }
0x1ca: {  	[bflag:$0x3] =	sbarrier.arrive $0xFFFF  }
0x1cb: {  	_ =	shalt  }

</sc_bundles>
